<compile_context>
chip_gen: v7x
topology: tpu7x:2x2x1
jax: 0.10.2.dev20260603
libtpu: 0.0.44.dev20260713+nightly
codegen_flags: <defaults>
</compile_context>

<pallas_src>
import functools
import jax
import jax.numpy as jnp
from jax import lax
from jax.experimental import pallas as pl
from jax.experimental.pallas import tpu as pltpu
from jax.experimental.pallas import tpu_sc as plsc

_B, _CV, _CE = 2, 5, 3
_D, _H, _W = 64, 64, 64
_N = _D * _H * _W
_DC = 8
_G = _D // _DC

_NQ = 8

_SCQ = 6
_NT = 32
_UPT = 1



def _hist_body(tv_hbm, te_hbm, out_hbm, tvb, teb, acc, sem):
    w = lax.axis_index("s") * 2 + lax.axis_index("c")

    for q in range(_SCQ):
        acc.at[q][...] = jnp.zeros((16,), jnp.int32)

    copies = []
    for u in range(_UPT):
        unit = w * _UPT + u
        b = unit // _D
        d = unit % _D
        copies.append(pltpu.async_copy(tv_hbm.at[b, d], tvb.at[u], sem))
        copies.append(pltpu.async_copy(te_hbm.at[b, d], teb.at[u], sem))

    for cp in copies:
        cp.wait()

    for u in range(_UPT):
        @pl.loop(0, _H, step=8)
        def _row(r0):
            one = jnp.ones((16,), jnp.int32)
            zero = jnp.zeros((16,), jnp.int32)
            sums = [zero] * _SCQ
            for dr in range(8):
                for k in range(_W // 16):
                    tv = tvb.at[u, r0 + dr, pl.ds(k * 16, 16)][...]
                    te = teb.at[u, r0 + dr, pl.ds(k * 16, 16)][...]
                    for c in range(4):
                        sums[c] = sums[c] + jnp.where(tv == c, one, zero)
                    msk = tv > 0
                    for c in range(2):
                        sums[4 + c] = sums[4 + c] + jnp.where(
                            (te == c) & msk, one, zero)
            for q in range(_SCQ):
                plsc.addupdate(acc.at[q], sums[q])

    pltpu.async_copy(acc, out_hbm.at[w], sem).wait()


def _sc_hist(target_vox, target_ends):
    mesh = plsc.VectorSubcoreMesh(core_axis_name="c", subcore_axis_name="s")
    kern = pl.kernel(
        _hist_body,
        mesh=mesh,
        out_type=jax.ShapeDtypeStruct((_NT, _SCQ, 16), jnp.int32),
        scratch_types=[
            pltpu.VMEM((_UPT, _H, _W), jnp.int32),
            pltpu.VMEM((_UPT, _H, _W), jnp.int32),
            pltpu.VMEM((_SCQ, 16), jnp.int32),
            pltpu.SemaphoreType.DMA,
        ],
        compiler_params=pltpu.CompilerParams(use_tc_tiling_on_sc=True),
    )
    return kern(target_vox, target_ends)



def _fold(x):
    return jnp.sum(x.reshape(8, 8, _W), axis=0)


def _nll_kernel(vox_ref, ends_ref, tv_ref, te_ref, out_ref):
    i = pl.program_id(0)

    accs = [jnp.zeros((8, _W), jnp.float32) for _ in range(_NQ)]

    for b in range(_B):
        for d in range(_DC):
            tv = tv_ref[b, d]
            te = te_ref[b, d]
            msk = tv > 0

            xs = [vox_ref[b * _CV + c, d] for c in range(_CV)]
            m = xs[0]
            for c in range(1, _CV):
                m = jnp.maximum(m, xs[c])
            se = jnp.exp(xs[0] - m)
            for c in range(1, _CV):
                se = se + jnp.exp(xs[c] - m)
            lse = m + jnp.log(se)

            for c in range(_CV):
                accs[c] = accs[c] + _fold(
                    jnp.where(tv == c, lse - xs[c], 0.0))

            ys = [ends_ref[b * _CE + c, d] for c in range(_CE)]
            me = jnp.maximum(jnp.maximum(ys[0], ys[1]), ys[2])
            see = (jnp.exp(ys[0] - me) + jnp.exp(ys[1] - me)
                   + jnp.exp(ys[2] - me))
            lsee = me + jnp.log(see)

            for c in range(_CE):
                eqm = (te == c) & msk
                accs[_CV + c] = accs[_CV + c] + _fold(
                    jnp.where(eqm, lsee - ys[c], 0.0))

    @pl.when(i == 0)
    def _init():
        for q in range(_NQ):
            out_ref[q] = accs[q]

    @pl.when(i != 0)
    def _accum():
        for q in range(_NQ):
            out_ref[q] = out_ref[q] + accs[q]


def _tc_nll(vox, ends, target_vox, target_ends):
    return pl.pallas_call(
        _nll_kernel,
        grid=(_G,),
        in_specs=[
            pl.BlockSpec((_B * _CV, _DC, _H, _W), lambda i: (0, i, 0, 0)),
            pl.BlockSpec((_B * _CE, _DC, _H, _W), lambda i: (0, i, 0, 0)),
            pl.BlockSpec((_B, _DC, _H, _W), lambda i: (0, i, 0, 0)),
            pl.BlockSpec((_B, _DC, _H, _W), lambda i: (0, i, 0, 0)),
        ],
        out_specs=pl.BlockSpec((_NQ, 8, _W), lambda i: (0, 0, 0)),
        out_shape=jax.ShapeDtypeStruct((_NQ, 8, _W), jnp.float32),
        compiler_params=pltpu.CompilerParams(
            dimension_semantics=("arbitrary",)),
    )(vox, ends, target_vox, target_ends)



def _combine_kernel(nll_ref, cnt_ref, out_ref):
    nsums = [jnp.sum(nll_ref[q]) for q in range(_NQ)]
    cnts = [jnp.sum(cnt_ref[:, q, :]).astype(jnp.float32)
            for q in range(_SCQ)]
    total = float(_B * _N)
    cv = cnts[0:4] + [total - (cnts[0] + cnts[1] + cnts[2] + cnts[3])]
    nsel = total - cnts[0]
    ce = [cnts[4], cnts[5], nsel - (cnts[4] + cnts[5])]
    wv = [1.0 - cv[c] / total + 1e-5 for c in range(_CV)]
    num_v = wv[0] * nsums[0]
    den_v = wv[0] * cv[0]
    for c in range(1, _CV):
        num_v = num_v + wv[c] * nsums[c]
        den_v = den_v + wv[c] * cv[c]
    we = [1.0 - ce[c] / nsel + 1e-5 for c in range(_CE)]
    num_e = we[0] * nsums[_CV]
    den_e = we[0] * ce[0]
    for c in range(1, _CE):
        num_e = num_e + we[c] * nsums[_CV + c]
        den_e = den_e + we[c] * ce[c]
    loss = num_v / den_v + num_e / den_e
    out_ref[...] = jnp.full((1, 1), loss, jnp.float32)


def _combine(nll_acc, sc_cnt):
    return pl.pallas_call(
        _combine_kernel,
        out_shape=jax.ShapeDtypeStruct((1, 1), jnp.float32),
    )(nll_acc, sc_cnt)


def kernel(input_vox, input_ends, target_vox, target_ends):
    vox = input_vox.reshape(_B * _CV, _D, _H, _W)
    ends = input_ends.reshape(_B * _CE, _D, _H, _W)

    sc_cnt = _sc_hist(target_vox, target_ends)
    nll_acc = _tc_nll(vox, ends, target_vox, target_ends)
    return _combine(nll_acc, sc_cnt)[0, 0]

# --- scband reference (transcript-rebuilt; emitter-appended) ---
"""Pipeline reference for scband-vox-ends-loss-39754217291984 (READ-ONLY COPY).

The authoritative reference and input builder live on the scoring server;
editing this copy changes nothing except your own understanding.
"""

import jax, jax.numpy as jnp
import numpy as np

B, C_VOX, C_ENDS, D, H, W = 2, 5, 3, 64, 64, 64


def setup_inputs(seed: int = 0) -> dict:
    key = jax.random.key(seed)
    k1, k2, k3, k4 = jax.random.split(key, 4)
    input_vox = jax.random.normal(k1, (B, C_VOX, D, H, W), dtype=jnp.float32)
    input_ends = jax.random.normal(k2, (B, C_ENDS, D, H, W), dtype=jnp.float32)
    target_vox = jax.random.randint(k3, (B, D, H, W), 0, C_VOX, dtype=jnp.int32)
    target_ends = jax.random.randint(k4, (B, D, H, W), 0, C_ENDS, dtype=jnp.int32)
    return {"input_vox": input_vox, "input_ends": input_ends,
            "target_vox": target_vox, "target_ends": target_ends}


def weighted_cross_entropy(logits, targets, weight):
    # logits: [N, C, ...], targets: [N, ...] int, weight: [C]
    logp = jax.nn.log_softmax(logits, axis=1)
    tgt = jnp.expand_dims(targets, 1)
    nll = -jnp.take_along_axis(logp, tgt, axis=1).squeeze(1)
    w = weight[targets]
    return jnp.sum(w * nll) / jnp.sum(w)


def reference(input_vox, input_ends, target_vox, target_ends):
    mask = target_vox > 0  # [B, D, H, W]
    mask_f = mask.astype(jnp.float32)
    c_ends = input_ends.shape[1]

    num_vox_classes = input_vox.shape[1]
    counts_vox = jnp.bincount(target_vox.reshape(-1), length=num_vox_classes)
    weight_vox = 1.0 - counts_vox.astype(jnp.float32) / float(target_vox.size) + 1e-05

    counts_ends = jnp.bincount(target_ends.reshape(-1),
                               weights=mask_f.reshape(-1), length=c_ends)
    nsel = jnp.sum(mask_f)
    weight_ends = 1.0 - counts_ends.astype(jnp.float32) / nsel + 1e-05

    loss_vox = weighted_cross_entropy(input_vox, target_vox, weight_vox)

    logp_ends = jax.nn.log_softmax(input_ends, axis=1)
    tgt_ends = jnp.expand_dims(target_ends, 1)
    nll_ends = -jnp.take_along_axis(logp_ends, tgt_ends, axis=1).squeeze(1)
    w_ends = weight_ends[target_ends] * mask_f
    loss_ends = jnp.sum(w_ends * nll_ends) / jnp.sum(w_ends)
    return loss_vox + loss_ends

if __name__ == "__main__":
    import jax
    _d = setup_inputs()
    print(jax.jit(kernel)(*tuple(_d.values())))

</pallas_src>

<mosaic_0001>
#map = affine_map<(d0, d1) -> (0, 0, 0, 0)>
#map1 = affine_map<(d0, d1) -> (0, 0, 0)>
module attributes {stable_mosaic.version = 14 : i64} {
  func.func @_hist_body(%arg0: i32, %arg1: i32, %arg2: memref<2x64x64x64xi32, #tpu.memory_space<hbm>>, %arg3: memref<2x64x64x64xi32, #tpu.memory_space<hbm>>, %arg4: memref<32x6x16xi32, #tpu.memory_space<hbm>>, %arg5: memref<1x64x64xi32, #tpu.memory_space<vmem>>, %arg6: memref<1x64x64xi32, #tpu.memory_space<vmem>>, %arg7: memref<6x16xi32, #tpu.memory_space<vmem>>, %arg8: memref<!tpu.dma_semaphore, #tpu.memory_space<semaphore_mem>>) attributes {dimension_semantics = [#tpu.dimension_semantics<core_parallel>, #tpu.dimension_semantics<subcore_parallel>], iteration_bounds = array<i64: 2, 16>, scalar_prefetch = 0 : i64, scratch_operands = 4 : i64, tpu.core_type = #tpu.core_type<sc_vector_subcore>, window_params = [{transform_indices = #map}, {transform_indices = #map}, {transform_indices = #map1}]} {
    %mul3A = arith.constant 2 : i32
    %mul3A_0 = arith.muli %arg1, %mul3A : i32
    %add3A = arith.addi %mul3A_0, %arg0 : i32
    %broadcast_in_dim3A = arith.constant 0 : i32
    %broadcast_in_dim3A_1 = vector.broadcast %broadcast_in_dim3A : i32 to vector<16xi32>
    %swap3A = arith.constant 0 : i32
    %swap3A_2 = arith.index_cast %swap3A : i32 to index
    %swap3A_3 = arith.constant 0 : index
    %swap3A_4 = tpu.vector_load %arg7[%swap3A_2, %swap3A_3] {strides = array<i32>} : memref<6x16xi32, #tpu.memory_space<vmem>>, vector<1x16xi32>,
    %swap3A_5 = vector.shape_cast %swap3A_4 : vector<1x16xi32> to vector<16xi32>
    %swap3A_6 = vector.shape_cast %broadcast_in_dim3A_1 : vector<16xi32> to vector<1x16xi32>
    tpu.vector_store %arg7[%swap3A_2, %swap3A_3], %swap3A_6 {strides = array<i32>} : memref<6x16xi32, #tpu.memory_space<vmem>>, vector<1x16xi32>,
    %broadcast_in_dim3A_7 = arith.constant 0 : i32
    %broadcast_in_dim3A_8 = vector.broadcast %broadcast_in_dim3A_7 : i32 to vector<16xi32>
    %swap3A_9 = arith.constant 1 : i32
    %swap3A_10 = arith.index_cast %swap3A_9 : i32 to index
    %swap3A_11 = arith.constant 0 : index
    %swap3A_12 = tpu.vector_load %arg7[%swap3A_10, %swap3A_11] {strides = array<i32>} : memref<6x16xi32, #tpu.memory_space<vmem>>, vector<1x16xi32>,
    %swap3A_13 = vector.shape_cast %swap3A_12 : vector<1x16xi32> to vector<16xi32>
    %swap3A_14 = vector.shape_cast %broadcast_in_dim3A_8 : vector<16xi32> to vector<1x16xi32>
    tpu.vector_store %arg7[%swap3A_10, %swap3A_11], %swap3A_14 {strides = array<i32>} : memref<6x16xi32, #tpu.memory_space<vmem>>, vector<1x16xi32>,
    %broadcast_in_dim3A_15 = arith.constant 0 : i32
    %broadcast_in_dim3A_16 = vector.broadcast %broadcast_in_dim3A_15 : i32 to vector<16xi32>
    %swap3A_17 = arith.constant 2 : i32
    %swap3A_18 = arith.index_cast %swap3A_17 : i32 to index
    %swap3A_19 = arith.constant 0 : index
    %swap3A_20 = tpu.vector_load %arg7[%swap3A_18, %swap3A_19] {strides = array<i32>} : memref<6x16xi32, #tpu.memory_space<vmem>>, vector<1x16xi32>,
    %swap3A_21 = vector.shape_cast %swap3A_20 : vector<1x16xi32> to vector<16xi32>
    %swap3A_22 = vector.shape_cast %broadcast_in_dim3A_16 : vector<16xi32> to vector<1x16xi32>
    tpu.vector_store %arg7[%swap3A_18, %swap3A_19], %swap3A_22 {strides = array<i32>} : memref<6x16xi32, #tpu.memory_space<vmem>>, vector<1x16xi32>,
    %broadcast_in_dim3A_23 = arith.constant 0 : i32
    %broadcast_in_dim3A_24 = vector.broadcast %broadcast_in_dim3A_23 : i32 to vector<16xi32>
    %swap3A_25 = arith.constant 3 : i32
    %swap3A_26 = arith.index_cast %swap3A_25 : i32 to index
    %swap3A_27 = arith.constant 0 : index
    %swap3A_28 = tpu.vector_load %arg7[%swap3A_26, %swap3A_27] {strides = array<i32>} : memref<6x16xi32, #tpu.memory_space<vmem>>, vector<1x16xi32>,
    %swap3A_29 = vector.shape_cast %swap3A_28 : vector<1x16xi32> to vector<16xi32>
    %swap3A_30 = vector.shape_cast %broadcast_in_dim3A_24 : vector<16xi32> to vector<1x16xi32>
    tpu.vector_store %arg7[%swap3A_26, %swap3A_27], %swap3A_30 {strides = array<i32>} : memref<6x16xi32, #tpu.memory_space<vmem>>, vector<1x16xi32>,
    %broadcast_in_dim3A_31 = arith.constant 0 : i32
    %broadcast_in_dim3A_32 = vector.broadcast %broadcast_in_dim3A_31 : i32 to vector<16xi32>
    %swap3A_33 = arith.constant 4 : i32
    %swap3A_34 = arith.index_cast %swap3A_33 : i32 to index
    %swap3A_35 = arith.constant 0 : index
    %swap3A_36 = tpu.vector_load %arg7[%swap3A_34, %swap3A_35] {strides = array<i32>} : memref<6x16xi32, #tpu.memory_space<vmem>>, vector<1x16xi32>,
    %swap3A_37 = vector.shape_cast %swap3A_36 : vector<1x16xi32> to vector<16xi32>
    %swap3A_38 = vector.shape_cast %broadcast_in_dim3A_32 : vector<16xi32> to vector<1x16xi32>
    tpu.vector_store %arg7[%swap3A_34, %swap3A_35], %swap3A_38 {strides = array<i32>} : memref<6x16xi32, #tpu.memory_space<vmem>>, vector<1x16xi32>,
    %broadcast_in_dim3A_39 = arith.constant 0 : i32
    %broadcast_in_dim3A_40 = vector.broadcast %broadcast_in_dim3A_39 : i32 to vector<16xi32>
    %swap3A_41 = arith.constant 5 : i32
    %swap3A_42 = arith.index_cast %swap3A_41 : i32 to index
    %swap3A_43 = arith.constant 0 : index
    %swap3A_44 = tpu.vector_load %arg7[%swap3A_42, %swap3A_43] {strides = array<i32>} : memref<6x16xi32, #tpu.memory_space<vmem>>, vector<1x16xi32>,
    %swap3A_45 = vector.shape_cast %swap3A_44 : vector<1x16xi32> to vector<16xi32>
    %swap3A_46 = vector.shape_cast %broadcast_in_dim3A_40 : vector<16xi32> to vector<1x16xi32>
    tpu.vector_store %arg7[%swap3A_42, %swap3A_43], %swap3A_46 {strides = array<i32>} : memref<6x16xi32, #tpu.memory_space<vmem>>, vector<1x16xi32>,
    %mul3A_47 = arith.constant 1 : i32
    %mul3A_48 = arith.muli %add3A, %mul3A_47 : i32
    %add3A_49 = arith.constant 0 : i32
    %add3A_50 = arith.addi %mul3A_48, %add3A_49 : i32
    %jit3A = arith.constant 64 : i32
    %div3A = arith.divsi %add3A_50, %jit3A : i32
    %sign3A = arith.constant 0 : i32
    %sign3A_51 = arith.cmpi sgt, %add3A_50, %sign3A : i32
    %sign3A_52 = arith.extui %sign3A_51 : i1 to i32
    %sign3A_53 = arith.constant 0 : i32
    %sign3A_54 = arith.cmpi slt, %add3A_50, %sign3A_53 : i32
    %sign3A_55 = arith.extui %sign3A_54 : i1 to i32
    %sign3A_56 = arith.subi %sign3A_52, %sign3A_55 : i32
    %sign3A_57 = arith.constant 0 : i32
    %sign3A_58 = arith.cmpi sgt, %jit3A, %sign3A_57 : i32
    %sign3A_59 = arith.extui %sign3A_58 : i1 to i32
    %sign3A_60 = arith.constant 0 : i32
    %sign3A_61 = arith.cmpi slt, %jit3A, %sign3A_60 : i32
    %sign3A_62 = arith.extui %sign3A_61 : i1 to i32
    %sign3A_63 = arith.subi %sign3A_59, %sign3A_62 : i32
    %ne3A = arith.cmpi ne, %sign3A_56, %sign3A_63 : i32
    %rem3A = arith.remsi %add3A_50, %jit3A : i32
    %ne3A_64 = arith.constant 0 : i32
    %ne3A_65 = arith.cmpi ne, %rem3A, %ne3A_64 : i32
    %and3A = arith.andi %ne3A, %ne3A_65 : i1
    %sub3A = arith.constant 1 : i32
    %sub3A_66 = arith.subi %div3A, %sub3A : i32
    %select_n3A = arith.select %and3A, %sub3A_66, %div3A : i32
    %jit3A_67 = arith.constant 64 : i32
    %eq3A = arith.constant 0 : i32
    %eq3A_68 = arith.cmpi eq, %jit3A_67, %eq3A : i32
    %jit3A_69 = arith.constant 1 : i32
    %select_n3A_70 = arith.select %eq3A_68, %jit3A_69, %jit3A_67 : i32
    %rem3A_71 = arith.remsi %add3A_50, %select_n3A_70 : i32
    %ne3A_72 = arith.constant 0 : i32
    %ne3A_73 = arith.cmpi ne, %rem3A_71, %ne3A_72 : i32
    %lt3A = arith.constant 0 : i32
    %lt3A_74 = arith.cmpi slt, %rem3A_71, %lt3A : i32
    %lt3A_75 = arith.constant 0 : i32
    %lt3A_76 = arith.cmpi slt, %select_n3A_70, %lt3A_75 : i32
    %ne3A_77 = arith.xori %lt3A_74, %lt3A_76 : i1
    %and3A_78 = arith.andi %ne3A_77, %ne3A_73 : i1
    %add3A_79 = arith.addi %rem3A_71, %select_n3A_70 : i32
    %select_n3A_80 = arith.select %and3A_78, %add3A_79, %rem3A_71 : i32
    %dma_start3A = arith.constant 0 : i32
    %dma_start3A_81 = arith.constant 0 : i32
    %dma_start3A_82 = arith.constant 0 : i32
    %dma_start3A_83 = tpu.memref_slice %arg5[%dma_start3A, %dma_start3A_81, %dma_start3A_82] : memref<1x64x64xi32, #tpu.memory_space<vmem>> -> memref<1x64x64xi32, #tpu.memory_space<vmem>>
    %dma_start3A_84 = tpu.memref_squeeze %dma_start3A_83 : memref<1x64x64xi32, #tpu.memory_space<vmem>> -> memref<64x64xi32, #tpu.memory_space<vmem>>
    %dma_start3A_85 = arith.constant 0 : i32
    %dma_start3A_86 = arith.constant 0 : i32
    %dma_start3A_87 = tpu.memref_slice %arg2[%select_n3A, %select_n3A_80, %dma_start3A_85, %dma_start3A_86] : memref<2x64x64x64xi32, #tpu.memory_space<hbm>> -> memref<1x1x64x64xi32, #tpu.memory_space<hbm>>
    %dma_start3A_88 = tpu.memref_squeeze %dma_start3A_87 : memref<1x1x64x64xi32, #tpu.memory_space<hbm>> -> memref<64x64xi32, #tpu.memory_space<hbm>>
    %dma_start3A_89 = arith.constant 0 : i32
    %dma_start3A_90 = arith.constant 0 : i32
    %dma_start3A_91 = tpu.memref_slice %arg5[%dma_start3A, %dma_start3A_89, %dma_start3A_90] : memref<1x64x64xi32, #tpu.memory_space<vmem>> -> memref<1x64x64xi32, #tpu.memory_space<vmem>>
    %dma_start3A_92 = tpu.memref_squeeze %dma_start3A_91 : memref<1x64x64xi32, #tpu.memory_space<vmem>> -> memref<64x64xi32, #tpu.memory_space<vmem>>
    %dma_start3A_93 = arith.constant 0 : i32
    %dma_start3A_94 = arith.constant 0 : i32
    %dma_start3A_95 = tpu.memref_slice %arg2[%select_n3A, %select_n3A_80, %dma_start3A_93, %dma_start3A_94] : memref<2x64x64x64xi32, #tpu.memory_space<hbm>> -> memref<1x1x64x64xi32, #tpu.memory_space<hbm>>
    %dma_start3A_96 = tpu.memref_squeeze %dma_start3A_95 : memref<1x1x64x64xi32, #tpu.memory_space<hbm>> -> memref<64x64xi32, #tpu.memory_space<hbm>>
    tpu.enqueue_dma source(%dma_start3A_96 : memref<64x64xi32, #tpu.memory_space<hbm>>) target(%dma_start3A_92 : memref<64x64xi32, #tpu.memory_space<vmem>>) target_semaphore(%arg8 : memref<!tpu.dma_semaphore, #tpu.memory_space<semaphore_mem>>)
    %dma_start3A_97 = arith.constant 0 : i32
    %dma_start3A_98 = arith.constant 0 : i32
    %dma_start3A_99 = arith.constant 0 : i32
    %dma_start3A_100 = tpu.memref_slice %arg6[%dma_start3A_97, %dma_start3A_98, %dma_start3A_99] : memref<1x64x64xi32, #tpu.memory_space<vmem>> -> memref<1x64x64xi32, #tpu.memory_space<vmem>>
    %dma_start3A_101 = tpu.memref_squeeze %dma_start3A_100 : memref<1x64x64xi32, #tpu.memory_space<vmem>> -> memref<64x64xi32, #tpu.memory_space<vmem>>
    %dma_start3A_102 = arith.constant 0 : i32
    %dma_start3A_103 = arith.constant 0 : i32
    %dma_start3A_104 = tpu.memref_slice %arg3[%select_n3A, %select_n3A_80, %dma_start3A_102, %dma_start3A_103] : memref<2x64x64x64xi32, #tpu.memory_space<hbm>> -> memref<1x1x64x64xi32, #tpu.memory_space<hbm>>
    %dma_start3A_105 = tpu.memref_squeeze %dma_start3A_104 : memref<1x1x64x64xi32, #tpu.memory_space<hbm>> -> memref<64x64xi32, #tpu.memory_space<hbm>>
    %dma_start3A_106 = arith.constant 0 : i32
    %dma_start3A_107 = arith.constant 0 : i32
    %dma_start3A_108 = tpu.memref_slice %arg6[%dma_start3A_97, %dma_start3A_106, %dma_start3A_107] : memref<1x64x64xi32, #tpu.memory_space<vmem>> -> memref<1x64x64xi32, #tpu.memory_space<vmem>>
    %dma_start3A_109 = tpu.memref_squeeze %dma_start3A_108 : memref<1x64x64xi32, #tpu.memory_space<vmem>> -> memref<64x64xi32, #tpu.memory_space<vmem>>
    %dma_start3A_110 = arith.constant 0 : i32
    %dma_start3A_111 = arith.constant 0 : i32
    %dma_start3A_112 = tpu.memref_slice %arg3[%select_n3A, %select_n3A_80, %dma_start3A_110, %dma_start3A_111] : memref<2x64x64x64xi32, #tpu.memory_space<hbm>> -> memref<1x1x64x64xi32, #tpu.memory_space<hbm>>
    %dma_start3A_113 = tpu.memref_squeeze %dma_start3A_112 : memref<1x1x64x64xi32, #tpu.memory_space<hbm>> -> memref<64x64xi32, #tpu.memory_space<hbm>>
    tpu.enqueue_dma source(%dma_start3A_113 : memref<64x64xi32, #tpu.memory_space<hbm>>) target(%dma_start3A_109 : memref<64x64xi32, #tpu.memory_space<vmem>>) target_semaphore(%arg8 : memref<!tpu.dma_semaphore, #tpu.memory_space<semaphore_mem>>)
    %dma_wait3A = arith.constant 0 : i32
    %dma_wait3A_114 = arith.constant 0 : i32
    %dma_wait3A_115 = arith.constant 0 : i32
    %dma_wait3A_116 = tpu.memref_slice %arg5[%dma_wait3A, %dma_wait3A_114, %dma_wait3A_115] : memref<1x64x64xi32, #tpu.memory_space<vmem>> -> memref<1x64x64xi32, #tpu.memory_space<vmem>>
    %dma_wait3A_117 = tpu.memref_squeeze %dma_wait3A_116 : memref<1x64x64xi32, #tpu.memory_space<vmem>> -> memref<64x64xi32, #tpu.memory_space<vmem>>
    %dma_wait3A_118 = arith.constant 0 : i32
    %dma_wait3A_119 = arith.constant 0 : i32
    %dma_wait3A_120 = tpu.memref_slice %arg2[%select_n3A, %select_n3A_80, %dma_wait3A_118, %dma_wait3A_119] : memref<2x64x64x64xi32, #tpu.memory_space<hbm>> -> memref<1x1x64x64xi32, #tpu.memory_space<hbm>>
    %dma_wait3A_121 = tpu.memref_squeeze %dma_wait3A_120 : memref<1x1x64x64xi32, #tpu.memory_space<hbm>> -> memref<64x64xi32, #tpu.memory_space<hbm>>
    %dma_wait3A_122 = arith.constant 0 : i32
    %dma_wait3A_123 = arith.constant 0 : i32
    %dma_wait3A_124 = tpu.memref_slice %arg5[%dma_wait3A, %dma_wait3A_122, %dma_wait3A_123] : memref<1x64x64xi32, #tpu.memory_space<vmem>> -> memref<1x64x64xi32, #tpu.memory_space<vmem>>
    %dma_wait3A_125 = tpu.memref_squeeze %dma_wait3A_124 : memref<1x64x64xi32, #tpu.memory_space<vmem>> -> memref<64x64xi32, #tpu.memory_space<vmem>>
    %dma_wait3A_126 = arith.constant 0 : i32
    %dma_wait3A_127 = arith.constant 0 : i32
    %dma_wait3A_128 = tpu.memref_slice %arg2[%select_n3A, %select_n3A_80, %dma_wait3A_126, %dma_wait3A_127] : memref<2x64x64x64xi32, #tpu.memory_space<hbm>> -> memref<1x1x64x64xi32, #tpu.memory_space<hbm>>
    %dma_wait3A_129 = tpu.memref_squeeze %dma_wait3A_128 : memref<1x1x64x64xi32, #tpu.memory_space<hbm>> -> memref<64x64xi32, #tpu.memory_space<hbm>>
    tpu.wait_dma2 semaphore(%arg8 : memref<!tpu.dma_semaphore, #tpu.memory_space<semaphore_mem>>) src(%dma_wait3A_129 : memref<64x64xi32, #tpu.memory_space<hbm>>) dst(%dma_wait3A_125 : memref<64x64xi32, #tpu.memory_space<vmem>>)
    %dma_wait3A_130 = arith.constant 0 : i32
    %dma_wait3A_131 = arith.constant 0 : i32
    %dma_wait3A_132 = arith.constant 0 : i32
    %dma_wait3A_133 = tpu.memref_slice %arg6[%dma_wait3A_130, %dma_wait3A_131, %dma_wait3A_132] : memref<1x64x64xi32, #tpu.memory_space<vmem>> -> memref<1x64x64xi32, #tpu.memory_space<vmem>>
    %dma_wait3A_134 = tpu.memref_squeeze %dma_wait3A_133 : memref<1x64x64xi32, #tpu.memory_space<vmem>> -> memref<64x64xi32, #tpu.memory_space<vmem>>
    %dma_wait3A_135 = arith.constant 0 : i32
    %dma_wait3A_136 = arith.constant 0 : i32
    %dma_wait3A_137 = tpu.memref_slice %arg3[%select_n3A, %select_n3A_80, %dma_wait3A_135, %dma_wait3A_136] : memref<2x64x64x64xi32, #tpu.memory_space<hbm>> -> memref<1x1x64x64xi32, #tpu.memory_space<hbm>>
    %dma_wait3A_138 = tpu.memref_squeeze %dma_wait3A_137 : memref<1x1x64x64xi32, #tpu.memory_space<hbm>> -> memref<64x64xi32, #tpu.memory_space<hbm>>
    %dma_wait3A_139 = arith.constant 0 : i32
    %dma_wait3A_140 = arith.constant 0 : i32
    %dma_wait3A_141 = tpu.memref_slice %arg6[%dma_wait3A_130, %dma_wait3A_139, %dma_wait3A_140] : memref<1x64x64xi32, #tpu.memory_space<vmem>> -> memref<1x64x64xi32, #tpu.memory_space<vmem>>
    %dma_wait3A_142 = tpu.memref_squeeze %dma_wait3A_141 : memref<1x64x64xi32, #tpu.memory_space<vmem>> -> memref<64x64xi32, #tpu.memory_space<vmem>>
    %dma_wait3A_143 = arith.constant 0 : i32
    %dma_wait3A_144 = arith.constant 0 : i32
    %dma_wait3A_145 = tpu.memref_slice %arg3[%select_n3A, %select_n3A_80, %dma_wait3A_143, %dma_wait3A_144] : memref<2x64x64x64xi32, #tpu.memory_space<hbm>> -> memref<1x1x64x64xi32, #tpu.memory_space<hbm>>
    %dma_wait3A_146 = tpu.memref_squeeze %dma_wait3A_145 : memref<1x1x64x64xi32, #tpu.memory_space<hbm>> -> memref<64x64xi32, #tpu.memory_space<hbm>>
    tpu.wait_dma2 semaphore(%arg8 : memref<!tpu.dma_semaphore, #tpu.memory_space<semaphore_mem>>) src(%dma_wait3A_146 : memref<64x64xi32, #tpu.memory_space<hbm>>) dst(%dma_wait3A_142 : memref<64x64xi32, #tpu.memory_space<vmem>>)
    %scan3A = arith.constant 0 : i32
    %scan3A_147 = arith.constant 8 : i32
    %scan3A_148 = arith.addi %scan3A, %scan3A_147 : i32
    %scan3A_149 = arith.constant 1 : i32
    scf.for %scan3A_167 = %scan3A to %scan3A_148 step %scan3A_149  : i32 {
      %mul3A_168 = arith.constant 8 : i32
      %mul3A_169 = arith.muli %scan3A_167, %mul3A_168 : i32
      %add3A_170 = arith.constant 0 : i32
      %add3A_171 = arith.addi %add3A_170, %mul3A_169 : i32
      %broadcast_in_dim3A_172 = arith.constant 1 : i32
      %broadcast_in_dim3A_173 = vector.broadcast %broadcast_in_dim3A_172 : i32 to vector<16xi32>
      %broadcast_in_dim3A_174 = arith.constant 0 : i32
      %broadcast_in_dim3A_175 = vector.broadcast %broadcast_in_dim3A_174 : i32 to vector<16xi32>
      %add3A_176 = arith.constant 0 : i32
      %add3A_177 = arith.addi %add3A_171, %add3A_176 : i32
      %get3A = arith.constant 0 : i32
      %get3A_178 = arith.index_cast %get3A : i32 to index
      %get3A_179 = arith.index_cast %add3A_177 : i32 to index
      %get3A_180 = arith.constant 0 : index
      %get3A_181 = tpu.vector_load %arg5[%get3A_178, %get3A_179, %get3A_180] {strides = array<i32>} : memref<1x64x64xi32, #tpu.memory_space<vmem>>, vector<1x1x16xi32>,
      %get3A_182 = vector.shape_cast %get3A_181 : vector<1x1x16xi32> to vector<16xi32>
      %add3A_183 = arith.constant 0 : i32
      %add3A_184 = arith.addi %add3A_171, %add3A_183 : i32
      %get3A_185 = arith.constant 0 : i32
      %get3A_186 = arith.index_cast %get3A_185 : i32 to index
      %get3A_187 = arith.index_cast %add3A_184 : i32 to index
      %get3A_188 = arith.constant 0 : index
      %get3A_189 = tpu.vector_load %arg6[%get3A_186, %get3A_187, %get3A_188] {strides = array<i32>} : memref<1x64x64xi32, #tpu.memory_space<vmem>>, vector<1x1x16xi32>,
      %get3A_190 = vector.shape_cast %get3A_189 : vector<1x1x16xi32> to vector<16xi32>
      %eq3A_191 = arith.constant 0 : i32
      %eq3A_192 = vector.broadcast %eq3A_191 : i32 to vector<16xi32>
      %eq3A_193 = arith.cmpi eq, %get3A_182, %eq3A_192 : vector<16xi32>
      %select_n3A_194 = arith.select %eq3A_193, %broadcast_in_dim3A_173, %broadcast_in_dim3A_175 : vector<16xi1>, vector<16xi32>
      %add3A_195 = arith.addi %broadcast_in_dim3A_175, %select_n3A_194 : vector<16xi32>
      %eq3A_196 = arith.constant 1 : i32
      %eq3A_197 = vector.broadcast %eq3A_196 : i32 to vector<16xi32>
      %eq3A_198 = arith.cmpi eq, %get3A_182, %eq3A_197 : vector<16xi32>
      %select_n3A_199 = arith.select %eq3A_198, %broadcast_in_dim3A_173, %broadcast_in_dim3A_175 : vector<16xi1>, vector<16xi32>
      %add3A_200 = arith.addi %broadcast_in_dim3A_175, %select_n3A_199 : vector<16xi32>
      %eq3A_201 = arith.constant 2 : i32
      %eq3A_202 = vector.broadcast %eq3A_201 : i32 to vector<16xi32>
      %eq3A_203 = arith.cmpi eq, %get3A_182, %eq3A_202 : vector<16xi32>
      %select_n3A_204 = arith.select %eq3A_203, %broadcast_in_dim3A_173, %broadcast_in_dim3A_175 : vector<16xi1>, vector<16xi32>
      %add3A_205 = arith.addi %broadcast_in_dim3A_175, %select_n3A_204 : vector<16xi32>
      %eq3A_206 = arith.constant 3 : i32
      %eq3A_207 = vector.broadcast %eq3A_206 : i32 to vector<16xi32>
      %eq3A_208 = arith.cmpi eq, %get3A_182, %eq3A_207 : vector<16xi32>
      %select_n3A_209 = arith.select %eq3A_208, %broadcast_in_dim3A_173, %broadcast_in_dim3A_175 : vector<16xi1>, vector<16xi32>
      %add3A_210 = arith.addi %broadcast_in_dim3A_175, %select_n3A_209 : vector<16xi32>
      %gt3A = arith.constant 0 : i32
      %gt3A_211 = vector.broadcast %gt3A : i32 to vector<16xi32>
      %gt3A_212 = arith.cmpi sgt, %get3A_182, %gt3A_211 : vector<16xi32>
      %eq3A_213 = arith.constant 0 : i32
      %eq3A_214 = vector.broadcast %eq3A_213 : i32 to vector<16xi32>
      %eq3A_215 = arith.cmpi eq, %get3A_190, %eq3A_214 : vector<16xi32>
      %and3A_216 = arith.andi %eq3A_215, %gt3A_212 : vector<16xi1>
      %select_n3A_217 = arith.select %and3A_216, %broadcast_in_dim3A_173, %broadcast_in_dim3A_175 : vector<16xi1>, vector<16xi32>
      %add3A_218 = arith.addi %broadcast_in_dim3A_175, %select_n3A_217 : vector<16xi32>
      %eq3A_219 = arith.constant 1 : i32
      %eq3A_220 = vector.broadcast %eq3A_219 : i32 to vector<16xi32>
      %eq3A_221 = arith.cmpi eq, %get3A_190, %eq3A_220 : vector<16xi32>
      %and3A_222 = arith.andi %eq3A_221, %gt3A_212 : vector<16xi1>
      %select_n3A_223 = arith.select %and3A_222, %broadcast_in_dim3A_173, %broadcast_in_dim3A_175 : vector<16xi1>, vector<16xi32>
      %add3A_224 = arith.addi %broadcast_in_dim3A_175, %select_n3A_223 : vector<16xi32>
      %add3A_225 = arith.constant 0 : i32
      %add3A_226 = arith.addi %add3A_171, %add3A_225 : i32
      %get3A_227 = arith.constant 0 : i32
      %get3A_228 = arith.index_cast %get3A_227 : i32 to index
      %get3A_229 = arith.index_cast %add3A_226 : i32 to index
      %get3A_230 = arith.constant 16 : index
      %get3A_231 = tpu.vector_load %arg5[%get3A_228, %get3A_229, %get3A_230] {strides = array<i32>} : memref<1x64x64xi32, #tpu.memory_space<vmem>>, vector<1x1x16xi32>,
      %get3A_232 = vector.shape_cast %get3A_231 : vector<1x1x16xi32> to vector<16xi32>
      %add3A_233 = arith.constant 0 : i32
      %add3A_234 = arith.addi %add3A_171, %add3A_233 : i32
      %get3A_235 = arith.constant 0 : i32
      %get3A_236 = arith.index_cast %get3A_235 : i32 to index
      %get3A_237 = arith.index_cast %add3A_234 : i32 to index
      %get3A_238 = arith.constant 16 : index
      %get3A_239 = tpu.vector_load %arg6[%get3A_236, %get3A_237, %get3A_238] {strides = array<i32>} : memref<1x64x64xi32, #tpu.memory_space<vmem>>, vector<1x1x16xi32>,
      %get3A_240 = vector.shape_cast %get3A_239 : vector<1x1x16xi32> to vector<16xi32>
      %eq3A_241 = arith.constant 0 : i32
      %eq3A_242 = vector.broadcast %eq3A_241 : i32 to vector<16xi32>
      %eq3A_243 = arith.cmpi eq, %get3A_232, %eq3A_242 : vector<16xi32>
      %select_n3A_244 = arith.select %eq3A_243, %broadcast_in_dim3A_173, %broadcast_in_dim3A_175 : vector<16xi1>, vector<16xi32>
      %add3A_245 = arith.addi %add3A_195, %select_n3A_244 : vector<16xi32>
      %eq3A_246 = arith.constant 1 : i32
      %eq3A_247 = vector.broadcast %eq3A_246 : i32 to vector<16xi32>
      %eq3A_248 = arith.cmpi eq, %get3A_232, %eq3A_247 : vector<16xi32>
      %select_n3A_249 = arith.select %eq3A_248, %broadcast_in_dim3A_173, %broadcast_in_dim3A_175 : vector<16xi1>, vector<16xi32>
      %add3A_250 = arith.addi %add3A_200, %select_n3A_249 : vector<16xi32>
      %eq3A_251 = arith.constant 2 : i32
      %eq3A_252 = vector.broadcast %eq3A_251 : i32 to vector<16xi32>
      %eq3A_253 = arith.cmpi eq, %get3A_232, %eq3A_252 : vector<16xi32>
      %select_n3A_254 = arith.select %eq3A_253, %broadcast_in_dim3A_173, %broadcast_in_dim3A_175 : vector<16xi1>, vector<16xi32>
      %add3A_255 = arith.addi %add3A_205, %select_n3A_254 : vector<16xi32>
      %eq3A_256 = arith.constant 3 : i32
      %eq3A_257 = vector.broadcast %eq3A_256 : i32 to vector<16xi32>
      %eq3A_258 = arith.cmpi eq, %get3A_232, %eq3A_257 : vector<16xi32>
      %select_n3A_259 = arith.select %eq3A_258, %broadcast_in_dim3A_173, %broadcast_in_dim3A_175 : vector<16xi1>, vector<16xi32>
      %add3A_260 = arith.addi %add3A_210, %select_n3A_259 : vector<16xi32>
      %gt3A_261 = arith.constant 0 : i32
      %gt3A_262 = vector.broadcast %gt3A_261 : i32 to vector<16xi32>
      %gt3A_263 = arith.cmpi sgt, %get3A_232, %gt3A_262 : vector<16xi32>
      %eq3A_264 = arith.constant 0 : i32
      %eq3A_265 = vector.broadcast %eq3A_264 : i32 to vector<16xi32>
      %eq3A_266 = arith.cmpi eq, %get3A_240, %eq3A_265 : vector<16xi32>
      %and3A_267 = arith.andi %eq3A_266, %gt3A_263 : vector<16xi1>
      %select_n3A_268 = arith.select %and3A_267, %broadcast_in_dim3A_173, %broadcast_in_dim3A_175 : vector<16xi1>, vector<16xi32>
      %add3A_269 = arith.addi %add3A_218, %select_n3A_268 : vector<16xi32>
      %eq3A_270 = arith.constant 1 : i32
      %eq3A_271 = vector.broadcast %eq3A_270 : i32 to vector<16xi32>
      %eq3A_272 = arith.cmpi eq, %get3A_240, %eq3A_271 : vector<16xi32>
      %and3A_273 = arith.andi %eq3A_272, %gt3A_263 : vector<16xi1>
      %select_n3A_274 = arith.select %and3A_273, %broadcast_in_dim3A_173, %broadcast_in_dim3A_175 : vector<16xi1>, vector<16xi32>
      %add3A_275 = arith.addi %add3A_224, %select_n3A_274 : vector<16xi32>
      %add3A_276 = arith.constant 0 : i32
      %add3A_277 = arith.addi %add3A_171, %add3A_276 : i32
      %get3A_278 = arith.constant 0 : i32
      %get3A_279 = arith.index_cast %get3A_278 : i32 to index
      %get3A_280 = arith.index_cast %add3A_277 : i32 to index
      %get3A_281 = arith.constant 32 : index
      %get3A_282 = tpu.vector_load %arg5[%get3A_279, %get3A_280, %get3A_281] {strides = array<i32>} : memref<1x64x64xi32, #tpu.memory_space<vmem>>, vector<1x1x16xi32>,
      %get3A_283 = vector.shape_cast %get3A_282 : vector<1x1x16xi32> to vector<16xi32>
      %add3A_284 = arith.constant 0 : i32
      %add3A_285 = arith.addi %add3A_171, %add3A_284 : i32
      %get3A_286 = arith.constant 0 : i32
      %get3A_287 = arith.index_cast %get3A_286 : i32 to index
      %get3A_288 = arith.index_cast %add3A_285 : i32 to index
      %get3A_289 = arith.constant 32 : index
      %get3A_290 = tpu.vector_load %arg6[%get3A_287, %get3A_288, %get3A_289] {strides = array<i32>} : memref<1x64x64xi32, #tpu.memory_space<vmem>>, vector<1x1x16xi32>,
      %get3A_291 = vector.shape_cast %get3A_290 : vector<1x1x16xi32> to vector<16xi32>
      %eq3A_292 = arith.constant 0 : i32
      %eq3A_293 = vector.broadcast %eq3A_292 : i32 to vector<16xi32>
      %eq3A_294 = arith.cmpi eq, %get3A_283, %eq3A_293 : vector<16xi32>
      %select_n3A_295 = arith.select %eq3A_294, %broadcast_in_dim3A_173, %broadcast_in_dim3A_175 : vector<16xi1>, vector<16xi32>
      %add3A_296 = arith.addi %add3A_245, %select_n3A_295 : vector<16xi32>
      %eq3A_297 = arith.constant 1 : i32
      %eq3A_298 = vector.broadcast %eq3A_297 : i32 to vector<16xi32>
      %eq3A_299 = arith.cmpi eq, %get3A_283, %eq3A_298 : vector<16xi32>
      %select_n3A_300 = arith.select %eq3A_299, %broadcast_in_dim3A_173, %broadcast_in_dim3A_175 : vector<16xi1>, vector<16xi32>
      %add3A_301 = arith.addi %add3A_250, %select_n3A_300 : vector<16xi32>
      %eq3A_302 = arith.constant 2 : i32
      %eq3A_303 = vector.broadcast %eq3A_302 : i32 to vector<16xi32>
      %eq3A_304 = arith.cmpi eq, %get3A_283, %eq3A_303 : vector<16xi32>
      %select_n3A_305 = arith.select %eq3A_304, %broadcast_in_dim3A_173, %broadcast_in_dim3A_175 : vector<16xi1>, vector<16xi32>
      %add3A_306 = arith.addi %add3A_255, %select_n3A_305 : vector<16xi32>
      %eq3A_307 = arith.constant 3 : i32
      %eq3A_308 = vector.broadcast %eq3A_307 : i32 to vector<16xi32>
      %eq3A_309 = arith.cmpi eq, %get3A_283, %eq3A_308 : vector<16xi32>
      %select_n3A_310 = arith.select %eq3A_309, %broadcast_in_dim3A_173, %broadcast_in_dim3A_175 : vector<16xi1>, vector<16xi32>
      %add3A_311 = arith.addi %add3A_260, %select_n3A_310 : vector<16xi32>
      %gt3A_312 = arith.constant 0 : i32
      %gt3A_313 = vector.broadcast %gt3A_312 : i32 to vector<16xi32>
      %gt3A_314 = arith.cmpi sgt, %get3A_283, %gt3A_313 : vector<16xi32>
      %eq3A_315 = arith.constant 0 : i32
      %eq3A_316 = vector.broadcast %eq3A_315 : i32 to vector<16xi32>
      %eq3A_317 = arith.cmpi eq, %get3A_291, %eq3A_316 : vector<16xi32>
      %and3A_318 = arith.andi %eq3A_317, %gt3A_314 : vector<16xi1>
      %select_n3A_319 = arith.select %and3A_318, %broadcast_in_dim3A_173, %broadcast_in_dim3A_175 : vector<16xi1>, vector<16xi32>
      %add3A_320 = arith.addi %add3A_269, %select_n3A_319 : vector<16xi32>
      %eq3A_321 = arith.constant 1 : i32
      %eq3A_322 = vector.broadcast %eq3A_321 : i32 to vector<16xi32>
      %eq3A_323 = arith.cmpi eq, %get3A_291, %eq3A_322 : vector<16xi32>
      %and3A_324 = arith.andi %eq3A_323, %gt3A_314 : vector<16xi1>
      %select_n3A_325 = arith.select %and3A_324, %broadcast_in_dim3A_173, %broadcast_in_dim3A_175 : vector<16xi1>, vector<16xi32>
      %add3A_326 = arith.addi %add3A_275, %select_n3A_325 : vector<16xi32>
      %add3A_327 = arith.constant 0 : i32
      %add3A_328 = arith.addi %add3A_171, %add3A_327 : i32
      %get3A_329 = arith.constant 0 : i32
      %get3A_330 = arith.index_cast %get3A_329 : i32 to index
      %get3A_331 = arith.index_cast %add3A_328 : i32 to index
      %get3A_332 = arith.constant 48 : index
      %get3A_333 = tpu.vector_load %arg5[%get3A_330, %get3A_331, %get3A_332] {strides = array<i32>} : memref<1x64x64xi32, #tpu.memory_space<vmem>>, vector<1x1x16xi32>,
      %get3A_334 = vector.shape_cast %get3A_333 : vector<1x1x16xi32> to vector<16xi32>
      %add3A_335 = arith.constant 0 : i32
      %add3A_336 = arith.addi %add3A_171, %add3A_335 : i32
      %get3A_337 = arith.constant 0 : i32
      %get3A_338 = arith.index_cast %get3A_337 : i32 to index
      %get3A_339 = arith.index_cast %add3A_336 : i32 to index
      %get3A_340 = arith.constant 48 : index
      %get3A_341 = tpu.vector_load %arg6[%get3A_338, %get3A_339, %get3A_340] {strides = array<i32>} : memref<1x64x64xi32, #tpu.memory_space<vmem>>, vector<1x1x16xi32>,
      %get3A_342 = vector.shape_cast %get3A_341 : vector<1x1x16xi32> to vector<16xi32>
      %eq3A_343 = arith.constant 0 : i32
      %eq3A_344 = vector.broadcast %eq3A_343 : i32 to vector<16xi32>
      %eq3A_345 = arith.cmpi eq, %get3A_334, %eq3A_344 : vector<16xi32>
      %select_n3A_346 = arith.select %eq3A_345, %broadcast_in_dim3A_173, %broadcast_in_dim3A_175 : vector<16xi1>, vector<16xi32>
      %add3A_347 = arith.addi %add3A_296, %select_n3A_346 : vector<16xi32>
      %eq3A_348 = arith.constant 1 : i32
      %eq3A_349 = vector.broadcast %eq3A_348 : i32 to vector<16xi32>
      %eq3A_350 = arith.cmpi eq, %get3A_334, %eq3A_349 : vector<16xi32>
      %select_n3A_351 = arith.select %eq3A_350, %broadcast_in_dim3A_173, %broadcast_in_dim3A_175 : vector<16xi1>, vector<16xi32>
      %add3A_352 = arith.addi %add3A_301, %select_n3A_351 : vector<16xi32>
      %eq3A_353 = arith.constant 2 : i32
      %eq3A_354 = vector.broadcast %eq3A_353 : i32 to vector<16xi32>
      %eq3A_355 = arith.cmpi eq, %get3A_334, %eq3A_354 : vector<16xi32>
      %select_n3A_356 = arith.select %eq3A_355, %broadcast_in_dim3A_173, %broadcast_in_dim3A_175 : vector<16xi1>, vector<16xi32>
      %add3A_357 = arith.addi %add3A_306, %select_n3A_356 : vector<16xi32>
      %eq3A_358 = arith.constant 3 : i32
      %eq3A_359 = vector.broadcast %eq3A_358 : i32 to vector<16xi32>
      %eq3A_360 = arith.cmpi eq, %get3A_334, %eq3A_359 : vector<16xi32>
      %select_n3A_361 = arith.select %eq3A_360, %broadcast_in_dim3A_173, %broadcast_in_dim3A_175 : vector<16xi1>, vector<16xi32>
      %add3A_362 = arith.addi %add3A_311, %select_n3A_361 : vector<16xi32>
      %gt3A_363 = arith.constant 0 : i32
      %gt3A_364 = vector.broadcast %gt3A_363 : i32 to vector<16xi32>
      %gt3A_365 = arith.cmpi sgt, %get3A_334, %gt3A_364 : vector<16xi32>
      %eq3A_366 = arith.constant 0 : i32
      %eq3A_367 = vector.broadcast %eq3A_366 : i32 to vector<16xi32>
      %eq3A_368 = arith.cmpi eq, %get3A_342, %eq3A_367 : vector<16xi32>
      %and3A_369 = arith.andi %eq3A_368, %gt3A_365 : vector<16xi1>
      %select_n3A_370 = arith.select %and3A_369, %broadcast_in_dim3A_173, %broadcast_in_dim3A_175 : vector<16xi1>, vector<16xi32>
      %add3A_371 = arith.addi %add3A_320, %select_n3A_370 : vector<16xi32>
      %eq3A_372 = arith.constant 1 : i32
      %eq3A_373 = vector.broadcast %eq3A_372 : i32 to vector<16xi32>
      %eq3A_374 = arith.cmpi eq, %get3A_342, %eq3A_373 : vector<16xi32>
      %and3A_375 = arith.andi %eq3A_374, %gt3A_365 : vector<16xi1>
      %select_n3A_376 = arith.select %and3A_375, %broadcast_in_dim3A_173, %broadcast_in_dim3A_175 : vector<16xi1>, vector<16xi32>
      %add3A_377 = arith.addi %add3A_326, %select_n3A_376 : vector<16xi32>
      %add3A_378 = arith.constant 1 : i32
      %add3A_379 = arith.addi %add3A_171, %add3A_378 : i32
      %get3A_380 = arith.constant 0 : i32
      %get3A_381 = arith.index_cast %get3A_380 : i32 to index
      %get3A_382 = arith.index_cast %add3A_379 : i32 to index
      %get3A_383 = arith.constant 0 : index
      %get3A_384 = tpu.vector_load %arg5[%get3A_381, %get3A_382, %get3A_383] {strides = array<i32>} : memref<1x64x64xi32, #tpu.memory_space<vmem>>, vector<1x1x16xi32>,
      %get3A_385 = vector.shape_cast %get3A_384 : vector<1x1x16xi32> to vector<16xi32>
      %add3A_386 = arith.constant 1 : i32
      %add3A_387 = arith.addi %add3A_171, %add3A_386 : i32
      %get3A_388 = arith.constant 0 : i32
      %get3A_389 = arith.index_cast %get3A_388 : i32 to index
      %get3A_390 = arith.index_cast %add3A_387 : i32 to index
      %get3A_391 = arith.constant 0 : index
      %get3A_392 = tpu.vector_load %arg6[%get3A_389, %get3A_390, %get3A_391] {strides = array<i32>} : memref<1x64x64xi32, #tpu.memory_space<vmem>>, vector<1x1x16xi32>,
      %get3A_393 = vector.shape_cast %get3A_392 : vector<1x1x16xi32> to vector<16xi32>
      %eq3A_394 = arith.constant 0 : i32
      %eq3A_395 = vector.broadcast %eq3A_394 : i32 to vector<16xi32>
      %eq3A_396 = arith.cmpi eq, %get3A_385, %eq3A_395 : vector<16xi32>
      %select_n3A_397 = arith.select %eq3A_396, %broadcast_in_dim3A_173, %broadcast_in_dim3A_175 : vector<16xi1>, vector<16xi32>
      %add3A_398 = arith.addi %add3A_347, %select_n3A_397 : vector<16xi32>
      %eq3A_399 = arith.constant 1 : i32
      %eq3A_400 = vector.broadcast %eq3A_399 : i32 to vector<16xi32>
      %eq3A_401 = arith.cmpi eq, %get3A_385, %eq3A_400 : vector<16xi32>
      %select_n3A_402 = arith.select %eq3A_401, %broadcast_in_dim3A_173, %broadcast_in_dim3A_175 : vector<16xi1>, vector<16xi32>
      %add3A_403 = arith.addi %add3A_352, %select_n3A_402 : vector<16xi32>
      %eq3A_404 = arith.constant 2 : i32
      %eq3A_405 = vector.broadcast %eq3A_404 : i32 to vector<16xi32>
      %eq3A_406 = arith.cmpi eq, %get3A_385, %eq3A_405 : vector<16xi32>
      %select_n3A_407 = arith.select %eq3A_406, %broadcast_in_dim3A_173, %broadcast_in_dim3A_175 : vector<16xi1>, vector<16xi32>
      %add3A_408 = arith.addi %add3A_357, %select_n3A_407 : vector<16xi32>
      %eq3A_409 = arith.constant 3 : i32
      %eq3A_410 = vector.broadcast %eq3A_409 : i32 to vector<16xi32>
      %eq3A_411 = arith.cmpi eq, %get3A_385, %eq3A_410 : vector<16xi32>
      %select_n3A_412 = arith.select %eq3A_411, %broadcast_in_dim3A_173, %broadcast_in_dim3A_175 : vector<16xi1>, vector<16xi32>
      %add3A_413 = arith.addi %add3A_362, %select_n3A_412 : vector<16xi32>
      %gt3A_414 = arith.constant 0 : i32
      %gt3A_415 = vector.broadcast %gt3A_414 : i32 to vector<16xi32>
      %gt3A_416 = arith.cmpi sgt, %get3A_385, %gt3A_415 : vector<16xi32>
      %eq3A_417 = arith.constant 0 : i32
      %eq3A_418 = vector.broadcast %eq3A_417 : i32 to vector<16xi32>
      %eq3A_419 = arith.cmpi eq, %get3A_393, %eq3A_418 : vector<16xi32>
      %and3A_420 = arith.andi %eq3A_419, %gt3A_416 : vector<16xi1>
      %select_n3A_421 = arith.select %and3A_420, %broadcast_in_dim3A_173, %broadcast_in_dim3A_175 : vector<16xi1>, vector<16xi32>
      %add3A_422 = arith.addi %add3A_371, %select_n3A_421 : vector<16xi32>
      %eq3A_423 = arith.constant 1 : i32
      %eq3A_424 = vector.broadcast %eq3A_423 : i32 to vector<16xi32>
      %eq3A_425 = arith.cmpi eq, %get3A_393, %eq3A_424 : vector<16xi32>
      %and3A_426 = arith.andi %eq3A_425, %gt3A_416 : vector<16xi1>
      %select_n3A_427 = arith.select %and3A_426, %broadcast_in_dim3A_173, %broadcast_in_dim3A_175 : vector<16xi1>, vector<16xi32>
      %add3A_428 = arith.addi %add3A_377, %select_n3A_427 : vector<16xi32>
      %add3A_429 = arith.constant 1 : i32
      %add3A_430 = arith.addi %add3A_171, %add3A_429 : i32
      %get3A_431 = arith.constant 0 : i32
      %get3A_432 = arith.index_cast %get3A_431 : i32 to index
      %get3A_433 = arith.index_cast %add3A_430 : i32 to index
      %get3A_434 = arith.constant 16 : index
      %get3A_435 = tpu.vector_load %arg5[%get3A_432, %get3A_433, %get3A_434] {strides = array<i32>} : memref<1x64x64xi32, #tpu.memory_space<vmem>>, vector<1x1x16xi32>,
      %get3A_436 = vector.shape_cast %get3A_435 : vector<1x1x16xi32> to vector<16xi32>
      %add3A_437 = arith.constant 1 : i32
      %add3A_438 = arith.addi %add3A_171, %add3A_437 : i32
      %get3A_439 = arith.constant 0 : i32
      %get3A_440 = arith.index_cast %get3A_439 : i32 to index
      %get3A_441 = arith.index_cast %add3A_438 : i32 to index
      %get3A_442 = arith.constant 16 : index
      %get3A_443 = tpu.vector_load %arg6[%get3A_440, %get3A_441, %get3A_442] {strides = array<i32>} : memref<1x64x64xi32, #tpu.memory_space<vmem>>, vector<1x1x16xi32>,
      %get3A_444 = vector.shape_cast %get3A_443 : vector<1x1x16xi32> to vector<16xi32>
      %eq3A_445 = arith.constant 0 : i32
      %eq3A_446 = vector.broadcast %eq3A_445 : i32 to vector<16xi32>
      %eq3A_447 = arith.cmpi eq, %get3A_436, %eq3A_446 : vector<16xi32>
      %select_n3A_448 = arith.select %eq3A_447, %broadcast_in_dim3A_173, %broadcast_in_dim3A_175 : vector<16xi1>, vector<16xi32>
      %add3A_449 = arith.addi %add3A_398, %select_n3A_448 : vector<16xi32>
      %eq3A_450 = arith.constant 1 : i32
      %eq3A_451 = vector.broadcast %eq3A_450 : i32 to vector<16xi32>
      %eq3A_452 = arith.cmpi eq, %get3A_436, %eq3A_451 : vector<16xi32>
      %select_n3A_453 = arith.select %eq3A_452, %broadcast_in_dim3A_173, %broadcast_in_dim3A_175 : vector<16xi1>, vector<16xi32>
      %add3A_454 = arith.addi %add3A_403, %select_n3A_453 : vector<16xi32>
      %eq3A_455 = arith.constant 2 : i32
      %eq3A_456 = vector.broadcast %eq3A_455 : i32 to vector<16xi32>
      %eq3A_457 = arith.cmpi eq, %get3A_436, %eq3A_456 : vector<16xi32>
      %select_n3A_458 = arith.select %eq3A_457, %broadcast_in_dim3A_173, %broadcast_in_dim3A_175 : vector<16xi1>, vector<16xi32>
      %add3A_459 = arith.addi %add3A_408, %select_n3A_458 : vector<16xi32>
      %eq3A_460 = arith.constant 3 : i32
      %eq3A_461 = vector.broadcast %eq3A_460 : i32 to vector<16xi32>
      %eq3A_462 = arith.cmpi eq, %get3A_436, %eq3A_461 : vector<16xi32>
      %select_n3A_463 = arith.select %eq3A_462, %broadcast_in_dim3A_173, %broadcast_in_dim3A_175 : vector<16xi1>, vector<16xi32>
      %add3A_464 = arith.addi %add3A_413, %select_n3A_463 : vector<16xi32>
      %gt3A_465 = arith.constant 0 : i32
      %gt3A_466 = vector.broadcast %gt3A_465 : i32 to vector<16xi32>
      %gt3A_467 = arith.cmpi sgt, %get3A_436, %gt3A_466 : vector<16xi32>
      %eq3A_468 = arith.constant 0 : i32
      %eq3A_469 = vector.broadcast %eq3A_468 : i32 to vector<16xi32>
      %eq3A_470 = arith.cmpi eq, %get3A_444, %eq3A_469 : vector<16xi32>
      %and3A_471 = arith.andi %eq3A_470, %gt3A_467 : vector<16xi1>
      %select_n3A_472 = arith.select %and3A_471, %broadcast_in_dim3A_173, %broadcast_in_dim3A_175 : vector<16xi1>, vector<16xi32>
      %add3A_473 = arith.addi %add3A_422, %select_n3A_472 : vector<16xi32>
      %eq3A_474 = arith.constant 1 : i32
      %eq3A_475 = vector.broadcast %eq3A_474 : i32 to vector<16xi32>
      %eq3A_476 = arith.cmpi eq, %get3A_444, %eq3A_475 : vector<16xi32>
      %and3A_477 = arith.andi %eq3A_476, %gt3A_467 : vector<16xi1>
      %select_n3A_478 = arith.select %and3A_477, %broadcast_in_dim3A_173, %broadcast_in_dim3A_175 : vector<16xi1>, vector<16xi32>
      %add3A_479 = arith.addi %add3A_428, %select_n3A_478 : vector<16xi32>
      %add3A_480 = arith.constant 1 : i32
      %add3A_481 = arith.addi %add3A_171, %add3A_480 : i32
      %get3A_482 = arith.constant 0 : i32
      %get3A_483 = arith.index_cast %get3A_482 : i32 to index
      %get3A_484 = arith.index_cast %add3A_481 : i32 to index
      %get3A_485 = arith.constant 32 : index
      %get3A_486 = tpu.vector_load %arg5[%get3A_483, %get3A_484, %get3A_485] {strides = array<i32>} : memref<1x64x64xi32, #tpu.memory_space<vmem>>, vector<1x1x16xi32>,
      %get3A_487 = vector.shape_cast %get3A_486 : vector<1x1x16xi32> to vector<16xi32>
      %add3A_488 = arith.constant 1 : i32
      %add3A_489 = arith.addi %add3A_171, %add3A_488 : i32
      %get3A_490 = arith.constant 0 : i32
      %get3A_491 = arith.index_cast %get3A_490 : i32 to index
      %get3A_492 = arith.index_cast %add3A_489 : i32 to index
      %get3A_493 = arith.constant 32 : index
      %get3A_494 = tpu.vector_load %arg6[%get3A_491, %get3A_492, %get3A_493] {strides = array<i32>} : memref<1x64x64xi32, #tpu.memory_space<vmem>>, vector<1x1x16xi32>,
      %get3A_495 = vector.shape_cast %get3A_494 : vector<1x1x16xi32> to vector<16xi32>
      %eq3A_496 = arith.constant 0 : i32
      %eq3A_497 = vector.broadcast %eq3A_496 : i32 to vector<16xi32>
      %eq3A_498 = arith.cmpi eq, %get3A_487, %eq3A_497 : vector<16xi32>
      %select_n3A_499 = arith.select %eq3A_498, %broadcast_in_dim3A_173, %broadcast_in_dim3A_175 : vector<16xi1>, vector<16xi32>
      %add3A_500 = arith.addi %add3A_449, %select_n3A_499 : vector<16xi32>
      %eq3A_501 = arith.constant 1 : i32
      %eq3A_502 = vector.broadcast %eq3A_501 : i32 to vector<16xi32>
      %eq3A_503 = arith.cmpi eq, %get3A_487, %eq3A_502 : vector<16xi32>
      %select_n3A_504 = arith.select %eq3A_503, %broadcast_in_dim3A_173, %broadcast_in_dim3A_175 : vector<16xi1>, vector<16xi32>
      %add3A_505 = arith.addi %add3A_454, %select_n3A_504 : vector<16xi32>
      %eq3A_506 = arith.constant 2 : i32
      %eq3A_507 = vector.broadcast %eq3A_506 : i32 to vector<16xi32>
      %eq3A_508 = arith.cmpi eq, %get3A_487, %eq3A_507 : vector<16xi32>
      %select_n3A_509 = arith.select %eq3A_508, %broadcast_in_dim3A_173, %broadcast_in_dim3A_175 : vector<16xi1>, vector<16xi32>
      %add3A_510 = arith.addi %add3A_459, %select_n3A_509 : vector<16xi32>
      %eq3A_511 = arith.constant 3 : i32
      %eq3A_512 = vector.broadcast %eq3A_511 : i32 to vector<16xi32>
      %eq3A_513 = arith.cmpi eq, %get3A_487, %eq3A_512 : vector<16xi32>
      %select_n3A_514 = arith.select %eq3A_513, %broadcast_in_dim3A_173, %broadcast_in_dim3A_175 : vector<16xi1>, vector<16xi32>
      %add3A_515 = arith.addi %add3A_464, %select_n3A_514 : vector<16xi32>
      %gt3A_516 = arith.constant 0 : i32
      %gt3A_517 = vector.broadcast %gt3A_516 : i32 to vector<16xi32>
      %gt3A_518 = arith.cmpi sgt, %get3A_487, %gt3A_517 : vector<16xi32>
      %eq3A_519 = arith.constant 0 : i32
      %eq3A_520 = vector.broadcast %eq3A_519 : i32 to vector<16xi32>
      %eq3A_521 = arith.cmpi eq, %get3A_495, %eq3A_520 : vector<16xi32>
      %and3A_522 = arith.andi %eq3A_521, %gt3A_518 : vector<16xi1>
      %select_n3A_523 = arith.select %and3A_522, %broadcast_in_dim3A_173, %broadcast_in_dim3A_175 : vector<16xi1>, vector<16xi32>
      %add3A_524 = arith.addi %add3A_473, %select_n3A_523 : vector<16xi32>
      %eq3A_525 = arith.constant 1 : i32
      %eq3A_526 = vector.broadcast %eq3A_525 : i32 to vector<16xi32>
      %eq3A_527 = arith.cmpi eq, %get3A_495, %eq3A_526 : vector<16xi32>
      %and3A_528 = arith.andi %eq3A_527, %gt3A_518 : vector<16xi1>
      %select_n3A_529 = arith.select %and3A_528, %broadcast_in_dim3A_173, %broadcast_in_dim3A_175 : vector<16xi1>, vector<16xi32>
      %add3A_530 = arith.addi %add3A_479, %select_n3A_529 : vector<16xi32>
      %add3A_531 = arith.constant 1 : i32
      %add3A_532 = arith.addi %add3A_171, %add3A_531 : i32
      %get3A_533 = arith.constant 0 : i32
      %get3A_534 = arith.index_cast %get3A_533 : i32 to index
      %get3A_535 = arith.index_cast %add3A_532 : i32 to index
      %get3A_536 = arith.constant 48 : index
      %get3A_537 = tpu.vector_load %arg5[%get3A_534, %get3A_535, %get3A_536] {strides = array<i32>} : memref<1x64x64xi32, #tpu.memory_space<vmem>>, vector<1x1x16xi32>,
      %get3A_538 = vector.shape_cast %get3A_537 : vector<1x1x16xi32> to vector<16xi32>
      %add3A_539 = arith.constant 1 : i32
      %add3A_540 = arith.addi %add3A_171, %add3A_539 : i32
      %get3A_541 = arith.constant 0 : i32
      %get3A_542 = arith.index_cast %get3A_541 : i32 to index
      %get3A_543 = arith.index_cast %add3A_540 : i32 to index
      %get3A_544 = arith.constant 48 : index
      %get3A_545 = tpu.vector_load %arg6[%get3A_542, %get3A_543, %get3A_544] {strides = array<i32>} : memref<1x64x64xi32, #tpu.memory_space<vmem>>, vector<1x1x16xi32>,
      %get3A_546 = vector.shape_cast %get3A_545 : vector<1x1x16xi32> to vector<16xi32>
      %eq3A_547 = arith.constant 0 : i32
      %eq3A_548 = vector.broadcast %eq3A_547 : i32 to vector<16xi32>
      %eq3A_549 = arith.cmpi eq, %get3A_538, %eq3A_548 : vector<16xi32>
      %select_n3A_550 = arith.select %eq3A_549, %broadcast_in_dim3A_173, %broadcast_in_dim3A_175 : vector<16xi1>, vector<16xi32>
      %add3A_551 = arith.addi %add3A_500, %select_n3A_550 : vector<16xi32>
      %eq3A_552 = arith.constant 1 : i32
      %eq3A_553 = vector.broadcast %eq3A_552 : i32 to vector<16xi32>
      %eq3A_554 = arith.cmpi eq, %get3A_538, %eq3A_553 : vector<16xi32>
      %select_n3A_555 = arith.select %eq3A_554, %broadcast_in_dim3A_173, %broadcast_in_dim3A_175 : vector<16xi1>, vector<16xi32>
      %add3A_556 = arith.addi %add3A_505, %select_n3A_555 : vector<16xi32>
      %eq3A_557 = arith.constant 2 : i32
      %eq3A_558 = vector.broadcast %eq3A_557 : i32 to vector<16xi32>
      %eq3A_559 = arith.cmpi eq, %get3A_538, %eq3A_558 : vector<16xi32>
      %select_n3A_560 = arith.select %eq3A_559, %broadcast_in_dim3A_173, %broadcast_in_dim3A_175 : vector<16xi1>, vector<16xi32>
      %add3A_561 = arith.addi %add3A_510, %select_n3A_560 : vector<16xi32>
      %eq3A_562 = arith.constant 3 : i32
      %eq3A_563 = vector.broadcast %eq3A_562 : i32 to vector<16xi32>
      %eq3A_564 = arith.cmpi eq, %get3A_538, %eq3A_563 : vector<16xi32>
      %select_n3A_565 = arith.select %eq3A_564, %broadcast_in_dim3A_173, %broadcast_in_dim3A_175 : vector<16xi1>, vector<16xi32>
      %add3A_566 = arith.addi %add3A_515, %select_n3A_565 : vector<16xi32>
      %gt3A_567 = arith.constant 0 : i32
      %gt3A_568 = vector.broadcast %gt3A_567 : i32 to vector<16xi32>
      %gt3A_569 = arith.cmpi sgt, %get3A_538, %gt3A_568 : vector<16xi32>
      %eq3A_570 = arith.constant 0 : i32
      %eq3A_571 = vector.broadcast %eq3A_570 : i32 to vector<16xi32>
      %eq3A_572 = arith.cmpi eq, %get3A_546, %eq3A_571 : vector<16xi32>
      %and3A_573 = arith.andi %eq3A_572, %gt3A_569 : vector<16xi1>
      %select_n3A_574 = arith.select %and3A_573, %broadcast_in_dim3A_173, %broadcast_in_dim3A_175 : vector<16xi1>, vector<16xi32>
      %add3A_575 = arith.addi %add3A_524, %select_n3A_574 : vector<16xi32>
      %eq3A_576 = arith.constant 1 : i32
      %eq3A_577 = vector.broadcast %eq3A_576 : i32 to vector<16xi32>
      %eq3A_578 = arith.cmpi eq, %get3A_546, %eq3A_577 : vector<16xi32>
      %and3A_579 = arith.andi %eq3A_578, %gt3A_569 : vector<16xi1>
      %select_n3A_580 = arith.select %and3A_579, %broadcast_in_dim3A_173, %broadcast_in_dim3A_175 : vector<16xi1>, vector<16xi32>
      %add3A_581 = arith.addi %add3A_530, %select_n3A_580 : vector<16xi32>
      %add3A_582 = arith.constant 2 : i32
      %add3A_583 = arith.addi %add3A_171, %add3A_582 : i32
      %get3A_584 = arith.constant 0 : i32
      %get3A_585 = arith.index_cast %get3A_584 : i32 to index
      %get3A_586 = arith.index_cast %add3A_583 : i32 to index
      %get3A_587 = arith.constant 0 : index
      %get3A_588 = tpu.vector_load %arg5[%get3A_585, %get3A_586, %get3A_587] {strides = array<i32>} : memref<1x64x64xi32, #tpu.memory_space<vmem>>, vector<1x1x16xi32>,
      %get3A_589 = vector.shape_cast %get3A_588 : vector<1x1x16xi32> to vector<16xi32>
      %add3A_590 = arith.constant 2 : i32
      %add3A_591 = arith.addi %add3A_171, %add3A_590 : i32
      %get3A_592 = arith.constant 0 : i32
      %get3A_593 = arith.index_cast %get3A_592 : i32 to index
      %get3A_594 = arith.index_cast %add3A_591 : i32 to index
      %get3A_595 = arith.constant 0 : index
      %get3A_596 = tpu.vector_load %arg6[%get3A_593, %get3A_594, %get3A_595] {strides = array<i32>} : memref<1x64x64xi32, #tpu.memory_space<vmem>>, vector<1x1x16xi32>,
      %get3A_597 = vector.shape_cast %get3A_596 : vector<1x1x16xi32> to vector<16xi32>
      %eq3A_598 = arith.constant 0 : i32
      %eq3A_599 = vector.broadcast %eq3A_598 : i32 to vector<16xi32>
      %eq3A_600 = arith.cmpi eq, %get3A_589, %eq3A_599 : vector<16xi32>
      %select_n3A_601 = arith.select %eq3A_600, %broadcast_in_dim3A_173, %broadcast_in_dim3A_175 : vector<16xi1>, vector<16xi32>
      %add3A_602 = arith.addi %add3A_551, %select_n3A_601 : vector<16xi32>
      %eq3A_603 = arith.constant 1 : i32
      %eq3A_604 = vector.broadcast %eq3A_603 : i32 to vector<16xi32>
      %eq3A_605 = arith.cmpi eq, %get3A_589, %eq3A_604 : vector<16xi32>
      %select_n3A_606 = arith.select %eq3A_605, %broadcast_in_dim3A_173, %broadcast_in_dim3A_175 : vector<16xi1>, vector<16xi32>
      %add3A_607 = arith.addi %add3A_556, %select_n3A_606 : vector<16xi32>
      %eq3A_608 = arith.constant 2 : i32
      %eq3A_609 = vector.broadcast %eq3A_608 : i32 to vector<16xi32>
      %eq3A_610 = arith.cmpi eq, %get3A_589, %eq3A_609 : vector<16xi32>
      %select_n3A_611 = arith.select %eq3A_610, %broadcast_in_dim3A_173, %broadcast_in_dim3A_175 : vector<16xi1>, vector<16xi32>
      %add3A_612 = arith.addi %add3A_561, %select_n3A_611 : vector<16xi32>
      %eq3A_613 = arith.constant 3 : i32
      %eq3A_614 = vector.broadcast %eq3A_613 : i32 to vector<16xi32>
      %eq3A_615 = arith.cmpi eq, %get3A_589, %eq3A_614 : vector<16xi32>
      %select_n3A_616 = arith.select %eq3A_615, %broadcast_in_dim3A_173, %broadcast_in_dim3A_175 : vector<16xi1>, vector<16xi32>
      %add3A_617 = arith.addi %add3A_566, %select_n3A_616 : vector<16xi32>
      %gt3A_618 = arith.constant 0 : i32
      %gt3A_619 = vector.broadcast %gt3A_618 : i32 to vector<16xi32>
      %gt3A_620 = arith.cmpi sgt, %get3A_589, %gt3A_619 : vector<16xi32>
      %eq3A_621 = arith.constant 0 : i32
      %eq3A_622 = vector.broadcast %eq3A_621 : i32 to vector<16xi32>
      %eq3A_623 = arith.cmpi eq, %get3A_597, %eq3A_622 : vector<16xi32>
      %and3A_624 = arith.andi %eq3A_623, %gt3A_620 : vector<16xi1>
      %select_n3A_625 = arith.select %and3A_624, %broadcast_in_dim3A_173, %broadcast_in_dim3A_175 : vector<16xi1>, vector<16xi32>
      %add3A_626 = arith.addi %add3A_575, %select_n3A_625 : vector<16xi32>
      %eq3A_627 = arith.constant 1 : i32
      %eq3A_628 = vector.broadcast %eq3A_627 : i32 to vector<16xi32>
      %eq3A_629 = arith.cmpi eq, %get3A_597, %eq3A_628 : vector<16xi32>
      %and3A_630 = arith.andi %eq3A_629, %gt3A_620 : vector<16xi1>
      %select_n3A_631 = arith.select %and3A_630, %broadcast_in_dim3A_173, %broadcast_in_dim3A_175 : vector<16xi1>, vector<16xi32>
      %add3A_632 = arith.addi %add3A_581, %select_n3A_631 : vector<16xi32>
      %add3A_633 = arith.constant 2 : i32
      %add3A_634 = arith.addi %add3A_171, %add3A_633 : i32
      %get3A_635 = arith.constant 0 : i32
      %get3A_636 = arith.index_cast %get3A_635 : i32 to index
      %get3A_637 = arith.index_cast %add3A_634 : i32 to index
      %get3A_638 = arith.constant 16 : index
      %get3A_639 = tpu.vector_load %arg5[%get3A_636, %get3A_637, %get3A_638] {strides = array<i32>} : memref<1x64x64xi32, #tpu.memory_space<vmem>>, vector<1x1x16xi32>,
      %get3A_640 = vector.shape_cast %get3A_639 : vector<1x1x16xi32> to vector<16xi32>
      %add3A_641 = arith.constant 2 : i32
      %add3A_642 = arith.addi %add3A_171, %add3A_641 : i32
      %get3A_643 = arith.constant 0 : i32
      %get3A_644 = arith.index_cast %get3A_643 : i32 to index
      %get3A_645 = arith.index_cast %add3A_642 : i32 to index
      %get3A_646 = arith.constant 16 : index
      %get3A_647 = tpu.vector_load %arg6[%get3A_644, %get3A_645, %get3A_646] {strides = array<i32>} : memref<1x64x64xi32, #tpu.memory_space<vmem>>, vector<1x1x16xi32>,
      %get3A_648 = vector.shape_cast %get3A_647 : vector<1x1x16xi32> to vector<16xi32>
      %eq3A_649 = arith.constant 0 : i32
      %eq3A_650 = vector.broadcast %eq3A_649 : i32 to vector<16xi32>
      %eq3A_651 = arith.cmpi eq, %get3A_640, %eq3A_650 : vector<16xi32>
      %select_n3A_652 = arith.select %eq3A_651, %broadcast_in_dim3A_173, %broadcast_in_dim3A_175 : vector<16xi1>, vector<16xi32>
      %add3A_653 = arith.addi %add3A_602, %select_n3A_652 : vector<16xi32>
      %eq3A_654 = arith.constant 1 : i32
      %eq3A_655 = vector.broadcast %eq3A_654 : i32 to vector<16xi32>
      %eq3A_656 = arith.cmpi eq, %get3A_640, %eq3A_655 : vector<16xi32>
      %select_n3A_657 = arith.select %eq3A_656, %broadcast_in_dim3A_173, %broadcast_in_dim3A_175 : vector<16xi1>, vector<16xi32>
      %add3A_658 = arith.addi %add3A_607, %select_n3A_657 : vector<16xi32>
      %eq3A_659 = arith.constant 2 : i32
      %eq3A_660 = vector.broadcast %eq3A_659 : i32 to vector<16xi32>
      %eq3A_661 = arith.cmpi eq, %get3A_640, %eq3A_660 : vector<16xi32>
      %select_n3A_662 = arith.select %eq3A_661, %broadcast_in_dim3A_173, %broadcast_in_dim3A_175 : vector<16xi1>, vector<16xi32>
      %add3A_663 = arith.addi %add3A_612, %select_n3A_662 : vector<16xi32>
      %eq3A_664 = arith.constant 3 : i32
      %eq3A_665 = vector.broadcast %eq3A_664 : i32 to vector<16xi32>
      %eq3A_666 = arith.cmpi eq, %get3A_640, %eq3A_665 : vector<16xi32>
      %select_n3A_667 = arith.select %eq3A_666, %broadcast_in_dim3A_173, %broadcast_in_dim3A_175 : vector<16xi1>, vector<16xi32>
      %add3A_668 = arith.addi %add3A_617, %select_n3A_667 : vector<16xi32>
      %gt3A_669 = arith.constant 0 : i32
      %gt3A_670 = vector.broadcast %gt3A_669 : i32 to vector<16xi32>
      %gt3A_671 = arith.cmpi sgt, %get3A_640, %gt3A_670 : vector<16xi32>
      %eq3A_672 = arith.constant 0 : i32
      %eq3A_673 = vector.broadcast %eq3A_672 : i32 to vector<16xi32>
      %eq3A_674 = arith.cmpi eq, %get3A_648, %eq3A_673 : vector<16xi32>
      %and3A_675 = arith.andi %eq3A_674, %gt3A_671 : vector<16xi1>
      %select_n3A_676 = arith.select %and3A_675, %broadcast_in_dim3A_173, %broadcast_in_dim3A_175 : vector<16xi1>, vector<16xi32>
      %add3A_677 = arith.addi %add3A_626, %select_n3A_676 : vector<16xi32>
      %eq3A_678 = arith.constant 1 : i32
      %eq3A_679 = vector.broadcast %eq3A_678 : i32 to vector<16xi32>
      %eq3A_680 = arith.cmpi eq, %get3A_648, %eq3A_679 : vector<16xi32>
      %and3A_681 = arith.andi %eq3A_680, %gt3A_671 : vector<16xi1>
      %select_n3A_682 = arith.select %and3A_681, %broadcast_in_dim3A_173, %broadcast_in_dim3A_175 : vector<16xi1>, vector<16xi32>
      %add3A_683 = arith.addi %add3A_632, %select_n3A_682 : vector<16xi32>
      %add3A_684 = arith.constant 2 : i32
      %add3A_685 = arith.addi %add3A_171, %add3A_684 : i32
      %get3A_686 = arith.constant 0 : i32
      %get3A_687 = arith.index_cast %get3A_686 : i32 to index
      %get3A_688 = arith.index_cast %add3A_685 : i32 to index
      %get3A_689 = arith.constant 32 : index
      %get3A_690 = tpu.vector_load %arg5[%get3A_687, %get3A_688, %get3A_689] {strides = array<i32>} : memref<1x64x64xi32, #tpu.memory_space<vmem>>, vector<1x1x16xi32>,
      %get3A_691 = vector.shape_cast %get3A_690 : vector<1x1x16xi32> to vector<16xi32>
      %add3A_692 = arith.constant 2 : i32
      %add3A_693 = arith.addi %add3A_171, %add3A_692 : i32
      %get3A_694 = arith.constant 0 : i32
      %get3A_695 = arith.index_cast %get3A_694 : i32 to index
      %get3A_696 = arith.index_cast %add3A_693 : i32 to index
      %get3A_697 = arith.constant 32 : index
      %get3A_698 = tpu.vector_load %arg6[%get3A_695, %get3A_696, %get3A_697] {strides = array<i32>} : memref<1x64x64xi32, #tpu.memory_space<vmem>>, vector<1x1x16xi32>,
      %get3A_699 = vector.shape_cast %get3A_698 : vector<1x1x16xi32> to vector<16xi32>
      %eq3A_700 = arith.constant 0 : i32
      %eq3A_701 = vector.broadcast %eq3A_700 : i32 to vector<16xi32>
      %eq3A_702 = arith.cmpi eq, %get3A_691, %eq3A_701 : vector<16xi32>
      %select_n3A_703 = arith.select %eq3A_702, %broadcast_in_dim3A_173, %broadcast_in_dim3A_175 : vector<16xi1>, vector<16xi32>
      %add3A_704 = arith.addi %add3A_653, %select_n3A_703 : vector<16xi32>
      %eq3A_705 = arith.constant 1 : i32
      %eq3A_706 = vector.broadcast %eq3A_705 : i32 to vector<16xi32>
      %eq3A_707 = arith.cmpi eq, %get3A_691, %eq3A_706 : vector<16xi32>
      %select_n3A_708 = arith.select %eq3A_707, %broadcast_in_dim3A_173, %broadcast_in_dim3A_175 : vector<16xi1>, vector<16xi32>
      %add3A_709 = arith.addi %add3A_658, %select_n3A_708 : vector<16xi32>
      %eq3A_710 = arith.constant 2 : i32
      %eq3A_711 = vector.broadcast %eq3A_710 : i32 to vector<16xi32>
      %eq3A_712 = arith.cmpi eq, %get3A_691, %eq3A_711 : vector<16xi32>
      %select_n3A_713 = arith.select %eq3A_712, %broadcast_in_dim3A_173, %broadcast_in_dim3A_175 : vector<16xi1>, vector<16xi32>
      %add3A_714 = arith.addi %add3A_663, %select_n3A_713 : vector<16xi32>
      %eq3A_715 = arith.constant 3 : i32
      %eq3A_716 = vector.broadcast %eq3A_715 : i32 to vector<16xi32>
      %eq3A_717 = arith.cmpi eq, %get3A_691, %eq3A_716 : vector<16xi32>
      %select_n3A_718 = arith.select %eq3A_717, %broadcast_in_dim3A_173, %broadcast_in_dim3A_175 : vector<16xi1>, vector<16xi32>
      %add3A_719 = arith.addi %add3A_668, %select_n3A_718 : vector<16xi32>
      %gt3A_720 = arith.constant 0 : i32
      %gt3A_721 = vector.broadcast %gt3A_720 : i32 to vector<16xi32>
      %gt3A_722 = arith.cmpi sgt, %get3A_691, %gt3A_721 : vector<16xi32>
      %eq3A_723 = arith.constant 0 : i32
      %eq3A_724 = vector.broadcast %eq3A_723 : i32 to vector<16xi32>
      %eq3A_725 = arith.cmpi eq, %get3A_699, %eq3A_724 : vector<16xi32>
      %and3A_726 = arith.andi %eq3A_725, %gt3A_722 : vector<16xi1>
      %select_n3A_727 = arith.select %and3A_726, %broadcast_in_dim3A_173, %broadcast_in_dim3A_175 : vector<16xi1>, vector<16xi32>
      %add3A_728 = arith.addi %add3A_677, %select_n3A_727 : vector<16xi32>
      %eq3A_729 = arith.constant 1 : i32
      %eq3A_730 = vector.broadcast %eq3A_729 : i32 to vector<16xi32>
      %eq3A_731 = arith.cmpi eq, %get3A_699, %eq3A_730 : vector<16xi32>
      %and3A_732 = arith.andi %eq3A_731, %gt3A_722 : vector<16xi1>
      %select_n3A_733 = arith.select %and3A_732, %broadcast_in_dim3A_173, %broadcast_in_dim3A_175 : vector<16xi1>, vector<16xi32>
      %add3A_734 = arith.addi %add3A_683, %select_n3A_733 : vector<16xi32>
      %add3A_735 = arith.constant 2 : i32
      %add3A_736 = arith.addi %add3A_171, %add3A_735 : i32
      %get3A_737 = arith.constant 0 : i32
      %get3A_738 = arith.index_cast %get3A_737 : i32 to index
      %get3A_739 = arith.index_cast %add3A_736 : i32 to index
      %get3A_740 = arith.constant 48 : index
      %get3A_741 = tpu.vector_load %arg5[%get3A_738, %get3A_739, %get3A_740] {strides = array<i32>} : memref<1x64x64xi32, #tpu.memory_space<vmem>>, vector<1x1x16xi32>,
      %get3A_742 = vector.shape_cast %get3A_741 : vector<1x1x16xi32> to vector<16xi32>
      %add3A_743 = arith.constant 2 : i32
      %add3A_744 = arith.addi %add3A_171, %add3A_743 : i32
      %get3A_745 = arith.constant 0 : i32
      %get3A_746 = arith.index_cast %get3A_745 : i32 to index
      %get3A_747 = arith.index_cast %add3A_744 : i32 to index
      %get3A_748 = arith.constant 48 : index
      %get3A_749 = tpu.vector_load %arg6[%get3A_746, %get3A_747, %get3A_748] {strides = array<i32>} : memref<1x64x64xi32, #tpu.memory_space<vmem>>, vector<1x1x16xi32>,
      %get3A_750 = vector.shape_cast %get3A_749 : vector<1x1x16xi32> to vector<16xi32>
      %eq3A_751 = arith.constant 0 : i32
      %eq3A_752 = vector.broadcast %eq3A_751 : i32 to vector<16xi32>
      %eq3A_753 = arith.cmpi eq, %get3A_742, %eq3A_752 : vector<16xi32>
      %select_n3A_754 = arith.select %eq3A_753, %broadcast_in_dim3A_173, %broadcast_in_dim3A_175 : vector<16xi1>, vector<16xi32>
      %add3A_755 = arith.addi %add3A_704, %select_n3A_754 : vector<16xi32>
      %eq3A_756 = arith.constant 1 : i32
      %eq3A_757 = vector.broadcast %eq3A_756 : i32 to vector<16xi32>
      %eq3A_758 = arith.cmpi eq, %get3A_742, %eq3A_757 : vector<16xi32>
      %select_n3A_759 = arith.select %eq3A_758, %broadcast_in_dim3A_173, %broadcast_in_dim3A_175 : vector<16xi1>, vector<16xi32>
      %add3A_760 = arith.addi %add3A_709, %select_n3A_759 : vector<16xi32>
      %eq3A_761 = arith.constant 2 : i32
      %eq3A_762 = vector.broadcast %eq3A_761 : i32 to vector<16xi32>
      %eq3A_763 = arith.cmpi eq, %get3A_742, %eq3A_762 : vector<16xi32>
      %select_n3A_764 = arith.select %eq3A_763, %broadcast_in_dim3A_173, %broadcast_in_dim3A_175 : vector<16xi1>, vector<16xi32>
      %add3A_765 = arith.addi %add3A_714, %select_n3A_764 : vector<16xi32>
      %eq3A_766 = arith.constant 3 : i32
      %eq3A_767 = vector.broadcast %eq3A_766 : i32 to vector<16xi32>
      %eq3A_768 = arith.cmpi eq, %get3A_742, %eq3A_767 : vector<16xi32>
      %select_n3A_769 = arith.select %eq3A_768, %broadcast_in_dim3A_173, %broadcast_in_dim3A_175 : vector<16xi1>, vector<16xi32>
      %add3A_770 = arith.addi %add3A_719, %select_n3A_769 : vector<16xi32>
      %gt3A_771 = arith.constant 0 : i32
      %gt3A_772 = vector.broadcast %gt3A_771 : i32 to vector<16xi32>
      %gt3A_773 = arith.cmpi sgt, %get3A_742, %gt3A_772 : vector<16xi32>
      %eq3A_774 = arith.constant 0 : i32
      %eq3A_775 = vector.broadcast %eq3A_774 : i32 to vector<16xi32>
      %eq3A_776 = arith.cmpi eq, %get3A_750, %eq3A_775 : vector<16xi32>
      %and3A_777 = arith.andi %eq3A_776, %gt3A_773 : vector<16xi1>
      %select_n3A_778 = arith.select %and3A_777, %broadcast_in_dim3A_173, %broadcast_in_dim3A_175 : vector<16xi1>, vector<16xi32>
      %add3A_779 = arith.addi %add3A_728, %select_n3A_778 : vector<16xi32>
      %eq3A_780 = arith.constant 1 : i32
      %eq3A_781 = vector.broadcast %eq3A_780 : i32 to vector<16xi32>
      %eq3A_782 = arith.cmpi eq, %get3A_750, %eq3A_781 : vector<16xi32>
      %and3A_783 = arith.andi %eq3A_782, %gt3A_773 : vector<16xi1>
      %select_n3A_784 = arith.select %and3A_783, %broadcast_in_dim3A_173, %broadcast_in_dim3A_175 : vector<16xi1>, vector<16xi32>
      %add3A_785 = arith.addi %add3A_734, %select_n3A_784 : vector<16xi32>
      %add3A_786 = arith.constant 3 : i32
      %add3A_787 = arith.addi %add3A_171, %add3A_786 : i32
      %get3A_788 = arith.constant 0 : i32
      %get3A_789 = arith.index_cast %get3A_788 : i32 to index
      %get3A_790 = arith.index_cast %add3A_787 : i32 to index
      %get3A_791 = arith.constant 0 : index
      %get3A_792 = tpu.vector_load %arg5[%get3A_789, %get3A_790, %get3A_791] {strides = array<i32>} : memref<1x64x64xi32, #tpu.memory_space<vmem>>, vector<1x1x16xi32>,
      %get3A_793 = vector.shape_cast %get3A_792 : vector<1x1x16xi32> to vector<16xi32>
      %add3A_794 = arith.constant 3 : i32
      %add3A_795 = arith.addi %add3A_171, %add3A_794 : i32
      %get3A_796 = arith.constant 0 : i32
      %get3A_797 = arith.index_cast %get3A_796 : i32 to index
      %get3A_798 = arith.index_cast %add3A_795 : i32 to index
      %get3A_799 = arith.constant 0 : index
      %get3A_800 = tpu.vector_load %arg6[%get3A_797, %get3A_798, %get3A_799] {strides = array<i32>} : memref<1x64x64xi32, #tpu.memory_space<vmem>>, vector<1x1x16xi32>,
      %get3A_801 = vector.shape_cast %get3A_800 : vector<1x1x16xi32> to vector<16xi32>
      %eq3A_802 = arith.constant 0 : i32
      %eq3A_803 = vector.broadcast %eq3A_802 : i32 to vector<16xi32>
      %eq3A_804 = arith.cmpi eq, %get3A_793, %eq3A_803 : vector<16xi32>
      %select_n3A_805 = arith.select %eq3A_804, %broadcast_in_dim3A_173, %broadcast_in_dim3A_175 : vector<16xi1>, vector<16xi32>
      %add3A_806 = arith.addi %add3A_755, %select_n3A_805 : vector<16xi32>
      %eq3A_807 = arith.constant 1 : i32
      %eq3A_808 = vector.broadcast %eq3A_807 : i32 to vector<16xi32>
      %eq3A_809 = arith.cmpi eq, %get3A_793, %eq3A_808 : vector<16xi32>
      %select_n3A_810 = arith.select %eq3A_809, %broadcast_in_dim3A_173, %broadcast_in_dim3A_175 : vector<16xi1>, vector<16xi32>
      %add3A_811 = arith.addi %add3A_760, %select_n3A_810 : vector<16xi32>
      %eq3A_812 = arith.constant 2 : i32
      %eq3A_813 = vector.broadcast %eq3A_812 : i32 to vector<16xi32>
      %eq3A_814 = arith.cmpi eq, %get3A_793, %eq3A_813 : vector<16xi32>
      %select_n3A_815 = arith.select %eq3A_814, %broadcast_in_dim3A_173, %broadcast_in_dim3A_175 : vector<16xi1>, vector<16xi32>
      %add3A_816 = arith.addi %add3A_765, %select_n3A_815 : vector<16xi32>
      %eq3A_817 = arith.constant 3 : i32
      %eq3A_818 = vector.broadcast %eq3A_817 : i32 to vector<16xi32>
      %eq3A_819 = arith.cmpi eq, %get3A_793, %eq3A_818 : vector<16xi32>
      %select_n3A_820 = arith.select %eq3A_819, %broadcast_in_dim3A_173, %broadcast_in_dim3A_175 : vector<16xi1>, vector<16xi32>
      %add3A_821 = arith.addi %add3A_770, %select_n3A_820 : vector<16xi32>
      %gt3A_822 = arith.constant 0 : i32
      %gt3A_823 = vector.broadcast %gt3A_822 : i32 to vector<16xi32>
      %gt3A_824 = arith.cmpi sgt, %get3A_793, %gt3A_823 : vector<16xi32>
      %eq3A_825 = arith.constant 0 : i32
      %eq3A_826 = vector.broadcast %eq3A_825 : i32 to vector<16xi32>
      %eq3A_827 = arith.cmpi eq, %get3A_801, %eq3A_826 : vector<16xi32>
      %and3A_828 = arith.andi %eq3A_827, %gt3A_824 : vector<16xi1>
      %select_n3A_829 = arith.select %and3A_828, %broadcast_in_dim3A_173, %broadcast_in_dim3A_175 : vector<16xi1>, vector<16xi32>
      %add3A_830 = arith.addi %add3A_779, %select_n3A_829 : vector<16xi32>
      %eq3A_831 = arith.constant 1 : i32
      %eq3A_832 = vector.broadcast %eq3A_831 : i32 to vector<16xi32>
      %eq3A_833 = arith.cmpi eq, %get3A_801, %eq3A_832 : vector<16xi32>
      %and3A_834 = arith.andi %eq3A_833, %gt3A_824 : vector<16xi1>
      %select_n3A_835 = arith.select %and3A_834, %broadcast_in_dim3A_173, %broadcast_in_dim3A_175 : vector<16xi1>, vector<16xi32>
      %add3A_836 = arith.addi %add3A_785, %select_n3A_835 : vector<16xi32>
      %add3A_837 = arith.constant 3 : i32
      %add3A_838 = arith.addi %add3A_171, %add3A_837 : i32
      %get3A_839 = arith.constant 0 : i32
      %get3A_840 = arith.index_cast %get3A_839 : i32 to index
      %get3A_841 = arith.index_cast %add3A_838 : i32 to index
      %get3A_842 = arith.constant 16 : index
      %get3A_843 = tpu.vector_load %arg5[%get3A_840, %get3A_841, %get3A_842] {strides = array<i32>} : memref<1x64x64xi32, #tpu.memory_space<vmem>>, vector<1x1x16xi32>,
      %get3A_844 = vector.shape_cast %get3A_843 : vector<1x1x16xi32> to vector<16xi32>
      %add3A_845 = arith.constant 3 : i32
      %add3A_846 = arith.addi %add3A_171, %add3A_845 : i32
      %get3A_847 = arith.constant 0 : i32
      %get3A_848 = arith.index_cast %get3A_847 : i32 to index
      %get3A_849 = arith.index_cast %add3A_846 : i32 to index
      %get3A_850 = arith.constant 16 : index
      %get3A_851 = tpu.vector_load %arg6[%get3A_848, %get3A_849, %get3A_850] {strides = array<i32>} : memref<1x64x64xi32, #tpu.memory_space<vmem>>, vector<1x1x16xi32>,
      %get3A_852 = vector.shape_cast %get3A_851 : vector<1x1x16xi32> to vector<16xi32>
      %eq3A_853 = arith.constant 0 : i32
      %eq3A_854 = vector.broadcast %eq3A_853 : i32 to vector<16xi32>
      %eq3A_855 = arith.cmpi eq, %get3A_844, %eq3A_854 : vector<16xi32>
      %select_n3A_856 = arith.select %eq3A_855, %broadcast_in_dim3A_173, %broadcast_in_dim3A_175 : vector<16xi1>, vector<16xi32>
      %add3A_857 = arith.addi %add3A_806, %select_n3A_856 : vector<16xi32>
      %eq3A_858 = arith.constant 1 : i32
      %eq3A_859 = vector.broadcast %eq3A_858 : i32 to vector<16xi32>
      %eq3A_860 = arith.cmpi eq, %get3A_844, %eq3A_859 : vector<16xi32>
      %select_n3A_861 = arith.select %eq3A_860, %broadcast_in_dim3A_173, %broadcast_in_dim3A_175 : vector<16xi1>, vector<16xi32>
      %add3A_862 = arith.addi %add3A_811, %select_n3A_861 : vector<16xi32>
      %eq3A_863 = arith.constant 2 : i32
      %eq3A_864 = vector.broadcast %eq3A_863 : i32 to vector<16xi32>
      %eq3A_865 = arith.cmpi eq, %get3A_844, %eq3A_864 : vector<16xi32>
      %select_n3A_866 = arith.select %eq3A_865, %broadcast_in_dim3A_173, %broadcast_in_dim3A_175 : vector<16xi1>, vector<16xi32>
      %add3A_867 = arith.addi %add3A_816, %select_n3A_866 : vector<16xi32>
      %eq3A_868 = arith.constant 3 : i32
      %eq3A_869 = vector.broadcast %eq3A_868 : i32 to vector<16xi32>
      %eq3A_870 = arith.cmpi eq, %get3A_844, %eq3A_869 : vector<16xi32>
      %select_n3A_871 = arith.select %eq3A_870, %broadcast_in_dim3A_173, %broadcast_in_dim3A_175 : vector<16xi1>, vector<16xi32>
      %add3A_872 = arith.addi %add3A_821, %select_n3A_871 : vector<16xi32>
      %gt3A_873 = arith.constant 0 : i32
      %gt3A_874 = vector.broadcast %gt3A_873 : i32 to vector<16xi32>
      %gt3A_875 = arith.cmpi sgt, %get3A_844, %gt3A_874 : vector<16xi32>
      %eq3A_876 = arith.constant 0 : i32
      %eq3A_877 = vector.broadcast %eq3A_876 : i32 to vector<16xi32>
      %eq3A_878 = arith.cmpi eq, %get3A_852, %eq3A_877 : vector<16xi32>
      %and3A_879 = arith.andi %eq3A_878, %gt3A_875 : vector<16xi1>
      %select_n3A_880 = arith.select %and3A_879, %broadcast_in_dim3A_173, %broadcast_in_dim3A_175 : vector<16xi1>, vector<16xi32>
      %add3A_881 = arith.addi %add3A_830, %select_n3A_880 : vector<16xi32>
      %eq3A_882 = arith.constant 1 : i32
      %eq3A_883 = vector.broadcast %eq3A_882 : i32 to vector<16xi32>
      %eq3A_884 = arith.cmpi eq, %get3A_852, %eq3A_883 : vector<16xi32>
      %and3A_885 = arith.andi %eq3A_884, %gt3A_875 : vector<16xi1>
      %select_n3A_886 = arith.select %and3A_885, %broadcast_in_dim3A_173, %broadcast_in_dim3A_175 : vector<16xi1>, vector<16xi32>
      %add3A_887 = arith.addi %add3A_836, %select_n3A_886 : vector<16xi32>
      %add3A_888 = arith.constant 3 : i32
      %add3A_889 = arith.addi %add3A_171, %add3A_888 : i32
      %get3A_890 = arith.constant 0 : i32
      %get3A_891 = arith.index_cast %get3A_890 : i32 to index
      %get3A_892 = arith.index_cast %add3A_889 : i32 to index
      %get3A_893 = arith.constant 32 : index
      %get3A_894 = tpu.vector_load %arg5[%get3A_891, %get3A_892, %get3A_893] {strides = array<i32>} : memref<1x64x64xi32, #tpu.memory_space<vmem>>, vector<1x1x16xi32>,
      %get3A_895 = vector.shape_cast %get3A_894 : vector<1x1x16xi32> to vector<16xi32>
      %add3A_896 = arith.constant 3 : i32
      %add3A_897 = arith.addi %add3A_171, %add3A_896 : i32
      %get3A_898 = arith.constant 0 : i32
      %get3A_899 = arith.index_cast %get3A_898 : i32 to index
      %get3A_900 = arith.index_cast %add3A_897 : i32 to index
      %get3A_901 = arith.constant 32 : index
      %get3A_902 = tpu.vector_load %arg6[%get3A_899, %get3A_900, %get3A_901] {strides = array<i32>} : memref<1x64x64xi32, #tpu.memory_space<vmem>>, vector<1x1x16xi32>,
      %get3A_903 = vector.shape_cast %get3A_902 : vector<1x1x16xi32> to vector<16xi32>
      %eq3A_904 = arith.constant 0 : i32
      %eq3A_905 = vector.broadcast %eq3A_904 : i32 to vector<16xi32>
      %eq3A_906 = arith.cmpi eq, %get3A_895, %eq3A_905 : vector<16xi32>
      %select_n3A_907 = arith.select %eq3A_906, %broadcast_in_dim3A_173, %broadcast_in_dim3A_175 : vector<16xi1>, vector<16xi32>
      %add3A_908 = arith.addi %add3A_857, %select_n3A_907 : vector<16xi32>
      %eq3A_909 = arith.constant 1 : i32
      %eq3A_910 = vector.broadcast %eq3A_909 : i32 to vector<16xi32>
      %eq3A_911 = arith.cmpi eq, %get3A_895, %eq3A_910 : vector<16xi32>
      %select_n3A_912 = arith.select %eq3A_911, %broadcast_in_dim3A_173, %broadcast_in_dim3A_175 : vector<16xi1>, vector<16xi32>
      %add3A_913 = arith.addi %add3A_862, %select_n3A_912 : vector<16xi32>
      %eq3A_914 = arith.constant 2 : i32
      %eq3A_915 = vector.broadcast %eq3A_914 : i32 to vector<16xi32>
      %eq3A_916 = arith.cmpi eq, %get3A_895, %eq3A_915 : vector<16xi32>
      %select_n3A_917 = arith.select %eq3A_916, %broadcast_in_dim3A_173, %broadcast_in_dim3A_175 : vector<16xi1>, vector<16xi32>
      %add3A_918 = arith.addi %add3A_867, %select_n3A_917 : vector<16xi32>
      %eq3A_919 = arith.constant 3 : i32
      %eq3A_920 = vector.broadcast %eq3A_919 : i32 to vector<16xi32>
      %eq3A_921 = arith.cmpi eq, %get3A_895, %eq3A_920 : vector<16xi32>
      %select_n3A_922 = arith.select %eq3A_921, %broadcast_in_dim3A_173, %broadcast_in_dim3A_175 : vector<16xi1>, vector<16xi32>
      %add3A_923 = arith.addi %add3A_872, %select_n3A_922 : vector<16xi32>
      %gt3A_924 = arith.constant 0 : i32
      %gt3A_925 = vector.broadcast %gt3A_924 : i32 to vector<16xi32>
      %gt3A_926 = arith.cmpi sgt, %get3A_895, %gt3A_925 : vector<16xi32>
      %eq3A_927 = arith.constant 0 : i32
      %eq3A_928 = vector.broadcast %eq3A_927 : i32 to vector<16xi32>
      %eq3A_929 = arith.cmpi eq, %get3A_903, %eq3A_928 : vector<16xi32>
      %and3A_930 = arith.andi %eq3A_929, %gt3A_926 : vector<16xi1>
      %select_n3A_931 = arith.select %and3A_930, %broadcast_in_dim3A_173, %broadcast_in_dim3A_175 : vector<16xi1>, vector<16xi32>
      %add3A_932 = arith.addi %add3A_881, %select_n3A_931 : vector<16xi32>
      %eq3A_933 = arith.constant 1 : i32
      %eq3A_934 = vector.broadcast %eq3A_933 : i32 to vector<16xi32>
      %eq3A_935 = arith.cmpi eq, %get3A_903, %eq3A_934 : vector<16xi32>
      %and3A_936 = arith.andi %eq3A_935, %gt3A_926 : vector<16xi1>
      %select_n3A_937 = arith.select %and3A_936, %broadcast_in_dim3A_173, %broadcast_in_dim3A_175 : vector<16xi1>, vector<16xi32>
      %add3A_938 = arith.addi %add3A_887, %select_n3A_937 : vector<16xi32>
      %add3A_939 = arith.constant 3 : i32
      %add3A_940 = arith.addi %add3A_171, %add3A_939 : i32
      %get3A_941 = arith.constant 0 : i32
      %get3A_942 = arith.index_cast %get3A_941 : i32 to index
      %get3A_943 = arith.index_cast %add3A_940 : i32 to index
      %get3A_944 = arith.constant 48 : index
      %get3A_945 = tpu.vector_load %arg5[%get3A_942, %get3A_943, %get3A_944] {strides = array<i32>} : memref<1x64x64xi32, #tpu.memory_space<vmem>>, vector<1x1x16xi32>,
      %get3A_946 = vector.shape_cast %get3A_945 : vector<1x1x16xi32> to vector<16xi32>
      %add3A_947 = arith.constant 3 : i32
      %add3A_948 = arith.addi %add3A_171, %add3A_947 : i32
      %get3A_949 = arith.constant 0 : i32
      %get3A_950 = arith.index_cast %get3A_949 : i32 to index
      %get3A_951 = arith.index_cast %add3A_948 : i32 to index
      %get3A_952 = arith.constant 48 : index
      %get3A_953 = tpu.vector_load %arg6[%get3A_950, %get3A_951, %get3A_952] {strides = array<i32>} : memref<1x64x64xi32, #tpu.memory_space<vmem>>, vector<1x1x16xi32>,
      %get3A_954 = vector.shape_cast %get3A_953 : vector<1x1x16xi32> to vector<16xi32>
      %eq3A_955 = arith.constant 0 : i32
      %eq3A_956 = vector.broadcast %eq3A_955 : i32 to vector<16xi32>
      %eq3A_957 = arith.cmpi eq, %get3A_946, %eq3A_956 : vector<16xi32>
      %select_n3A_958 = arith.select %eq3A_957, %broadcast_in_dim3A_173, %broadcast_in_dim3A_175 : vector<16xi1>, vector<16xi32>
      %add3A_959 = arith.addi %add3A_908, %select_n3A_958 : vector<16xi32>
      %eq3A_960 = arith.constant 1 : i32
      %eq3A_961 = vector.broadcast %eq3A_960 : i32 to vector<16xi32>
      %eq3A_962 = arith.cmpi eq, %get3A_946, %eq3A_961 : vector<16xi32>
      %select_n3A_963 = arith.select %eq3A_962, %broadcast_in_dim3A_173, %broadcast_in_dim3A_175 : vector<16xi1>, vector<16xi32>
      %add3A_964 = arith.addi %add3A_913, %select_n3A_963 : vector<16xi32>
      %eq3A_965 = arith.constant 2 : i32
      %eq3A_966 = vector.broadcast %eq3A_965 : i32 to vector<16xi32>
      %eq3A_967 = arith.cmpi eq, %get3A_946, %eq3A_966 : vector<16xi32>
      %select_n3A_968 = arith.select %eq3A_967, %broadcast_in_dim3A_173, %broadcast_in_dim3A_175 : vector<16xi1>, vector<16xi32>
      %add3A_969 = arith.addi %add3A_918, %select_n3A_968 : vector<16xi32>
      %eq3A_970 = arith.constant 3 : i32
      %eq3A_971 = vector.broadcast %eq3A_970 : i32 to vector<16xi32>
      %eq3A_972 = arith.cmpi eq, %get3A_946, %eq3A_971 : vector<16xi32>
      %select_n3A_973 = arith.select %eq3A_972, %broadcast_in_dim3A_173, %broadcast_in_dim3A_175 : vector<16xi1>, vector<16xi32>
      %add3A_974 = arith.addi %add3A_923, %select_n3A_973 : vector<16xi32>
      %gt3A_975 = arith.constant 0 : i32
      %gt3A_976 = vector.broadcast %gt3A_975 : i32 to vector<16xi32>
      %gt3A_977 = arith.cmpi sgt, %get3A_946, %gt3A_976 : vector<16xi32>
      %eq3A_978 = arith.constant 0 : i32
      %eq3A_979 = vector.broadcast %eq3A_978 : i32 to vector<16xi32>
      %eq3A_980 = arith.cmpi eq, %get3A_954, %eq3A_979 : vector<16xi32>
      %and3A_981 = arith.andi %eq3A_980, %gt3A_977 : vector<16xi1>
      %select_n3A_982 = arith.select %and3A_981, %broadcast_in_dim3A_173, %broadcast_in_dim3A_175 : vector<16xi1>, vector<16xi32>
      %add3A_983 = arith.addi %add3A_932, %select_n3A_982 : vector<16xi32>
      %eq3A_984 = arith.constant 1 : i32
      %eq3A_985 = vector.broadcast %eq3A_984 : i32 to vector<16xi32>
      %eq3A_986 = arith.cmpi eq, %get3A_954, %eq3A_985 : vector<16xi32>
      %and3A_987 = arith.andi %eq3A_986, %gt3A_977 : vector<16xi1>
      %select_n3A_988 = arith.select %and3A_987, %broadcast_in_dim3A_173, %broadcast_in_dim3A_175 : vector<16xi1>, vector<16xi32>
      %add3A_989 = arith.addi %add3A_938, %select_n3A_988 : vector<16xi32>
      %add3A_990 = arith.constant 4 : i32
      %add3A_991 = arith.addi %add3A_171, %add3A_990 : i32
      %get3A_992 = arith.constant 0 : i32
      %get3A_993 = arith.index_cast %get3A_992 : i32 to index
      %get3A_994 = arith.index_cast %add3A_991 : i32 to index
      %get3A_995 = arith.constant 0 : index
      %get3A_996 = tpu.vector_load %arg5[%get3A_993, %get3A_994, %get3A_995] {strides = array<i32>} : memref<1x64x64xi32, #tpu.memory_space<vmem>>, vector<1x1x16xi32>,
      %get3A_997 = vector.shape_cast %get3A_996 : vector<1x1x16xi32> to vector<16xi32>
      %add3A_998 = arith.constant 4 : i32
      %add3A_999 = arith.addi %add3A_171, %add3A_998 : i32
      %get3A_1000 = arith.constant 0 : i32
      %get3A_1001 = arith.index_cast %get3A_1000 : i32 to index
      %get3A_1002 = arith.index_cast %add3A_999 : i32 to index
      %get3A_1003 = arith.constant 0 : index
      %get3A_1004 = tpu.vector_load %arg6[%get3A_1001, %get3A_1002, %get3A_1003] {strides = array<i32>} : memref<1x64x64xi32, #tpu.memory_space<vmem>>, vector<1x1x16xi32>,
      %get3A_1005 = vector.shape_cast %get3A_1004 : vector<1x1x16xi32> to vector<16xi32>
      %eq3A_1006 = arith.constant 0 : i32
      %eq3A_1007 = vector.broadcast %eq3A_1006 : i32 to vector<16xi32>
      %eq3A_1008 = arith.cmpi eq, %get3A_997, %eq3A_1007 : vector<16xi32>
      %select_n3A_1009 = arith.select %eq3A_1008, %broadcast_in_dim3A_173, %broadcast_in_dim3A_175 : vector<16xi1>, vector<16xi32>
      %add3A_1010 = arith.addi %add3A_959, %select_n3A_1009 : vector<16xi32>
      %eq3A_1011 = arith.constant 1 : i32
      %eq3A_1012 = vector.broadcast %eq3A_1011 : i32 to vector<16xi32>
      %eq3A_1013 = arith.cmpi eq, %get3A_997, %eq3A_1012 : vector<16xi32>
      %select_n3A_1014 = arith.select %eq3A_1013, %broadcast_in_dim3A_173, %broadcast_in_dim3A_175 : vector<16xi1>, vector<16xi32>
      %add3A_1015 = arith.addi %add3A_964, %select_n3A_1014 : vector<16xi32>
      %eq3A_1016 = arith.constant 2 : i32
      %eq3A_1017 = vector.broadcast %eq3A_1016 : i32 to vector<16xi32>
      %eq3A_1018 = arith.cmpi eq, %get3A_997, %eq3A_1017 : vector<16xi32>
      %select_n3A_1019 = arith.select %eq3A_1018, %broadcast_in_dim3A_173, %broadcast_in_dim3A_175 : vector<16xi1>, vector<16xi32>
      %add3A_1020 = arith.addi %add3A_969, %select_n3A_1019 : vector<16xi32>
      %eq3A_1021 = arith.constant 3 : i32
      %eq3A_1022 = vector.broadcast %eq3A_1021 : i32 to vector<16xi32>
      %eq3A_1023 = arith.cmpi eq, %get3A_997, %eq3A_1022 : vector<16xi32>
      %select_n3A_1024 = arith.select %eq3A_1023, %broadcast_in_dim3A_173, %broadcast_in_dim3A_175 : vector<16xi1>, vector<16xi32>
      %add3A_1025 = arith.addi %add3A_974, %select_n3A_1024 : vector<16xi32>
      %gt3A_1026 = arith.constant 0 : i32
      %gt3A_1027 = vector.broadcast %gt3A_1026 : i32 to vector<16xi32>
      %gt3A_1028 = arith.cmpi sgt, %get3A_997, %gt3A_1027 : vector<16xi32>
      %eq3A_1029 = arith.constant 0 : i32
      %eq3A_1030 = vector.broadcast %eq3A_1029 : i32 to vector<16xi32>
      %eq3A_1031 = arith.cmpi eq, %get3A_1005, %eq3A_1030 : vector<16xi32>
      %and3A_1032 = arith.andi %eq3A_1031, %gt3A_1028 : vector<16xi1>
      %select_n3A_1033 = arith.select %and3A_1032, %broadcast_in_dim3A_173, %broadcast_in_dim3A_175 : vector<16xi1>, vector<16xi32>
      %add3A_1034 = arith.addi %add3A_983, %select_n3A_1033 : vector<16xi32>
      %eq3A_1035 = arith.constant 1 : i32
      %eq3A_1036 = vector.broadcast %eq3A_1035 : i32 to vector<16xi32>
      %eq3A_1037 = arith.cmpi eq, %get3A_1005, %eq3A_1036 : vector<16xi32>
      %and3A_1038 = arith.andi %eq3A_1037, %gt3A_1028 : vector<16xi1>
      %select_n3A_1039 = arith.select %and3A_1038, %broadcast_in_dim3A_173, %broadcast_in_dim3A_175 : vector<16xi1>, vector<16xi32>
      %add3A_1040 = arith.addi %add3A_989, %select_n3A_1039 : vector<16xi32>
      %add3A_1041 = arith.constant 4 : i32
      %add3A_1042 = arith.addi %add3A_171, %add3A_1041 : i32
      %get3A_1043 = arith.constant 0 : i32
      %get3A_1044 = arith.index_cast %get3A_1043 : i32 to index
      %get3A_1045 = arith.index_cast %add3A_1042 : i32 to index
      %get3A_1046 = arith.constant 16 : index
      %get3A_1047 = tpu.vector_load %arg5[%get3A_1044, %get3A_1045, %get3A_1046] {strides = array<i32>} : memref<1x64x64xi32, #tpu.memory_space<vmem>>, vector<1x1x16xi32>,
      %get3A_1048 = vector.shape_cast %get3A_1047 : vector<1x1x16xi32> to vector<16xi32>
      %add3A_1049 = arith.constant 4 : i32
      %add3A_1050 = arith.addi %add3A_171, %add3A_1049 : i32
      %get3A_1051 = arith.constant 0 : i32
      %get3A_1052 = arith.index_cast %get3A_1051 : i32 to index
      %get3A_1053 = arith.index_cast %add3A_1050 : i32 to index
      %get3A_1054 = arith.constant 16 : index
      %get3A_1055 = tpu.vector_load %arg6[%get3A_1052, %get3A_1053, %get3A_1054] {strides = array<i32>} : memref<1x64x64xi32, #tpu.memory_space<vmem>>, vector<1x1x16xi32>,
      %get3A_1056 = vector.shape_cast %get3A_1055 : vector<1x1x16xi32> to vector<16xi32>
      %eq3A_1057 = arith.constant 0 : i32
      %eq3A_1058 = vector.broadcast %eq3A_1057 : i32 to vector<16xi32>
      %eq3A_1059 = arith.cmpi eq, %get3A_1048, %eq3A_1058 : vector<16xi32>
      %select_n3A_1060 = arith.select %eq3A_1059, %broadcast_in_dim3A_173, %broadcast_in_dim3A_175 : vector<16xi1>, vector<16xi32>
      %add3A_1061 = arith.addi %add3A_1010, %select_n3A_1060 : vector<16xi32>
      %eq3A_1062 = arith.constant 1 : i32
      %eq3A_1063 = vector.broadcast %eq3A_1062 : i32 to vector<16xi32>
      %eq3A_1064 = arith.cmpi eq, %get3A_1048, %eq3A_1063 : vector<16xi32>
      %select_n3A_1065 = arith.select %eq3A_1064, %broadcast_in_dim3A_173, %broadcast_in_dim3A_175 : vector<16xi1>, vector<16xi32>
      %add3A_1066 = arith.addi %add3A_1015, %select_n3A_1065 : vector<16xi32>
      %eq3A_1067 = arith.constant 2 : i32
      %eq3A_1068 = vector.broadcast %eq3A_1067 : i32 to vector<16xi32>
      %eq3A_1069 = arith.cmpi eq, %get3A_1048, %eq3A_1068 : vector<16xi32>
      %select_n3A_1070 = arith.select %eq3A_1069, %broadcast_in_dim3A_173, %broadcast_in_dim3A_175 : vector<16xi1>, vector<16xi32>
      %add3A_1071 = arith.addi %add3A_1020, %select_n3A_1070 : vector<16xi32>
      %eq3A_1072 = arith.constant 3 : i32
      %eq3A_1073 = vector.broadcast %eq3A_1072 : i32 to vector<16xi32>
      %eq3A_1074 = arith.cmpi eq, %get3A_1048, %eq3A_1073 : vector<16xi32>
      %select_n3A_1075 = arith.select %eq3A_1074, %broadcast_in_dim3A_173, %broadcast_in_dim3A_175 : vector<16xi1>, vector<16xi32>
      %add3A_1076 = arith.addi %add3A_1025, %select_n3A_1075 : vector<16xi32>
      %gt3A_1077 = arith.constant 0 : i32
      %gt3A_1078 = vector.broadcast %gt3A_1077 : i32 to vector<16xi32>
      %gt3A_1079 = arith.cmpi sgt, %get3A_1048, %gt3A_1078 : vector<16xi32>
      %eq3A_1080 = arith.constant 0 : i32
      %eq3A_1081 = vector.broadcast %eq3A_1080 : i32 to vector<16xi32>
      %eq3A_1082 = arith.cmpi eq, %get3A_1056, %eq3A_1081 : vector<16xi32>
      %and3A_1083 = arith.andi %eq3A_1082, %gt3A_1079 : vector<16xi1>
      %select_n3A_1084 = arith.select %and3A_1083, %broadcast_in_dim3A_173, %broadcast_in_dim3A_175 : vector<16xi1>, vector<16xi32>
      %add3A_1085 = arith.addi %add3A_1034, %select_n3A_1084 : vector<16xi32>
      %eq3A_1086 = arith.constant 1 : i32
      %eq3A_1087 = vector.broadcast %eq3A_1086 : i32 to vector<16xi32>
      %eq3A_1088 = arith.cmpi eq, %get3A_1056, %eq3A_1087 : vector<16xi32>
      %and3A_1089 = arith.andi %eq3A_1088, %gt3A_1079 : vector<16xi1>
      %select_n3A_1090 = arith.select %and3A_1089, %broadcast_in_dim3A_173, %broadcast_in_dim3A_175 : vector<16xi1>, vector<16xi32>
      %add3A_1091 = arith.addi %add3A_1040, %select_n3A_1090 : vector<16xi32>
      %add3A_1092 = arith.constant 4 : i32
      %add3A_1093 = arith.addi %add3A_171, %add3A_1092 : i32
      %get3A_1094 = arith.constant 0 : i32
      %get3A_1095 = arith.index_cast %get3A_1094 : i32 to index
      %get3A_1096 = arith.index_cast %add3A_1093 : i32 to index
      %get3A_1097 = arith.constant 32 : index
      %get3A_1098 = tpu.vector_load %arg5[%get3A_1095, %get3A_1096, %get3A_1097] {strides = array<i32>} : memref<1x64x64xi32, #tpu.memory_space<vmem>>, vector<1x1x16xi32>,
      %get3A_1099 = vector.shape_cast %get3A_1098 : vector<1x1x16xi32> to vector<16xi32>
      %add3A_1100 = arith.constant 4 : i32
      %add3A_1101 = arith.addi %add3A_171, %add3A_1100 : i32
      %get3A_1102 = arith.constant 0 : i32
      %get3A_1103 = arith.index_cast %get3A_1102 : i32 to index
      %get3A_1104 = arith.index_cast %add3A_1101 : i32 to index
      %get3A_1105 = arith.constant 32 : index
      %get3A_1106 = tpu.vector_load %arg6[%get3A_1103, %get3A_1104, %get3A_1105] {strides = array<i32>} : memref<1x64x64xi32, #tpu.memory_space<vmem>>, vector<1x1x16xi32>,
      %get3A_1107 = vector.shape_cast %get3A_1106 : vector<1x1x16xi32> to vector<16xi32>
      %eq3A_1108 = arith.constant 0 : i32
      %eq3A_1109 = vector.broadcast %eq3A_1108 : i32 to vector<16xi32>
      %eq3A_1110 = arith.cmpi eq, %get3A_1099, %eq3A_1109 : vector<16xi32>
      %select_n3A_1111 = arith.select %eq3A_1110, %broadcast_in_dim3A_173, %broadcast_in_dim3A_175 : vector<16xi1>, vector<16xi32>
      %add3A_1112 = arith.addi %add3A_1061, %select_n3A_1111 : vector<16xi32>
      %eq3A_1113 = arith.constant 1 : i32
      %eq3A_1114 = vector.broadcast %eq3A_1113 : i32 to vector<16xi32>
      %eq3A_1115 = arith.cmpi eq, %get3A_1099, %eq3A_1114 : vector<16xi32>
      %select_n3A_1116 = arith.select %eq3A_1115, %broadcast_in_dim3A_173, %broadcast_in_dim3A_175 : vector<16xi1>, vector<16xi32>
      %add3A_1117 = arith.addi %add3A_1066, %select_n3A_1116 : vector<16xi32>
      %eq3A_1118 = arith.constant 2 : i32
      %eq3A_1119 = vector.broadcast %eq3A_1118 : i32 to vector<16xi32>
      %eq3A_1120 = arith.cmpi eq, %get3A_1099, %eq3A_1119 : vector<16xi32>
      %select_n3A_1121 = arith.select %eq3A_1120, %broadcast_in_dim3A_173, %broadcast_in_dim3A_175 : vector<16xi1>, vector<16xi32>
      %add3A_1122 = arith.addi %add3A_1071, %select_n3A_1121 : vector<16xi32>
      %eq3A_1123 = arith.constant 3 : i32
      %eq3A_1124 = vector.broadcast %eq3A_1123 : i32 to vector<16xi32>
      %eq3A_1125 = arith.cmpi eq, %get3A_1099, %eq3A_1124 : vector<16xi32>
      %select_n3A_1126 = arith.select %eq3A_1125, %broadcast_in_dim3A_173, %broadcast_in_dim3A_175 : vector<16xi1>, vector<16xi32>
      %add3A_1127 = arith.addi %add3A_1076, %select_n3A_1126 : vector<16xi32>
      %gt3A_1128 = arith.constant 0 : i32
      %gt3A_1129 = vector.broadcast %gt3A_1128 : i32 to vector<16xi32>
      %gt3A_1130 = arith.cmpi sgt, %get3A_1099, %gt3A_1129 : vector<16xi32>
      %eq3A_1131 = arith.constant 0 : i32
      %eq3A_1132 = vector.broadcast %eq3A_1131 : i32 to vector<16xi32>
      %eq3A_1133 = arith.cmpi eq, %get3A_1107, %eq3A_1132 : vector<16xi32>
      %and3A_1134 = arith.andi %eq3A_1133, %gt3A_1130 : vector<16xi1>
      %select_n3A_1135 = arith.select %and3A_1134, %broadcast_in_dim3A_173, %broadcast_in_dim3A_175 : vector<16xi1>, vector<16xi32>
      %add3A_1136 = arith.addi %add3A_1085, %select_n3A_1135 : vector<16xi32>
      %eq3A_1137 = arith.constant 1 : i32
      %eq3A_1138 = vector.broadcast %eq3A_1137 : i32 to vector<16xi32>
      %eq3A_1139 = arith.cmpi eq, %get3A_1107, %eq3A_1138 : vector<16xi32>
      %and3A_1140 = arith.andi %eq3A_1139, %gt3A_1130 : vector<16xi1>
      %select_n3A_1141 = arith.select %and3A_1140, %broadcast_in_dim3A_173, %broadcast_in_dim3A_175 : vector<16xi1>, vector<16xi32>
      %add3A_1142 = arith.addi %add3A_1091, %select_n3A_1141 : vector<16xi32>
      %add3A_1143 = arith.constant 4 : i32
      %add3A_1144 = arith.addi %add3A_171, %add3A_1143 : i32
      %get3A_1145 = arith.constant 0 : i32
      %get3A_1146 = arith.index_cast %get3A_1145 : i32 to index
      %get3A_1147 = arith.index_cast %add3A_1144 : i32 to index
      %get3A_1148 = arith.constant 48 : index
      %get3A_1149 = tpu.vector_load %arg5[%get3A_1146, %get3A_1147, %get3A_1148] {strides = array<i32>} : memref<1x64x64xi32, #tpu.memory_space<vmem>>, vector<1x1x16xi32>,
      %get3A_1150 = vector.shape_cast %get3A_1149 : vector<1x1x16xi32> to vector<16xi32>
      %add3A_1151 = arith.constant 4 : i32
      %add3A_1152 = arith.addi %add3A_171, %add3A_1151 : i32
      %get3A_1153 = arith.constant 0 : i32
      %get3A_1154 = arith.index_cast %get3A_1153 : i32 to index
      %get3A_1155 = arith.index_cast %add3A_1152 : i32 to index
      %get3A_1156 = arith.constant 48 : index
      %get3A_1157 = tpu.vector_load %arg6[%get3A_1154, %get3A_1155, %get3A_1156] {strides = array<i32>} : memref<1x64x64xi32, #tpu.memory_space<vmem>>, vector<1x1x16xi32>,
      %get3A_1158 = vector.shape_cast %get3A_1157 : vector<1x1x16xi32> to vector<16xi32>
      %eq3A_1159 = arith.constant 0 : i32
      %eq3A_1160 = vector.broadcast %eq3A_1159 : i32 to vector<16xi32>
      %eq3A_1161 = arith.cmpi eq, %get3A_1150, %eq3A_1160 : vector<16xi32>
      %select_n3A_1162 = arith.select %eq3A_1161, %broadcast_in_dim3A_173, %broadcast_in_dim3A_175 : vector<16xi1>, vector<16xi32>
      %add3A_1163 = arith.addi %add3A_1112, %select_n3A_1162 : vector<16xi32>
      %eq3A_1164 = arith.constant 1 : i32
      %eq3A_1165 = vector.broadcast %eq3A_1164 : i32 to vector<16xi32>
      %eq3A_1166 = arith.cmpi eq, %get3A_1150, %eq3A_1165 : vector<16xi32>
      %select_n3A_1167 = arith.select %eq3A_1166, %broadcast_in_dim3A_173, %broadcast_in_dim3A_175 : vector<16xi1>, vector<16xi32>
      %add3A_1168 = arith.addi %add3A_1117, %select_n3A_1167 : vector<16xi32>
      %eq3A_1169 = arith.constant 2 : i32
      %eq3A_1170 = vector.broadcast %eq3A_1169 : i32 to vector<16xi32>
      %eq3A_1171 = arith.cmpi eq, %get3A_1150, %eq3A_1170 : vector<16xi32>
      %select_n3A_1172 = arith.select %eq3A_1171, %broadcast_in_dim3A_173, %broadcast_in_dim3A_175 : vector<16xi1>, vector<16xi32>
      %add3A_1173 = arith.addi %add3A_1122, %select_n3A_1172 : vector<16xi32>
      %eq3A_1174 = arith.constant 3 : i32
      %eq3A_1175 = vector.broadcast %eq3A_1174 : i32 to vector<16xi32>
      %eq3A_1176 = arith.cmpi eq, %get3A_1150, %eq3A_1175 : vector<16xi32>
      %select_n3A_1177 = arith.select %eq3A_1176, %broadcast_in_dim3A_173, %broadcast_in_dim3A_175 : vector<16xi1>, vector<16xi32>
      %add3A_1178 = arith.addi %add3A_1127, %select_n3A_1177 : vector<16xi32>
      %gt3A_1179 = arith.constant 0 : i32
      %gt3A_1180 = vector.broadcast %gt3A_1179 : i32 to vector<16xi32>
      %gt3A_1181 = arith.cmpi sgt, %get3A_1150, %gt3A_1180 : vector<16xi32>
      %eq3A_1182 = arith.constant 0 : i32
      %eq3A_1183 = vector.broadcast %eq3A_1182 : i32 to vector<16xi32>
      %eq3A_1184 = arith.cmpi eq, %get3A_1158, %eq3A_1183 : vector<16xi32>
      %and3A_1185 = arith.andi %eq3A_1184, %gt3A_1181 : vector<16xi1>
      %select_n3A_1186 = arith.select %and3A_1185, %broadcast_in_dim3A_173, %broadcast_in_dim3A_175 : vector<16xi1>, vector<16xi32>
      %add3A_1187 = arith.addi %add3A_1136, %select_n3A_1186 : vector<16xi32>
      %eq3A_1188 = arith.constant 1 : i32
      %eq3A_1189 = vector.broadcast %eq3A_1188 : i32 to vector<16xi32>
      %eq3A_1190 = arith.cmpi eq, %get3A_1158, %eq3A_1189 : vector<16xi32>
      %and3A_1191 = arith.andi %eq3A_1190, %gt3A_1181 : vector<16xi1>
      %select_n3A_1192 = arith.select %and3A_1191, %broadcast_in_dim3A_173, %broadcast_in_dim3A_175 : vector<16xi1>, vector<16xi32>
      %add3A_1193 = arith.addi %add3A_1142, %select_n3A_1192 : vector<16xi32>
      %add3A_1194 = arith.constant 5 : i32
      %add3A_1195 = arith.addi %add3A_171, %add3A_1194 : i32
      %get3A_1196 = arith.constant 0 : i32
      %get3A_1197 = arith.index_cast %get3A_1196 : i32 to index
      %get3A_1198 = arith.index_cast %add3A_1195 : i32 to index
      %get3A_1199 = arith.constant 0 : index
      %get3A_1200 = tpu.vector_load %arg5[%get3A_1197, %get3A_1198, %get3A_1199] {strides = array<i32>} : memref<1x64x64xi32, #tpu.memory_space<vmem>>, vector<1x1x16xi32>,
      %get3A_1201 = vector.shape_cast %get3A_1200 : vector<1x1x16xi32> to vector<16xi32>
      %add3A_1202 = arith.constant 5 : i32
      %add3A_1203 = arith.addi %add3A_171, %add3A_1202 : i32
      %get3A_1204 = arith.constant 0 : i32
      %get3A_1205 = arith.index_cast %get3A_1204 : i32 to index
      %get3A_1206 = arith.index_cast %add3A_1203 : i32 to index
      %get3A_1207 = arith.constant 0 : index
      %get3A_1208 = tpu.vector_load %arg6[%get3A_1205, %get3A_1206, %get3A_1207] {strides = array<i32>} : memref<1x64x64xi32, #tpu.memory_space<vmem>>, vector<1x1x16xi32>,
      %get3A_1209 = vector.shape_cast %get3A_1208 : vector<1x1x16xi32> to vector<16xi32>
      %eq3A_1210 = arith.constant 0 : i32
      %eq3A_1211 = vector.broadcast %eq3A_1210 : i32 to vector<16xi32>
      %eq3A_1212 = arith.cmpi eq, %get3A_1201, %eq3A_1211 : vector<16xi32>
      %select_n3A_1213 = arith.select %eq3A_1212, %broadcast_in_dim3A_173, %broadcast_in_dim3A_175 : vector<16xi1>, vector<16xi32>
      %add3A_1214 = arith.addi %add3A_1163, %select_n3A_1213 : vector<16xi32>
      %eq3A_1215 = arith.constant 1 : i32
      %eq3A_1216 = vector.broadcast %eq3A_1215 : i32 to vector<16xi32>
      %eq3A_1217 = arith.cmpi eq, %get3A_1201, %eq3A_1216 : vector<16xi32>
      %select_n3A_1218 = arith.select %eq3A_1217, %broadcast_in_dim3A_173, %broadcast_in_dim3A_175 : vector<16xi1>, vector<16xi32>
      %add3A_1219 = arith.addi %add3A_1168, %select_n3A_1218 : vector<16xi32>
      %eq3A_1220 = arith.constant 2 : i32
      %eq3A_1221 = vector.broadcast %eq3A_1220 : i32 to vector<16xi32>
      %eq3A_1222 = arith.cmpi eq, %get3A_1201, %eq3A_1221 : vector<16xi32>
      %select_n3A_1223 = arith.select %eq3A_1222, %broadcast_in_dim3A_173, %broadcast_in_dim3A_175 : vector<16xi1>, vector<16xi32>
      %add3A_1224 = arith.addi %add3A_1173, %select_n3A_1223 : vector<16xi32>
      %eq3A_1225 = arith.constant 3 : i32
      %eq3A_1226 = vector.broadcast %eq3A_1225 : i32 to vector<16xi32>
      %eq3A_1227 = arith.cmpi eq, %get3A_1201, %eq3A_1226 : vector<16xi32>
      %select_n3A_1228 = arith.select %eq3A_1227, %broadcast_in_dim3A_173, %broadcast_in_dim3A_175 : vector<16xi1>, vector<16xi32>
      %add3A_1229 = arith.addi %add3A_1178, %select_n3A_1228 : vector<16xi32>
      %gt3A_1230 = arith.constant 0 : i32
      %gt3A_1231 = vector.broadcast %gt3A_1230 : i32 to vector<16xi32>
      %gt3A_1232 = arith.cmpi sgt, %get3A_1201, %gt3A_1231 : vector<16xi32>
      %eq3A_1233 = arith.constant 0 : i32
      %eq3A_1234 = vector.broadcast %eq3A_1233 : i32 to vector<16xi32>
      %eq3A_1235 = arith.cmpi eq, %get3A_1209, %eq3A_1234 : vector<16xi32>
      %and3A_1236 = arith.andi %eq3A_1235, %gt3A_1232 : vector<16xi1>
      %select_n3A_1237 = arith.select %and3A_1236, %broadcast_in_dim3A_173, %broadcast_in_dim3A_175 : vector<16xi1>, vector<16xi32>
      %add3A_1238 = arith.addi %add3A_1187, %select_n3A_1237 : vector<16xi32>
      %eq3A_1239 = arith.constant 1 : i32
      %eq3A_1240 = vector.broadcast %eq3A_1239 : i32 to vector<16xi32>
      %eq3A_1241 = arith.cmpi eq, %get3A_1209, %eq3A_1240 : vector<16xi32>
      %and3A_1242 = arith.andi %eq3A_1241, %gt3A_1232 : vector<16xi1>
      %select_n3A_1243 = arith.select %and3A_1242, %broadcast_in_dim3A_173, %broadcast_in_dim3A_175 : vector<16xi1>, vector<16xi32>
      %add3A_1244 = arith.addi %add3A_1193, %select_n3A_1243 : vector<16xi32>
      %add3A_1245 = arith.constant 5 : i32
      %add3A_1246 = arith.addi %add3A_171, %add3A_1245 : i32
      %get3A_1247 = arith.constant 0 : i32
      %get3A_1248 = arith.index_cast %get3A_1247 : i32 to index
      %get3A_1249 = arith.index_cast %add3A_1246 : i32 to index
      %get3A_1250 = arith.constant 16 : index
      %get3A_1251 = tpu.vector_load %arg5[%get3A_1248, %get3A_1249, %get3A_1250] {strides = array<i32>} : memref<1x64x64xi32, #tpu.memory_space<vmem>>, vector<1x1x16xi32>,
      %get3A_1252 = vector.shape_cast %get3A_1251 : vector<1x1x16xi32> to vector<16xi32>
      %add3A_1253 = arith.constant 5 : i32
      %add3A_1254 = arith.addi %add3A_171, %add3A_1253 : i32
      %get3A_1255 = arith.constant 0 : i32
      %get3A_1256 = arith.index_cast %get3A_1255 : i32 to index
      %get3A_1257 = arith.index_cast %add3A_1254 : i32 to index
      %get3A_1258 = arith.constant 16 : index
      %get3A_1259 = tpu.vector_load %arg6[%get3A_1256, %get3A_1257, %get3A_1258] {strides = array<i32>} : memref<1x64x64xi32, #tpu.memory_space<vmem>>, vector<1x1x16xi32>,
      %get3A_1260 = vector.shape_cast %get3A_1259 : vector<1x1x16xi32> to vector<16xi32>
      %eq3A_1261 = arith.constant 0 : i32
      %eq3A_1262 = vector.broadcast %eq3A_1261 : i32 to vector<16xi32>
      %eq3A_1263 = arith.cmpi eq, %get3A_1252, %eq3A_1262 : vector<16xi32>
      %select_n3A_1264 = arith.select %eq3A_1263, %broadcast_in_dim3A_173, %broadcast_in_dim3A_175 : vector<16xi1>, vector<16xi32>
      %add3A_1265 = arith.addi %add3A_1214, %select_n3A_1264 : vector<16xi32>
      %eq3A_1266 = arith.constant 1 : i32
      %eq3A_1267 = vector.broadcast %eq3A_1266 : i32 to vector<16xi32>
      %eq3A_1268 = arith.cmpi eq, %get3A_1252, %eq3A_1267 : vector<16xi32>
      %select_n3A_1269 = arith.select %eq3A_1268, %broadcast_in_dim3A_173, %broadcast_in_dim3A_175 : vector<16xi1>, vector<16xi32>
      %add3A_1270 = arith.addi %add3A_1219, %select_n3A_1269 : vector<16xi32>
      %eq3A_1271 = arith.constant 2 : i32
      %eq3A_1272 = vector.broadcast %eq3A_1271 : i32 to vector<16xi32>
      %eq3A_1273 = arith.cmpi eq, %get3A_1252, %eq3A_1272 : vector<16xi32>
      %select_n3A_1274 = arith.select %eq3A_1273, %broadcast_in_dim3A_173, %broadcast_in_dim3A_175 : vector<16xi1>, vector<16xi32>
      %add3A_1275 = arith.addi %add3A_1224, %select_n3A_1274 : vector<16xi32>
      %eq3A_1276 = arith.constant 3 : i32
      %eq3A_1277 = vector.broadcast %eq3A_1276 : i32 to vector<16xi32>
      %eq3A_1278 = arith.cmpi eq, %get3A_1252, %eq3A_1277 : vector<16xi32>
      %select_n3A_1279 = arith.select %eq3A_1278, %broadcast_in_dim3A_173, %broadcast_in_dim3A_175 : vector<16xi1>, vector<16xi32>
      %add3A_1280 = arith.addi %add3A_1229, %select_n3A_1279 : vector<16xi32>
      %gt3A_1281 = arith.constant 0 : i32
      %gt3A_1282 = vector.broadcast %gt3A_1281 : i32 to vector<16xi32>
      %gt3A_1283 = arith.cmpi sgt, %get3A_1252, %gt3A_1282 : vector<16xi32>
      %eq3A_1284 = arith.constant 0 : i32
      %eq3A_1285 = vector.broadcast %eq3A_1284 : i32 to vector<16xi32>
      %eq3A_1286 = arith.cmpi eq, %get3A_1260, %eq3A_1285 : vector<16xi32>
      %and3A_1287 = arith.andi %eq3A_1286, %gt3A_1283 : vector<16xi1>
      %select_n3A_1288 = arith.select %and3A_1287, %broadcast_in_dim3A_173, %broadcast_in_dim3A_175 : vector<16xi1>, vector<16xi32>
      %add3A_1289 = arith.addi %add3A_1238, %select_n3A_1288 : vector<16xi32>
      %eq3A_1290 = arith.constant 1 : i32
      %eq3A_1291 = vector.broadcast %eq3A_1290 : i32 to vector<16xi32>
      %eq3A_1292 = arith.cmpi eq, %get3A_1260, %eq3A_1291 : vector<16xi32>
      %and3A_1293 = arith.andi %eq3A_1292, %gt3A_1283 : vector<16xi1>
      %select_n3A_1294 = arith.select %and3A_1293, %broadcast_in_dim3A_173, %broadcast_in_dim3A_175 : vector<16xi1>, vector<16xi32>
      %add3A_1295 = arith.addi %add3A_1244, %select_n3A_1294 : vector<16xi32>
      %add3A_1296 = arith.constant 5 : i32
      %add3A_1297 = arith.addi %add3A_171, %add3A_1296 : i32
      %get3A_1298 = arith.constant 0 : i32
      %get3A_1299 = arith.index_cast %get3A_1298 : i32 to index
      %get3A_1300 = arith.index_cast %add3A_1297 : i32 to index
      %get3A_1301 = arith.constant 32 : index
      %get3A_1302 = tpu.vector_load %arg5[%get3A_1299, %get3A_1300, %get3A_1301] {strides = array<i32>} : memref<1x64x64xi32, #tpu.memory_space<vmem>>, vector<1x1x16xi32>,
      %get3A_1303 = vector.shape_cast %get3A_1302 : vector<1x1x16xi32> to vector<16xi32>
      %add3A_1304 = arith.constant 5 : i32
      %add3A_1305 = arith.addi %add3A_171, %add3A_1304 : i32
      %get3A_1306 = arith.constant 0 : i32
      %get3A_1307 = arith.index_cast %get3A_1306 : i32 to index
      %get3A_1308 = arith.index_cast %add3A_1305 : i32 to index
      %get3A_1309 = arith.constant 32 : index
      %get3A_1310 = tpu.vector_load %arg6[%get3A_1307, %get3A_1308, %get3A_1309] {strides = array<i32>} : memref<1x64x64xi32, #tpu.memory_space<vmem>>, vector<1x1x16xi32>,
      %get3A_1311 = vector.shape_cast %get3A_1310 : vector<1x1x16xi32> to vector<16xi32>
      %eq3A_1312 = arith.constant 0 : i32
      %eq3A_1313 = vector.broadcast %eq3A_1312 : i32 to vector<16xi32>
      %eq3A_1314 = arith.cmpi eq, %get3A_1303, %eq3A_1313 : vector<16xi32>
      %select_n3A_1315 = arith.select %eq3A_1314, %broadcast_in_dim3A_173, %broadcast_in_dim3A_175 : vector<16xi1>, vector<16xi32>
      %add3A_1316 = arith.addi %add3A_1265, %select_n3A_1315 : vector<16xi32>
      %eq3A_1317 = arith.constant 1 : i32
      %eq3A_1318 = vector.broadcast %eq3A_1317 : i32 to vector<16xi32>
      %eq3A_1319 = arith.cmpi eq, %get3A_1303, %eq3A_1318 : vector<16xi32>
      %select_n3A_1320 = arith.select %eq3A_1319, %broadcast_in_dim3A_173, %broadcast_in_dim3A_175 : vector<16xi1>, vector<16xi32>
      %add3A_1321 = arith.addi %add3A_1270, %select_n3A_1320 : vector<16xi32>
      %eq3A_1322 = arith.constant 2 : i32
      %eq3A_1323 = vector.broadcast %eq3A_1322 : i32 to vector<16xi32>
      %eq3A_1324 = arith.cmpi eq, %get3A_1303, %eq3A_1323 : vector<16xi32>
      %select_n3A_1325 = arith.select %eq3A_1324, %broadcast_in_dim3A_173, %broadcast_in_dim3A_175 : vector<16xi1>, vector<16xi32>
      %add3A_1326 = arith.addi %add3A_1275, %select_n3A_1325 : vector<16xi32>
      %eq3A_1327 = arith.constant 3 : i32
      %eq3A_1328 = vector.broadcast %eq3A_1327 : i32 to vector<16xi32>
      %eq3A_1329 = arith.cmpi eq, %get3A_1303, %eq3A_1328 : vector<16xi32>
      %select_n3A_1330 = arith.select %eq3A_1329, %broadcast_in_dim3A_173, %broadcast_in_dim3A_175 : vector<16xi1>, vector<16xi32>
      %add3A_1331 = arith.addi %add3A_1280, %select_n3A_1330 : vector<16xi32>
      %gt3A_1332 = arith.constant 0 : i32
      %gt3A_1333 = vector.broadcast %gt3A_1332 : i32 to vector<16xi32>
      %gt3A_1334 = arith.cmpi sgt, %get3A_1303, %gt3A_1333 : vector<16xi32>
      %eq3A_1335 = arith.constant 0 : i32
      %eq3A_1336 = vector.broadcast %eq3A_1335 : i32 to vector<16xi32>
      %eq3A_1337 = arith.cmpi eq, %get3A_1311, %eq3A_1336 : vector<16xi32>
      %and3A_1338 = arith.andi %eq3A_1337, %gt3A_1334 : vector<16xi1>
      %select_n3A_1339 = arith.select %and3A_1338, %broadcast_in_dim3A_173, %broadcast_in_dim3A_175 : vector<16xi1>, vector<16xi32>
      %add3A_1340 = arith.addi %add3A_1289, %select_n3A_1339 : vector<16xi32>
      %eq3A_1341 = arith.constant 1 : i32
      %eq3A_1342 = vector.broadcast %eq3A_1341 : i32 to vector<16xi32>
      %eq3A_1343 = arith.cmpi eq, %get3A_1311, %eq3A_1342 : vector<16xi32>
      %and3A_1344 = arith.andi %eq3A_1343, %gt3A_1334 : vector<16xi1>
      %select_n3A_1345 = arith.select %and3A_1344, %broadcast_in_dim3A_173, %broadcast_in_dim3A_175 : vector<16xi1>, vector<16xi32>
      %add3A_1346 = arith.addi %add3A_1295, %select_n3A_1345 : vector<16xi32>
      %add3A_1347 = arith.constant 5 : i32
      %add3A_1348 = arith.addi %add3A_171, %add3A_1347 : i32
      %get3A_1349 = arith.constant 0 : i32
      %get3A_1350 = arith.index_cast %get3A_1349 : i32 to index
      %get3A_1351 = arith.index_cast %add3A_1348 : i32 to index
      %get3A_1352 = arith.constant 48 : index
      %get3A_1353 = tpu.vector_load %arg5[%get3A_1350, %get3A_1351, %get3A_1352] {strides = array<i32>} : memref<1x64x64xi32, #tpu.memory_space<vmem>>, vector<1x1x16xi32>,
      %get3A_1354 = vector.shape_cast %get3A_1353 : vector<1x1x16xi32> to vector<16xi32>
      %add3A_1355 = arith.constant 5 : i32
      %add3A_1356 = arith.addi %add3A_171, %add3A_1355 : i32
      %get3A_1357 = arith.constant 0 : i32
      %get3A_1358 = arith.index_cast %get3A_1357 : i32 to index
      %get3A_1359 = arith.index_cast %add3A_1356 : i32 to index
      %get3A_1360 = arith.constant 48 : index
      %get3A_1361 = tpu.vector_load %arg6[%get3A_1358, %get3A_1359, %get3A_1360] {strides = array<i32>} : memref<1x64x64xi32, #tpu.memory_space<vmem>>, vector<1x1x16xi32>,
      %get3A_1362 = vector.shape_cast %get3A_1361 : vector<1x1x16xi32> to vector<16xi32>
      %eq3A_1363 = arith.constant 0 : i32
      %eq3A_1364 = vector.broadcast %eq3A_1363 : i32 to vector<16xi32>
      %eq3A_1365 = arith.cmpi eq, %get3A_1354, %eq3A_1364 : vector<16xi32>
      %select_n3A_1366 = arith.select %eq3A_1365, %broadcast_in_dim3A_173, %broadcast_in_dim3A_175 : vector<16xi1>, vector<16xi32>
      %add3A_1367 = arith.addi %add3A_1316, %select_n3A_1366 : vector<16xi32>
      %eq3A_1368 = arith.constant 1 : i32
      %eq3A_1369 = vector.broadcast %eq3A_1368 : i32 to vector<16xi32>
      %eq3A_1370 = arith.cmpi eq, %get3A_1354, %eq3A_1369 : vector<16xi32>
      %select_n3A_1371 = arith.select %eq3A_1370, %broadcast_in_dim3A_173, %broadcast_in_dim3A_175 : vector<16xi1>, vector<16xi32>
      %add3A_1372 = arith.addi %add3A_1321, %select_n3A_1371 : vector<16xi32>
      %eq3A_1373 = arith.constant 2 : i32
      %eq3A_1374 = vector.broadcast %eq3A_1373 : i32 to vector<16xi32>
      %eq3A_1375 = arith.cmpi eq, %get3A_1354, %eq3A_1374 : vector<16xi32>
      %select_n3A_1376 = arith.select %eq3A_1375, %broadcast_in_dim3A_173, %broadcast_in_dim3A_175 : vector<16xi1>, vector<16xi32>
      %add3A_1377 = arith.addi %add3A_1326, %select_n3A_1376 : vector<16xi32>
      %eq3A_1378 = arith.constant 3 : i32
      %eq3A_1379 = vector.broadcast %eq3A_1378 : i32 to vector<16xi32>
      %eq3A_1380 = arith.cmpi eq, %get3A_1354, %eq3A_1379 : vector<16xi32>
      %select_n3A_1381 = arith.select %eq3A_1380, %broadcast_in_dim3A_173, %broadcast_in_dim3A_175 : vector<16xi1>, vector<16xi32>
      %add3A_1382 = arith.addi %add3A_1331, %select_n3A_1381 : vector<16xi32>
      %gt3A_1383 = arith.constant 0 : i32
      %gt3A_1384 = vector.broadcast %gt3A_1383 : i32 to vector<16xi32>
      %gt3A_1385 = arith.cmpi sgt, %get3A_1354, %gt3A_1384 : vector<16xi32>
      %eq3A_1386 = arith.constant 0 : i32
      %eq3A_1387 = vector.broadcast %eq3A_1386 : i32 to vector<16xi32>
      %eq3A_1388 = arith.cmpi eq, %get3A_1362, %eq3A_1387 : vector<16xi32>
      %and3A_1389 = arith.andi %eq3A_1388, %gt3A_1385 : vector<16xi1>
      %select_n3A_1390 = arith.select %and3A_1389, %broadcast_in_dim3A_173, %broadcast_in_dim3A_175 : vector<16xi1>, vector<16xi32>
      %add3A_1391 = arith.addi %add3A_1340, %select_n3A_1390 : vector<16xi32>
      %eq3A_1392 = arith.constant 1 : i32
      %eq3A_1393 = vector.broadcast %eq3A_1392 : i32 to vector<16xi32>
      %eq3A_1394 = arith.cmpi eq, %get3A_1362, %eq3A_1393 : vector<16xi32>
      %and3A_1395 = arith.andi %eq3A_1394, %gt3A_1385 : vector<16xi1>
      %select_n3A_1396 = arith.select %and3A_1395, %broadcast_in_dim3A_173, %broadcast_in_dim3A_175 : vector<16xi1>, vector<16xi32>
      %add3A_1397 = arith.addi %add3A_1346, %select_n3A_1396 : vector<16xi32>
      %add3A_1398 = arith.constant 6 : i32
      %add3A_1399 = arith.addi %add3A_171, %add3A_1398 : i32
      %get3A_1400 = arith.constant 0 : i32
      %get3A_1401 = arith.index_cast %get3A_1400 : i32 to index
      %get3A_1402 = arith.index_cast %add3A_1399 : i32 to index
      %get3A_1403 = arith.constant 0 : index
      %get3A_1404 = tpu.vector_load %arg5[%get3A_1401, %get3A_1402, %get3A_1403] {strides = array<i32>} : memref<1x64x64xi32, #tpu.memory_space<vmem>>, vector<1x1x16xi32>,
      %get3A_1405 = vector.shape_cast %get3A_1404 : vector<1x1x16xi32> to vector<16xi32>
      %add3A_1406 = arith.constant 6 : i32
      %add3A_1407 = arith.addi %add3A_171, %add3A_1406 : i32
      %get3A_1408 = arith.constant 0 : i32
      %get3A_1409 = arith.index_cast %get3A_1408 : i32 to index
      %get3A_1410 = arith.index_cast %add3A_1407 : i32 to index
      %get3A_1411 = arith.constant 0 : index
      %get3A_1412 = tpu.vector_load %arg6[%get3A_1409, %get3A_1410, %get3A_1411] {strides = array<i32>} : memref<1x64x64xi32, #tpu.memory_space<vmem>>, vector<1x1x16xi32>,
      %get3A_1413 = vector.shape_cast %get3A_1412 : vector<1x1x16xi32> to vector<16xi32>
      %eq3A_1414 = arith.constant 0 : i32
      %eq3A_1415 = vector.broadcast %eq3A_1414 : i32 to vector<16xi32>
      %eq3A_1416 = arith.cmpi eq, %get3A_1405, %eq3A_1415 : vector<16xi32>
      %select_n3A_1417 = arith.select %eq3A_1416, %broadcast_in_dim3A_173, %broadcast_in_dim3A_175 : vector<16xi1>, vector<16xi32>
      %add3A_1418 = arith.addi %add3A_1367, %select_n3A_1417 : vector<16xi32>
      %eq3A_1419 = arith.constant 1 : i32
      %eq3A_1420 = vector.broadcast %eq3A_1419 : i32 to vector<16xi32>
      %eq3A_1421 = arith.cmpi eq, %get3A_1405, %eq3A_1420 : vector<16xi32>
      %select_n3A_1422 = arith.select %eq3A_1421, %broadcast_in_dim3A_173, %broadcast_in_dim3A_175 : vector<16xi1>, vector<16xi32>
      %add3A_1423 = arith.addi %add3A_1372, %select_n3A_1422 : vector<16xi32>
      %eq3A_1424 = arith.constant 2 : i32
      %eq3A_1425 = vector.broadcast %eq3A_1424 : i32 to vector<16xi32>
      %eq3A_1426 = arith.cmpi eq, %get3A_1405, %eq3A_1425 : vector<16xi32>
      %select_n3A_1427 = arith.select %eq3A_1426, %broadcast_in_dim3A_173, %broadcast_in_dim3A_175 : vector<16xi1>, vector<16xi32>
      %add3A_1428 = arith.addi %add3A_1377, %select_n3A_1427 : vector<16xi32>
      %eq3A_1429 = arith.constant 3 : i32
      %eq3A_1430 = vector.broadcast %eq3A_1429 : i32 to vector<16xi32>
      %eq3A_1431 = arith.cmpi eq, %get3A_1405, %eq3A_1430 : vector<16xi32>
      %select_n3A_1432 = arith.select %eq3A_1431, %broadcast_in_dim3A_173, %broadcast_in_dim3A_175 : vector<16xi1>, vector<16xi32>
      %add3A_1433 = arith.addi %add3A_1382, %select_n3A_1432 : vector<16xi32>
      %gt3A_1434 = arith.constant 0 : i32
      %gt3A_1435 = vector.broadcast %gt3A_1434 : i32 to vector<16xi32>
      %gt3A_1436 = arith.cmpi sgt, %get3A_1405, %gt3A_1435 : vector<16xi32>
      %eq3A_1437 = arith.constant 0 : i32
      %eq3A_1438 = vector.broadcast %eq3A_1437 : i32 to vector<16xi32>
      %eq3A_1439 = arith.cmpi eq, %get3A_1413, %eq3A_1438 : vector<16xi32>
      %and3A_1440 = arith.andi %eq3A_1439, %gt3A_1436 : vector<16xi1>
      %select_n3A_1441 = arith.select %and3A_1440, %broadcast_in_dim3A_173, %broadcast_in_dim3A_175 : vector<16xi1>, vector<16xi32>
      %add3A_1442 = arith.addi %add3A_1391, %select_n3A_1441 : vector<16xi32>
      %eq3A_1443 = arith.constant 1 : i32
      %eq3A_1444 = vector.broadcast %eq3A_1443 : i32 to vector<16xi32>
      %eq3A_1445 = arith.cmpi eq, %get3A_1413, %eq3A_1444 : vector<16xi32>
      %and3A_1446 = arith.andi %eq3A_1445, %gt3A_1436 : vector<16xi1>
      %select_n3A_1447 = arith.select %and3A_1446, %broadcast_in_dim3A_173, %broadcast_in_dim3A_175 : vector<16xi1>, vector<16xi32>
      %add3A_1448 = arith.addi %add3A_1397, %select_n3A_1447 : vector<16xi32>
      %add3A_1449 = arith.constant 6 : i32
      %add3A_1450 = arith.addi %add3A_171, %add3A_1449 : i32
      %get3A_1451 = arith.constant 0 : i32
      %get3A_1452 = arith.index_cast %get3A_1451 : i32 to index
      %get3A_1453 = arith.index_cast %add3A_1450 : i32 to index
      %get3A_1454 = arith.constant 16 : index
      %get3A_1455 = tpu.vector_load %arg5[%get3A_1452, %get3A_1453, %get3A_1454] {strides = array<i32>} : memref<1x64x64xi32, #tpu.memory_space<vmem>>, vector<1x1x16xi32>,
      %get3A_1456 = vector.shape_cast %get3A_1455 : vector<1x1x16xi32> to vector<16xi32>
      %add3A_1457 = arith.constant 6 : i32
      %add3A_1458 = arith.addi %add3A_171, %add3A_1457 : i32
      %get3A_1459 = arith.constant 0 : i32
      %get3A_1460 = arith.index_cast %get3A_1459 : i32 to index
      %get3A_1461 = arith.index_cast %add3A_1458 : i32 to index
      %get3A_1462 = arith.constant 16 : index
      %get3A_1463 = tpu.vector_load %arg6[%get3A_1460, %get3A_1461, %get3A_1462] {strides = array<i32>} : memref<1x64x64xi32, #tpu.memory_space<vmem>>, vector<1x1x16xi32>,
      %get3A_1464 = vector.shape_cast %get3A_1463 : vector<1x1x16xi32> to vector<16xi32>
      %eq3A_1465 = arith.constant 0 : i32
      %eq3A_1466 = vector.broadcast %eq3A_1465 : i32 to vector<16xi32>
      %eq3A_1467 = arith.cmpi eq, %get3A_1456, %eq3A_1466 : vector<16xi32>
      %select_n3A_1468 = arith.select %eq3A_1467, %broadcast_in_dim3A_173, %broadcast_in_dim3A_175 : vector<16xi1>, vector<16xi32>
      %add3A_1469 = arith.addi %add3A_1418, %select_n3A_1468 : vector<16xi32>
      %eq3A_1470 = arith.constant 1 : i32
      %eq3A_1471 = vector.broadcast %eq3A_1470 : i32 to vector<16xi32>
      %eq3A_1472 = arith.cmpi eq, %get3A_1456, %eq3A_1471 : vector<16xi32>
      %select_n3A_1473 = arith.select %eq3A_1472, %broadcast_in_dim3A_173, %broadcast_in_dim3A_175 : vector<16xi1>, vector<16xi32>
      %add3A_1474 = arith.addi %add3A_1423, %select_n3A_1473 : vector<16xi32>
      %eq3A_1475 = arith.constant 2 : i32
      %eq3A_1476 = vector.broadcast %eq3A_1475 : i32 to vector<16xi32>
      %eq3A_1477 = arith.cmpi eq, %get3A_1456, %eq3A_1476 : vector<16xi32>
      %select_n3A_1478 = arith.select %eq3A_1477, %broadcast_in_dim3A_173, %broadcast_in_dim3A_175 : vector<16xi1>, vector<16xi32>
      %add3A_1479 = arith.addi %add3A_1428, %select_n3A_1478 : vector<16xi32>
      %eq3A_1480 = arith.constant 3 : i32
      %eq3A_1481 = vector.broadcast %eq3A_1480 : i32 to vector<16xi32>
      %eq3A_1482 = arith.cmpi eq, %get3A_1456, %eq3A_1481 : vector<16xi32>
      %select_n3A_1483 = arith.select %eq3A_1482, %broadcast_in_dim3A_173, %broadcast_in_dim3A_175 : vector<16xi1>, vector<16xi32>
      %add3A_1484 = arith.addi %add3A_1433, %select_n3A_1483 : vector<16xi32>
      %gt3A_1485 = arith.constant 0 : i32
      %gt3A_1486 = vector.broadcast %gt3A_1485 : i32 to vector<16xi32>
      %gt3A_1487 = arith.cmpi sgt, %get3A_1456, %gt3A_1486 : vector<16xi32>
      %eq3A_1488 = arith.constant 0 : i32
      %eq3A_1489 = vector.broadcast %eq3A_1488 : i32 to vector<16xi32>
      %eq3A_1490 = arith.cmpi eq, %get3A_1464, %eq3A_1489 : vector<16xi32>
      %and3A_1491 = arith.andi %eq3A_1490, %gt3A_1487 : vector<16xi1>
      %select_n3A_1492 = arith.select %and3A_1491, %broadcast_in_dim3A_173, %broadcast_in_dim3A_175 : vector<16xi1>, vector<16xi32>
      %add3A_1493 = arith.addi %add3A_1442, %select_n3A_1492 : vector<16xi32>
      %eq3A_1494 = arith.constant 1 : i32
      %eq3A_1495 = vector.broadcast %eq3A_1494 : i32 to vector<16xi32>
      %eq3A_1496 = arith.cmpi eq, %get3A_1464, %eq3A_1495 : vector<16xi32>
      %and3A_1497 = arith.andi %eq3A_1496, %gt3A_1487 : vector<16xi1>
      %select_n3A_1498 = arith.select %and3A_1497, %broadcast_in_dim3A_173, %broadcast_in_dim3A_175 : vector<16xi1>, vector<16xi32>
      %add3A_1499 = arith.addi %add3A_1448, %select_n3A_1498 : vector<16xi32>
      %add3A_1500 = arith.constant 6 : i32
      %add3A_1501 = arith.addi %add3A_171, %add3A_1500 : i32
      %get3A_1502 = arith.constant 0 : i32
      %get3A_1503 = arith.index_cast %get3A_1502 : i32 to index
      %get3A_1504 = arith.index_cast %add3A_1501 : i32 to index
      %get3A_1505 = arith.constant 32 : index
      %get3A_1506 = tpu.vector_load %arg5[%get3A_1503, %get3A_1504, %get3A_1505] {strides = array<i32>} : memref<1x64x64xi32, #tpu.memory_space<vmem>>, vector<1x1x16xi32>,
      %get3A_1507 = vector.shape_cast %get3A_1506 : vector<1x1x16xi32> to vector<16xi32>
      %add3A_1508 = arith.constant 6 : i32
      %add3A_1509 = arith.addi %add3A_171, %add3A_1508 : i32
      %get3A_1510 = arith.constant 0 : i32
      %get3A_1511 = arith.index_cast %get3A_1510 : i32 to index
      %get3A_1512 = arith.index_cast %add3A_1509 : i32 to index
      %get3A_1513 = arith.constant 32 : index
      %get3A_1514 = tpu.vector_load %arg6[%get3A_1511, %get3A_1512, %get3A_1513] {strides = array<i32>} : memref<1x64x64xi32, #tpu.memory_space<vmem>>, vector<1x1x16xi32>,
      %get3A_1515 = vector.shape_cast %get3A_1514 : vector<1x1x16xi32> to vector<16xi32>
      %eq3A_1516 = arith.constant 0 : i32
      %eq3A_1517 = vector.broadcast %eq3A_1516 : i32 to vector<16xi32>
      %eq3A_1518 = arith.cmpi eq, %get3A_1507, %eq3A_1517 : vector<16xi32>
      %select_n3A_1519 = arith.select %eq3A_1518, %broadcast_in_dim3A_173, %broadcast_in_dim3A_175 : vector<16xi1>, vector<16xi32>
      %add3A_1520 = arith.addi %add3A_1469, %select_n3A_1519 : vector<16xi32>
      %eq3A_1521 = arith.constant 1 : i32
      %eq3A_1522 = vector.broadcast %eq3A_1521 : i32 to vector<16xi32>
      %eq3A_1523 = arith.cmpi eq, %get3A_1507, %eq3A_1522 : vector<16xi32>
      %select_n3A_1524 = arith.select %eq3A_1523, %broadcast_in_dim3A_173, %broadcast_in_dim3A_175 : vector<16xi1>, vector<16xi32>
      %add3A_1525 = arith.addi %add3A_1474, %select_n3A_1524 : vector<16xi32>
      %eq3A_1526 = arith.constant 2 : i32
      %eq3A_1527 = vector.broadcast %eq3A_1526 : i32 to vector<16xi32>
      %eq3A_1528 = arith.cmpi eq, %get3A_1507, %eq3A_1527 : vector<16xi32>
      %select_n3A_1529 = arith.select %eq3A_1528, %broadcast_in_dim3A_173, %broadcast_in_dim3A_175 : vector<16xi1>, vector<16xi32>
      %add3A_1530 = arith.addi %add3A_1479, %select_n3A_1529 : vector<16xi32>
      %eq3A_1531 = arith.constant 3 : i32
      %eq3A_1532 = vector.broadcast %eq3A_1531 : i32 to vector<16xi32>
      %eq3A_1533 = arith.cmpi eq, %get3A_1507, %eq3A_1532 : vector<16xi32>
      %select_n3A_1534 = arith.select %eq3A_1533, %broadcast_in_dim3A_173, %broadcast_in_dim3A_175 : vector<16xi1>, vector<16xi32>
      %add3A_1535 = arith.addi %add3A_1484, %select_n3A_1534 : vector<16xi32>
      %gt3A_1536 = arith.constant 0 : i32
      %gt3A_1537 = vector.broadcast %gt3A_1536 : i32 to vector<16xi32>
      %gt3A_1538 = arith.cmpi sgt, %get3A_1507, %gt3A_1537 : vector<16xi32>
      %eq3A_1539 = arith.constant 0 : i32
      %eq3A_1540 = vector.broadcast %eq3A_1539 : i32 to vector<16xi32>
      %eq3A_1541 = arith.cmpi eq, %get3A_1515, %eq3A_1540 : vector<16xi32>
      %and3A_1542 = arith.andi %eq3A_1541, %gt3A_1538 : vector<16xi1>
      %select_n3A_1543 = arith.select %and3A_1542, %broadcast_in_dim3A_173, %broadcast_in_dim3A_175 : vector<16xi1>, vector<16xi32>
      %add3A_1544 = arith.addi %add3A_1493, %select_n3A_1543 : vector<16xi32>
      %eq3A_1545 = arith.constant 1 : i32
      %eq3A_1546 = vector.broadcast %eq3A_1545 : i32 to vector<16xi32>
      %eq3A_1547 = arith.cmpi eq, %get3A_1515, %eq3A_1546 : vector<16xi32>
      %and3A_1548 = arith.andi %eq3A_1547, %gt3A_1538 : vector<16xi1>
      %select_n3A_1549 = arith.select %and3A_1548, %broadcast_in_dim3A_173, %broadcast_in_dim3A_175 : vector<16xi1>, vector<16xi32>
      %add3A_1550 = arith.addi %add3A_1499, %select_n3A_1549 : vector<16xi32>
      %add3A_1551 = arith.constant 6 : i32
      %add3A_1552 = arith.addi %add3A_171, %add3A_1551 : i32
      %get3A_1553 = arith.constant 0 : i32
      %get3A_1554 = arith.index_cast %get3A_1553 : i32 to index
      %get3A_1555 = arith.index_cast %add3A_1552 : i32 to index
      %get3A_1556 = arith.constant 48 : index
      %get3A_1557 = tpu.vector_load %arg5[%get3A_1554, %get3A_1555, %get3A_1556] {strides = array<i32>} : memref<1x64x64xi32, #tpu.memory_space<vmem>>, vector<1x1x16xi32>,
      %get3A_1558 = vector.shape_cast %get3A_1557 : vector<1x1x16xi32> to vector<16xi32>
      %add3A_1559 = arith.constant 6 : i32
      %add3A_1560 = arith.addi %add3A_171, %add3A_1559 : i32
      %get3A_1561 = arith.constant 0 : i32
      %get3A_1562 = arith.index_cast %get3A_1561 : i32 to index
      %get3A_1563 = arith.index_cast %add3A_1560 : i32 to index
      %get3A_1564 = arith.constant 48 : index
      %get3A_1565 = tpu.vector_load %arg6[%get3A_1562, %get3A_1563, %get3A_1564] {strides = array<i32>} : memref<1x64x64xi32, #tpu.memory_space<vmem>>, vector<1x1x16xi32>,
      %get3A_1566 = vector.shape_cast %get3A_1565 : vector<1x1x16xi32> to vector<16xi32>
      %eq3A_1567 = arith.constant 0 : i32
      %eq3A_1568 = vector.broadcast %eq3A_1567 : i32 to vector<16xi32>
      %eq3A_1569 = arith.cmpi eq, %get3A_1558, %eq3A_1568 : vector<16xi32>
      %select_n3A_1570 = arith.select %eq3A_1569, %broadcast_in_dim3A_173, %broadcast_in_dim3A_175 : vector<16xi1>, vector<16xi32>
      %add3A_1571 = arith.addi %add3A_1520, %select_n3A_1570 : vector<16xi32>
      %eq3A_1572 = arith.constant 1 : i32
      %eq3A_1573 = vector.broadcast %eq3A_1572 : i32 to vector<16xi32>
      %eq3A_1574 = arith.cmpi eq, %get3A_1558, %eq3A_1573 : vector<16xi32>
      %select_n3A_1575 = arith.select %eq3A_1574, %broadcast_in_dim3A_173, %broadcast_in_dim3A_175 : vector<16xi1>, vector<16xi32>
      %add3A_1576 = arith.addi %add3A_1525, %select_n3A_1575 : vector<16xi32>
      %eq3A_1577 = arith.constant 2 : i32
      %eq3A_1578 = vector.broadcast %eq3A_1577 : i32 to vector<16xi32>
      %eq3A_1579 = arith.cmpi eq, %get3A_1558, %eq3A_1578 : vector<16xi32>
      %select_n3A_1580 = arith.select %eq3A_1579, %broadcast_in_dim3A_173, %broadcast_in_dim3A_175 : vector<16xi1>, vector<16xi32>
      %add3A_1581 = arith.addi %add3A_1530, %select_n3A_1580 : vector<16xi32>
      %eq3A_1582 = arith.constant 3 : i32
      %eq3A_1583 = vector.broadcast %eq3A_1582 : i32 to vector<16xi32>
      %eq3A_1584 = arith.cmpi eq, %get3A_1558, %eq3A_1583 : vector<16xi32>
      %select_n3A_1585 = arith.select %eq3A_1584, %broadcast_in_dim3A_173, %broadcast_in_dim3A_175 : vector<16xi1>, vector<16xi32>
      %add3A_1586 = arith.addi %add3A_1535, %select_n3A_1585 : vector<16xi32>
      %gt3A_1587 = arith.constant 0 : i32
      %gt3A_1588 = vector.broadcast %gt3A_1587 : i32 to vector<16xi32>
      %gt3A_1589 = arith.cmpi sgt, %get3A_1558, %gt3A_1588 : vector<16xi32>
      %eq3A_1590 = arith.constant 0 : i32
      %eq3A_1591 = vector.broadcast %eq3A_1590 : i32 to vector<16xi32>
      %eq3A_1592 = arith.cmpi eq, %get3A_1566, %eq3A_1591 : vector<16xi32>
      %and3A_1593 = arith.andi %eq3A_1592, %gt3A_1589 : vector<16xi1>
      %select_n3A_1594 = arith.select %and3A_1593, %broadcast_in_dim3A_173, %broadcast_in_dim3A_175 : vector<16xi1>, vector<16xi32>
      %add3A_1595 = arith.addi %add3A_1544, %select_n3A_1594 : vector<16xi32>
      %eq3A_1596 = arith.constant 1 : i32
      %eq3A_1597 = vector.broadcast %eq3A_1596 : i32 to vector<16xi32>
      %eq3A_1598 = arith.cmpi eq, %get3A_1566, %eq3A_1597 : vector<16xi32>
      %and3A_1599 = arith.andi %eq3A_1598, %gt3A_1589 : vector<16xi1>
      %select_n3A_1600 = arith.select %and3A_1599, %broadcast_in_dim3A_173, %broadcast_in_dim3A_175 : vector<16xi1>, vector<16xi32>
      %add3A_1601 = arith.addi %add3A_1550, %select_n3A_1600 : vector<16xi32>
      %add3A_1602 = arith.constant 7 : i32
      %add3A_1603 = arith.addi %add3A_171, %add3A_1602 : i32
      %get3A_1604 = arith.constant 0 : i32
      %get3A_1605 = arith.index_cast %get3A_1604 : i32 to index
      %get3A_1606 = arith.index_cast %add3A_1603 : i32 to index
      %get3A_1607 = arith.constant 0 : index
      %get3A_1608 = tpu.vector_load %arg5[%get3A_1605, %get3A_1606, %get3A_1607] {strides = array<i32>} : memref<1x64x64xi32, #tpu.memory_space<vmem>>, vector<1x1x16xi32>,
      %get3A_1609 = vector.shape_cast %get3A_1608 : vector<1x1x16xi32> to vector<16xi32>
      %add3A_1610 = arith.constant 7 : i32
      %add3A_1611 = arith.addi %add3A_171, %add3A_1610 : i32
      %get3A_1612 = arith.constant 0 : i32
      %get3A_1613 = arith.index_cast %get3A_1612 : i32 to index
      %get3A_1614 = arith.index_cast %add3A_1611 : i32 to index
      %get3A_1615 = arith.constant 0 : index
      %get3A_1616 = tpu.vector_load %arg6[%get3A_1613, %get3A_1614, %get3A_1615] {strides = array<i32>} : memref<1x64x64xi32, #tpu.memory_space<vmem>>, vector<1x1x16xi32>,
      %get3A_1617 = vector.shape_cast %get3A_1616 : vector<1x1x16xi32> to vector<16xi32>
      %eq3A_1618 = arith.constant 0 : i32
      %eq3A_1619 = vector.broadcast %eq3A_1618 : i32 to vector<16xi32>
      %eq3A_1620 = arith.cmpi eq, %get3A_1609, %eq3A_1619 : vector<16xi32>
      %select_n3A_1621 = arith.select %eq3A_1620, %broadcast_in_dim3A_173, %broadcast_in_dim3A_175 : vector<16xi1>, vector<16xi32>
      %add3A_1622 = arith.addi %add3A_1571, %select_n3A_1621 : vector<16xi32>
      %eq3A_1623 = arith.constant 1 : i32
      %eq3A_1624 = vector.broadcast %eq3A_1623 : i32 to vector<16xi32>
      %eq3A_1625 = arith.cmpi eq, %get3A_1609, %eq3A_1624 : vector<16xi32>
      %select_n3A_1626 = arith.select %eq3A_1625, %broadcast_in_dim3A_173, %broadcast_in_dim3A_175 : vector<16xi1>, vector<16xi32>
      %add3A_1627 = arith.addi %add3A_1576, %select_n3A_1626 : vector<16xi32>
      %eq3A_1628 = arith.constant 2 : i32
      %eq3A_1629 = vector.broadcast %eq3A_1628 : i32 to vector<16xi32>
      %eq3A_1630 = arith.cmpi eq, %get3A_1609, %eq3A_1629 : vector<16xi32>
      %select_n3A_1631 = arith.select %eq3A_1630, %broadcast_in_dim3A_173, %broadcast_in_dim3A_175 : vector<16xi1>, vector<16xi32>
      %add3A_1632 = arith.addi %add3A_1581, %select_n3A_1631 : vector<16xi32>
      %eq3A_1633 = arith.constant 3 : i32
      %eq3A_1634 = vector.broadcast %eq3A_1633 : i32 to vector<16xi32>
      %eq3A_1635 = arith.cmpi eq, %get3A_1609, %eq3A_1634 : vector<16xi32>
      %select_n3A_1636 = arith.select %eq3A_1635, %broadcast_in_dim3A_173, %broadcast_in_dim3A_175 : vector<16xi1>, vector<16xi32>
      %add3A_1637 = arith.addi %add3A_1586, %select_n3A_1636 : vector<16xi32>
      %gt3A_1638 = arith.constant 0 : i32
      %gt3A_1639 = vector.broadcast %gt3A_1638 : i32 to vector<16xi32>
      %gt3A_1640 = arith.cmpi sgt, %get3A_1609, %gt3A_1639 : vector<16xi32>
      %eq3A_1641 = arith.constant 0 : i32
      %eq3A_1642 = vector.broadcast %eq3A_1641 : i32 to vector<16xi32>
      %eq3A_1643 = arith.cmpi eq, %get3A_1617, %eq3A_1642 : vector<16xi32>
      %and3A_1644 = arith.andi %eq3A_1643, %gt3A_1640 : vector<16xi1>
      %select_n3A_1645 = arith.select %and3A_1644, %broadcast_in_dim3A_173, %broadcast_in_dim3A_175 : vector<16xi1>, vector<16xi32>
      %add3A_1646 = arith.addi %add3A_1595, %select_n3A_1645 : vector<16xi32>
      %eq3A_1647 = arith.constant 1 : i32
      %eq3A_1648 = vector.broadcast %eq3A_1647 : i32 to vector<16xi32>
      %eq3A_1649 = arith.cmpi eq, %get3A_1617, %eq3A_1648 : vector<16xi32>
      %and3A_1650 = arith.andi %eq3A_1649, %gt3A_1640 : vector<16xi1>
      %select_n3A_1651 = arith.select %and3A_1650, %broadcast_in_dim3A_173, %broadcast_in_dim3A_175 : vector<16xi1>, vector<16xi32>
      %add3A_1652 = arith.addi %add3A_1601, %select_n3A_1651 : vector<16xi32>
      %add3A_1653 = arith.constant 7 : i32
      %add3A_1654 = arith.addi %add3A_171, %add3A_1653 : i32
      %get3A_1655 = arith.constant 0 : i32
      %get3A_1656 = arith.index_cast %get3A_1655 : i32 to index
      %get3A_1657 = arith.index_cast %add3A_1654 : i32 to index
      %get3A_1658 = arith.constant 16 : index
      %get3A_1659 = tpu.vector_load %arg5[%get3A_1656, %get3A_1657, %get3A_1658] {strides = array<i32>} : memref<1x64x64xi32, #tpu.memory_space<vmem>>, vector<1x1x16xi32>,
      %get3A_1660 = vector.shape_cast %get3A_1659 : vector<1x1x16xi32> to vector<16xi32>
      %add3A_1661 = arith.constant 7 : i32
      %add3A_1662 = arith.addi %add3A_171, %add3A_1661 : i32
      %get3A_1663 = arith.constant 0 : i32
      %get3A_1664 = arith.index_cast %get3A_1663 : i32 to index
      %get3A_1665 = arith.index_cast %add3A_1662 : i32 to index
      %get3A_1666 = arith.constant 16 : index
      %get3A_1667 = tpu.vector_load %arg6[%get3A_1664, %get3A_1665, %get3A_1666] {strides = array<i32>} : memref<1x64x64xi32, #tpu.memory_space<vmem>>, vector<1x1x16xi32>,
      %get3A_1668 = vector.shape_cast %get3A_1667 : vector<1x1x16xi32> to vector<16xi32>
      %eq3A_1669 = arith.constant 0 : i32
      %eq3A_1670 = vector.broadcast %eq3A_1669 : i32 to vector<16xi32>
      %eq3A_1671 = arith.cmpi eq, %get3A_1660, %eq3A_1670 : vector<16xi32>
      %select_n3A_1672 = arith.select %eq3A_1671, %broadcast_in_dim3A_173, %broadcast_in_dim3A_175 : vector<16xi1>, vector<16xi32>
      %add3A_1673 = arith.addi %add3A_1622, %select_n3A_1672 : vector<16xi32>
      %eq3A_1674 = arith.constant 1 : i32
      %eq3A_1675 = vector.broadcast %eq3A_1674 : i32 to vector<16xi32>
      %eq3A_1676 = arith.cmpi eq, %get3A_1660, %eq3A_1675 : vector<16xi32>
      %select_n3A_1677 = arith.select %eq3A_1676, %broadcast_in_dim3A_173, %broadcast_in_dim3A_175 : vector<16xi1>, vector<16xi32>
      %add3A_1678 = arith.addi %add3A_1627, %select_n3A_1677 : vector<16xi32>
      %eq3A_1679 = arith.constant 2 : i32
      %eq3A_1680 = vector.broadcast %eq3A_1679 : i32 to vector<16xi32>
      %eq3A_1681 = arith.cmpi eq, %get3A_1660, %eq3A_1680 : vector<16xi32>
      %select_n3A_1682 = arith.select %eq3A_1681, %broadcast_in_dim3A_173, %broadcast_in_dim3A_175 : vector<16xi1>, vector<16xi32>
      %add3A_1683 = arith.addi %add3A_1632, %select_n3A_1682 : vector<16xi32>
      %eq3A_1684 = arith.constant 3 : i32
      %eq3A_1685 = vector.broadcast %eq3A_1684 : i32 to vector<16xi32>
      %eq3A_1686 = arith.cmpi eq, %get3A_1660, %eq3A_1685 : vector<16xi32>
      %select_n3A_1687 = arith.select %eq3A_1686, %broadcast_in_dim3A_173, %broadcast_in_dim3A_175 : vector<16xi1>, vector<16xi32>
      %add3A_1688 = arith.addi %add3A_1637, %select_n3A_1687 : vector<16xi32>
      %gt3A_1689 = arith.constant 0 : i32
      %gt3A_1690 = vector.broadcast %gt3A_1689 : i32 to vector<16xi32>
      %gt3A_1691 = arith.cmpi sgt, %get3A_1660, %gt3A_1690 : vector<16xi32>
      %eq3A_1692 = arith.constant 0 : i32
      %eq3A_1693 = vector.broadcast %eq3A_1692 : i32 to vector<16xi32>
      %eq3A_1694 = arith.cmpi eq, %get3A_1668, %eq3A_1693 : vector<16xi32>
      %and3A_1695 = arith.andi %eq3A_1694, %gt3A_1691 : vector<16xi1>
      %select_n3A_1696 = arith.select %and3A_1695, %broadcast_in_dim3A_173, %broadcast_in_dim3A_175 : vector<16xi1>, vector<16xi32>
      %add3A_1697 = arith.addi %add3A_1646, %select_n3A_1696 : vector<16xi32>
      %eq3A_1698 = arith.constant 1 : i32
      %eq3A_1699 = vector.broadcast %eq3A_1698 : i32 to vector<16xi32>
      %eq3A_1700 = arith.cmpi eq, %get3A_1668, %eq3A_1699 : vector<16xi32>
      %and3A_1701 = arith.andi %eq3A_1700, %gt3A_1691 : vector<16xi1>
      %select_n3A_1702 = arith.select %and3A_1701, %broadcast_in_dim3A_173, %broadcast_in_dim3A_175 : vector<16xi1>, vector<16xi32>
      %add3A_1703 = arith.addi %add3A_1652, %select_n3A_1702 : vector<16xi32>
      %add3A_1704 = arith.constant 7 : i32
      %add3A_1705 = arith.addi %add3A_171, %add3A_1704 : i32
      %get3A_1706 = arith.constant 0 : i32
      %get3A_1707 = arith.index_cast %get3A_1706 : i32 to index
      %get3A_1708 = arith.index_cast %add3A_1705 : i32 to index
      %get3A_1709 = arith.constant 32 : index
      %get3A_1710 = tpu.vector_load %arg5[%get3A_1707, %get3A_1708, %get3A_1709] {strides = array<i32>} : memref<1x64x64xi32, #tpu.memory_space<vmem>>, vector<1x1x16xi32>,
      %get3A_1711 = vector.shape_cast %get3A_1710 : vector<1x1x16xi32> to vector<16xi32>
      %add3A_1712 = arith.constant 7 : i32
      %add3A_1713 = arith.addi %add3A_171, %add3A_1712 : i32
      %get3A_1714 = arith.constant 0 : i32
      %get3A_1715 = arith.index_cast %get3A_1714 : i32 to index
      %get3A_1716 = arith.index_cast %add3A_1713 : i32 to index
      %get3A_1717 = arith.constant 32 : index
      %get3A_1718 = tpu.vector_load %arg6[%get3A_1715, %get3A_1716, %get3A_1717] {strides = array<i32>} : memref<1x64x64xi32, #tpu.memory_space<vmem>>, vector<1x1x16xi32>,
      %get3A_1719 = vector.shape_cast %get3A_1718 : vector<1x1x16xi32> to vector<16xi32>
      %eq3A_1720 = arith.constant 0 : i32
      %eq3A_1721 = vector.broadcast %eq3A_1720 : i32 to vector<16xi32>
      %eq3A_1722 = arith.cmpi eq, %get3A_1711, %eq3A_1721 : vector<16xi32>
      %select_n3A_1723 = arith.select %eq3A_1722, %broadcast_in_dim3A_173, %broadcast_in_dim3A_175 : vector<16xi1>, vector<16xi32>
      %add3A_1724 = arith.addi %add3A_1673, %select_n3A_1723 : vector<16xi32>
      %eq3A_1725 = arith.constant 1 : i32
      %eq3A_1726 = vector.broadcast %eq3A_1725 : i32 to vector<16xi32>
      %eq3A_1727 = arith.cmpi eq, %get3A_1711, %eq3A_1726 : vector<16xi32>
      %select_n3A_1728 = arith.select %eq3A_1727, %broadcast_in_dim3A_173, %broadcast_in_dim3A_175 : vector<16xi1>, vector<16xi32>
      %add3A_1729 = arith.addi %add3A_1678, %select_n3A_1728 : vector<16xi32>
      %eq3A_1730 = arith.constant 2 : i32
      %eq3A_1731 = vector.broadcast %eq3A_1730 : i32 to vector<16xi32>
      %eq3A_1732 = arith.cmpi eq, %get3A_1711, %eq3A_1731 : vector<16xi32>
      %select_n3A_1733 = arith.select %eq3A_1732, %broadcast_in_dim3A_173, %broadcast_in_dim3A_175 : vector<16xi1>, vector<16xi32>
      %add3A_1734 = arith.addi %add3A_1683, %select_n3A_1733 : vector<16xi32>
      %eq3A_1735 = arith.constant 3 : i32
      %eq3A_1736 = vector.broadcast %eq3A_1735 : i32 to vector<16xi32>
      %eq3A_1737 = arith.cmpi eq, %get3A_1711, %eq3A_1736 : vector<16xi32>
      %select_n3A_1738 = arith.select %eq3A_1737, %broadcast_in_dim3A_173, %broadcast_in_dim3A_175 : vector<16xi1>, vector<16xi32>
      %add3A_1739 = arith.addi %add3A_1688, %select_n3A_1738 : vector<16xi32>
      %gt3A_1740 = arith.constant 0 : i32
      %gt3A_1741 = vector.broadcast %gt3A_1740 : i32 to vector<16xi32>
      %gt3A_1742 = arith.cmpi sgt, %get3A_1711, %gt3A_1741 : vector<16xi32>
      %eq3A_1743 = arith.constant 0 : i32
      %eq3A_1744 = vector.broadcast %eq3A_1743 : i32 to vector<16xi32>
      %eq3A_1745 = arith.cmpi eq, %get3A_1719, %eq3A_1744 : vector<16xi32>
      %and3A_1746 = arith.andi %eq3A_1745, %gt3A_1742 : vector<16xi1>
      %select_n3A_1747 = arith.select %and3A_1746, %broadcast_in_dim3A_173, %broadcast_in_dim3A_175 : vector<16xi1>, vector<16xi32>
      %add3A_1748 = arith.addi %add3A_1697, %select_n3A_1747 : vector<16xi32>
      %eq3A_1749 = arith.constant 1 : i32
      %eq3A_1750 = vector.broadcast %eq3A_1749 : i32 to vector<16xi32>
      %eq3A_1751 = arith.cmpi eq, %get3A_1719, %eq3A_1750 : vector<16xi32>
      %and3A_1752 = arith.andi %eq3A_1751, %gt3A_1742 : vector<16xi1>
      %select_n3A_1753 = arith.select %and3A_1752, %broadcast_in_dim3A_173, %broadcast_in_dim3A_175 : vector<16xi1>, vector<16xi32>
      %add3A_1754 = arith.addi %add3A_1703, %select_n3A_1753 : vector<16xi32>
      %add3A_1755 = arith.constant 7 : i32
      %add3A_1756 = arith.addi %add3A_171, %add3A_1755 : i32
      %get3A_1757 = arith.constant 0 : i32
      %get3A_1758 = arith.index_cast %get3A_1757 : i32 to index
      %get3A_1759 = arith.index_cast %add3A_1756 : i32 to index
      %get3A_1760 = arith.constant 48 : index
      %get3A_1761 = tpu.vector_load %arg5[%get3A_1758, %get3A_1759, %get3A_1760] {strides = array<i32>} : memref<1x64x64xi32, #tpu.memory_space<vmem>>, vector<1x1x16xi32>,
      %get3A_1762 = vector.shape_cast %get3A_1761 : vector<1x1x16xi32> to vector<16xi32>
      %add3A_1763 = arith.constant 7 : i32
      %add3A_1764 = arith.addi %add3A_171, %add3A_1763 : i32
      %get3A_1765 = arith.constant 0 : i32
      %get3A_1766 = arith.index_cast %get3A_1765 : i32 to index
      %get3A_1767 = arith.index_cast %add3A_1764 : i32 to index
      %get3A_1768 = arith.constant 48 : index
      %get3A_1769 = tpu.vector_load %arg6[%get3A_1766, %get3A_1767, %get3A_1768] {strides = array<i32>} : memref<1x64x64xi32, #tpu.memory_space<vmem>>, vector<1x1x16xi32>,
      %get3A_1770 = vector.shape_cast %get3A_1769 : vector<1x1x16xi32> to vector<16xi32>
      %eq3A_1771 = arith.constant 0 : i32
      %eq3A_1772 = vector.broadcast %eq3A_1771 : i32 to vector<16xi32>
      %eq3A_1773 = arith.cmpi eq, %get3A_1762, %eq3A_1772 : vector<16xi32>
      %select_n3A_1774 = arith.select %eq3A_1773, %broadcast_in_dim3A_173, %broadcast_in_dim3A_175 : vector<16xi1>, vector<16xi32>
      %add3A_1775 = arith.addi %add3A_1724, %select_n3A_1774 : vector<16xi32>
      %eq3A_1776 = arith.constant 1 : i32
      %eq3A_1777 = vector.broadcast %eq3A_1776 : i32 to vector<16xi32>
      %eq3A_1778 = arith.cmpi eq, %get3A_1762, %eq3A_1777 : vector<16xi32>
      %select_n3A_1779 = arith.select %eq3A_1778, %broadcast_in_dim3A_173, %broadcast_in_dim3A_175 : vector<16xi1>, vector<16xi32>
      %add3A_1780 = arith.addi %add3A_1729, %select_n3A_1779 : vector<16xi32>
      %eq3A_1781 = arith.constant 2 : i32
      %eq3A_1782 = vector.broadcast %eq3A_1781 : i32 to vector<16xi32>
      %eq3A_1783 = arith.cmpi eq, %get3A_1762, %eq3A_1782 : vector<16xi32>
      %select_n3A_1784 = arith.select %eq3A_1783, %broadcast_in_dim3A_173, %broadcast_in_dim3A_175 : vector<16xi1>, vector<16xi32>
      %add3A_1785 = arith.addi %add3A_1734, %select_n3A_1784 : vector<16xi32>
      %eq3A_1786 = arith.constant 3 : i32
      %eq3A_1787 = vector.broadcast %eq3A_1786 : i32 to vector<16xi32>
      %eq3A_1788 = arith.cmpi eq, %get3A_1762, %eq3A_1787 : vector<16xi32>
      %select_n3A_1789 = arith.select %eq3A_1788, %broadcast_in_dim3A_173, %broadcast_in_dim3A_175 : vector<16xi1>, vector<16xi32>
      %add3A_1790 = arith.addi %add3A_1739, %select_n3A_1789 : vector<16xi32>
      %gt3A_1791 = arith.constant 0 : i32
      %gt3A_1792 = vector.broadcast %gt3A_1791 : i32 to vector<16xi32>
      %gt3A_1793 = arith.cmpi sgt, %get3A_1762, %gt3A_1792 : vector<16xi32>
      %eq3A_1794 = arith.constant 0 : i32
      %eq3A_1795 = vector.broadcast %eq3A_1794 : i32 to vector<16xi32>
      %eq3A_1796 = arith.cmpi eq, %get3A_1770, %eq3A_1795 : vector<16xi32>
      %and3A_1797 = arith.andi %eq3A_1796, %gt3A_1793 : vector<16xi1>
      %select_n3A_1798 = arith.select %and3A_1797, %broadcast_in_dim3A_173, %broadcast_in_dim3A_175 : vector<16xi1>, vector<16xi32>
      %add3A_1799 = arith.addi %add3A_1748, %select_n3A_1798 : vector<16xi32>
      %eq3A_1800 = arith.constant 1 : i32
      %eq3A_1801 = vector.broadcast %eq3A_1800 : i32 to vector<16xi32>
      %eq3A_1802 = arith.cmpi eq, %get3A_1770, %eq3A_1801 : vector<16xi32>
      %and3A_1803 = arith.andi %eq3A_1802, %gt3A_1793 : vector<16xi1>
      %select_n3A_1804 = arith.select %and3A_1803, %broadcast_in_dim3A_173, %broadcast_in_dim3A_175 : vector<16xi1>, vector<16xi32>
      %add3A_1805 = arith.addi %add3A_1754, %select_n3A_1804 : vector<16xi32>
      %swap3A_1806 = arith.constant 0 : i32
      %swap3A_1807 = arith.index_cast %swap3A_1806 : i32 to index
      %swap3A_1808 = arith.constant 0 : index
      %swap3A_1809 = tpu.vector_load %arg7[%swap3A_1807, %swap3A_1808] {strides = array<i32>} : memref<6x16xi32, #tpu.memory_space<vmem>>, vector<1x16xi32>,
      %swap3A_1810 = vector.shape_cast %swap3A_1809 : vector<1x16xi32> to vector<16xi32>
      %swap3A_1811 = vector.shape_cast %add3A_1775 : vector<16xi32> to vector<1x16xi32>
      tpu.vector_store %arg7[%swap3A_1807, %swap3A_1808], %swap3A_1811 {add = true, strides = array<i32>} : memref<6x16xi32, #tpu.memory_space<vmem>>, vector<1x16xi32>,
      %swap3A_1812 = arith.constant 1 : i32
      %swap3A_1813 = arith.index_cast %swap3A_1812 : i32 to index
      %swap3A_1814 = arith.constant 0 : index
      %swap3A_1815 = tpu.vector_load %arg7[%swap3A_1813, %swap3A_1814] {strides = array<i32>} : memref<6x16xi32, #tpu.memory_space<vmem>>, vector<1x16xi32>,
      %swap3A_1816 = vector.shape_cast %swap3A_1815 : vector<1x16xi32> to vector<16xi32>
      %swap3A_1817 = vector.shape_cast %add3A_1780 : vector<16xi32> to vector<1x16xi32>
      tpu.vector_store %arg7[%swap3A_1813, %swap3A_1814], %swap3A_1817 {add = true, strides = array<i32>} : memref<6x16xi32, #tpu.memory_space<vmem>>, vector<1x16xi32>,
      %swap3A_1818 = arith.constant 2 : i32
      %swap3A_1819 = arith.index_cast %swap3A_1818 : i32 to index
      %swap3A_1820 = arith.constant 0 : index
      %swap3A_1821 = tpu.vector_load %arg7[%swap3A_1819, %swap3A_1820] {strides = array<i32>} : memref<6x16xi32, #tpu.memory_space<vmem>>, vector<1x16xi32>,
      %swap3A_1822 = vector.shape_cast %swap3A_1821 : vector<1x16xi32> to vector<16xi32>
      %swap3A_1823 = vector.shape_cast %add3A_1785 : vector<16xi32> to vector<1x16xi32>
      tpu.vector_store %arg7[%swap3A_1819, %swap3A_1820], %swap3A_1823 {add = true, strides = array<i32>} : memref<6x16xi32, #tpu.memory_space<vmem>>, vector<1x16xi32>,
      %swap3A_1824 = arith.constant 3 : i32
      %swap3A_1825 = arith.index_cast %swap3A_1824 : i32 to index
      %swap3A_1826 = arith.constant 0 : index
      %swap3A_1827 = tpu.vector_load %arg7[%swap3A_1825, %swap3A_1826] {strides = array<i32>} : memref<6x16xi32, #tpu.memory_space<vmem>>, vector<1x16xi32>,
      %swap3A_1828 = vector.shape_cast %swap3A_1827 : vector<1x16xi32> to vector<16xi32>
      %swap3A_1829 = vector.shape_cast %add3A_1790 : vector<16xi32> to vector<1x16xi32>
      tpu.vector_store %arg7[%swap3A_1825, %swap3A_1826], %swap3A_1829 {add = true, strides = array<i32>} : memref<6x16xi32, #tpu.memory_space<vmem>>, vector<1x16xi32>,
      %swap3A_1830 = arith.constant 4 : i32
      %swap3A_1831 = arith.index_cast %swap3A_1830 : i32 to index
      %swap3A_1832 = arith.constant 0 : index
      %swap3A_1833 = tpu.vector_load %arg7[%swap3A_1831, %swap3A_1832] {strides = array<i32>} : memref<6x16xi32, #tpu.memory_space<vmem>>, vector<1x16xi32>,
      %swap3A_1834 = vector.shape_cast %swap3A_1833 : vector<1x16xi32> to vector<16xi32>
      %swap3A_1835 = vector.shape_cast %add3A_1799 : vector<16xi32> to vector<1x16xi32>
      tpu.vector_store %arg7[%swap3A_1831, %swap3A_1832], %swap3A_1835 {add = true, strides = array<i32>} : memref<6x16xi32, #tpu.memory_space<vmem>>, vector<1x16xi32>,
      %swap3A_1836 = arith.constant 5 : i32
      %swap3A_1837 = arith.index_cast %swap3A_1836 : i32 to index
      %swap3A_1838 = arith.constant 0 : index
      %swap3A_1839 = tpu.vector_load %arg7[%swap3A_1837, %swap3A_1838] {strides = array<i32>} : memref<6x16xi32, #tpu.memory_space<vmem>>, vector<1x16xi32>,
      %swap3A_1840 = vector.shape_cast %swap3A_1839 : vector<1x16xi32> to vector<16xi32>
      %swap3A_1841 = vector.shape_cast %add3A_1805 : vector<16xi32> to vector<1x16xi32>
      tpu.vector_store %arg7[%swap3A_1837, %swap3A_1838], %swap3A_1841 {add = true, strides = array<i32>} : memref<6x16xi32, #tpu.memory_space<vmem>>, vector<1x16xi32>,
    }
    %scan3A_150 = arith.constant 8 : i32
    %dma_start3A_151 = arith.constant 0 : i32
    %dma_start3A_152 = arith.constant 0 : i32
    %dma_start3A_153 = tpu.memref_slice %arg4[%add3A, %dma_start3A_151, %dma_start3A_152] : memref<32x6x16xi32, #tpu.memory_space<hbm>> -> memref<1x6x16xi32, #tpu.memory_space<hbm>>
    %dma_start3A_154 = tpu.memref_squeeze %dma_start3A_153 : memref<1x6x16xi32, #tpu.memory_space<hbm>> -> memref<6x16xi32, #tpu.memory_space<hbm>>
    %dma_start3A_155 = arith.constant 0 : i32
    %dma_start3A_156 = arith.constant 0 : i32
    %dma_start3A_157 = tpu.memref_slice %arg4[%add3A, %dma_start3A_155, %dma_start3A_156] : memref<32x6x16xi32, #tpu.memory_space<hbm>> -> memref<1x6x16xi32, #tpu.memory_space<hbm>>
    %dma_start3A_158 = tpu.memref_squeeze %dma_start3A_157 : memref<1x6x16xi32, #tpu.memory_space<hbm>> -> memref<6x16xi32, #tpu.memory_space<hbm>>
    tpu.enqueue_dma source(%arg7 : memref<6x16xi32, #tpu.memory_space<vmem>>) target(%dma_start3A_158 : memref<6x16xi32, #tpu.memory_space<hbm>>) target_semaphore(%arg8 : memref<!tpu.dma_semaphore, #tpu.memory_space<semaphore_mem>>)
    %dma_wait3A_159 = arith.constant 0 : i32
    %dma_wait3A_160 = arith.constant 0 : i32
    %dma_wait3A_161 = tpu.memref_slice %arg4[%add3A, %dma_wait3A_159, %dma_wait3A_160] : memref<32x6x16xi32, #tpu.memory_space<hbm>> -> memref<1x6x16xi32, #tpu.memory_space<hbm>>
    %dma_wait3A_162 = tpu.memref_squeeze %dma_wait3A_161 : memref<1x6x16xi32, #tpu.memory_space<hbm>> -> memref<6x16xi32, #tpu.memory_space<hbm>>
    %dma_wait3A_163 = arith.constant 0 : i32
    %dma_wait3A_164 = arith.constant 0 : i32
    %dma_wait3A_165 = tpu.memref_slice %arg4[%add3A, %dma_wait3A_163, %dma_wait3A_164] : memref<32x6x16xi32, #tpu.memory_space<hbm>> -> memref<1x6x16xi32, #tpu.memory_space<hbm>>
    %dma_wait3A_166 = tpu.memref_squeeze %dma_wait3A_165 : memref<1x6x16xi32, #tpu.memory_space<hbm>> -> memref<6x16xi32, #tpu.memory_space<hbm>>
    tpu.wait_dma2 semaphore(%arg8 : memref<!tpu.dma_semaphore, #tpu.memory_space<semaphore_mem>>) src(%arg7 : memref<6x16xi32, #tpu.memory_space<vmem>>) dst(%dma_wait3A_166 : memref<6x16xi32, #tpu.memory_space<hbm>>)
    return
  }
}

module attributes {stable_mosaic.version = 14 : i64} {
  func.func @_combine_kernel(%arg0: memref<8x8x64xf32, #tpu.memory_space<vmem>>, %arg1: memref<32x6x16xi32, #tpu.memory_space<vmem>>, %arg2: memref<1x1xf32, #tpu.memory_space<vmem>>) attributes {dimension_semantics = [], scalar_prefetch = 0 : i64, scratch_operands = 0 : i64, tpu.core_type = #tpu.core_type<tc>} {
    %get3A = arith.constant 0 : index
    %get3A_0 = arith.constant 0 : index
    %get3A_1 = arith.constant 0 : index
    %get3A_2 = vector.load %arg0[%get3A, %get3A_0, %get3A_1] : memref<8x8x64xf32, #tpu.memory_space<vmem>>, vector<1x8x64xf32>
    %get3A_3 = vector.shape_cast %get3A_2 : vector<1x8x64xf32> to vector<8x64xf32>
    %reduce_sum3A = vector.shape_cast %get3A_3 : vector<8x64xf32> to vector<1x8x64xf32>
    %reduce_sum3A_4 = arith.constant dense<0.000000e+00> : vector<1xf32>
    %reduce_sum3A_5 = vector.multi_reduction <add>, %reduce_sum3A, %reduce_sum3A_4 [1, 2] : vector<1x8x64xf32> to vector<1xf32>
    %reduce_sum3A_6 = vector.shape_cast %reduce_sum3A_5 : vector<1xf32> to vector<1x1x1xf32>
    %reduce_sum3A_7 = vector.extract %reduce_sum3A_6[0, 0, 0] : f32 from vector<1x1x1xf32>
    %get3A_8 = arith.constant 1 : index
    %get3A_9 = arith.constant 0 : index
    %get3A_10 = arith.constant 0 : index
    %get3A_11 = vector.load %arg0[%get3A_8, %get3A_9, %get3A_10] : memref<8x8x64xf32, #tpu.memory_space<vmem>>, vector<1x8x64xf32>
    %get3A_12 = vector.shape_cast %get3A_11 : vector<1x8x64xf32> to vector<8x64xf32>
    %reduce_sum3A_13 = vector.shape_cast %get3A_12 : vector<8x64xf32> to vector<1x8x64xf32>
    %reduce_sum3A_14 = arith.constant dense<0.000000e+00> : vector<1xf32>
    %reduce_sum3A_15 = vector.multi_reduction <add>, %reduce_sum3A_13, %reduce_sum3A_14 [1, 2] : vector<1x8x64xf32> to vector<1xf32>
    %reduce_sum3A_16 = vector.shape_cast %reduce_sum3A_15 : vector<1xf32> to vector<1x1x1xf32>
    %reduce_sum3A_17 = vector.extract %reduce_sum3A_16[0, 0, 0] : f32 from vector<1x1x1xf32>
    %get3A_18 = arith.constant 2 : index
    %get3A_19 = arith.constant 0 : index
    %get3A_20 = arith.constant 0 : index
    %get3A_21 = vector.load %arg0[%get3A_18, %get3A_19, %get3A_20] : memref<8x8x64xf32, #tpu.memory_space<vmem>>, vector<1x8x64xf32>
    %get3A_22 = vector.shape_cast %get3A_21 : vector<1x8x64xf32> to vector<8x64xf32>
    %reduce_sum3A_23 = vector.shape_cast %get3A_22 : vector<8x64xf32> to vector<1x8x64xf32>
    %reduce_sum3A_24 = arith.constant dense<0.000000e+00> : vector<1xf32>
    %reduce_sum3A_25 = vector.multi_reduction <add>, %reduce_sum3A_23, %reduce_sum3A_24 [1, 2] : vector<1x8x64xf32> to vector<1xf32>
    %reduce_sum3A_26 = vector.shape_cast %reduce_sum3A_25 : vector<1xf32> to vector<1x1x1xf32>
    %reduce_sum3A_27 = vector.extract %reduce_sum3A_26[0, 0, 0] : f32 from vector<1x1x1xf32>
    %get3A_28 = arith.constant 3 : index
    %get3A_29 = arith.constant 0 : index
    %get3A_30 = arith.constant 0 : index
    %get3A_31 = vector.load %arg0[%get3A_28, %get3A_29, %get3A_30] : memref<8x8x64xf32, #tpu.memory_space<vmem>>, vector<1x8x64xf32>
    %get3A_32 = vector.shape_cast %get3A_31 : vector<1x8x64xf32> to vector<8x64xf32>
    %reduce_sum3A_33 = vector.shape_cast %get3A_32 : vector<8x64xf32> to vector<1x8x64xf32>
    %reduce_sum3A_34 = arith.constant dense<0.000000e+00> : vector<1xf32>
    %reduce_sum3A_35 = vector.multi_reduction <add>, %reduce_sum3A_33, %reduce_sum3A_34 [1, 2] : vector<1x8x64xf32> to vector<1xf32>
    %reduce_sum3A_36 = vector.shape_cast %reduce_sum3A_35 : vector<1xf32> to vector<1x1x1xf32>
    %reduce_sum3A_37 = vector.extract %reduce_sum3A_36[0, 0, 0] : f32 from vector<1x1x1xf32>
    %get3A_38 = arith.constant 4 : index
    %get3A_39 = arith.constant 0 : index
    %get3A_40 = arith.constant 0 : index
    %get3A_41 = vector.load %arg0[%get3A_38, %get3A_39, %get3A_40] : memref<8x8x64xf32, #tpu.memory_space<vmem>>, vector<1x8x64xf32>
    %get3A_42 = vector.shape_cast %get3A_41 : vector<1x8x64xf32> to vector<8x64xf32>
    %reduce_sum3A_43 = vector.shape_cast %get3A_42 : vector<8x64xf32> to vector<1x8x64xf32>
    %reduce_sum3A_44 = arith.constant dense<0.000000e+00> : vector<1xf32>
    %reduce_sum3A_45 = vector.multi_reduction <add>, %reduce_sum3A_43, %reduce_sum3A_44 [1, 2] : vector<1x8x64xf32> to vector<1xf32>
    %reduce_sum3A_46 = vector.shape_cast %reduce_sum3A_45 : vector<1xf32> to vector<1x1x1xf32>
    %reduce_sum3A_47 = vector.extract %reduce_sum3A_46[0, 0, 0] : f32 from vector<1x1x1xf32>
    %get3A_48 = arith.constant 5 : index
    %get3A_49 = arith.constant 0 : index
    %get3A_50 = arith.constant 0 : index
    %get3A_51 = vector.load %arg0[%get3A_48, %get3A_49, %get3A_50] : memref<8x8x64xf32, #tpu.memory_space<vmem>>, vector<1x8x64xf32>
    %get3A_52 = vector.shape_cast %get3A_51 : vector<1x8x64xf32> to vector<8x64xf32>
    %reduce_sum3A_53 = vector.shape_cast %get3A_52 : vector<8x64xf32> to vector<1x8x64xf32>
    %reduce_sum3A_54 = arith.constant dense<0.000000e+00> : vector<1xf32>
    %reduce_sum3A_55 = vector.multi_reduction <add>, %reduce_sum3A_53, %reduce_sum3A_54 [1, 2] : vector<1x8x64xf32> to vector<1xf32>
    %reduce_sum3A_56 = vector.shape_cast %reduce_sum3A_55 : vector<1xf32> to vector<1x1x1xf32>
    %reduce_sum3A_57 = vector.extract %reduce_sum3A_56[0, 0, 0] : f32 from vector<1x1x1xf32>
    %get3A_58 = arith.constant 6 : index
    %get3A_59 = arith.constant 0 : index
    %get3A_60 = arith.constant 0 : index
    %get3A_61 = vector.load %arg0[%get3A_58, %get3A_59, %get3A_60] : memref<8x8x64xf32, #tpu.memory_space<vmem>>, vector<1x8x64xf32>
    %get3A_62 = vector.shape_cast %get3A_61 : vector<1x8x64xf32> to vector<8x64xf32>
    %reduce_sum3A_63 = vector.shape_cast %get3A_62 : vector<8x64xf32> to vector<1x8x64xf32>
    %reduce_sum3A_64 = arith.constant dense<0.000000e+00> : vector<1xf32>
    %reduce_sum3A_65 = vector.multi_reduction <add>, %reduce_sum3A_63, %reduce_sum3A_64 [1, 2] : vector<1x8x64xf32> to vector<1xf32>
    %reduce_sum3A_66 = vector.shape_cast %reduce_sum3A_65 : vector<1xf32> to vector<1x1x1xf32>
    %reduce_sum3A_67 = vector.extract %reduce_sum3A_66[0, 0, 0] : f32 from vector<1x1x1xf32>
    %get3A_68 = arith.constant 7 : index
    %get3A_69 = arith.constant 0 : index
    %get3A_70 = arith.constant 0 : index
    %get3A_71 = vector.load %arg0[%get3A_68, %get3A_69, %get3A_70] : memref<8x8x64xf32, #tpu.memory_space<vmem>>, vector<1x8x64xf32>
    %get3A_72 = vector.shape_cast %get3A_71 : vector<1x8x64xf32> to vector<8x64xf32>
    %reduce_sum3A_73 = vector.shape_cast %get3A_72 : vector<8x64xf32> to vector<1x8x64xf32>
    %reduce_sum3A_74 = arith.constant dense<0.000000e+00> : vector<1xf32>
    %reduce_sum3A_75 = vector.multi_reduction <add>, %reduce_sum3A_73, %reduce_sum3A_74 [1, 2] : vector<1x8x64xf32> to vector<1xf32>
    %reduce_sum3A_76 = vector.shape_cast %reduce_sum3A_75 : vector<1xf32> to vector<1x1x1xf32>
    %reduce_sum3A_77 = vector.extract %reduce_sum3A_76[0, 0, 0] : f32 from vector<1x1x1xf32>
    %get3A_78 = arith.constant 0 : index
    %get3A_79 = arith.constant 0 : index
    %get3A_80 = arith.constant 0 : index
    %get3A_81 = vector.load %arg1[%get3A_78, %get3A_79, %get3A_80] : memref<32x6x16xi32, #tpu.memory_space<vmem>>, vector<32x1x16xi32>
    %get3A_82 = vector.shape_cast %get3A_81 : vector<32x1x16xi32> to vector<32x16xi32>
    %reduce_sum3A_83 = vector.shape_cast %get3A_82 : vector<32x16xi32> to vector<1x32x16xi32>
    %reduce_sum3A_84 = arith.constant dense<0> : vector<1xi32>
    %reduce_sum3A_85 = vector.multi_reduction <add>, %reduce_sum3A_83, %reduce_sum3A_84 [1, 2] : vector<1x32x16xi32> to vector<1xi32>
    %reduce_sum3A_86 = vector.shape_cast %reduce_sum3A_85 : vector<1xi32> to vector<1x1x1xi32>
    %reduce_sum3A_87 = vector.extract %reduce_sum3A_86[0, 0, 0] : i32 from vector<1x1x1xi32>
    %convert_element_type3A = arith.sitofp %reduce_sum3A_87 : i32 to f32
    %get3A_88 = arith.constant 0 : index
    %get3A_89 = arith.constant 1 : index
    %get3A_90 = arith.constant 0 : index
    %get3A_91 = vector.load %arg1[%get3A_88, %get3A_89, %get3A_90] : memref<32x6x16xi32, #tpu.memory_space<vmem>>, vector<32x1x16xi32>
    %get3A_92 = vector.shape_cast %get3A_91 : vector<32x1x16xi32> to vector<32x16xi32>
    %reduce_sum3A_93 = vector.shape_cast %get3A_92 : vector<32x16xi32> to vector<1x32x16xi32>
    %reduce_sum3A_94 = arith.constant dense<0> : vector<1xi32>
    %reduce_sum3A_95 = vector.multi_reduction <add>, %reduce_sum3A_93, %reduce_sum3A_94 [1, 2] : vector<1x32x16xi32> to vector<1xi32>
    %reduce_sum3A_96 = vector.shape_cast %reduce_sum3A_95 : vector<1xi32> to vector<1x1x1xi32>
    %reduce_sum3A_97 = vector.extract %reduce_sum3A_96[0, 0, 0] : i32 from vector<1x1x1xi32>
    %convert_element_type3A_98 = arith.sitofp %reduce_sum3A_97 : i32 to f32
    %get3A_99 = arith.constant 0 : index
    %get3A_100 = arith.constant 2 : index
    %get3A_101 = arith.constant 0 : index
    %get3A_102 = vector.load %arg1[%get3A_99, %get3A_100, %get3A_101] : memref<32x6x16xi32, #tpu.memory_space<vmem>>, vector<32x1x16xi32>
    %get3A_103 = vector.shape_cast %get3A_102 : vector<32x1x16xi32> to vector<32x16xi32>
    %reduce_sum3A_104 = vector.shape_cast %get3A_103 : vector<32x16xi32> to vector<1x32x16xi32>
    %reduce_sum3A_105 = arith.constant dense<0> : vector<1xi32>
    %reduce_sum3A_106 = vector.multi_reduction <add>, %reduce_sum3A_104, %reduce_sum3A_105 [1, 2] : vector<1x32x16xi32> to vector<1xi32>
    %reduce_sum3A_107 = vector.shape_cast %reduce_sum3A_106 : vector<1xi32> to vector<1x1x1xi32>
    %reduce_sum3A_108 = vector.extract %reduce_sum3A_107[0, 0, 0] : i32 from vector<1x1x1xi32>
    %convert_element_type3A_109 = arith.sitofp %reduce_sum3A_108 : i32 to f32
    %get3A_110 = arith.constant 0 : index
    %get3A_111 = arith.constant 3 : index
    %get3A_112 = arith.constant 0 : index
    %get3A_113 = vector.load %arg1[%get3A_110, %get3A_111, %get3A_112] : memref<32x6x16xi32, #tpu.memory_space<vmem>>, vector<32x1x16xi32>
    %get3A_114 = vector.shape_cast %get3A_113 : vector<32x1x16xi32> to vector<32x16xi32>
    %reduce_sum3A_115 = vector.shape_cast %get3A_114 : vector<32x16xi32> to vector<1x32x16xi32>
    %reduce_sum3A_116 = arith.constant dense<0> : vector<1xi32>
    %reduce_sum3A_117 = vector.multi_reduction <add>, %reduce_sum3A_115, %reduce_sum3A_116 [1, 2] : vector<1x32x16xi32> to vector<1xi32>
    %reduce_sum3A_118 = vector.shape_cast %reduce_sum3A_117 : vector<1xi32> to vector<1x1x1xi32>
    %reduce_sum3A_119 = vector.extract %reduce_sum3A_118[0, 0, 0] : i32 from vector<1x1x1xi32>
    %convert_element_type3A_120 = arith.sitofp %reduce_sum3A_119 : i32 to f32
    %get3A_121 = arith.constant 0 : index
    %get3A_122 = arith.constant 4 : index
    %get3A_123 = arith.constant 0 : index
    %get3A_124 = vector.load %arg1[%get3A_121, %get3A_122, %get3A_123] : memref<32x6x16xi32, #tpu.memory_space<vmem>>, vector<32x1x16xi32>
    %get3A_125 = vector.shape_cast %get3A_124 : vector<32x1x16xi32> to vector<32x16xi32>
    %reduce_sum3A_126 = vector.shape_cast %get3A_125 : vector<32x16xi32> to vector<1x32x16xi32>
    %reduce_sum3A_127 = arith.constant dense<0> : vector<1xi32>
    %reduce_sum3A_128 = vector.multi_reduction <add>, %reduce_sum3A_126, %reduce_sum3A_127 [1, 2] : vector<1x32x16xi32> to vector<1xi32>
    %reduce_sum3A_129 = vector.shape_cast %reduce_sum3A_128 : vector<1xi32> to vector<1x1x1xi32>
    %reduce_sum3A_130 = vector.extract %reduce_sum3A_129[0, 0, 0] : i32 from vector<1x1x1xi32>
    %convert_element_type3A_131 = arith.sitofp %reduce_sum3A_130 : i32 to f32
    %get3A_132 = arith.constant 0 : index
    %get3A_133 = arith.constant 5 : index
    %get3A_134 = arith.constant 0 : index
    %get3A_135 = vector.load %arg1[%get3A_132, %get3A_133, %get3A_134] : memref<32x6x16xi32, #tpu.memory_space<vmem>>, vector<32x1x16xi32>
    %get3A_136 = vector.shape_cast %get3A_135 : vector<32x1x16xi32> to vector<32x16xi32>
    %reduce_sum3A_137 = vector.shape_cast %get3A_136 : vector<32x16xi32> to vector<1x32x16xi32>
    %reduce_sum3A_138 = arith.constant dense<0> : vector<1xi32>
    %reduce_sum3A_139 = vector.multi_reduction <add>, %reduce_sum3A_137, %reduce_sum3A_138 [1, 2] : vector<1x32x16xi32> to vector<1xi32>
    %reduce_sum3A_140 = vector.shape_cast %reduce_sum3A_139 : vector<1xi32> to vector<1x1x1xi32>
    %reduce_sum3A_141 = vector.extract %reduce_sum3A_140[0, 0, 0] : i32 from vector<1x1x1xi32>
    %convert_element_type3A_142 = arith.sitofp %reduce_sum3A_141 : i32 to f32
    %add3A = arith.addf %convert_element_type3A, %convert_element_type3A_98 : f32
    %add3A_143 = arith.addf %add3A, %convert_element_type3A_109 : f32
    %add3A_144 = arith.addf %add3A_143, %convert_element_type3A_120 : f32
    %sub3A = arith.constant 5.242880e+05 : f32
    %sub3A_145 = arith.subf %sub3A, %add3A_144 : f32
    %sub3A_146 = arith.constant 5.242880e+05 : f32
    %sub3A_147 = arith.subf %sub3A_146, %convert_element_type3A : f32
    %add3A_148 = arith.addf %convert_element_type3A_131, %convert_element_type3A_142 : f32
    %sub3A_149 = arith.subf %sub3A_147, %add3A_148 : f32
    %div3A = arith.constant 5.242880e+05 : f32
    %div3A_150 = arith.divf %convert_element_type3A, %div3A : f32
    %sub3A_151 = arith.constant 1.000000e+00 : f32
    %sub3A_152 = arith.subf %sub3A_151, %div3A_150 : f32
    %add3A_153 = arith.constant 9.99999974E-6 : f32
    %add3A_154 = arith.addf %sub3A_152, %add3A_153 : f32
    %div3A_155 = arith.constant 5.242880e+05 : f32
    %div3A_156 = arith.divf %convert_element_type3A_98, %div3A_155 : f32
    %sub3A_157 = arith.constant 1.000000e+00 : f32
    %sub3A_158 = arith.subf %sub3A_157, %div3A_156 : f32
    %add3A_159 = arith.constant 9.99999974E-6 : f32
    %add3A_160 = arith.addf %sub3A_158, %add3A_159 : f32
    %div3A_161 = arith.constant 5.242880e+05 : f32
    %div3A_162 = arith.divf %convert_element_type3A_109, %div3A_161 : f32
    %sub3A_163 = arith.constant 1.000000e+00 : f32
    %sub3A_164 = arith.subf %sub3A_163, %div3A_162 : f32
    %add3A_165 = arith.constant 9.99999974E-6 : f32
    %add3A_166 = arith.addf %sub3A_164, %add3A_165 : f32
    %div3A_167 = arith.constant 5.242880e+05 : f32
    %div3A_168 = arith.divf %convert_element_type3A_120, %div3A_167 : f32
    %sub3A_169 = arith.constant 1.000000e+00 : f32
    %sub3A_170 = arith.subf %sub3A_169, %div3A_168 : f32
    %add3A_171 = arith.constant 9.99999974E-6 : f32
    %add3A_172 = arith.addf %sub3A_170, %add3A_171 : f32
    %div3A_173 = arith.constant 5.242880e+05 : f32
    %div3A_174 = arith.divf %sub3A_145, %div3A_173 : f32
    %sub3A_175 = arith.constant 1.000000e+00 : f32
    %sub3A_176 = arith.subf %sub3A_175, %div3A_174 : f32
    %add3A_177 = arith.constant 9.99999974E-6 : f32
    %add3A_178 = arith.addf %sub3A_176, %add3A_177 : f32
    %mul3A = arith.mulf %add3A_154, %reduce_sum3A_7 : f32
    %mul3A_179 = arith.mulf %add3A_154, %convert_element_type3A : f32
    %mul3A_180 = arith.mulf %add3A_160, %reduce_sum3A_17 : f32
    %add3A_181 = arith.addf %mul3A, %mul3A_180 : f32
    %mul3A_182 = arith.mulf %add3A_160, %convert_element_type3A_98 : f32
    %add3A_183 = arith.addf %mul3A_179, %mul3A_182 : f32
    %mul3A_184 = arith.mulf %add3A_166, %reduce_sum3A_27 : f32
    %add3A_185 = arith.addf %add3A_181, %mul3A_184 : f32
    %mul3A_186 = arith.mulf %add3A_166, %convert_element_type3A_109 : f32
    %add3A_187 = arith.addf %add3A_183, %mul3A_186 : f32
    %mul3A_188 = arith.mulf %add3A_172, %reduce_sum3A_37 : f32
    %add3A_189 = arith.addf %add3A_185, %mul3A_188 : f32
    %mul3A_190 = arith.mulf %add3A_172, %convert_element_type3A_120 : f32
    %add3A_191 = arith.addf %add3A_187, %mul3A_190 : f32
    %mul3A_192 = arith.mulf %add3A_178, %reduce_sum3A_47 : f32
    %add3A_193 = arith.addf %add3A_189, %mul3A_192 : f32
    %mul3A_194 = arith.mulf %add3A_178, %sub3A_145 : f32
    %add3A_195 = arith.addf %add3A_191, %mul3A_194 : f32
    %div3A_196 = arith.divf %convert_element_type3A_131, %sub3A_147 : f32
    %sub3A_197 = arith.constant 1.000000e+00 : f32
    %sub3A_198 = arith.subf %sub3A_197, %div3A_196 : f32
    %add3A_199 = arith.constant 9.99999974E-6 : f32
    %add3A_200 = arith.addf %sub3A_198, %add3A_199 : f32
    %div3A_201 = arith.divf %convert_element_type3A_142, %sub3A_147 : f32
    %sub3A_202 = arith.constant 1.000000e+00 : f32
    %sub3A_203 = arith.subf %sub3A_202, %div3A_201 : f32
    %add3A_204 = arith.constant 9.99999974E-6 : f32
    %add3A_205 = arith.addf %sub3A_203, %add3A_204 : f32
    %div3A_206 = arith.divf %sub3A_149, %sub3A_147 : f32
    %sub3A_207 = arith.constant 1.000000e+00 : f32
    %sub3A_208 = arith.subf %sub3A_207, %div3A_206 : f32
    %add3A_209 = arith.constant 9.99999974E-6 : f32
    %add3A_210 = arith.addf %sub3A_208, %add3A_209 : f32
    %mul3A_211 = arith.mulf %add3A_200, %reduce_sum3A_57 : f32
    %mul3A_212 = arith.mulf %add3A_200, %convert_element_type3A_131 : f32
    %mul3A_213 = arith.mulf %add3A_205, %reduce_sum3A_67 : f32
    %add3A_214 = arith.addf %mul3A_211, %mul3A_213 : f32
    %mul3A_215 = arith.mulf %add3A_205, %convert_element_type3A_142 : f32
    %add3A_216 = arith.addf %mul3A_212, %mul3A_215 : f32
    %mul3A_217 = arith.mulf %add3A_210, %reduce_sum3A_77 : f32
    %add3A_218 = arith.addf %add3A_214, %mul3A_217 : f32
    %mul3A_219 = arith.mulf %add3A_210, %sub3A_149 : f32
    %add3A_220 = arith.addf %add3A_216, %mul3A_219 : f32
    %div3A_221 = arith.divf %add3A_193, %add3A_195 : f32
    %div3A_222 = arith.divf %add3A_218, %add3A_220 : f32
    %add3A_223 = arith.addf %div3A_221, %div3A_222 : f32
    %broadcast_in_dim3A = vector.broadcast %add3A_223 : f32 to vector<1x1xf32>
    %swap3A = arith.constant 0 : index
    %swap3A_224 = arith.constant 0 : index
    %swap3A_225 = vector.load %arg2[%swap3A, %swap3A_224] : memref<1x1xf32, #tpu.memory_space<vmem>>, vector<1x1xf32>
    tpu.vector_store %arg2[%swap3A, %swap3A_224], %broadcast_in_dim3A {strides = array<i32>} : memref<1x1xf32, #tpu.memory_space<vmem>>, vector<1x1xf32>,
    return
  }
}

module attributes {stable_mosaic.version = 14 : i64} {
  func.func @_nll_kernel(%arg0: i32, %arg1: memref<10x8x64x64xf32, #tpu.memory_space<vmem>>, %arg2: memref<6x8x64x64xf32, #tpu.memory_space<vmem>>, %arg3: memref<2x8x64x64xi32, #tpu.memory_space<vmem>>, %arg4: memref<2x8x64x64xi32, #tpu.memory_space<vmem>>, %arg5: memref<8x8x64xf32, #tpu.memory_space<vmem>>) attributes {dimension_semantics = [#tpu.dimension_semantics<arbitrary>], iteration_bounds = array<i64: 8>, scalar_prefetch = 0 : i64, scratch_operands = 0 : i64, tpu.core_type = #tpu.core_type<tc>, window_params = [{transform_indices = @transform_0, window_bounds = array<i64: 10, 8, 64, 64>}, {transform_indices = @transform_1, window_bounds = array<i64: 6, 8, 64, 64>}, {transform_indices = @transform_2, window_bounds = array<i64: 2, 8, 64, 64>}, {transform_indices = @transform_3, window_bounds = array<i64: 2, 8, 64, 64>}, {pipeline_mode = #tpu.pipeline_mode<synchronous>, transform_indices = @transform_4, window_bounds = array<i64: 8, 8, 64>}]} {
    %broadcast_in_dim3A = arith.constant 0.000000e+00 : f32
    %broadcast_in_dim3A_0 = vector.broadcast %broadcast_in_dim3A : f32 to vector<8x64xf32>
    %broadcast_in_dim3A_1 = arith.constant 0.000000e+00 : f32
    %broadcast_in_dim3A_2 = vector.broadcast %broadcast_in_dim3A_1 : f32 to vector<8x64xf32>
    %broadcast_in_dim3A_3 = arith.constant 0.000000e+00 : f32
    %broadcast_in_dim3A_4 = vector.broadcast %broadcast_in_dim3A_3 : f32 to vector<8x64xf32>
    %broadcast_in_dim3A_5 = arith.constant 0.000000e+00 : f32
    %broadcast_in_dim3A_6 = vector.broadcast %broadcast_in_dim3A_5 : f32 to vector<8x64xf32>
    %broadcast_in_dim3A_7 = arith.constant 0.000000e+00 : f32
    %broadcast_in_dim3A_8 = vector.broadcast %broadcast_in_dim3A_7 : f32 to vector<8x64xf32>
    %broadcast_in_dim3A_9 = arith.constant 0.000000e+00 : f32
    %broadcast_in_dim3A_10 = vector.broadcast %broadcast_in_dim3A_9 : f32 to vector<8x64xf32>
    %broadcast_in_dim3A_11 = arith.constant 0.000000e+00 : f32
    %broadcast_in_dim3A_12 = vector.broadcast %broadcast_in_dim3A_11 : f32 to vector<8x64xf32>
    %broadcast_in_dim3A_13 = arith.constant 0.000000e+00 : f32
    %broadcast_in_dim3A_14 = vector.broadcast %broadcast_in_dim3A_13 : f32 to vector<8x64xf32>
    %get3A = arith.constant 0 : index
    %get3A_15 = arith.constant 0 : index
    %get3A_16 = arith.constant 0 : index
    %get3A_17 = arith.constant 0 : index
    %get3A_18 = vector.load %arg3[%get3A, %get3A_15, %get3A_16, %get3A_17] : memref<2x8x64x64xi32, #tpu.memory_space<vmem>>, vector<1x1x64x64xi32>
    %get3A_19 = vector.shape_cast %get3A_18 : vector<1x1x64x64xi32> to vector<64x64xi32>
    %get3A_20 = arith.constant 0 : index
    %get3A_21 = arith.constant 0 : index
    %get3A_22 = arith.constant 0 : index
    %get3A_23 = arith.constant 0 : index
    %get3A_24 = vector.load %arg4[%get3A_20, %get3A_21, %get3A_22, %get3A_23] : memref<2x8x64x64xi32, #tpu.memory_space<vmem>>, vector<1x1x64x64xi32>
    %get3A_25 = vector.shape_cast %get3A_24 : vector<1x1x64x64xi32> to vector<64x64xi32>
    %gt3A = arith.constant 0 : i32
    %gt3A_26 = vector.broadcast %gt3A : i32 to vector<64x64xi32>
    %gt3A_27 = arith.cmpi sgt, %get3A_19, %gt3A_26 : vector<64x64xi32>
    %get3A_28 = arith.constant 0 : index
    %get3A_29 = arith.constant 0 : index
    %get3A_30 = arith.constant 0 : index
    %get3A_31 = arith.constant 0 : index
    %get3A_32 = vector.load %arg1[%get3A_28, %get3A_29, %get3A_30, %get3A_31] : memref<10x8x64x64xf32, #tpu.memory_space<vmem>>, vector<1x1x64x64xf32>
    %get3A_33 = vector.shape_cast %get3A_32 : vector<1x1x64x64xf32> to vector<64x64xf32>
    %get3A_34 = arith.constant 1 : index
    %get3A_35 = arith.constant 0 : index
    %get3A_36 = arith.constant 0 : index
    %get3A_37 = arith.constant 0 : index
    %get3A_38 = vector.load %arg1[%get3A_34, %get3A_35, %get3A_36, %get3A_37] : memref<10x8x64x64xf32, #tpu.memory_space<vmem>>, vector<1x1x64x64xf32>
    %get3A_39 = vector.shape_cast %get3A_38 : vector<1x1x64x64xf32> to vector<64x64xf32>
    %get3A_40 = arith.constant 2 : index
    %get3A_41 = arith.constant 0 : index
    %get3A_42 = arith.constant 0 : index
    %get3A_43 = arith.constant 0 : index
    %get3A_44 = vector.load %arg1[%get3A_40, %get3A_41, %get3A_42, %get3A_43] : memref<10x8x64x64xf32, #tpu.memory_space<vmem>>, vector<1x1x64x64xf32>
    %get3A_45 = vector.shape_cast %get3A_44 : vector<1x1x64x64xf32> to vector<64x64xf32>
    %get3A_46 = arith.constant 3 : index
    %get3A_47 = arith.constant 0 : index
    %get3A_48 = arith.constant 0 : index
    %get3A_49 = arith.constant 0 : index
    %get3A_50 = vector.load %arg1[%get3A_46, %get3A_47, %get3A_48, %get3A_49] : memref<10x8x64x64xf32, #tpu.memory_space<vmem>>, vector<1x1x64x64xf32>
    %get3A_51 = vector.shape_cast %get3A_50 : vector<1x1x64x64xf32> to vector<64x64xf32>
    %get3A_52 = arith.constant 4 : index
    %get3A_53 = arith.constant 0 : index
    %get3A_54 = arith.constant 0 : index
    %get3A_55 = arith.constant 0 : index
    %get3A_56 = vector.load %arg1[%get3A_52, %get3A_53, %get3A_54, %get3A_55] : memref<10x8x64x64xf32, #tpu.memory_space<vmem>>, vector<1x1x64x64xf32>
    %get3A_57 = vector.shape_cast %get3A_56 : vector<1x1x64x64xf32> to vector<64x64xf32>
    %max3A = arith.maximumf %get3A_33, %get3A_39 : vector<64x64xf32>
    %max3A_58 = arith.maximumf %max3A, %get3A_45 : vector<64x64xf32>
    %max3A_59 = arith.maximumf %max3A_58, %get3A_51 : vector<64x64xf32>
    %max3A_60 = arith.maximumf %max3A_59, %get3A_57 : vector<64x64xf32>
    %sub3A = arith.subf %get3A_33, %max3A_60 : vector<64x64xf32>
    %exp3A = math.exp %sub3A : vector<64x64xf32>
    %sub3A_61 = arith.subf %get3A_39, %max3A_60 : vector<64x64xf32>
    %exp3A_62 = math.exp %sub3A_61 : vector<64x64xf32>
    %add3A = arith.addf %exp3A, %exp3A_62 : vector<64x64xf32>
    %sub3A_63 = arith.subf %get3A_45, %max3A_60 : vector<64x64xf32>
    %exp3A_64 = math.exp %sub3A_63 : vector<64x64xf32>
    %add3A_65 = arith.addf %add3A, %exp3A_64 : vector<64x64xf32>
    %sub3A_66 = arith.subf %get3A_51, %max3A_60 : vector<64x64xf32>
    %exp3A_67 = math.exp %sub3A_66 : vector<64x64xf32>
    %add3A_68 = arith.addf %add3A_65, %exp3A_67 : vector<64x64xf32>
    %sub3A_69 = arith.subf %get3A_57, %max3A_60 : vector<64x64xf32>
    %exp3A_70 = math.exp %sub3A_69 : vector<64x64xf32>
    %add3A_71 = arith.addf %add3A_68, %exp3A_70 : vector<64x64xf32>
    %log3A = math.log %add3A_71 : vector<64x64xf32>
    %add3A_72 = arith.addf %max3A_60, %log3A : vector<64x64xf32>
    %eq3A = arith.constant 0 : i32
    %eq3A_73 = vector.broadcast %eq3A : i32 to vector<64x64xi32>
    %eq3A_74 = arith.cmpi eq, %get3A_19, %eq3A_73 : vector<64x64xi32>
    %sub3A_75 = arith.subf %add3A_72, %get3A_33 : vector<64x64xf32>
    %jit3A = arith.constant 0.000000e+00 : f32
    %broadcast_in_dim3A_76 = vector.broadcast %jit3A : f32 to vector<64x64xf32>
    %select_n3A = arith.select %eq3A_74, %sub3A_75, %broadcast_in_dim3A_76 : vector<64x64xi1>, vector<64x64xf32>
    %reshape3A = vector.shape_cast %select_n3A : vector<64x64xf32> to vector<8x8x64xf32>
    %reduce_sum3A = arith.constant dense<0.000000e+00> : vector<8x64xf32>
    %reduce_sum3A_77 = vector.multi_reduction <add>, %reshape3A, %reduce_sum3A [0] : vector<8x8x64xf32> to vector<8x64xf32>
    %add3A_78 = arith.addf %broadcast_in_dim3A_0, %reduce_sum3A_77 : vector<8x64xf32>
    %eq3A_79 = arith.constant 1 : i32
    %eq3A_80 = vector.broadcast %eq3A_79 : i32 to vector<64x64xi32>
    %eq3A_81 = arith.cmpi eq, %get3A_19, %eq3A_80 : vector<64x64xi32>
    %sub3A_82 = arith.subf %add3A_72, %get3A_39 : vector<64x64xf32>
    %jit3A_83 = arith.constant 0.000000e+00 : f32
    %broadcast_in_dim3A_84 = vector.broadcast %jit3A_83 : f32 to vector<64x64xf32>
    %select_n3A_85 = arith.select %eq3A_81, %sub3A_82, %broadcast_in_dim3A_84 : vector<64x64xi1>, vector<64x64xf32>
    %reshape3A_86 = vector.shape_cast %select_n3A_85 : vector<64x64xf32> to vector<8x8x64xf32>
    %reduce_sum3A_87 = arith.constant dense<0.000000e+00> : vector<8x64xf32>
    %reduce_sum3A_88 = vector.multi_reduction <add>, %reshape3A_86, %reduce_sum3A_87 [0] : vector<8x8x64xf32> to vector<8x64xf32>
    %add3A_89 = arith.addf %broadcast_in_dim3A_2, %reduce_sum3A_88 : vector<8x64xf32>
    %eq3A_90 = arith.constant 2 : i32
    %eq3A_91 = vector.broadcast %eq3A_90 : i32 to vector<64x64xi32>
    %eq3A_92 = arith.cmpi eq, %get3A_19, %eq3A_91 : vector<64x64xi32>
    %sub3A_93 = arith.subf %add3A_72, %get3A_45 : vector<64x64xf32>
    %jit3A_94 = arith.constant 0.000000e+00 : f32
    %broadcast_in_dim3A_95 = vector.broadcast %jit3A_94 : f32 to vector<64x64xf32>
    %select_n3A_96 = arith.select %eq3A_92, %sub3A_93, %broadcast_in_dim3A_95 : vector<64x64xi1>, vector<64x64xf32>
    %reshape3A_97 = vector.shape_cast %select_n3A_96 : vector<64x64xf32> to vector<8x8x64xf32>
    %reduce_sum3A_98 = arith.constant dense<0.000000e+00> : vector<8x64xf32>
    %reduce_sum3A_99 = vector.multi_reduction <add>, %reshape3A_97, %reduce_sum3A_98 [0] : vector<8x8x64xf32> to vector<8x64xf32>
    %add3A_100 = arith.addf %broadcast_in_dim3A_4, %reduce_sum3A_99 : vector<8x64xf32>
    %eq3A_101 = arith.constant 3 : i32
    %eq3A_102 = vector.broadcast %eq3A_101 : i32 to vector<64x64xi32>
    %eq3A_103 = arith.cmpi eq, %get3A_19, %eq3A_102 : vector<64x64xi32>
    %sub3A_104 = arith.subf %add3A_72, %get3A_51 : vector<64x64xf32>
    %jit3A_105 = arith.constant 0.000000e+00 : f32
    %broadcast_in_dim3A_106 = vector.broadcast %jit3A_105 : f32 to vector<64x64xf32>
    %select_n3A_107 = arith.select %eq3A_103, %sub3A_104, %broadcast_in_dim3A_106 : vector<64x64xi1>, vector<64x64xf32>
    %reshape3A_108 = vector.shape_cast %select_n3A_107 : vector<64x64xf32> to vector<8x8x64xf32>
    %reduce_sum3A_109 = arith.constant dense<0.000000e+00> : vector<8x64xf32>
    %reduce_sum3A_110 = vector.multi_reduction <add>, %reshape3A_108, %reduce_sum3A_109 [0] : vector<8x8x64xf32> to vector<8x64xf32>
    %add3A_111 = arith.addf %broadcast_in_dim3A_6, %reduce_sum3A_110 : vector<8x64xf32>
    %eq3A_112 = arith.constant 4 : i32
    %eq3A_113 = vector.broadcast %eq3A_112 : i32 to vector<64x64xi32>
    %eq3A_114 = arith.cmpi eq, %get3A_19, %eq3A_113 : vector<64x64xi32>
    %sub3A_115 = arith.subf %add3A_72, %get3A_57 : vector<64x64xf32>
    %jit3A_116 = arith.constant 0.000000e+00 : f32
    %broadcast_in_dim3A_117 = vector.broadcast %jit3A_116 : f32 to vector<64x64xf32>
    %select_n3A_118 = arith.select %eq3A_114, %sub3A_115, %broadcast_in_dim3A_117 : vector<64x64xi1>, vector<64x64xf32>
    %reshape3A_119 = vector.shape_cast %select_n3A_118 : vector<64x64xf32> to vector<8x8x64xf32>
    %reduce_sum3A_120 = arith.constant dense<0.000000e+00> : vector<8x64xf32>
    %reduce_sum3A_121 = vector.multi_reduction <add>, %reshape3A_119, %reduce_sum3A_120 [0] : vector<8x8x64xf32> to vector<8x64xf32>
    %add3A_122 = arith.addf %broadcast_in_dim3A_8, %reduce_sum3A_121 : vector<8x64xf32>
    %get3A_123 = arith.constant 0 : index
    %get3A_124 = arith.constant 0 : index
    %get3A_125 = arith.constant 0 : index
    %get3A_126 = arith.constant 0 : index
    %get3A_127 = vector.load %arg2[%get3A_123, %get3A_124, %get3A_125, %get3A_126] : memref<6x8x64x64xf32, #tpu.memory_space<vmem>>, vector<1x1x64x64xf32>
    %get3A_128 = vector.shape_cast %get3A_127 : vector<1x1x64x64xf32> to vector<64x64xf32>
    %get3A_129 = arith.constant 1 : index
    %get3A_130 = arith.constant 0 : index
    %get3A_131 = arith.constant 0 : index
    %get3A_132 = arith.constant 0 : index
    %get3A_133 = vector.load %arg2[%get3A_129, %get3A_130, %get3A_131, %get3A_132] : memref<6x8x64x64xf32, #tpu.memory_space<vmem>>, vector<1x1x64x64xf32>
    %get3A_134 = vector.shape_cast %get3A_133 : vector<1x1x64x64xf32> to vector<64x64xf32>
    %get3A_135 = arith.constant 2 : index
    %get3A_136 = arith.constant 0 : index
    %get3A_137 = arith.constant 0 : index
    %get3A_138 = arith.constant 0 : index
    %get3A_139 = vector.load %arg2[%get3A_135, %get3A_136, %get3A_137, %get3A_138] : memref<6x8x64x64xf32, #tpu.memory_space<vmem>>, vector<1x1x64x64xf32>
    %get3A_140 = vector.shape_cast %get3A_139 : vector<1x1x64x64xf32> to vector<64x64xf32>
    %max3A_141 = arith.maximumf %get3A_128, %get3A_134 : vector<64x64xf32>
    %max3A_142 = arith.maximumf %max3A_141, %get3A_140 : vector<64x64xf32>
    %sub3A_143 = arith.subf %get3A_128, %max3A_142 : vector<64x64xf32>
    %exp3A_144 = math.exp %sub3A_143 : vector<64x64xf32>
    %sub3A_145 = arith.subf %get3A_134, %max3A_142 : vector<64x64xf32>
    %exp3A_146 = math.exp %sub3A_145 : vector<64x64xf32>
    %add3A_147 = arith.addf %exp3A_144, %exp3A_146 : vector<64x64xf32>
    %sub3A_148 = arith.subf %get3A_140, %max3A_142 : vector<64x64xf32>
    %exp3A_149 = math.exp %sub3A_148 : vector<64x64xf32>
    %add3A_150 = arith.addf %add3A_147, %exp3A_149 : vector<64x64xf32>
    %log3A_151 = math.log %add3A_150 : vector<64x64xf32>
    %add3A_152 = arith.addf %max3A_142, %log3A_151 : vector<64x64xf32>
    %eq3A_153 = arith.constant 0 : i32
    %eq3A_154 = vector.broadcast %eq3A_153 : i32 to vector<64x64xi32>
    %eq3A_155 = arith.cmpi eq, %get3A_25, %eq3A_154 : vector<64x64xi32>
    %and3A = arith.andi %eq3A_155, %gt3A_27 : vector<64x64xi1>
    %sub3A_156 = arith.subf %add3A_152, %get3A_128 : vector<64x64xf32>
    %jit3A_157 = arith.constant 0.000000e+00 : f32
    %broadcast_in_dim3A_158 = vector.broadcast %jit3A_157 : f32 to vector<64x64xf32>
    %select_n3A_159 = arith.select %and3A, %sub3A_156, %broadcast_in_dim3A_158 : vector<64x64xi1>, vector<64x64xf32>
    %reshape3A_160 = vector.shape_cast %select_n3A_159 : vector<64x64xf32> to vector<8x8x64xf32>
    %reduce_sum3A_161 = arith.constant dense<0.000000e+00> : vector<8x64xf32>
    %reduce_sum3A_162 = vector.multi_reduction <add>, %reshape3A_160, %reduce_sum3A_161 [0] : vector<8x8x64xf32> to vector<8x64xf32>
    %add3A_163 = arith.addf %broadcast_in_dim3A_10, %reduce_sum3A_162 : vector<8x64xf32>
    %eq3A_164 = arith.constant 1 : i32
    %eq3A_165 = vector.broadcast %eq3A_164 : i32 to vector<64x64xi32>
    %eq3A_166 = arith.cmpi eq, %get3A_25, %eq3A_165 : vector<64x64xi32>
    %and3A_167 = arith.andi %eq3A_166, %gt3A_27 : vector<64x64xi1>
    %sub3A_168 = arith.subf %add3A_152, %get3A_134 : vector<64x64xf32>
    %jit3A_169 = arith.constant 0.000000e+00 : f32
    %broadcast_in_dim3A_170 = vector.broadcast %jit3A_169 : f32 to vector<64x64xf32>
    %select_n3A_171 = arith.select %and3A_167, %sub3A_168, %broadcast_in_dim3A_170 : vector<64x64xi1>, vector<64x64xf32>
    %reshape3A_172 = vector.shape_cast %select_n3A_171 : vector<64x64xf32> to vector<8x8x64xf32>
    %reduce_sum3A_173 = arith.constant dense<0.000000e+00> : vector<8x64xf32>
    %reduce_sum3A_174 = vector.multi_reduction <add>, %reshape3A_172, %reduce_sum3A_173 [0] : vector<8x8x64xf32> to vector<8x64xf32>
    %add3A_175 = arith.addf %broadcast_in_dim3A_12, %reduce_sum3A_174 : vector<8x64xf32>
    %eq3A_176 = arith.constant 2 : i32
    %eq3A_177 = vector.broadcast %eq3A_176 : i32 to vector<64x64xi32>
    %eq3A_178 = arith.cmpi eq, %get3A_25, %eq3A_177 : vector<64x64xi32>
    %and3A_179 = arith.andi %eq3A_178, %gt3A_27 : vector<64x64xi1>
    %sub3A_180 = arith.subf %add3A_152, %get3A_140 : vector<64x64xf32>
    %jit3A_181 = arith.constant 0.000000e+00 : f32
    %broadcast_in_dim3A_182 = vector.broadcast %jit3A_181 : f32 to vector<64x64xf32>
    %select_n3A_183 = arith.select %and3A_179, %sub3A_180, %broadcast_in_dim3A_182 : vector<64x64xi1>, vector<64x64xf32>
    %reshape3A_184 = vector.shape_cast %select_n3A_183 : vector<64x64xf32> to vector<8x8x64xf32>
    %reduce_sum3A_185 = arith.constant dense<0.000000e+00> : vector<8x64xf32>
    %reduce_sum3A_186 = vector.multi_reduction <add>, %reshape3A_184, %reduce_sum3A_185 [0] : vector<8x8x64xf32> to vector<8x64xf32>
    %add3A_187 = arith.addf %broadcast_in_dim3A_14, %reduce_sum3A_186 : vector<8x64xf32>
    %get3A_188 = arith.constant 0 : index
    %get3A_189 = arith.constant 1 : index
    %get3A_190 = arith.constant 0 : index
    %get3A_191 = arith.constant 0 : index
    %get3A_192 = vector.load %arg3[%get3A_188, %get3A_189, %get3A_190, %get3A_191] : memref<2x8x64x64xi32, #tpu.memory_space<vmem>>, vector<1x1x64x64xi32>
    %get3A_193 = vector.shape_cast %get3A_192 : vector<1x1x64x64xi32> to vector<64x64xi32>
    %get3A_194 = arith.constant 0 : index
    %get3A_195 = arith.constant 1 : index
    %get3A_196 = arith.constant 0 : index
    %get3A_197 = arith.constant 0 : index
    %get3A_198 = vector.load %arg4[%get3A_194, %get3A_195, %get3A_196, %get3A_197] : memref<2x8x64x64xi32, #tpu.memory_space<vmem>>, vector<1x1x64x64xi32>
    %get3A_199 = vector.shape_cast %get3A_198 : vector<1x1x64x64xi32> to vector<64x64xi32>
    %gt3A_200 = arith.constant 0 : i32
    %gt3A_201 = vector.broadcast %gt3A_200 : i32 to vector<64x64xi32>
    %gt3A_202 = arith.cmpi sgt, %get3A_193, %gt3A_201 : vector<64x64xi32>
    %get3A_203 = arith.constant 0 : index
    %get3A_204 = arith.constant 1 : index
    %get3A_205 = arith.constant 0 : index
    %get3A_206 = arith.constant 0 : index
    %get3A_207 = vector.load %arg1[%get3A_203, %get3A_204, %get3A_205, %get3A_206] : memref<10x8x64x64xf32, #tpu.memory_space<vmem>>, vector<1x1x64x64xf32>
    %get3A_208 = vector.shape_cast %get3A_207 : vector<1x1x64x64xf32> to vector<64x64xf32>
    %get3A_209 = arith.constant 1 : index
    %get3A_210 = arith.constant 1 : index
    %get3A_211 = arith.constant 0 : index
    %get3A_212 = arith.constant 0 : index
    %get3A_213 = vector.load %arg1[%get3A_209, %get3A_210, %get3A_211, %get3A_212] : memref<10x8x64x64xf32, #tpu.memory_space<vmem>>, vector<1x1x64x64xf32>
    %get3A_214 = vector.shape_cast %get3A_213 : vector<1x1x64x64xf32> to vector<64x64xf32>
    %get3A_215 = arith.constant 2 : index
    %get3A_216 = arith.constant 1 : index
    %get3A_217 = arith.constant 0 : index
    %get3A_218 = arith.constant 0 : index
    %get3A_219 = vector.load %arg1[%get3A_215, %get3A_216, %get3A_217, %get3A_218] : memref<10x8x64x64xf32, #tpu.memory_space<vmem>>, vector<1x1x64x64xf32>
    %get3A_220 = vector.shape_cast %get3A_219 : vector<1x1x64x64xf32> to vector<64x64xf32>
    %get3A_221 = arith.constant 3 : index
    %get3A_222 = arith.constant 1 : index
    %get3A_223 = arith.constant 0 : index
    %get3A_224 = arith.constant 0 : index
    %get3A_225 = vector.load %arg1[%get3A_221, %get3A_222, %get3A_223, %get3A_224] : memref<10x8x64x64xf32, #tpu.memory_space<vmem>>, vector<1x1x64x64xf32>
    %get3A_226 = vector.shape_cast %get3A_225 : vector<1x1x64x64xf32> to vector<64x64xf32>
    %get3A_227 = arith.constant 4 : index
    %get3A_228 = arith.constant 1 : index
    %get3A_229 = arith.constant 0 : index
    %get3A_230 = arith.constant 0 : index
    %get3A_231 = vector.load %arg1[%get3A_227, %get3A_228, %get3A_229, %get3A_230] : memref<10x8x64x64xf32, #tpu.memory_space<vmem>>, vector<1x1x64x64xf32>
    %get3A_232 = vector.shape_cast %get3A_231 : vector<1x1x64x64xf32> to vector<64x64xf32>
    %max3A_233 = arith.maximumf %get3A_208, %get3A_214 : vector<64x64xf32>
    %max3A_234 = arith.maximumf %max3A_233, %get3A_220 : vector<64x64xf32>
    %max3A_235 = arith.maximumf %max3A_234, %get3A_226 : vector<64x64xf32>
    %max3A_236 = arith.maximumf %max3A_235, %get3A_232 : vector<64x64xf32>
    %sub3A_237 = arith.subf %get3A_208, %max3A_236 : vector<64x64xf32>
    %exp3A_238 = math.exp %sub3A_237 : vector<64x64xf32>
    %sub3A_239 = arith.subf %get3A_214, %max3A_236 : vector<64x64xf32>
    %exp3A_240 = math.exp %sub3A_239 : vector<64x64xf32>
    %add3A_241 = arith.addf %exp3A_238, %exp3A_240 : vector<64x64xf32>
    %sub3A_242 = arith.subf %get3A_220, %max3A_236 : vector<64x64xf32>
    %exp3A_243 = math.exp %sub3A_242 : vector<64x64xf32>
    %add3A_244 = arith.addf %add3A_241, %exp3A_243 : vector<64x64xf32>
    %sub3A_245 = arith.subf %get3A_226, %max3A_236 : vector<64x64xf32>
    %exp3A_246 = math.exp %sub3A_245 : vector<64x64xf32>
    %add3A_247 = arith.addf %add3A_244, %exp3A_246 : vector<64x64xf32>
    %sub3A_248 = arith.subf %get3A_232, %max3A_236 : vector<64x64xf32>
    %exp3A_249 = math.exp %sub3A_248 : vector<64x64xf32>
    %add3A_250 = arith.addf %add3A_247, %exp3A_249 : vector<64x64xf32>
    %log3A_251 = math.log %add3A_250 : vector<64x64xf32>
    %add3A_252 = arith.addf %max3A_236, %log3A_251 : vector<64x64xf32>
    %eq3A_253 = arith.constant 0 : i32
    %eq3A_254 = vector.broadcast %eq3A_253 : i32 to vector<64x64xi32>
    %eq3A_255 = arith.cmpi eq, %get3A_193, %eq3A_254 : vector<64x64xi32>
    %sub3A_256 = arith.subf %add3A_252, %get3A_208 : vector<64x64xf32>
    %jit3A_257 = arith.constant 0.000000e+00 : f32
    %broadcast_in_dim3A_258 = vector.broadcast %jit3A_257 : f32 to vector<64x64xf32>
    %select_n3A_259 = arith.select %eq3A_255, %sub3A_256, %broadcast_in_dim3A_258 : vector<64x64xi1>, vector<64x64xf32>
    %reshape3A_260 = vector.shape_cast %select_n3A_259 : vector<64x64xf32> to vector<8x8x64xf32>
    %reduce_sum3A_261 = arith.constant dense<0.000000e+00> : vector<8x64xf32>
    %reduce_sum3A_262 = vector.multi_reduction <add>, %reshape3A_260, %reduce_sum3A_261 [0] : vector<8x8x64xf32> to vector<8x64xf32>
    %add3A_263 = arith.addf %add3A_78, %reduce_sum3A_262 : vector<8x64xf32>
    %eq3A_264 = arith.constant 1 : i32
    %eq3A_265 = vector.broadcast %eq3A_264 : i32 to vector<64x64xi32>
    %eq3A_266 = arith.cmpi eq, %get3A_193, %eq3A_265 : vector<64x64xi32>
    %sub3A_267 = arith.subf %add3A_252, %get3A_214 : vector<64x64xf32>
    %jit3A_268 = arith.constant 0.000000e+00 : f32
    %broadcast_in_dim3A_269 = vector.broadcast %jit3A_268 : f32 to vector<64x64xf32>
    %select_n3A_270 = arith.select %eq3A_266, %sub3A_267, %broadcast_in_dim3A_269 : vector<64x64xi1>, vector<64x64xf32>
    %reshape3A_271 = vector.shape_cast %select_n3A_270 : vector<64x64xf32> to vector<8x8x64xf32>
    %reduce_sum3A_272 = arith.constant dense<0.000000e+00> : vector<8x64xf32>
    %reduce_sum3A_273 = vector.multi_reduction <add>, %reshape3A_271, %reduce_sum3A_272 [0] : vector<8x8x64xf32> to vector<8x64xf32>
    %add3A_274 = arith.addf %add3A_89, %reduce_sum3A_273 : vector<8x64xf32>
    %eq3A_275 = arith.constant 2 : i32
    %eq3A_276 = vector.broadcast %eq3A_275 : i32 to vector<64x64xi32>
    %eq3A_277 = arith.cmpi eq, %get3A_193, %eq3A_276 : vector<64x64xi32>
    %sub3A_278 = arith.subf %add3A_252, %get3A_220 : vector<64x64xf32>
    %jit3A_279 = arith.constant 0.000000e+00 : f32
    %broadcast_in_dim3A_280 = vector.broadcast %jit3A_279 : f32 to vector<64x64xf32>
    %select_n3A_281 = arith.select %eq3A_277, %sub3A_278, %broadcast_in_dim3A_280 : vector<64x64xi1>, vector<64x64xf32>
    %reshape3A_282 = vector.shape_cast %select_n3A_281 : vector<64x64xf32> to vector<8x8x64xf32>
    %reduce_sum3A_283 = arith.constant dense<0.000000e+00> : vector<8x64xf32>
    %reduce_sum3A_284 = vector.multi_reduction <add>, %reshape3A_282, %reduce_sum3A_283 [0] : vector<8x8x64xf32> to vector<8x64xf32>
    %add3A_285 = arith.addf %add3A_100, %reduce_sum3A_284 : vector<8x64xf32>
    %eq3A_286 = arith.constant 3 : i32
    %eq3A_287 = vector.broadcast %eq3A_286 : i32 to vector<64x64xi32>
    %eq3A_288 = arith.cmpi eq, %get3A_193, %eq3A_287 : vector<64x64xi32>
    %sub3A_289 = arith.subf %add3A_252, %get3A_226 : vector<64x64xf32>
    %jit3A_290 = arith.constant 0.000000e+00 : f32
    %broadcast_in_dim3A_291 = vector.broadcast %jit3A_290 : f32 to vector<64x64xf32>
    %select_n3A_292 = arith.select %eq3A_288, %sub3A_289, %broadcast_in_dim3A_291 : vector<64x64xi1>, vector<64x64xf32>
    %reshape3A_293 = vector.shape_cast %select_n3A_292 : vector<64x64xf32> to vector<8x8x64xf32>
    %reduce_sum3A_294 = arith.constant dense<0.000000e+00> : vector<8x64xf32>
    %reduce_sum3A_295 = vector.multi_reduction <add>, %reshape3A_293, %reduce_sum3A_294 [0] : vector<8x8x64xf32> to vector<8x64xf32>
    %add3A_296 = arith.addf %add3A_111, %reduce_sum3A_295 : vector<8x64xf32>
    %eq3A_297 = arith.constant 4 : i32
    %eq3A_298 = vector.broadcast %eq3A_297 : i32 to vector<64x64xi32>
    %eq3A_299 = arith.cmpi eq, %get3A_193, %eq3A_298 : vector<64x64xi32>
    %sub3A_300 = arith.subf %add3A_252, %get3A_232 : vector<64x64xf32>
    %jit3A_301 = arith.constant 0.000000e+00 : f32
    %broadcast_in_dim3A_302 = vector.broadcast %jit3A_301 : f32 to vector<64x64xf32>
    %select_n3A_303 = arith.select %eq3A_299, %sub3A_300, %broadcast_in_dim3A_302 : vector<64x64xi1>, vector<64x64xf32>
    %reshape3A_304 = vector.shape_cast %select_n3A_303 : vector<64x64xf32> to vector<8x8x64xf32>
    %reduce_sum3A_305 = arith.constant dense<0.000000e+00> : vector<8x64xf32>
    %reduce_sum3A_306 = vector.multi_reduction <add>, %reshape3A_304, %reduce_sum3A_305 [0] : vector<8x8x64xf32> to vector<8x64xf32>
    %add3A_307 = arith.addf %add3A_122, %reduce_sum3A_306 : vector<8x64xf32>
    %get3A_308 = arith.constant 0 : index
    %get3A_309 = arith.constant 1 : index
    %get3A_310 = arith.constant 0 : index
    %get3A_311 = arith.constant 0 : index
    %get3A_312 = vector.load %arg2[%get3A_308, %get3A_309, %get3A_310, %get3A_311] : memref<6x8x64x64xf32, #tpu.memory_space<vmem>>, vector<1x1x64x64xf32>
    %get3A_313 = vector.shape_cast %get3A_312 : vector<1x1x64x64xf32> to vector<64x64xf32>
    %get3A_314 = arith.constant 1 : index
    %get3A_315 = arith.constant 1 : index
    %get3A_316 = arith.constant 0 : index
    %get3A_317 = arith.constant 0 : index
    %get3A_318 = vector.load %arg2[%get3A_314, %get3A_315, %get3A_316, %get3A_317] : memref<6x8x64x64xf32, #tpu.memory_space<vmem>>, vector<1x1x64x64xf32>
    %get3A_319 = vector.shape_cast %get3A_318 : vector<1x1x64x64xf32> to vector<64x64xf32>
    %get3A_320 = arith.constant 2 : index
    %get3A_321 = arith.constant 1 : index
    %get3A_322 = arith.constant 0 : index
    %get3A_323 = arith.constant 0 : index
    %get3A_324 = vector.load %arg2[%get3A_320, %get3A_321, %get3A_322, %get3A_323] : memref<6x8x64x64xf32, #tpu.memory_space<vmem>>, vector<1x1x64x64xf32>
    %get3A_325 = vector.shape_cast %get3A_324 : vector<1x1x64x64xf32> to vector<64x64xf32>
    %max3A_326 = arith.maximumf %get3A_313, %get3A_319 : vector<64x64xf32>
    %max3A_327 = arith.maximumf %max3A_326, %get3A_325 : vector<64x64xf32>
    %sub3A_328 = arith.subf %get3A_313, %max3A_327 : vector<64x64xf32>
    %exp3A_329 = math.exp %sub3A_328 : vector<64x64xf32>
    %sub3A_330 = arith.subf %get3A_319, %max3A_327 : vector<64x64xf32>
    %exp3A_331 = math.exp %sub3A_330 : vector<64x64xf32>
    %add3A_332 = arith.addf %exp3A_329, %exp3A_331 : vector<64x64xf32>
    %sub3A_333 = arith.subf %get3A_325, %max3A_327 : vector<64x64xf32>
    %exp3A_334 = math.exp %sub3A_333 : vector<64x64xf32>
    %add3A_335 = arith.addf %add3A_332, %exp3A_334 : vector<64x64xf32>
    %log3A_336 = math.log %add3A_335 : vector<64x64xf32>
    %add3A_337 = arith.addf %max3A_327, %log3A_336 : vector<64x64xf32>
    %eq3A_338 = arith.constant 0 : i32
    %eq3A_339 = vector.broadcast %eq3A_338 : i32 to vector<64x64xi32>
    %eq3A_340 = arith.cmpi eq, %get3A_199, %eq3A_339 : vector<64x64xi32>
    %and3A_341 = arith.andi %eq3A_340, %gt3A_202 : vector<64x64xi1>
    %sub3A_342 = arith.subf %add3A_337, %get3A_313 : vector<64x64xf32>
    %jit3A_343 = arith.constant 0.000000e+00 : f32
    %broadcast_in_dim3A_344 = vector.broadcast %jit3A_343 : f32 to vector<64x64xf32>
    %select_n3A_345 = arith.select %and3A_341, %sub3A_342, %broadcast_in_dim3A_344 : vector<64x64xi1>, vector<64x64xf32>
    %reshape3A_346 = vector.shape_cast %select_n3A_345 : vector<64x64xf32> to vector<8x8x64xf32>
    %reduce_sum3A_347 = arith.constant dense<0.000000e+00> : vector<8x64xf32>
    %reduce_sum3A_348 = vector.multi_reduction <add>, %reshape3A_346, %reduce_sum3A_347 [0] : vector<8x8x64xf32> to vector<8x64xf32>
    %add3A_349 = arith.addf %add3A_163, %reduce_sum3A_348 : vector<8x64xf32>
    %eq3A_350 = arith.constant 1 : i32
    %eq3A_351 = vector.broadcast %eq3A_350 : i32 to vector<64x64xi32>
    %eq3A_352 = arith.cmpi eq, %get3A_199, %eq3A_351 : vector<64x64xi32>
    %and3A_353 = arith.andi %eq3A_352, %gt3A_202 : vector<64x64xi1>
    %sub3A_354 = arith.subf %add3A_337, %get3A_319 : vector<64x64xf32>
    %jit3A_355 = arith.constant 0.000000e+00 : f32
    %broadcast_in_dim3A_356 = vector.broadcast %jit3A_355 : f32 to vector<64x64xf32>
    %select_n3A_357 = arith.select %and3A_353, %sub3A_354, %broadcast_in_dim3A_356 : vector<64x64xi1>, vector<64x64xf32>
    %reshape3A_358 = vector.shape_cast %select_n3A_357 : vector<64x64xf32> to vector<8x8x64xf32>
    %reduce_sum3A_359 = arith.constant dense<0.000000e+00> : vector<8x64xf32>
    %reduce_sum3A_360 = vector.multi_reduction <add>, %reshape3A_358, %reduce_sum3A_359 [0] : vector<8x8x64xf32> to vector<8x64xf32>
    %add3A_361 = arith.addf %add3A_175, %reduce_sum3A_360 : vector<8x64xf32>
    %eq3A_362 = arith.constant 2 : i32
    %eq3A_363 = vector.broadcast %eq3A_362 : i32 to vector<64x64xi32>
    %eq3A_364 = arith.cmpi eq, %get3A_199, %eq3A_363 : vector<64x64xi32>
    %and3A_365 = arith.andi %eq3A_364, %gt3A_202 : vector<64x64xi1>
    %sub3A_366 = arith.subf %add3A_337, %get3A_325 : vector<64x64xf32>
    %jit3A_367 = arith.constant 0.000000e+00 : f32
    %broadcast_in_dim3A_368 = vector.broadcast %jit3A_367 : f32 to vector<64x64xf32>
    %select_n3A_369 = arith.select %and3A_365, %sub3A_366, %broadcast_in_dim3A_368 : vector<64x64xi1>, vector<64x64xf32>
    %reshape3A_370 = vector.shape_cast %select_n3A_369 : vector<64x64xf32> to vector<8x8x64xf32>
    %reduce_sum3A_371 = arith.constant dense<0.000000e+00> : vector<8x64xf32>
    %reduce_sum3A_372 = vector.multi_reduction <add>, %reshape3A_370, %reduce_sum3A_371 [0] : vector<8x8x64xf32> to vector<8x64xf32>
    %add3A_373 = arith.addf %add3A_187, %reduce_sum3A_372 : vector<8x64xf32>
    %get3A_374 = arith.constant 0 : index
    %get3A_375 = arith.constant 2 : index
    %get3A_376 = arith.constant 0 : index
    %get3A_377 = arith.constant 0 : index
    %get3A_378 = vector.load %arg3[%get3A_374, %get3A_375, %get3A_376, %get3A_377] : memref<2x8x64x64xi32, #tpu.memory_space<vmem>>, vector<1x1x64x64xi32>
    %get3A_379 = vector.shape_cast %get3A_378 : vector<1x1x64x64xi32> to vector<64x64xi32>
    %get3A_380 = arith.constant 0 : index
    %get3A_381 = arith.constant 2 : index
    %get3A_382 = arith.constant 0 : index
    %get3A_383 = arith.constant 0 : index
    %get3A_384 = vector.load %arg4[%get3A_380, %get3A_381, %get3A_382, %get3A_383] : memref<2x8x64x64xi32, #tpu.memory_space<vmem>>, vector<1x1x64x64xi32>
    %get3A_385 = vector.shape_cast %get3A_384 : vector<1x1x64x64xi32> to vector<64x64xi32>
    %gt3A_386 = arith.constant 0 : i32
    %gt3A_387 = vector.broadcast %gt3A_386 : i32 to vector<64x64xi32>
    %gt3A_388 = arith.cmpi sgt, %get3A_379, %gt3A_387 : vector<64x64xi32>
    %get3A_389 = arith.constant 0 : index
    %get3A_390 = arith.constant 2 : index
    %get3A_391 = arith.constant 0 : index
    %get3A_392 = arith.constant 0 : index
    %get3A_393 = vector.load %arg1[%get3A_389, %get3A_390, %get3A_391, %get3A_392] : memref<10x8x64x64xf32, #tpu.memory_space<vmem>>, vector<1x1x64x64xf32>
    %get3A_394 = vector.shape_cast %get3A_393 : vector<1x1x64x64xf32> to vector<64x64xf32>
    %get3A_395 = arith.constant 1 : index
    %get3A_396 = arith.constant 2 : index
    %get3A_397 = arith.constant 0 : index
    %get3A_398 = arith.constant 0 : index
    %get3A_399 = vector.load %arg1[%get3A_395, %get3A_396, %get3A_397, %get3A_398] : memref<10x8x64x64xf32, #tpu.memory_space<vmem>>, vector<1x1x64x64xf32>
    %get3A_400 = vector.shape_cast %get3A_399 : vector<1x1x64x64xf32> to vector<64x64xf32>
    %get3A_401 = arith.constant 2 : index
    %get3A_402 = arith.constant 2 : index
    %get3A_403 = arith.constant 0 : index
    %get3A_404 = arith.constant 0 : index
    %get3A_405 = vector.load %arg1[%get3A_401, %get3A_402, %get3A_403, %get3A_404] : memref<10x8x64x64xf32, #tpu.memory_space<vmem>>, vector<1x1x64x64xf32>
    %get3A_406 = vector.shape_cast %get3A_405 : vector<1x1x64x64xf32> to vector<64x64xf32>
    %get3A_407 = arith.constant 3 : index
    %get3A_408 = arith.constant 2 : index
    %get3A_409 = arith.constant 0 : index
    %get3A_410 = arith.constant 0 : index
    %get3A_411 = vector.load %arg1[%get3A_407, %get3A_408, %get3A_409, %get3A_410] : memref<10x8x64x64xf32, #tpu.memory_space<vmem>>, vector<1x1x64x64xf32>
    %get3A_412 = vector.shape_cast %get3A_411 : vector<1x1x64x64xf32> to vector<64x64xf32>
    %get3A_413 = arith.constant 4 : index
    %get3A_414 = arith.constant 2 : index
    %get3A_415 = arith.constant 0 : index
    %get3A_416 = arith.constant 0 : index
    %get3A_417 = vector.load %arg1[%get3A_413, %get3A_414, %get3A_415, %get3A_416] : memref<10x8x64x64xf32, #tpu.memory_space<vmem>>, vector<1x1x64x64xf32>
    %get3A_418 = vector.shape_cast %get3A_417 : vector<1x1x64x64xf32> to vector<64x64xf32>
    %max3A_419 = arith.maximumf %get3A_394, %get3A_400 : vector<64x64xf32>
    %max3A_420 = arith.maximumf %max3A_419, %get3A_406 : vector<64x64xf32>
    %max3A_421 = arith.maximumf %max3A_420, %get3A_412 : vector<64x64xf32>
    %max3A_422 = arith.maximumf %max3A_421, %get3A_418 : vector<64x64xf32>
    %sub3A_423 = arith.subf %get3A_394, %max3A_422 : vector<64x64xf32>
    %exp3A_424 = math.exp %sub3A_423 : vector<64x64xf32>
    %sub3A_425 = arith.subf %get3A_400, %max3A_422 : vector<64x64xf32>
    %exp3A_426 = math.exp %sub3A_425 : vector<64x64xf32>
    %add3A_427 = arith.addf %exp3A_424, %exp3A_426 : vector<64x64xf32>
    %sub3A_428 = arith.subf %get3A_406, %max3A_422 : vector<64x64xf32>
    %exp3A_429 = math.exp %sub3A_428 : vector<64x64xf32>
    %add3A_430 = arith.addf %add3A_427, %exp3A_429 : vector<64x64xf32>
    %sub3A_431 = arith.subf %get3A_412, %max3A_422 : vector<64x64xf32>
    %exp3A_432 = math.exp %sub3A_431 : vector<64x64xf32>
    %add3A_433 = arith.addf %add3A_430, %exp3A_432 : vector<64x64xf32>
    %sub3A_434 = arith.subf %get3A_418, %max3A_422 : vector<64x64xf32>
    %exp3A_435 = math.exp %sub3A_434 : vector<64x64xf32>
    %add3A_436 = arith.addf %add3A_433, %exp3A_435 : vector<64x64xf32>
    %log3A_437 = math.log %add3A_436 : vector<64x64xf32>
    %add3A_438 = arith.addf %max3A_422, %log3A_437 : vector<64x64xf32>
    %eq3A_439 = arith.constant 0 : i32
    %eq3A_440 = vector.broadcast %eq3A_439 : i32 to vector<64x64xi32>
    %eq3A_441 = arith.cmpi eq, %get3A_379, %eq3A_440 : vector<64x64xi32>
    %sub3A_442 = arith.subf %add3A_438, %get3A_394 : vector<64x64xf32>
    %jit3A_443 = arith.constant 0.000000e+00 : f32
    %broadcast_in_dim3A_444 = vector.broadcast %jit3A_443 : f32 to vector<64x64xf32>
    %select_n3A_445 = arith.select %eq3A_441, %sub3A_442, %broadcast_in_dim3A_444 : vector<64x64xi1>, vector<64x64xf32>
    %reshape3A_446 = vector.shape_cast %select_n3A_445 : vector<64x64xf32> to vector<8x8x64xf32>
    %reduce_sum3A_447 = arith.constant dense<0.000000e+00> : vector<8x64xf32>
    %reduce_sum3A_448 = vector.multi_reduction <add>, %reshape3A_446, %reduce_sum3A_447 [0] : vector<8x8x64xf32> to vector<8x64xf32>
    %add3A_449 = arith.addf %add3A_263, %reduce_sum3A_448 : vector<8x64xf32>
    %eq3A_450 = arith.constant 1 : i32
    %eq3A_451 = vector.broadcast %eq3A_450 : i32 to vector<64x64xi32>
    %eq3A_452 = arith.cmpi eq, %get3A_379, %eq3A_451 : vector<64x64xi32>
    %sub3A_453 = arith.subf %add3A_438, %get3A_400 : vector<64x64xf32>
    %jit3A_454 = arith.constant 0.000000e+00 : f32
    %broadcast_in_dim3A_455 = vector.broadcast %jit3A_454 : f32 to vector<64x64xf32>
    %select_n3A_456 = arith.select %eq3A_452, %sub3A_453, %broadcast_in_dim3A_455 : vector<64x64xi1>, vector<64x64xf32>
    %reshape3A_457 = vector.shape_cast %select_n3A_456 : vector<64x64xf32> to vector<8x8x64xf32>
    %reduce_sum3A_458 = arith.constant dense<0.000000e+00> : vector<8x64xf32>
    %reduce_sum3A_459 = vector.multi_reduction <add>, %reshape3A_457, %reduce_sum3A_458 [0] : vector<8x8x64xf32> to vector<8x64xf32>
    %add3A_460 = arith.addf %add3A_274, %reduce_sum3A_459 : vector<8x64xf32>
    %eq3A_461 = arith.constant 2 : i32
    %eq3A_462 = vector.broadcast %eq3A_461 : i32 to vector<64x64xi32>
    %eq3A_463 = arith.cmpi eq, %get3A_379, %eq3A_462 : vector<64x64xi32>
    %sub3A_464 = arith.subf %add3A_438, %get3A_406 : vector<64x64xf32>
    %jit3A_465 = arith.constant 0.000000e+00 : f32
    %broadcast_in_dim3A_466 = vector.broadcast %jit3A_465 : f32 to vector<64x64xf32>
    %select_n3A_467 = arith.select %eq3A_463, %sub3A_464, %broadcast_in_dim3A_466 : vector<64x64xi1>, vector<64x64xf32>
    %reshape3A_468 = vector.shape_cast %select_n3A_467 : vector<64x64xf32> to vector<8x8x64xf32>
    %reduce_sum3A_469 = arith.constant dense<0.000000e+00> : vector<8x64xf32>
    %reduce_sum3A_470 = vector.multi_reduction <add>, %reshape3A_468, %reduce_sum3A_469 [0] : vector<8x8x64xf32> to vector<8x64xf32>
    %add3A_471 = arith.addf %add3A_285, %reduce_sum3A_470 : vector<8x64xf32>
    %eq3A_472 = arith.constant 3 : i32
    %eq3A_473 = vector.broadcast %eq3A_472 : i32 to vector<64x64xi32>
    %eq3A_474 = arith.cmpi eq, %get3A_379, %eq3A_473 : vector<64x64xi32>
    %sub3A_475 = arith.subf %add3A_438, %get3A_412 : vector<64x64xf32>
    %jit3A_476 = arith.constant 0.000000e+00 : f32
    %broadcast_in_dim3A_477 = vector.broadcast %jit3A_476 : f32 to vector<64x64xf32>
    %select_n3A_478 = arith.select %eq3A_474, %sub3A_475, %broadcast_in_dim3A_477 : vector<64x64xi1>, vector<64x64xf32>
    %reshape3A_479 = vector.shape_cast %select_n3A_478 : vector<64x64xf32> to vector<8x8x64xf32>
    %reduce_sum3A_480 = arith.constant dense<0.000000e+00> : vector<8x64xf32>
    %reduce_sum3A_481 = vector.multi_reduction <add>, %reshape3A_479, %reduce_sum3A_480 [0] : vector<8x8x64xf32> to vector<8x64xf32>
    %add3A_482 = arith.addf %add3A_296, %reduce_sum3A_481 : vector<8x64xf32>
    %eq3A_483 = arith.constant 4 : i32
    %eq3A_484 = vector.broadcast %eq3A_483 : i32 to vector<64x64xi32>
    %eq3A_485 = arith.cmpi eq, %get3A_379, %eq3A_484 : vector<64x64xi32>
    %sub3A_486 = arith.subf %add3A_438, %get3A_418 : vector<64x64xf32>
    %jit3A_487 = arith.constant 0.000000e+00 : f32
    %broadcast_in_dim3A_488 = vector.broadcast %jit3A_487 : f32 to vector<64x64xf32>
    %select_n3A_489 = arith.select %eq3A_485, %sub3A_486, %broadcast_in_dim3A_488 : vector<64x64xi1>, vector<64x64xf32>
    %reshape3A_490 = vector.shape_cast %select_n3A_489 : vector<64x64xf32> to vector<8x8x64xf32>
    %reduce_sum3A_491 = arith.constant dense<0.000000e+00> : vector<8x64xf32>
    %reduce_sum3A_492 = vector.multi_reduction <add>, %reshape3A_490, %reduce_sum3A_491 [0] : vector<8x8x64xf32> to vector<8x64xf32>
    %add3A_493 = arith.addf %add3A_307, %reduce_sum3A_492 : vector<8x64xf32>
    %get3A_494 = arith.constant 0 : index
    %get3A_495 = arith.constant 2 : index
    %get3A_496 = arith.constant 0 : index
    %get3A_497 = arith.constant 0 : index
    %get3A_498 = vector.load %arg2[%get3A_494, %get3A_495, %get3A_496, %get3A_497] : memref<6x8x64x64xf32, #tpu.memory_space<vmem>>, vector<1x1x64x64xf32>
    %get3A_499 = vector.shape_cast %get3A_498 : vector<1x1x64x64xf32> to vector<64x64xf32>
    %get3A_500 = arith.constant 1 : index
    %get3A_501 = arith.constant 2 : index
    %get3A_502 = arith.constant 0 : index
    %get3A_503 = arith.constant 0 : index
    %get3A_504 = vector.load %arg2[%get3A_500, %get3A_501, %get3A_502, %get3A_503] : memref<6x8x64x64xf32, #tpu.memory_space<vmem>>, vector<1x1x64x64xf32>
    %get3A_505 = vector.shape_cast %get3A_504 : vector<1x1x64x64xf32> to vector<64x64xf32>
    %get3A_506 = arith.constant 2 : index
    %get3A_507 = arith.constant 2 : index
    %get3A_508 = arith.constant 0 : index
    %get3A_509 = arith.constant 0 : index
    %get3A_510 = vector.load %arg2[%get3A_506, %get3A_507, %get3A_508, %get3A_509] : memref<6x8x64x64xf32, #tpu.memory_space<vmem>>, vector<1x1x64x64xf32>
    %get3A_511 = vector.shape_cast %get3A_510 : vector<1x1x64x64xf32> to vector<64x64xf32>
    %max3A_512 = arith.maximumf %get3A_499, %get3A_505 : vector<64x64xf32>
    %max3A_513 = arith.maximumf %max3A_512, %get3A_511 : vector<64x64xf32>
    %sub3A_514 = arith.subf %get3A_499, %max3A_513 : vector<64x64xf32>
    %exp3A_515 = math.exp %sub3A_514 : vector<64x64xf32>
    %sub3A_516 = arith.subf %get3A_505, %max3A_513 : vector<64x64xf32>
    %exp3A_517 = math.exp %sub3A_516 : vector<64x64xf32>
    %add3A_518 = arith.addf %exp3A_515, %exp3A_517 : vector<64x64xf32>
    %sub3A_519 = arith.subf %get3A_511, %max3A_513 : vector<64x64xf32>
    %exp3A_520 = math.exp %sub3A_519 : vector<64x64xf32>
    %add3A_521 = arith.addf %add3A_518, %exp3A_520 : vector<64x64xf32>
    %log3A_522 = math.log %add3A_521 : vector<64x64xf32>
    %add3A_523 = arith.addf %max3A_513, %log3A_522 : vector<64x64xf32>
    %eq3A_524 = arith.constant 0 : i32
    %eq3A_525 = vector.broadcast %eq3A_524 : i32 to vector<64x64xi32>
    %eq3A_526 = arith.cmpi eq, %get3A_385, %eq3A_525 : vector<64x64xi32>
    %and3A_527 = arith.andi %eq3A_526, %gt3A_388 : vector<64x64xi1>
    %sub3A_528 = arith.subf %add3A_523, %get3A_499 : vector<64x64xf32>
    %jit3A_529 = arith.constant 0.000000e+00 : f32
    %broadcast_in_dim3A_530 = vector.broadcast %jit3A_529 : f32 to vector<64x64xf32>
    %select_n3A_531 = arith.select %and3A_527, %sub3A_528, %broadcast_in_dim3A_530 : vector<64x64xi1>, vector<64x64xf32>
    %reshape3A_532 = vector.shape_cast %select_n3A_531 : vector<64x64xf32> to vector<8x8x64xf32>
    %reduce_sum3A_533 = arith.constant dense<0.000000e+00> : vector<8x64xf32>
    %reduce_sum3A_534 = vector.multi_reduction <add>, %reshape3A_532, %reduce_sum3A_533 [0] : vector<8x8x64xf32> to vector<8x64xf32>
    %add3A_535 = arith.addf %add3A_349, %reduce_sum3A_534 : vector<8x64xf32>
    %eq3A_536 = arith.constant 1 : i32
    %eq3A_537 = vector.broadcast %eq3A_536 : i32 to vector<64x64xi32>
    %eq3A_538 = arith.cmpi eq, %get3A_385, %eq3A_537 : vector<64x64xi32>
    %and3A_539 = arith.andi %eq3A_538, %gt3A_388 : vector<64x64xi1>
    %sub3A_540 = arith.subf %add3A_523, %get3A_505 : vector<64x64xf32>
    %jit3A_541 = arith.constant 0.000000e+00 : f32
    %broadcast_in_dim3A_542 = vector.broadcast %jit3A_541 : f32 to vector<64x64xf32>
    %select_n3A_543 = arith.select %and3A_539, %sub3A_540, %broadcast_in_dim3A_542 : vector<64x64xi1>, vector<64x64xf32>
    %reshape3A_544 = vector.shape_cast %select_n3A_543 : vector<64x64xf32> to vector<8x8x64xf32>
    %reduce_sum3A_545 = arith.constant dense<0.000000e+00> : vector<8x64xf32>
    %reduce_sum3A_546 = vector.multi_reduction <add>, %reshape3A_544, %reduce_sum3A_545 [0] : vector<8x8x64xf32> to vector<8x64xf32>
    %add3A_547 = arith.addf %add3A_361, %reduce_sum3A_546 : vector<8x64xf32>
    %eq3A_548 = arith.constant 2 : i32
    %eq3A_549 = vector.broadcast %eq3A_548 : i32 to vector<64x64xi32>
    %eq3A_550 = arith.cmpi eq, %get3A_385, %eq3A_549 : vector<64x64xi32>
    %and3A_551 = arith.andi %eq3A_550, %gt3A_388 : vector<64x64xi1>
    %sub3A_552 = arith.subf %add3A_523, %get3A_511 : vector<64x64xf32>
    %jit3A_553 = arith.constant 0.000000e+00 : f32
    %broadcast_in_dim3A_554 = vector.broadcast %jit3A_553 : f32 to vector<64x64xf32>
    %select_n3A_555 = arith.select %and3A_551, %sub3A_552, %broadcast_in_dim3A_554 : vector<64x64xi1>, vector<64x64xf32>
    %reshape3A_556 = vector.shape_cast %select_n3A_555 : vector<64x64xf32> to vector<8x8x64xf32>
    %reduce_sum3A_557 = arith.constant dense<0.000000e+00> : vector<8x64xf32>
    %reduce_sum3A_558 = vector.multi_reduction <add>, %reshape3A_556, %reduce_sum3A_557 [0] : vector<8x8x64xf32> to vector<8x64xf32>
    %add3A_559 = arith.addf %add3A_373, %reduce_sum3A_558 : vector<8x64xf32>
    %get3A_560 = arith.constant 0 : index
    %get3A_561 = arith.constant 3 : index
    %get3A_562 = arith.constant 0 : index
    %get3A_563 = arith.constant 0 : index
    %get3A_564 = vector.load %arg3[%get3A_560, %get3A_561, %get3A_562, %get3A_563] : memref<2x8x64x64xi32, #tpu.memory_space<vmem>>, vector<1x1x64x64xi32>
    %get3A_565 = vector.shape_cast %get3A_564 : vector<1x1x64x64xi32> to vector<64x64xi32>
    %get3A_566 = arith.constant 0 : index
    %get3A_567 = arith.constant 3 : index
    %get3A_568 = arith.constant 0 : index
    %get3A_569 = arith.constant 0 : index
    %get3A_570 = vector.load %arg4[%get3A_566, %get3A_567, %get3A_568, %get3A_569] : memref<2x8x64x64xi32, #tpu.memory_space<vmem>>, vector<1x1x64x64xi32>
    %get3A_571 = vector.shape_cast %get3A_570 : vector<1x1x64x64xi32> to vector<64x64xi32>
    %gt3A_572 = arith.constant 0 : i32
    %gt3A_573 = vector.broadcast %gt3A_572 : i32 to vector<64x64xi32>
    %gt3A_574 = arith.cmpi sgt, %get3A_565, %gt3A_573 : vector<64x64xi32>
    %get3A_575 = arith.constant 0 : index
    %get3A_576 = arith.constant 3 : index
    %get3A_577 = arith.constant 0 : index
    %get3A_578 = arith.constant 0 : index
    %get3A_579 = vector.load %arg1[%get3A_575, %get3A_576, %get3A_577, %get3A_578] : memref<10x8x64x64xf32, #tpu.memory_space<vmem>>, vector<1x1x64x64xf32>
    %get3A_580 = vector.shape_cast %get3A_579 : vector<1x1x64x64xf32> to vector<64x64xf32>
    %get3A_581 = arith.constant 1 : index
    %get3A_582 = arith.constant 3 : index
    %get3A_583 = arith.constant 0 : index
    %get3A_584 = arith.constant 0 : index
    %get3A_585 = vector.load %arg1[%get3A_581, %get3A_582, %get3A_583, %get3A_584] : memref<10x8x64x64xf32, #tpu.memory_space<vmem>>, vector<1x1x64x64xf32>
    %get3A_586 = vector.shape_cast %get3A_585 : vector<1x1x64x64xf32> to vector<64x64xf32>
    %get3A_587 = arith.constant 2 : index
    %get3A_588 = arith.constant 3 : index
    %get3A_589 = arith.constant 0 : index
    %get3A_590 = arith.constant 0 : index
    %get3A_591 = vector.load %arg1[%get3A_587, %get3A_588, %get3A_589, %get3A_590] : memref<10x8x64x64xf32, #tpu.memory_space<vmem>>, vector<1x1x64x64xf32>
    %get3A_592 = vector.shape_cast %get3A_591 : vector<1x1x64x64xf32> to vector<64x64xf32>
    %get3A_593 = arith.constant 3 : index
    %get3A_594 = arith.constant 3 : index
    %get3A_595 = arith.constant 0 : index
    %get3A_596 = arith.constant 0 : index
    %get3A_597 = vector.load %arg1[%get3A_593, %get3A_594, %get3A_595, %get3A_596] : memref<10x8x64x64xf32, #tpu.memory_space<vmem>>, vector<1x1x64x64xf32>
    %get3A_598 = vector.shape_cast %get3A_597 : vector<1x1x64x64xf32> to vector<64x64xf32>
    %get3A_599 = arith.constant 4 : index
    %get3A_600 = arith.constant 3 : index
    %get3A_601 = arith.constant 0 : index
    %get3A_602 = arith.constant 0 : index
    %get3A_603 = vector.load %arg1[%get3A_599, %get3A_600, %get3A_601, %get3A_602] : memref<10x8x64x64xf32, #tpu.memory_space<vmem>>, vector<1x1x64x64xf32>
    %get3A_604 = vector.shape_cast %get3A_603 : vector<1x1x64x64xf32> to vector<64x64xf32>
    %max3A_605 = arith.maximumf %get3A_580, %get3A_586 : vector<64x64xf32>
    %max3A_606 = arith.maximumf %max3A_605, %get3A_592 : vector<64x64xf32>
    %max3A_607 = arith.maximumf %max3A_606, %get3A_598 : vector<64x64xf32>
    %max3A_608 = arith.maximumf %max3A_607, %get3A_604 : vector<64x64xf32>
    %sub3A_609 = arith.subf %get3A_580, %max3A_608 : vector<64x64xf32>
    %exp3A_610 = math.exp %sub3A_609 : vector<64x64xf32>
    %sub3A_611 = arith.subf %get3A_586, %max3A_608 : vector<64x64xf32>
    %exp3A_612 = math.exp %sub3A_611 : vector<64x64xf32>
    %add3A_613 = arith.addf %exp3A_610, %exp3A_612 : vector<64x64xf32>
    %sub3A_614 = arith.subf %get3A_592, %max3A_608 : vector<64x64xf32>
    %exp3A_615 = math.exp %sub3A_614 : vector<64x64xf32>
    %add3A_616 = arith.addf %add3A_613, %exp3A_615 : vector<64x64xf32>
    %sub3A_617 = arith.subf %get3A_598, %max3A_608 : vector<64x64xf32>
    %exp3A_618 = math.exp %sub3A_617 : vector<64x64xf32>
    %add3A_619 = arith.addf %add3A_616, %exp3A_618 : vector<64x64xf32>
    %sub3A_620 = arith.subf %get3A_604, %max3A_608 : vector<64x64xf32>
    %exp3A_621 = math.exp %sub3A_620 : vector<64x64xf32>
    %add3A_622 = arith.addf %add3A_619, %exp3A_621 : vector<64x64xf32>
    %log3A_623 = math.log %add3A_622 : vector<64x64xf32>
    %add3A_624 = arith.addf %max3A_608, %log3A_623 : vector<64x64xf32>
    %eq3A_625 = arith.constant 0 : i32
    %eq3A_626 = vector.broadcast %eq3A_625 : i32 to vector<64x64xi32>
    %eq3A_627 = arith.cmpi eq, %get3A_565, %eq3A_626 : vector<64x64xi32>
    %sub3A_628 = arith.subf %add3A_624, %get3A_580 : vector<64x64xf32>
    %jit3A_629 = arith.constant 0.000000e+00 : f32
    %broadcast_in_dim3A_630 = vector.broadcast %jit3A_629 : f32 to vector<64x64xf32>
    %select_n3A_631 = arith.select %eq3A_627, %sub3A_628, %broadcast_in_dim3A_630 : vector<64x64xi1>, vector<64x64xf32>
    %reshape3A_632 = vector.shape_cast %select_n3A_631 : vector<64x64xf32> to vector<8x8x64xf32>
    %reduce_sum3A_633 = arith.constant dense<0.000000e+00> : vector<8x64xf32>
    %reduce_sum3A_634 = vector.multi_reduction <add>, %reshape3A_632, %reduce_sum3A_633 [0] : vector<8x8x64xf32> to vector<8x64xf32>
    %add3A_635 = arith.addf %add3A_449, %reduce_sum3A_634 : vector<8x64xf32>
    %eq3A_636 = arith.constant 1 : i32
    %eq3A_637 = vector.broadcast %eq3A_636 : i32 to vector<64x64xi32>
    %eq3A_638 = arith.cmpi eq, %get3A_565, %eq3A_637 : vector<64x64xi32>
    %sub3A_639 = arith.subf %add3A_624, %get3A_586 : vector<64x64xf32>
    %jit3A_640 = arith.constant 0.000000e+00 : f32
    %broadcast_in_dim3A_641 = vector.broadcast %jit3A_640 : f32 to vector<64x64xf32>
    %select_n3A_642 = arith.select %eq3A_638, %sub3A_639, %broadcast_in_dim3A_641 : vector<64x64xi1>, vector<64x64xf32>
    %reshape3A_643 = vector.shape_cast %select_n3A_642 : vector<64x64xf32> to vector<8x8x64xf32>
    %reduce_sum3A_644 = arith.constant dense<0.000000e+00> : vector<8x64xf32>
    %reduce_sum3A_645 = vector.multi_reduction <add>, %reshape3A_643, %reduce_sum3A_644 [0] : vector<8x8x64xf32> to vector<8x64xf32>
    %add3A_646 = arith.addf %add3A_460, %reduce_sum3A_645 : vector<8x64xf32>
    %eq3A_647 = arith.constant 2 : i32
    %eq3A_648 = vector.broadcast %eq3A_647 : i32 to vector<64x64xi32>
    %eq3A_649 = arith.cmpi eq, %get3A_565, %eq3A_648 : vector<64x64xi32>
    %sub3A_650 = arith.subf %add3A_624, %get3A_592 : vector<64x64xf32>
    %jit3A_651 = arith.constant 0.000000e+00 : f32
    %broadcast_in_dim3A_652 = vector.broadcast %jit3A_651 : f32 to vector<64x64xf32>
    %select_n3A_653 = arith.select %eq3A_649, %sub3A_650, %broadcast_in_dim3A_652 : vector<64x64xi1>, vector<64x64xf32>
    %reshape3A_654 = vector.shape_cast %select_n3A_653 : vector<64x64xf32> to vector<8x8x64xf32>
    %reduce_sum3A_655 = arith.constant dense<0.000000e+00> : vector<8x64xf32>
    %reduce_sum3A_656 = vector.multi_reduction <add>, %reshape3A_654, %reduce_sum3A_655 [0] : vector<8x8x64xf32> to vector<8x64xf32>
    %add3A_657 = arith.addf %add3A_471, %reduce_sum3A_656 : vector<8x64xf32>
    %eq3A_658 = arith.constant 3 : i32
    %eq3A_659 = vector.broadcast %eq3A_658 : i32 to vector<64x64xi32>
    %eq3A_660 = arith.cmpi eq, %get3A_565, %eq3A_659 : vector<64x64xi32>
    %sub3A_661 = arith.subf %add3A_624, %get3A_598 : vector<64x64xf32>
    %jit3A_662 = arith.constant 0.000000e+00 : f32
    %broadcast_in_dim3A_663 = vector.broadcast %jit3A_662 : f32 to vector<64x64xf32>
    %select_n3A_664 = arith.select %eq3A_660, %sub3A_661, %broadcast_in_dim3A_663 : vector<64x64xi1>, vector<64x64xf32>
    %reshape3A_665 = vector.shape_cast %select_n3A_664 : vector<64x64xf32> to vector<8x8x64xf32>
    %reduce_sum3A_666 = arith.constant dense<0.000000e+00> : vector<8x64xf32>
    %reduce_sum3A_667 = vector.multi_reduction <add>, %reshape3A_665, %reduce_sum3A_666 [0] : vector<8x8x64xf32> to vector<8x64xf32>
    %add3A_668 = arith.addf %add3A_482, %reduce_sum3A_667 : vector<8x64xf32>
    %eq3A_669 = arith.constant 4 : i32
    %eq3A_670 = vector.broadcast %eq3A_669 : i32 to vector<64x64xi32>
    %eq3A_671 = arith.cmpi eq, %get3A_565, %eq3A_670 : vector<64x64xi32>
    %sub3A_672 = arith.subf %add3A_624, %get3A_604 : vector<64x64xf32>
    %jit3A_673 = arith.constant 0.000000e+00 : f32
    %broadcast_in_dim3A_674 = vector.broadcast %jit3A_673 : f32 to vector<64x64xf32>
    %select_n3A_675 = arith.select %eq3A_671, %sub3A_672, %broadcast_in_dim3A_674 : vector<64x64xi1>, vector<64x64xf32>
    %reshape3A_676 = vector.shape_cast %select_n3A_675 : vector<64x64xf32> to vector<8x8x64xf32>
    %reduce_sum3A_677 = arith.constant dense<0.000000e+00> : vector<8x64xf32>
    %reduce_sum3A_678 = vector.multi_reduction <add>, %reshape3A_676, %reduce_sum3A_677 [0] : vector<8x8x64xf32> to vector<8x64xf32>
    %add3A_679 = arith.addf %add3A_493, %reduce_sum3A_678 : vector<8x64xf32>
    %get3A_680 = arith.constant 0 : index
    %get3A_681 = arith.constant 3 : index
    %get3A_682 = arith.constant 0 : index
    %get3A_683 = arith.constant 0 : index
    %get3A_684 = vector.load %arg2[%get3A_680, %get3A_681, %get3A_682, %get3A_683] : memref<6x8x64x64xf32, #tpu.memory_space<vmem>>, vector<1x1x64x64xf32>
    %get3A_685 = vector.shape_cast %get3A_684 : vector<1x1x64x64xf32> to vector<64x64xf32>
    %get3A_686 = arith.constant 1 : index
    %get3A_687 = arith.constant 3 : index
    %get3A_688 = arith.constant 0 : index
    %get3A_689 = arith.constant 0 : index
    %get3A_690 = vector.load %arg2[%get3A_686, %get3A_687, %get3A_688, %get3A_689] : memref<6x8x64x64xf32, #tpu.memory_space<vmem>>, vector<1x1x64x64xf32>
    %get3A_691 = vector.shape_cast %get3A_690 : vector<1x1x64x64xf32> to vector<64x64xf32>
    %get3A_692 = arith.constant 2 : index
    %get3A_693 = arith.constant 3 : index
    %get3A_694 = arith.constant 0 : index
    %get3A_695 = arith.constant 0 : index
    %get3A_696 = vector.load %arg2[%get3A_692, %get3A_693, %get3A_694, %get3A_695] : memref<6x8x64x64xf32, #tpu.memory_space<vmem>>, vector<1x1x64x64xf32>
    %get3A_697 = vector.shape_cast %get3A_696 : vector<1x1x64x64xf32> to vector<64x64xf32>
    %max3A_698 = arith.maximumf %get3A_685, %get3A_691 : vector<64x64xf32>
    %max3A_699 = arith.maximumf %max3A_698, %get3A_697 : vector<64x64xf32>
    %sub3A_700 = arith.subf %get3A_685, %max3A_699 : vector<64x64xf32>
    %exp3A_701 = math.exp %sub3A_700 : vector<64x64xf32>
    %sub3A_702 = arith.subf %get3A_691, %max3A_699 : vector<64x64xf32>
    %exp3A_703 = math.exp %sub3A_702 : vector<64x64xf32>
    %add3A_704 = arith.addf %exp3A_701, %exp3A_703 : vector<64x64xf32>
    %sub3A_705 = arith.subf %get3A_697, %max3A_699 : vector<64x64xf32>
    %exp3A_706 = math.exp %sub3A_705 : vector<64x64xf32>
    %add3A_707 = arith.addf %add3A_704, %exp3A_706 : vector<64x64xf32>
    %log3A_708 = math.log %add3A_707 : vector<64x64xf32>
    %add3A_709 = arith.addf %max3A_699, %log3A_708 : vector<64x64xf32>
    %eq3A_710 = arith.constant 0 : i32
    %eq3A_711 = vector.broadcast %eq3A_710 : i32 to vector<64x64xi32>
    %eq3A_712 = arith.cmpi eq, %get3A_571, %eq3A_711 : vector<64x64xi32>
    %and3A_713 = arith.andi %eq3A_712, %gt3A_574 : vector<64x64xi1>
    %sub3A_714 = arith.subf %add3A_709, %get3A_685 : vector<64x64xf32>
    %jit3A_715 = arith.constant 0.000000e+00 : f32
    %broadcast_in_dim3A_716 = vector.broadcast %jit3A_715 : f32 to vector<64x64xf32>
    %select_n3A_717 = arith.select %and3A_713, %sub3A_714, %broadcast_in_dim3A_716 : vector<64x64xi1>, vector<64x64xf32>
    %reshape3A_718 = vector.shape_cast %select_n3A_717 : vector<64x64xf32> to vector<8x8x64xf32>
    %reduce_sum3A_719 = arith.constant dense<0.000000e+00> : vector<8x64xf32>
    %reduce_sum3A_720 = vector.multi_reduction <add>, %reshape3A_718, %reduce_sum3A_719 [0] : vector<8x8x64xf32> to vector<8x64xf32>
    %add3A_721 = arith.addf %add3A_535, %reduce_sum3A_720 : vector<8x64xf32>
    %eq3A_722 = arith.constant 1 : i32
    %eq3A_723 = vector.broadcast %eq3A_722 : i32 to vector<64x64xi32>
    %eq3A_724 = arith.cmpi eq, %get3A_571, %eq3A_723 : vector<64x64xi32>
    %and3A_725 = arith.andi %eq3A_724, %gt3A_574 : vector<64x64xi1>
    %sub3A_726 = arith.subf %add3A_709, %get3A_691 : vector<64x64xf32>
    %jit3A_727 = arith.constant 0.000000e+00 : f32
    %broadcast_in_dim3A_728 = vector.broadcast %jit3A_727 : f32 to vector<64x64xf32>
    %select_n3A_729 = arith.select %and3A_725, %sub3A_726, %broadcast_in_dim3A_728 : vector<64x64xi1>, vector<64x64xf32>
    %reshape3A_730 = vector.shape_cast %select_n3A_729 : vector<64x64xf32> to vector<8x8x64xf32>
    %reduce_sum3A_731 = arith.constant dense<0.000000e+00> : vector<8x64xf32>
    %reduce_sum3A_732 = vector.multi_reduction <add>, %reshape3A_730, %reduce_sum3A_731 [0] : vector<8x8x64xf32> to vector<8x64xf32>
    %add3A_733 = arith.addf %add3A_547, %reduce_sum3A_732 : vector<8x64xf32>
    %eq3A_734 = arith.constant 2 : i32
    %eq3A_735 = vector.broadcast %eq3A_734 : i32 to vector<64x64xi32>
    %eq3A_736 = arith.cmpi eq, %get3A_571, %eq3A_735 : vector<64x64xi32>
    %and3A_737 = arith.andi %eq3A_736, %gt3A_574 : vector<64x64xi1>
    %sub3A_738 = arith.subf %add3A_709, %get3A_697 : vector<64x64xf32>
    %jit3A_739 = arith.constant 0.000000e+00 : f32
    %broadcast_in_dim3A_740 = vector.broadcast %jit3A_739 : f32 to vector<64x64xf32>
    %select_n3A_741 = arith.select %and3A_737, %sub3A_738, %broadcast_in_dim3A_740 : vector<64x64xi1>, vector<64x64xf32>
    %reshape3A_742 = vector.shape_cast %select_n3A_741 : vector<64x64xf32> to vector<8x8x64xf32>
    %reduce_sum3A_743 = arith.constant dense<0.000000e+00> : vector<8x64xf32>
    %reduce_sum3A_744 = vector.multi_reduction <add>, %reshape3A_742, %reduce_sum3A_743 [0] : vector<8x8x64xf32> to vector<8x64xf32>
    %add3A_745 = arith.addf %add3A_559, %reduce_sum3A_744 : vector<8x64xf32>
    %get3A_746 = arith.constant 0 : index
    %get3A_747 = arith.constant 4 : index
    %get3A_748 = arith.constant 0 : index
    %get3A_749 = arith.constant 0 : index
    %get3A_750 = vector.load %arg3[%get3A_746, %get3A_747, %get3A_748, %get3A_749] : memref<2x8x64x64xi32, #tpu.memory_space<vmem>>, vector<1x1x64x64xi32>
    %get3A_751 = vector.shape_cast %get3A_750 : vector<1x1x64x64xi32> to vector<64x64xi32>
    %get3A_752 = arith.constant 0 : index
    %get3A_753 = arith.constant 4 : index
    %get3A_754 = arith.constant 0 : index
    %get3A_755 = arith.constant 0 : index
    %get3A_756 = vector.load %arg4[%get3A_752, %get3A_753, %get3A_754, %get3A_755] : memref<2x8x64x64xi32, #tpu.memory_space<vmem>>, vector<1x1x64x64xi32>
    %get3A_757 = vector.shape_cast %get3A_756 : vector<1x1x64x64xi32> to vector<64x64xi32>
    %gt3A_758 = arith.constant 0 : i32
    %gt3A_759 = vector.broadcast %gt3A_758 : i32 to vector<64x64xi32>
    %gt3A_760 = arith.cmpi sgt, %get3A_751, %gt3A_759 : vector<64x64xi32>
    %get3A_761 = arith.constant 0 : index
    %get3A_762 = arith.constant 4 : index
    %get3A_763 = arith.constant 0 : index
    %get3A_764 = arith.constant 0 : index
    %get3A_765 = vector.load %arg1[%get3A_761, %get3A_762, %get3A_763, %get3A_764] : memref<10x8x64x64xf32, #tpu.memory_space<vmem>>, vector<1x1x64x64xf32>
    %get3A_766 = vector.shape_cast %get3A_765 : vector<1x1x64x64xf32> to vector<64x64xf32>
    %get3A_767 = arith.constant 1 : index
    %get3A_768 = arith.constant 4 : index
    %get3A_769 = arith.constant 0 : index
    %get3A_770 = arith.constant 0 : index
    %get3A_771 = vector.load %arg1[%get3A_767, %get3A_768, %get3A_769, %get3A_770] : memref<10x8x64x64xf32, #tpu.memory_space<vmem>>, vector<1x1x64x64xf32>
    %get3A_772 = vector.shape_cast %get3A_771 : vector<1x1x64x64xf32> to vector<64x64xf32>
    %get3A_773 = arith.constant 2 : index
    %get3A_774 = arith.constant 4 : index
    %get3A_775 = arith.constant 0 : index
    %get3A_776 = arith.constant 0 : index
    %get3A_777 = vector.load %arg1[%get3A_773, %get3A_774, %get3A_775, %get3A_776] : memref<10x8x64x64xf32, #tpu.memory_space<vmem>>, vector<1x1x64x64xf32>
    %get3A_778 = vector.shape_cast %get3A_777 : vector<1x1x64x64xf32> to vector<64x64xf32>
    %get3A_779 = arith.constant 3 : index
    %get3A_780 = arith.constant 4 : index
    %get3A_781 = arith.constant 0 : index
    %get3A_782 = arith.constant 0 : index
    %get3A_783 = vector.load %arg1[%get3A_779, %get3A_780, %get3A_781, %get3A_782] : memref<10x8x64x64xf32, #tpu.memory_space<vmem>>, vector<1x1x64x64xf32>
    %get3A_784 = vector.shape_cast %get3A_783 : vector<1x1x64x64xf32> to vector<64x64xf32>
    %get3A_785 = arith.constant 4 : index
    %get3A_786 = arith.constant 4 : index
    %get3A_787 = arith.constant 0 : index
    %get3A_788 = arith.constant 0 : index
    %get3A_789 = vector.load %arg1[%get3A_785, %get3A_786, %get3A_787, %get3A_788] : memref<10x8x64x64xf32, #tpu.memory_space<vmem>>, vector<1x1x64x64xf32>
    %get3A_790 = vector.shape_cast %get3A_789 : vector<1x1x64x64xf32> to vector<64x64xf32>
    %max3A_791 = arith.maximumf %get3A_766, %get3A_772 : vector<64x64xf32>
    %max3A_792 = arith.maximumf %max3A_791, %get3A_778 : vector<64x64xf32>
    %max3A_793 = arith.maximumf %max3A_792, %get3A_784 : vector<64x64xf32>
    %max3A_794 = arith.maximumf %max3A_793, %get3A_790 : vector<64x64xf32>
    %sub3A_795 = arith.subf %get3A_766, %max3A_794 : vector<64x64xf32>
    %exp3A_796 = math.exp %sub3A_795 : vector<64x64xf32>
    %sub3A_797 = arith.subf %get3A_772, %max3A_794 : vector<64x64xf32>
    %exp3A_798 = math.exp %sub3A_797 : vector<64x64xf32>
    %add3A_799 = arith.addf %exp3A_796, %exp3A_798 : vector<64x64xf32>
    %sub3A_800 = arith.subf %get3A_778, %max3A_794 : vector<64x64xf32>
    %exp3A_801 = math.exp %sub3A_800 : vector<64x64xf32>
    %add3A_802 = arith.addf %add3A_799, %exp3A_801 : vector<64x64xf32>
    %sub3A_803 = arith.subf %get3A_784, %max3A_794 : vector<64x64xf32>
    %exp3A_804 = math.exp %sub3A_803 : vector<64x64xf32>
    %add3A_805 = arith.addf %add3A_802, %exp3A_804 : vector<64x64xf32>
    %sub3A_806 = arith.subf %get3A_790, %max3A_794 : vector<64x64xf32>
    %exp3A_807 = math.exp %sub3A_806 : vector<64x64xf32>
    %add3A_808 = arith.addf %add3A_805, %exp3A_807 : vector<64x64xf32>
    %log3A_809 = math.log %add3A_808 : vector<64x64xf32>
    %add3A_810 = arith.addf %max3A_794, %log3A_809 : vector<64x64xf32>
    %eq3A_811 = arith.constant 0 : i32
    %eq3A_812 = vector.broadcast %eq3A_811 : i32 to vector<64x64xi32>
    %eq3A_813 = arith.cmpi eq, %get3A_751, %eq3A_812 : vector<64x64xi32>
    %sub3A_814 = arith.subf %add3A_810, %get3A_766 : vector<64x64xf32>
    %jit3A_815 = arith.constant 0.000000e+00 : f32
    %broadcast_in_dim3A_816 = vector.broadcast %jit3A_815 : f32 to vector<64x64xf32>
    %select_n3A_817 = arith.select %eq3A_813, %sub3A_814, %broadcast_in_dim3A_816 : vector<64x64xi1>, vector<64x64xf32>
    %reshape3A_818 = vector.shape_cast %select_n3A_817 : vector<64x64xf32> to vector<8x8x64xf32>
    %reduce_sum3A_819 = arith.constant dense<0.000000e+00> : vector<8x64xf32>
    %reduce_sum3A_820 = vector.multi_reduction <add>, %reshape3A_818, %reduce_sum3A_819 [0] : vector<8x8x64xf32> to vector<8x64xf32>
    %add3A_821 = arith.addf %add3A_635, %reduce_sum3A_820 : vector<8x64xf32>
    %eq3A_822 = arith.constant 1 : i32
    %eq3A_823 = vector.broadcast %eq3A_822 : i32 to vector<64x64xi32>
    %eq3A_824 = arith.cmpi eq, %get3A_751, %eq3A_823 : vector<64x64xi32>
    %sub3A_825 = arith.subf %add3A_810, %get3A_772 : vector<64x64xf32>
    %jit3A_826 = arith.constant 0.000000e+00 : f32
    %broadcast_in_dim3A_827 = vector.broadcast %jit3A_826 : f32 to vector<64x64xf32>
    %select_n3A_828 = arith.select %eq3A_824, %sub3A_825, %broadcast_in_dim3A_827 : vector<64x64xi1>, vector<64x64xf32>
    %reshape3A_829 = vector.shape_cast %select_n3A_828 : vector<64x64xf32> to vector<8x8x64xf32>
    %reduce_sum3A_830 = arith.constant dense<0.000000e+00> : vector<8x64xf32>
    %reduce_sum3A_831 = vector.multi_reduction <add>, %reshape3A_829, %reduce_sum3A_830 [0] : vector<8x8x64xf32> to vector<8x64xf32>
    %add3A_832 = arith.addf %add3A_646, %reduce_sum3A_831 : vector<8x64xf32>
    %eq3A_833 = arith.constant 2 : i32
    %eq3A_834 = vector.broadcast %eq3A_833 : i32 to vector<64x64xi32>
    %eq3A_835 = arith.cmpi eq, %get3A_751, %eq3A_834 : vector<64x64xi32>
    %sub3A_836 = arith.subf %add3A_810, %get3A_778 : vector<64x64xf32>
    %jit3A_837 = arith.constant 0.000000e+00 : f32
    %broadcast_in_dim3A_838 = vector.broadcast %jit3A_837 : f32 to vector<64x64xf32>
    %select_n3A_839 = arith.select %eq3A_835, %sub3A_836, %broadcast_in_dim3A_838 : vector<64x64xi1>, vector<64x64xf32>
    %reshape3A_840 = vector.shape_cast %select_n3A_839 : vector<64x64xf32> to vector<8x8x64xf32>
    %reduce_sum3A_841 = arith.constant dense<0.000000e+00> : vector<8x64xf32>
    %reduce_sum3A_842 = vector.multi_reduction <add>, %reshape3A_840, %reduce_sum3A_841 [0] : vector<8x8x64xf32> to vector<8x64xf32>
    %add3A_843 = arith.addf %add3A_657, %reduce_sum3A_842 : vector<8x64xf32>
    %eq3A_844 = arith.constant 3 : i32
    %eq3A_845 = vector.broadcast %eq3A_844 : i32 to vector<64x64xi32>
    %eq3A_846 = arith.cmpi eq, %get3A_751, %eq3A_845 : vector<64x64xi32>
    %sub3A_847 = arith.subf %add3A_810, %get3A_784 : vector<64x64xf32>
    %jit3A_848 = arith.constant 0.000000e+00 : f32
    %broadcast_in_dim3A_849 = vector.broadcast %jit3A_848 : f32 to vector<64x64xf32>
    %select_n3A_850 = arith.select %eq3A_846, %sub3A_847, %broadcast_in_dim3A_849 : vector<64x64xi1>, vector<64x64xf32>
    %reshape3A_851 = vector.shape_cast %select_n3A_850 : vector<64x64xf32> to vector<8x8x64xf32>
    %reduce_sum3A_852 = arith.constant dense<0.000000e+00> : vector<8x64xf32>
    %reduce_sum3A_853 = vector.multi_reduction <add>, %reshape3A_851, %reduce_sum3A_852 [0] : vector<8x8x64xf32> to vector<8x64xf32>
    %add3A_854 = arith.addf %add3A_668, %reduce_sum3A_853 : vector<8x64xf32>
    %eq3A_855 = arith.constant 4 : i32
    %eq3A_856 = vector.broadcast %eq3A_855 : i32 to vector<64x64xi32>
    %eq3A_857 = arith.cmpi eq, %get3A_751, %eq3A_856 : vector<64x64xi32>
    %sub3A_858 = arith.subf %add3A_810, %get3A_790 : vector<64x64xf32>
    %jit3A_859 = arith.constant 0.000000e+00 : f32
    %broadcast_in_dim3A_860 = vector.broadcast %jit3A_859 : f32 to vector<64x64xf32>
    %select_n3A_861 = arith.select %eq3A_857, %sub3A_858, %broadcast_in_dim3A_860 : vector<64x64xi1>, vector<64x64xf32>
    %reshape3A_862 = vector.shape_cast %select_n3A_861 : vector<64x64xf32> to vector<8x8x64xf32>
    %reduce_sum3A_863 = arith.constant dense<0.000000e+00> : vector<8x64xf32>
    %reduce_sum3A_864 = vector.multi_reduction <add>, %reshape3A_862, %reduce_sum3A_863 [0] : vector<8x8x64xf32> to vector<8x64xf32>
    %add3A_865 = arith.addf %add3A_679, %reduce_sum3A_864 : vector<8x64xf32>
    %get3A_866 = arith.constant 0 : index
    %get3A_867 = arith.constant 4 : index
    %get3A_868 = arith.constant 0 : index
    %get3A_869 = arith.constant 0 : index
    %get3A_870 = vector.load %arg2[%get3A_866, %get3A_867, %get3A_868, %get3A_869] : memref<6x8x64x64xf32, #tpu.memory_space<vmem>>, vector<1x1x64x64xf32>
    %get3A_871 = vector.shape_cast %get3A_870 : vector<1x1x64x64xf32> to vector<64x64xf32>
    %get3A_872 = arith.constant 1 : index
    %get3A_873 = arith.constant 4 : index
    %get3A_874 = arith.constant 0 : index
    %get3A_875 = arith.constant 0 : index
    %get3A_876 = vector.load %arg2[%get3A_872, %get3A_873, %get3A_874, %get3A_875] : memref<6x8x64x64xf32, #tpu.memory_space<vmem>>, vector<1x1x64x64xf32>
    %get3A_877 = vector.shape_cast %get3A_876 : vector<1x1x64x64xf32> to vector<64x64xf32>
    %get3A_878 = arith.constant 2 : index
    %get3A_879 = arith.constant 4 : index
    %get3A_880 = arith.constant 0 : index
    %get3A_881 = arith.constant 0 : index
    %get3A_882 = vector.load %arg2[%get3A_878, %get3A_879, %get3A_880, %get3A_881] : memref<6x8x64x64xf32, #tpu.memory_space<vmem>>, vector<1x1x64x64xf32>
    %get3A_883 = vector.shape_cast %get3A_882 : vector<1x1x64x64xf32> to vector<64x64xf32>
    %max3A_884 = arith.maximumf %get3A_871, %get3A_877 : vector<64x64xf32>
    %max3A_885 = arith.maximumf %max3A_884, %get3A_883 : vector<64x64xf32>
    %sub3A_886 = arith.subf %get3A_871, %max3A_885 : vector<64x64xf32>
    %exp3A_887 = math.exp %sub3A_886 : vector<64x64xf32>
    %sub3A_888 = arith.subf %get3A_877, %max3A_885 : vector<64x64xf32>
    %exp3A_889 = math.exp %sub3A_888 : vector<64x64xf32>
    %add3A_890 = arith.addf %exp3A_887, %exp3A_889 : vector<64x64xf32>
    %sub3A_891 = arith.subf %get3A_883, %max3A_885 : vector<64x64xf32>
    %exp3A_892 = math.exp %sub3A_891 : vector<64x64xf32>
    %add3A_893 = arith.addf %add3A_890, %exp3A_892 : vector<64x64xf32>
    %log3A_894 = math.log %add3A_893 : vector<64x64xf32>
    %add3A_895 = arith.addf %max3A_885, %log3A_894 : vector<64x64xf32>
    %eq3A_896 = arith.constant 0 : i32
    %eq3A_897 = vector.broadcast %eq3A_896 : i32 to vector<64x64xi32>
    %eq3A_898 = arith.cmpi eq, %get3A_757, %eq3A_897 : vector<64x64xi32>
    %and3A_899 = arith.andi %eq3A_898, %gt3A_760 : vector<64x64xi1>
    %sub3A_900 = arith.subf %add3A_895, %get3A_871 : vector<64x64xf32>
    %jit3A_901 = arith.constant 0.000000e+00 : f32
    %broadcast_in_dim3A_902 = vector.broadcast %jit3A_901 : f32 to vector<64x64xf32>
    %select_n3A_903 = arith.select %and3A_899, %sub3A_900, %broadcast_in_dim3A_902 : vector<64x64xi1>, vector<64x64xf32>
    %reshape3A_904 = vector.shape_cast %select_n3A_903 : vector<64x64xf32> to vector<8x8x64xf32>
    %reduce_sum3A_905 = arith.constant dense<0.000000e+00> : vector<8x64xf32>
    %reduce_sum3A_906 = vector.multi_reduction <add>, %reshape3A_904, %reduce_sum3A_905 [0] : vector<8x8x64xf32> to vector<8x64xf32>
    %add3A_907 = arith.addf %add3A_721, %reduce_sum3A_906 : vector<8x64xf32>
    %eq3A_908 = arith.constant 1 : i32
    %eq3A_909 = vector.broadcast %eq3A_908 : i32 to vector<64x64xi32>
    %eq3A_910 = arith.cmpi eq, %get3A_757, %eq3A_909 : vector<64x64xi32>
    %and3A_911 = arith.andi %eq3A_910, %gt3A_760 : vector<64x64xi1>
    %sub3A_912 = arith.subf %add3A_895, %get3A_877 : vector<64x64xf32>
    %jit3A_913 = arith.constant 0.000000e+00 : f32
    %broadcast_in_dim3A_914 = vector.broadcast %jit3A_913 : f32 to vector<64x64xf32>
    %select_n3A_915 = arith.select %and3A_911, %sub3A_912, %broadcast_in_dim3A_914 : vector<64x64xi1>, vector<64x64xf32>
    %reshape3A_916 = vector.shape_cast %select_n3A_915 : vector<64x64xf32> to vector<8x8x64xf32>
    %reduce_sum3A_917 = arith.constant dense<0.000000e+00> : vector<8x64xf32>
    %reduce_sum3A_918 = vector.multi_reduction <add>, %reshape3A_916, %reduce_sum3A_917 [0] : vector<8x8x64xf32> to vector<8x64xf32>
    %add3A_919 = arith.addf %add3A_733, %reduce_sum3A_918 : vector<8x64xf32>
    %eq3A_920 = arith.constant 2 : i32
    %eq3A_921 = vector.broadcast %eq3A_920 : i32 to vector<64x64xi32>
    %eq3A_922 = arith.cmpi eq, %get3A_757, %eq3A_921 : vector<64x64xi32>
    %and3A_923 = arith.andi %eq3A_922, %gt3A_760 : vector<64x64xi1>
    %sub3A_924 = arith.subf %add3A_895, %get3A_883 : vector<64x64xf32>
    %jit3A_925 = arith.constant 0.000000e+00 : f32
    %broadcast_in_dim3A_926 = vector.broadcast %jit3A_925 : f32 to vector<64x64xf32>
    %select_n3A_927 = arith.select %and3A_923, %sub3A_924, %broadcast_in_dim3A_926 : vector<64x64xi1>, vector<64x64xf32>
    %reshape3A_928 = vector.shape_cast %select_n3A_927 : vector<64x64xf32> to vector<8x8x64xf32>
    %reduce_sum3A_929 = arith.constant dense<0.000000e+00> : vector<8x64xf32>
    %reduce_sum3A_930 = vector.multi_reduction <add>, %reshape3A_928, %reduce_sum3A_929 [0] : vector<8x8x64xf32> to vector<8x64xf32>
    %add3A_931 = arith.addf %add3A_745, %reduce_sum3A_930 : vector<8x64xf32>
    %get3A_932 = arith.constant 0 : index
    %get3A_933 = arith.constant 5 : index
    %get3A_934 = arith.constant 0 : index
    %get3A_935 = arith.constant 0 : index
    %get3A_936 = vector.load %arg3[%get3A_932, %get3A_933, %get3A_934, %get3A_935] : memref<2x8x64x64xi32, #tpu.memory_space<vmem>>, vector<1x1x64x64xi32>
    %get3A_937 = vector.shape_cast %get3A_936 : vector<1x1x64x64xi32> to vector<64x64xi32>
    %get3A_938 = arith.constant 0 : index
    %get3A_939 = arith.constant 5 : index
    %get3A_940 = arith.constant 0 : index
    %get3A_941 = arith.constant 0 : index
    %get3A_942 = vector.load %arg4[%get3A_938, %get3A_939, %get3A_940, %get3A_941] : memref<2x8x64x64xi32, #tpu.memory_space<vmem>>, vector<1x1x64x64xi32>
    %get3A_943 = vector.shape_cast %get3A_942 : vector<1x1x64x64xi32> to vector<64x64xi32>
    %gt3A_944 = arith.constant 0 : i32
    %gt3A_945 = vector.broadcast %gt3A_944 : i32 to vector<64x64xi32>
    %gt3A_946 = arith.cmpi sgt, %get3A_937, %gt3A_945 : vector<64x64xi32>
    %get3A_947 = arith.constant 0 : index
    %get3A_948 = arith.constant 5 : index
    %get3A_949 = arith.constant 0 : index
    %get3A_950 = arith.constant 0 : index
    %get3A_951 = vector.load %arg1[%get3A_947, %get3A_948, %get3A_949, %get3A_950] : memref<10x8x64x64xf32, #tpu.memory_space<vmem>>, vector<1x1x64x64xf32>
    %get3A_952 = vector.shape_cast %get3A_951 : vector<1x1x64x64xf32> to vector<64x64xf32>
    %get3A_953 = arith.constant 1 : index
    %get3A_954 = arith.constant 5 : index
    %get3A_955 = arith.constant 0 : index
    %get3A_956 = arith.constant 0 : index
    %get3A_957 = vector.load %arg1[%get3A_953, %get3A_954, %get3A_955, %get3A_956] : memref<10x8x64x64xf32, #tpu.memory_space<vmem>>, vector<1x1x64x64xf32>
    %get3A_958 = vector.shape_cast %get3A_957 : vector<1x1x64x64xf32> to vector<64x64xf32>
    %get3A_959 = arith.constant 2 : index
    %get3A_960 = arith.constant 5 : index
    %get3A_961 = arith.constant 0 : index
    %get3A_962 = arith.constant 0 : index
    %get3A_963 = vector.load %arg1[%get3A_959, %get3A_960, %get3A_961, %get3A_962] : memref<10x8x64x64xf32, #tpu.memory_space<vmem>>, vector<1x1x64x64xf32>
    %get3A_964 = vector.shape_cast %get3A_963 : vector<1x1x64x64xf32> to vector<64x64xf32>
    %get3A_965 = arith.constant 3 : index
    %get3A_966 = arith.constant 5 : index
    %get3A_967 = arith.constant 0 : index
    %get3A_968 = arith.constant 0 : index
    %get3A_969 = vector.load %arg1[%get3A_965, %get3A_966, %get3A_967, %get3A_968] : memref<10x8x64x64xf32, #tpu.memory_space<vmem>>, vector<1x1x64x64xf32>
    %get3A_970 = vector.shape_cast %get3A_969 : vector<1x1x64x64xf32> to vector<64x64xf32>
    %get3A_971 = arith.constant 4 : index
    %get3A_972 = arith.constant 5 : index
    %get3A_973 = arith.constant 0 : index
    %get3A_974 = arith.constant 0 : index
    %get3A_975 = vector.load %arg1[%get3A_971, %get3A_972, %get3A_973, %get3A_974] : memref<10x8x64x64xf32, #tpu.memory_space<vmem>>, vector<1x1x64x64xf32>
    %get3A_976 = vector.shape_cast %get3A_975 : vector<1x1x64x64xf32> to vector<64x64xf32>
    %max3A_977 = arith.maximumf %get3A_952, %get3A_958 : vector<64x64xf32>
    %max3A_978 = arith.maximumf %max3A_977, %get3A_964 : vector<64x64xf32>
    %max3A_979 = arith.maximumf %max3A_978, %get3A_970 : vector<64x64xf32>
    %max3A_980 = arith.maximumf %max3A_979, %get3A_976 : vector<64x64xf32>
    %sub3A_981 = arith.subf %get3A_952, %max3A_980 : vector<64x64xf32>
    %exp3A_982 = math.exp %sub3A_981 : vector<64x64xf32>
    %sub3A_983 = arith.subf %get3A_958, %max3A_980 : vector<64x64xf32>
    %exp3A_984 = math.exp %sub3A_983 : vector<64x64xf32>
    %add3A_985 = arith.addf %exp3A_982, %exp3A_984 : vector<64x64xf32>
    %sub3A_986 = arith.subf %get3A_964, %max3A_980 : vector<64x64xf32>
    %exp3A_987 = math.exp %sub3A_986 : vector<64x64xf32>
    %add3A_988 = arith.addf %add3A_985, %exp3A_987 : vector<64x64xf32>
    %sub3A_989 = arith.subf %get3A_970, %max3A_980 : vector<64x64xf32>
    %exp3A_990 = math.exp %sub3A_989 : vector<64x64xf32>
    %add3A_991 = arith.addf %add3A_988, %exp3A_990 : vector<64x64xf32>
    %sub3A_992 = arith.subf %get3A_976, %max3A_980 : vector<64x64xf32>
    %exp3A_993 = math.exp %sub3A_992 : vector<64x64xf32>
    %add3A_994 = arith.addf %add3A_991, %exp3A_993 : vector<64x64xf32>
    %log3A_995 = math.log %add3A_994 : vector<64x64xf32>
    %add3A_996 = arith.addf %max3A_980, %log3A_995 : vector<64x64xf32>
    %eq3A_997 = arith.constant 0 : i32
    %eq3A_998 = vector.broadcast %eq3A_997 : i32 to vector<64x64xi32>
    %eq3A_999 = arith.cmpi eq, %get3A_937, %eq3A_998 : vector<64x64xi32>
    %sub3A_1000 = arith.subf %add3A_996, %get3A_952 : vector<64x64xf32>
    %jit3A_1001 = arith.constant 0.000000e+00 : f32
    %broadcast_in_dim3A_1002 = vector.broadcast %jit3A_1001 : f32 to vector<64x64xf32>
    %select_n3A_1003 = arith.select %eq3A_999, %sub3A_1000, %broadcast_in_dim3A_1002 : vector<64x64xi1>, vector<64x64xf32>
    %reshape3A_1004 = vector.shape_cast %select_n3A_1003 : vector<64x64xf32> to vector<8x8x64xf32>
    %reduce_sum3A_1005 = arith.constant dense<0.000000e+00> : vector<8x64xf32>
    %reduce_sum3A_1006 = vector.multi_reduction <add>, %reshape3A_1004, %reduce_sum3A_1005 [0] : vector<8x8x64xf32> to vector<8x64xf32>
    %add3A_1007 = arith.addf %add3A_821, %reduce_sum3A_1006 : vector<8x64xf32>
    %eq3A_1008 = arith.constant 1 : i32
    %eq3A_1009 = vector.broadcast %eq3A_1008 : i32 to vector<64x64xi32>
    %eq3A_1010 = arith.cmpi eq, %get3A_937, %eq3A_1009 : vector<64x64xi32>
    %sub3A_1011 = arith.subf %add3A_996, %get3A_958 : vector<64x64xf32>
    %jit3A_1012 = arith.constant 0.000000e+00 : f32
    %broadcast_in_dim3A_1013 = vector.broadcast %jit3A_1012 : f32 to vector<64x64xf32>
    %select_n3A_1014 = arith.select %eq3A_1010, %sub3A_1011, %broadcast_in_dim3A_1013 : vector<64x64xi1>, vector<64x64xf32>
    %reshape3A_1015 = vector.shape_cast %select_n3A_1014 : vector<64x64xf32> to vector<8x8x64xf32>
    %reduce_sum3A_1016 = arith.constant dense<0.000000e+00> : vector<8x64xf32>
    %reduce_sum3A_1017 = vector.multi_reduction <add>, %reshape3A_1015, %reduce_sum3A_1016 [0] : vector<8x8x64xf32> to vector<8x64xf32>
    %add3A_1018 = arith.addf %add3A_832, %reduce_sum3A_1017 : vector<8x64xf32>
    %eq3A_1019 = arith.constant 2 : i32
    %eq3A_1020 = vector.broadcast %eq3A_1019 : i32 to vector<64x64xi32>
    %eq3A_1021 = arith.cmpi eq, %get3A_937, %eq3A_1020 : vector<64x64xi32>
    %sub3A_1022 = arith.subf %add3A_996, %get3A_964 : vector<64x64xf32>
    %jit3A_1023 = arith.constant 0.000000e+00 : f32
    %broadcast_in_dim3A_1024 = vector.broadcast %jit3A_1023 : f32 to vector<64x64xf32>
    %select_n3A_1025 = arith.select %eq3A_1021, %sub3A_1022, %broadcast_in_dim3A_1024 : vector<64x64xi1>, vector<64x64xf32>
    %reshape3A_1026 = vector.shape_cast %select_n3A_1025 : vector<64x64xf32> to vector<8x8x64xf32>
    %reduce_sum3A_1027 = arith.constant dense<0.000000e+00> : vector<8x64xf32>
    %reduce_sum3A_1028 = vector.multi_reduction <add>, %reshape3A_1026, %reduce_sum3A_1027 [0] : vector<8x8x64xf32> to vector<8x64xf32>
    %add3A_1029 = arith.addf %add3A_843, %reduce_sum3A_1028 : vector<8x64xf32>
    %eq3A_1030 = arith.constant 3 : i32
    %eq3A_1031 = vector.broadcast %eq3A_1030 : i32 to vector<64x64xi32>
    %eq3A_1032 = arith.cmpi eq, %get3A_937, %eq3A_1031 : vector<64x64xi32>
    %sub3A_1033 = arith.subf %add3A_996, %get3A_970 : vector<64x64xf32>
    %jit3A_1034 = arith.constant 0.000000e+00 : f32
    %broadcast_in_dim3A_1035 = vector.broadcast %jit3A_1034 : f32 to vector<64x64xf32>
    %select_n3A_1036 = arith.select %eq3A_1032, %sub3A_1033, %broadcast_in_dim3A_1035 : vector<64x64xi1>, vector<64x64xf32>
    %reshape3A_1037 = vector.shape_cast %select_n3A_1036 : vector<64x64xf32> to vector<8x8x64xf32>
    %reduce_sum3A_1038 = arith.constant dense<0.000000e+00> : vector<8x64xf32>
    %reduce_sum3A_1039 = vector.multi_reduction <add>, %reshape3A_1037, %reduce_sum3A_1038 [0] : vector<8x8x64xf32> to vector<8x64xf32>
    %add3A_1040 = arith.addf %add3A_854, %reduce_sum3A_1039 : vector<8x64xf32>
    %eq3A_1041 = arith.constant 4 : i32
    %eq3A_1042 = vector.broadcast %eq3A_1041 : i32 to vector<64x64xi32>
    %eq3A_1043 = arith.cmpi eq, %get3A_937, %eq3A_1042 : vector<64x64xi32>
    %sub3A_1044 = arith.subf %add3A_996, %get3A_976 : vector<64x64xf32>
    %jit3A_1045 = arith.constant 0.000000e+00 : f32
    %broadcast_in_dim3A_1046 = vector.broadcast %jit3A_1045 : f32 to vector<64x64xf32>
    %select_n3A_1047 = arith.select %eq3A_1043, %sub3A_1044, %broadcast_in_dim3A_1046 : vector<64x64xi1>, vector<64x64xf32>
    %reshape3A_1048 = vector.shape_cast %select_n3A_1047 : vector<64x64xf32> to vector<8x8x64xf32>
    %reduce_sum3A_1049 = arith.constant dense<0.000000e+00> : vector<8x64xf32>
    %reduce_sum3A_1050 = vector.multi_reduction <add>, %reshape3A_1048, %reduce_sum3A_1049 [0] : vector<8x8x64xf32> to vector<8x64xf32>
    %add3A_1051 = arith.addf %add3A_865, %reduce_sum3A_1050 : vector<8x64xf32>
    %get3A_1052 = arith.constant 0 : index
    %get3A_1053 = arith.constant 5 : index
    %get3A_1054 = arith.constant 0 : index
    %get3A_1055 = arith.constant 0 : index
    %get3A_1056 = vector.load %arg2[%get3A_1052, %get3A_1053, %get3A_1054, %get3A_1055] : memref<6x8x64x64xf32, #tpu.memory_space<vmem>>, vector<1x1x64x64xf32>
    %get3A_1057 = vector.shape_cast %get3A_1056 : vector<1x1x64x64xf32> to vector<64x64xf32>
    %get3A_1058 = arith.constant 1 : index
    %get3A_1059 = arith.constant 5 : index
    %get3A_1060 = arith.constant 0 : index
    %get3A_1061 = arith.constant 0 : index
    %get3A_1062 = vector.load %arg2[%get3A_1058, %get3A_1059, %get3A_1060, %get3A_1061] : memref<6x8x64x64xf32, #tpu.memory_space<vmem>>, vector<1x1x64x64xf32>
    %get3A_1063 = vector.shape_cast %get3A_1062 : vector<1x1x64x64xf32> to vector<64x64xf32>
    %get3A_1064 = arith.constant 2 : index
    %get3A_1065 = arith.constant 5 : index
    %get3A_1066 = arith.constant 0 : index
    %get3A_1067 = arith.constant 0 : index
    %get3A_1068 = vector.load %arg2[%get3A_1064, %get3A_1065, %get3A_1066, %get3A_1067] : memref<6x8x64x64xf32, #tpu.memory_space<vmem>>, vector<1x1x64x64xf32>
    %get3A_1069 = vector.shape_cast %get3A_1068 : vector<1x1x64x64xf32> to vector<64x64xf32>
    %max3A_1070 = arith.maximumf %get3A_1057, %get3A_1063 : vector<64x64xf32>
    %max3A_1071 = arith.maximumf %max3A_1070, %get3A_1069 : vector<64x64xf32>
    %sub3A_1072 = arith.subf %get3A_1057, %max3A_1071 : vector<64x64xf32>
    %exp3A_1073 = math.exp %sub3A_1072 : vector<64x64xf32>
    %sub3A_1074 = arith.subf %get3A_1063, %max3A_1071 : vector<64x64xf32>
    %exp3A_1075 = math.exp %sub3A_1074 : vector<64x64xf32>
    %add3A_1076 = arith.addf %exp3A_1073, %exp3A_1075 : vector<64x64xf32>
    %sub3A_1077 = arith.subf %get3A_1069, %max3A_1071 : vector<64x64xf32>
    %exp3A_1078 = math.exp %sub3A_1077 : vector<64x64xf32>
    %add3A_1079 = arith.addf %add3A_1076, %exp3A_1078 : vector<64x64xf32>
    %log3A_1080 = math.log %add3A_1079 : vector<64x64xf32>
    %add3A_1081 = arith.addf %max3A_1071, %log3A_1080 : vector<64x64xf32>
    %eq3A_1082 = arith.constant 0 : i32
    %eq3A_1083 = vector.broadcast %eq3A_1082 : i32 to vector<64x64xi32>
    %eq3A_1084 = arith.cmpi eq, %get3A_943, %eq3A_1083 : vector<64x64xi32>
    %and3A_1085 = arith.andi %eq3A_1084, %gt3A_946 : vector<64x64xi1>
    %sub3A_1086 = arith.subf %add3A_1081, %get3A_1057 : vector<64x64xf32>
    %jit3A_1087 = arith.constant 0.000000e+00 : f32
    %broadcast_in_dim3A_1088 = vector.broadcast %jit3A_1087 : f32 to vector<64x64xf32>
    %select_n3A_1089 = arith.select %and3A_1085, %sub3A_1086, %broadcast_in_dim3A_1088 : vector<64x64xi1>, vector<64x64xf32>
    %reshape3A_1090 = vector.shape_cast %select_n3A_1089 : vector<64x64xf32> to vector<8x8x64xf32>
    %reduce_sum3A_1091 = arith.constant dense<0.000000e+00> : vector<8x64xf32>
    %reduce_sum3A_1092 = vector.multi_reduction <add>, %reshape3A_1090, %reduce_sum3A_1091 [0] : vector<8x8x64xf32> to vector<8x64xf32>
    %add3A_1093 = arith.addf %add3A_907, %reduce_sum3A_1092 : vector<8x64xf32>
    %eq3A_1094 = arith.constant 1 : i32
    %eq3A_1095 = vector.broadcast %eq3A_1094 : i32 to vector<64x64xi32>
    %eq3A_1096 = arith.cmpi eq, %get3A_943, %eq3A_1095 : vector<64x64xi32>
    %and3A_1097 = arith.andi %eq3A_1096, %gt3A_946 : vector<64x64xi1>
    %sub3A_1098 = arith.subf %add3A_1081, %get3A_1063 : vector<64x64xf32>
    %jit3A_1099 = arith.constant 0.000000e+00 : f32
    %broadcast_in_dim3A_1100 = vector.broadcast %jit3A_1099 : f32 to vector<64x64xf32>
    %select_n3A_1101 = arith.select %and3A_1097, %sub3A_1098, %broadcast_in_dim3A_1100 : vector<64x64xi1>, vector<64x64xf32>
    %reshape3A_1102 = vector.shape_cast %select_n3A_1101 : vector<64x64xf32> to vector<8x8x64xf32>
    %reduce_sum3A_1103 = arith.constant dense<0.000000e+00> : vector<8x64xf32>
    %reduce_sum3A_1104 = vector.multi_reduction <add>, %reshape3A_1102, %reduce_sum3A_1103 [0] : vector<8x8x64xf32> to vector<8x64xf32>
    %add3A_1105 = arith.addf %add3A_919, %reduce_sum3A_1104 : vector<8x64xf32>
    %eq3A_1106 = arith.constant 2 : i32
    %eq3A_1107 = vector.broadcast %eq3A_1106 : i32 to vector<64x64xi32>
    %eq3A_1108 = arith.cmpi eq, %get3A_943, %eq3A_1107 : vector<64x64xi32>
    %and3A_1109 = arith.andi %eq3A_1108, %gt3A_946 : vector<64x64xi1>
    %sub3A_1110 = arith.subf %add3A_1081, %get3A_1069 : vector<64x64xf32>
    %jit3A_1111 = arith.constant 0.000000e+00 : f32
    %broadcast_in_dim3A_1112 = vector.broadcast %jit3A_1111 : f32 to vector<64x64xf32>
    %select_n3A_1113 = arith.select %and3A_1109, %sub3A_1110, %broadcast_in_dim3A_1112 : vector<64x64xi1>, vector<64x64xf32>
    %reshape3A_1114 = vector.shape_cast %select_n3A_1113 : vector<64x64xf32> to vector<8x8x64xf32>
    %reduce_sum3A_1115 = arith.constant dense<0.000000e+00> : vector<8x64xf32>
    %reduce_sum3A_1116 = vector.multi_reduction <add>, %reshape3A_1114, %reduce_sum3A_1115 [0] : vector<8x8x64xf32> to vector<8x64xf32>
    %add3A_1117 = arith.addf %add3A_931, %reduce_sum3A_1116 : vector<8x64xf32>
    %get3A_1118 = arith.constant 0 : index
    %get3A_1119 = arith.constant 6 : index
    %get3A_1120 = arith.constant 0 : index
    %get3A_1121 = arith.constant 0 : index
    %get3A_1122 = vector.load %arg3[%get3A_1118, %get3A_1119, %get3A_1120, %get3A_1121] : memref<2x8x64x64xi32, #tpu.memory_space<vmem>>, vector<1x1x64x64xi32>
    %get3A_1123 = vector.shape_cast %get3A_1122 : vector<1x1x64x64xi32> to vector<64x64xi32>
    %get3A_1124 = arith.constant 0 : index
    %get3A_1125 = arith.constant 6 : index
    %get3A_1126 = arith.constant 0 : index
    %get3A_1127 = arith.constant 0 : index
    %get3A_1128 = vector.load %arg4[%get3A_1124, %get3A_1125, %get3A_1126, %get3A_1127] : memref<2x8x64x64xi32, #tpu.memory_space<vmem>>, vector<1x1x64x64xi32>
    %get3A_1129 = vector.shape_cast %get3A_1128 : vector<1x1x64x64xi32> to vector<64x64xi32>
    %gt3A_1130 = arith.constant 0 : i32
    %gt3A_1131 = vector.broadcast %gt3A_1130 : i32 to vector<64x64xi32>
    %gt3A_1132 = arith.cmpi sgt, %get3A_1123, %gt3A_1131 : vector<64x64xi32>
    %get3A_1133 = arith.constant 0 : index
    %get3A_1134 = arith.constant 6 : index
    %get3A_1135 = arith.constant 0 : index
    %get3A_1136 = arith.constant 0 : index
    %get3A_1137 = vector.load %arg1[%get3A_1133, %get3A_1134, %get3A_1135, %get3A_1136] : memref<10x8x64x64xf32, #tpu.memory_space<vmem>>, vector<1x1x64x64xf32>
    %get3A_1138 = vector.shape_cast %get3A_1137 : vector<1x1x64x64xf32> to vector<64x64xf32>
    %get3A_1139 = arith.constant 1 : index
    %get3A_1140 = arith.constant 6 : index
    %get3A_1141 = arith.constant 0 : index
    %get3A_1142 = arith.constant 0 : index
    %get3A_1143 = vector.load %arg1[%get3A_1139, %get3A_1140, %get3A_1141, %get3A_1142] : memref<10x8x64x64xf32, #tpu.memory_space<vmem>>, vector<1x1x64x64xf32>
    %get3A_1144 = vector.shape_cast %get3A_1143 : vector<1x1x64x64xf32> to vector<64x64xf32>
    %get3A_1145 = arith.constant 2 : index
    %get3A_1146 = arith.constant 6 : index
    %get3A_1147 = arith.constant 0 : index
    %get3A_1148 = arith.constant 0 : index
    %get3A_1149 = vector.load %arg1[%get3A_1145, %get3A_1146, %get3A_1147, %get3A_1148] : memref<10x8x64x64xf32, #tpu.memory_space<vmem>>, vector<1x1x64x64xf32>
    %get3A_1150 = vector.shape_cast %get3A_1149 : vector<1x1x64x64xf32> to vector<64x64xf32>
    %get3A_1151 = arith.constant 3 : index
    %get3A_1152 = arith.constant 6 : index
    %get3A_1153 = arith.constant 0 : index
    %get3A_1154 = arith.constant 0 : index
    %get3A_1155 = vector.load %arg1[%get3A_1151, %get3A_1152, %get3A_1153, %get3A_1154] : memref<10x8x64x64xf32, #tpu.memory_space<vmem>>, vector<1x1x64x64xf32>
    %get3A_1156 = vector.shape_cast %get3A_1155 : vector<1x1x64x64xf32> to vector<64x64xf32>
    %get3A_1157 = arith.constant 4 : index
    %get3A_1158 = arith.constant 6 : index
    %get3A_1159 = arith.constant 0 : index
    %get3A_1160 = arith.constant 0 : index
    %get3A_1161 = vector.load %arg1[%get3A_1157, %get3A_1158, %get3A_1159, %get3A_1160] : memref<10x8x64x64xf32, #tpu.memory_space<vmem>>, vector<1x1x64x64xf32>
    %get3A_1162 = vector.shape_cast %get3A_1161 : vector<1x1x64x64xf32> to vector<64x64xf32>
    %max3A_1163 = arith.maximumf %get3A_1138, %get3A_1144 : vector<64x64xf32>
    %max3A_1164 = arith.maximumf %max3A_1163, %get3A_1150 : vector<64x64xf32>
    %max3A_1165 = arith.maximumf %max3A_1164, %get3A_1156 : vector<64x64xf32>
    %max3A_1166 = arith.maximumf %max3A_1165, %get3A_1162 : vector<64x64xf32>
    %sub3A_1167 = arith.subf %get3A_1138, %max3A_1166 : vector<64x64xf32>
    %exp3A_1168 = math.exp %sub3A_1167 : vector<64x64xf32>
    %sub3A_1169 = arith.subf %get3A_1144, %max3A_1166 : vector<64x64xf32>
    %exp3A_1170 = math.exp %sub3A_1169 : vector<64x64xf32>
    %add3A_1171 = arith.addf %exp3A_1168, %exp3A_1170 : vector<64x64xf32>
    %sub3A_1172 = arith.subf %get3A_1150, %max3A_1166 : vector<64x64xf32>
    %exp3A_1173 = math.exp %sub3A_1172 : vector<64x64xf32>
    %add3A_1174 = arith.addf %add3A_1171, %exp3A_1173 : vector<64x64xf32>
    %sub3A_1175 = arith.subf %get3A_1156, %max3A_1166 : vector<64x64xf32>
    %exp3A_1176 = math.exp %sub3A_1175 : vector<64x64xf32>
    %add3A_1177 = arith.addf %add3A_1174, %exp3A_1176 : vector<64x64xf32>
    %sub3A_1178 = arith.subf %get3A_1162, %max3A_1166 : vector<64x64xf32>
    %exp3A_1179 = math.exp %sub3A_1178 : vector<64x64xf32>
    %add3A_1180 = arith.addf %add3A_1177, %exp3A_1179 : vector<64x64xf32>
    %log3A_1181 = math.log %add3A_1180 : vector<64x64xf32>
    %add3A_1182 = arith.addf %max3A_1166, %log3A_1181 : vector<64x64xf32>
    %eq3A_1183 = arith.constant 0 : i32
    %eq3A_1184 = vector.broadcast %eq3A_1183 : i32 to vector<64x64xi32>
    %eq3A_1185 = arith.cmpi eq, %get3A_1123, %eq3A_1184 : vector<64x64xi32>
    %sub3A_1186 = arith.subf %add3A_1182, %get3A_1138 : vector<64x64xf32>
    %jit3A_1187 = arith.constant 0.000000e+00 : f32
    %broadcast_in_dim3A_1188 = vector.broadcast %jit3A_1187 : f32 to vector<64x64xf32>
    %select_n3A_1189 = arith.select %eq3A_1185, %sub3A_1186, %broadcast_in_dim3A_1188 : vector<64x64xi1>, vector<64x64xf32>
    %reshape3A_1190 = vector.shape_cast %select_n3A_1189 : vector<64x64xf32> to vector<8x8x64xf32>
    %reduce_sum3A_1191 = arith.constant dense<0.000000e+00> : vector<8x64xf32>
    %reduce_sum3A_1192 = vector.multi_reduction <add>, %reshape3A_1190, %reduce_sum3A_1191 [0] : vector<8x8x64xf32> to vector<8x64xf32>
    %add3A_1193 = arith.addf %add3A_1007, %reduce_sum3A_1192 : vector<8x64xf32>
    %eq3A_1194 = arith.constant 1 : i32
    %eq3A_1195 = vector.broadcast %eq3A_1194 : i32 to vector<64x64xi32>
    %eq3A_1196 = arith.cmpi eq, %get3A_1123, %eq3A_1195 : vector<64x64xi32>
    %sub3A_1197 = arith.subf %add3A_1182, %get3A_1144 : vector<64x64xf32>
    %jit3A_1198 = arith.constant 0.000000e+00 : f32
    %broadcast_in_dim3A_1199 = vector.broadcast %jit3A_1198 : f32 to vector<64x64xf32>
    %select_n3A_1200 = arith.select %eq3A_1196, %sub3A_1197, %broadcast_in_dim3A_1199 : vector<64x64xi1>, vector<64x64xf32>
    %reshape3A_1201 = vector.shape_cast %select_n3A_1200 : vector<64x64xf32> to vector<8x8x64xf32>
    %reduce_sum3A_1202 = arith.constant dense<0.000000e+00> : vector<8x64xf32>
    %reduce_sum3A_1203 = vector.multi_reduction <add>, %reshape3A_1201, %reduce_sum3A_1202 [0] : vector<8x8x64xf32> to vector<8x64xf32>
    %add3A_1204 = arith.addf %add3A_1018, %reduce_sum3A_1203 : vector<8x64xf32>
    %eq3A_1205 = arith.constant 2 : i32
    %eq3A_1206 = vector.broadcast %eq3A_1205 : i32 to vector<64x64xi32>
    %eq3A_1207 = arith.cmpi eq, %get3A_1123, %eq3A_1206 : vector<64x64xi32>
    %sub3A_1208 = arith.subf %add3A_1182, %get3A_1150 : vector<64x64xf32>
    %jit3A_1209 = arith.constant 0.000000e+00 : f32
    %broadcast_in_dim3A_1210 = vector.broadcast %jit3A_1209 : f32 to vector<64x64xf32>
    %select_n3A_1211 = arith.select %eq3A_1207, %sub3A_1208, %broadcast_in_dim3A_1210 : vector<64x64xi1>, vector<64x64xf32>
    %reshape3A_1212 = vector.shape_cast %select_n3A_1211 : vector<64x64xf32> to vector<8x8x64xf32>
    %reduce_sum3A_1213 = arith.constant dense<0.000000e+00> : vector<8x64xf32>
    %reduce_sum3A_1214 = vector.multi_reduction <add>, %reshape3A_1212, %reduce_sum3A_1213 [0] : vector<8x8x64xf32> to vector<8x64xf32>
    %add3A_1215 = arith.addf %add3A_1029, %reduce_sum3A_1214 : vector<8x64xf32>
    %eq3A_1216 = arith.constant 3 : i32
    %eq3A_1217 = vector.broadcast %eq3A_1216 : i32 to vector<64x64xi32>
    %eq3A_1218 = arith.cmpi eq, %get3A_1123, %eq3A_1217 : vector<64x64xi32>
    %sub3A_1219 = arith.subf %add3A_1182, %get3A_1156 : vector<64x64xf32>
    %jit3A_1220 = arith.constant 0.000000e+00 : f32
    %broadcast_in_dim3A_1221 = vector.broadcast %jit3A_1220 : f32 to vector<64x64xf32>
    %select_n3A_1222 = arith.select %eq3A_1218, %sub3A_1219, %broadcast_in_dim3A_1221 : vector<64x64xi1>, vector<64x64xf32>
    %reshape3A_1223 = vector.shape_cast %select_n3A_1222 : vector<64x64xf32> to vector<8x8x64xf32>
    %reduce_sum3A_1224 = arith.constant dense<0.000000e+00> : vector<8x64xf32>
    %reduce_sum3A_1225 = vector.multi_reduction <add>, %reshape3A_1223, %reduce_sum3A_1224 [0] : vector<8x8x64xf32> to vector<8x64xf32>
    %add3A_1226 = arith.addf %add3A_1040, %reduce_sum3A_1225 : vector<8x64xf32>
    %eq3A_1227 = arith.constant 4 : i32
    %eq3A_1228 = vector.broadcast %eq3A_1227 : i32 to vector<64x64xi32>
    %eq3A_1229 = arith.cmpi eq, %get3A_1123, %eq3A_1228 : vector<64x64xi32>
    %sub3A_1230 = arith.subf %add3A_1182, %get3A_1162 : vector<64x64xf32>
    %jit3A_1231 = arith.constant 0.000000e+00 : f32
    %broadcast_in_dim3A_1232 = vector.broadcast %jit3A_1231 : f32 to vector<64x64xf32>
    %select_n3A_1233 = arith.select %eq3A_1229, %sub3A_1230, %broadcast_in_dim3A_1232 : vector<64x64xi1>, vector<64x64xf32>
    %reshape3A_1234 = vector.shape_cast %select_n3A_1233 : vector<64x64xf32> to vector<8x8x64xf32>
    %reduce_sum3A_1235 = arith.constant dense<0.000000e+00> : vector<8x64xf32>
    %reduce_sum3A_1236 = vector.multi_reduction <add>, %reshape3A_1234, %reduce_sum3A_1235 [0] : vector<8x8x64xf32> to vector<8x64xf32>
    %add3A_1237 = arith.addf %add3A_1051, %reduce_sum3A_1236 : vector<8x64xf32>
    %get3A_1238 = arith.constant 0 : index
    %get3A_1239 = arith.constant 6 : index
    %get3A_1240 = arith.constant 0 : index
    %get3A_1241 = arith.constant 0 : index
    %get3A_1242 = vector.load %arg2[%get3A_1238, %get3A_1239, %get3A_1240, %get3A_1241] : memref<6x8x64x64xf32, #tpu.memory_space<vmem>>, vector<1x1x64x64xf32>
    %get3A_1243 = vector.shape_cast %get3A_1242 : vector<1x1x64x64xf32> to vector<64x64xf32>
    %get3A_1244 = arith.constant 1 : index
    %get3A_1245 = arith.constant 6 : index
    %get3A_1246 = arith.constant 0 : index
    %get3A_1247 = arith.constant 0 : index
    %get3A_1248 = vector.load %arg2[%get3A_1244, %get3A_1245, %get3A_1246, %get3A_1247] : memref<6x8x64x64xf32, #tpu.memory_space<vmem>>, vector<1x1x64x64xf32>
    %get3A_1249 = vector.shape_cast %get3A_1248 : vector<1x1x64x64xf32> to vector<64x64xf32>
    %get3A_1250 = arith.constant 2 : index
    %get3A_1251 = arith.constant 6 : index
    %get3A_1252 = arith.constant 0 : index
    %get3A_1253 = arith.constant 0 : index
    %get3A_1254 = vector.load %arg2[%get3A_1250, %get3A_1251, %get3A_1252, %get3A_1253] : memref<6x8x64x64xf32, #tpu.memory_space<vmem>>, vector<1x1x64x64xf32>
    %get3A_1255 = vector.shape_cast %get3A_1254 : vector<1x1x64x64xf32> to vector<64x64xf32>
    %max3A_1256 = arith.maximumf %get3A_1243, %get3A_1249 : vector<64x64xf32>
    %max3A_1257 = arith.maximumf %max3A_1256, %get3A_1255 : vector<64x64xf32>
    %sub3A_1258 = arith.subf %get3A_1243, %max3A_1257 : vector<64x64xf32>
    %exp3A_1259 = math.exp %sub3A_1258 : vector<64x64xf32>
    %sub3A_1260 = arith.subf %get3A_1249, %max3A_1257 : vector<64x64xf32>
    %exp3A_1261 = math.exp %sub3A_1260 : vector<64x64xf32>
    %add3A_1262 = arith.addf %exp3A_1259, %exp3A_1261 : vector<64x64xf32>
    %sub3A_1263 = arith.subf %get3A_1255, %max3A_1257 : vector<64x64xf32>
    %exp3A_1264 = math.exp %sub3A_1263 : vector<64x64xf32>
    %add3A_1265 = arith.addf %add3A_1262, %exp3A_1264 : vector<64x64xf32>
    %log3A_1266 = math.log %add3A_1265 : vector<64x64xf32>
    %add3A_1267 = arith.addf %max3A_1257, %log3A_1266 : vector<64x64xf32>
    %eq3A_1268 = arith.constant 0 : i32
    %eq3A_1269 = vector.broadcast %eq3A_1268 : i32 to vector<64x64xi32>
    %eq3A_1270 = arith.cmpi eq, %get3A_1129, %eq3A_1269 : vector<64x64xi32>
    %and3A_1271 = arith.andi %eq3A_1270, %gt3A_1132 : vector<64x64xi1>
    %sub3A_1272 = arith.subf %add3A_1267, %get3A_1243 : vector<64x64xf32>
    %jit3A_1273 = arith.constant 0.000000e+00 : f32
    %broadcast_in_dim3A_1274 = vector.broadcast %jit3A_1273 : f32 to vector<64x64xf32>
    %select_n3A_1275 = arith.select %and3A_1271, %sub3A_1272, %broadcast_in_dim3A_1274 : vector<64x64xi1>, vector<64x64xf32>
    %reshape3A_1276 = vector.shape_cast %select_n3A_1275 : vector<64x64xf32> to vector<8x8x64xf32>
    %reduce_sum3A_1277 = arith.constant dense<0.000000e+00> : vector<8x64xf32>
    %reduce_sum3A_1278 = vector.multi_reduction <add>, %reshape3A_1276, %reduce_sum3A_1277 [0] : vector<8x8x64xf32> to vector<8x64xf32>
    %add3A_1279 = arith.addf %add3A_1093, %reduce_sum3A_1278 : vector<8x64xf32>
    %eq3A_1280 = arith.constant 1 : i32
    %eq3A_1281 = vector.broadcast %eq3A_1280 : i32 to vector<64x64xi32>
    %eq3A_1282 = arith.cmpi eq, %get3A_1129, %eq3A_1281 : vector<64x64xi32>
    %and3A_1283 = arith.andi %eq3A_1282, %gt3A_1132 : vector<64x64xi1>
    %sub3A_1284 = arith.subf %add3A_1267, %get3A_1249 : vector<64x64xf32>
    %jit3A_1285 = arith.constant 0.000000e+00 : f32
    %broadcast_in_dim3A_1286 = vector.broadcast %jit3A_1285 : f32 to vector<64x64xf32>
    %select_n3A_1287 = arith.select %and3A_1283, %sub3A_1284, %broadcast_in_dim3A_1286 : vector<64x64xi1>, vector<64x64xf32>
    %reshape3A_1288 = vector.shape_cast %select_n3A_1287 : vector<64x64xf32> to vector<8x8x64xf32>
    %reduce_sum3A_1289 = arith.constant dense<0.000000e+00> : vector<8x64xf32>
    %reduce_sum3A_1290 = vector.multi_reduction <add>, %reshape3A_1288, %reduce_sum3A_1289 [0] : vector<8x8x64xf32> to vector<8x64xf32>
    %add3A_1291 = arith.addf %add3A_1105, %reduce_sum3A_1290 : vector<8x64xf32>
    %eq3A_1292 = arith.constant 2 : i32
    %eq3A_1293 = vector.broadcast %eq3A_1292 : i32 to vector<64x64xi32>
    %eq3A_1294 = arith.cmpi eq, %get3A_1129, %eq3A_1293 : vector<64x64xi32>
    %and3A_1295 = arith.andi %eq3A_1294, %gt3A_1132 : vector<64x64xi1>
    %sub3A_1296 = arith.subf %add3A_1267, %get3A_1255 : vector<64x64xf32>
    %jit3A_1297 = arith.constant 0.000000e+00 : f32
    %broadcast_in_dim3A_1298 = vector.broadcast %jit3A_1297 : f32 to vector<64x64xf32>
    %select_n3A_1299 = arith.select %and3A_1295, %sub3A_1296, %broadcast_in_dim3A_1298 : vector<64x64xi1>, vector<64x64xf32>
    %reshape3A_1300 = vector.shape_cast %select_n3A_1299 : vector<64x64xf32> to vector<8x8x64xf32>
    %reduce_sum3A_1301 = arith.constant dense<0.000000e+00> : vector<8x64xf32>
    %reduce_sum3A_1302 = vector.multi_reduction <add>, %reshape3A_1300, %reduce_sum3A_1301 [0] : vector<8x8x64xf32> to vector<8x64xf32>
    %add3A_1303 = arith.addf %add3A_1117, %reduce_sum3A_1302 : vector<8x64xf32>
    %get3A_1304 = arith.constant 0 : index
    %get3A_1305 = arith.constant 7 : index
    %get3A_1306 = arith.constant 0 : index
    %get3A_1307 = arith.constant 0 : index
    %get3A_1308 = vector.load %arg3[%get3A_1304, %get3A_1305, %get3A_1306, %get3A_1307] : memref<2x8x64x64xi32, #tpu.memory_space<vmem>>, vector<1x1x64x64xi32>
    %get3A_1309 = vector.shape_cast %get3A_1308 : vector<1x1x64x64xi32> to vector<64x64xi32>
    %get3A_1310 = arith.constant 0 : index
    %get3A_1311 = arith.constant 7 : index
    %get3A_1312 = arith.constant 0 : index
    %get3A_1313 = arith.constant 0 : index
    %get3A_1314 = vector.load %arg4[%get3A_1310, %get3A_1311, %get3A_1312, %get3A_1313] : memref<2x8x64x64xi32, #tpu.memory_space<vmem>>, vector<1x1x64x64xi32>
    %get3A_1315 = vector.shape_cast %get3A_1314 : vector<1x1x64x64xi32> to vector<64x64xi32>
    %gt3A_1316 = arith.constant 0 : i32
    %gt3A_1317 = vector.broadcast %gt3A_1316 : i32 to vector<64x64xi32>
    %gt3A_1318 = arith.cmpi sgt, %get3A_1309, %gt3A_1317 : vector<64x64xi32>
    %get3A_1319 = arith.constant 0 : index
    %get3A_1320 = arith.constant 7 : index
    %get3A_1321 = arith.constant 0 : index
    %get3A_1322 = arith.constant 0 : index
    %get3A_1323 = vector.load %arg1[%get3A_1319, %get3A_1320, %get3A_1321, %get3A_1322] : memref<10x8x64x64xf32, #tpu.memory_space<vmem>>, vector<1x1x64x64xf32>
    %get3A_1324 = vector.shape_cast %get3A_1323 : vector<1x1x64x64xf32> to vector<64x64xf32>
    %get3A_1325 = arith.constant 1 : index
    %get3A_1326 = arith.constant 7 : index
    %get3A_1327 = arith.constant 0 : index
    %get3A_1328 = arith.constant 0 : index
    %get3A_1329 = vector.load %arg1[%get3A_1325, %get3A_1326, %get3A_1327, %get3A_1328] : memref<10x8x64x64xf32, #tpu.memory_space<vmem>>, vector<1x1x64x64xf32>
    %get3A_1330 = vector.shape_cast %get3A_1329 : vector<1x1x64x64xf32> to vector<64x64xf32>
    %get3A_1331 = arith.constant 2 : index
    %get3A_1332 = arith.constant 7 : index
    %get3A_1333 = arith.constant 0 : index
    %get3A_1334 = arith.constant 0 : index
    %get3A_1335 = vector.load %arg1[%get3A_1331, %get3A_1332, %get3A_1333, %get3A_1334] : memref<10x8x64x64xf32, #tpu.memory_space<vmem>>, vector<1x1x64x64xf32>
    %get3A_1336 = vector.shape_cast %get3A_1335 : vector<1x1x64x64xf32> to vector<64x64xf32>
    %get3A_1337 = arith.constant 3 : index
    %get3A_1338 = arith.constant 7 : index
    %get3A_1339 = arith.constant 0 : index
    %get3A_1340 = arith.constant 0 : index
    %get3A_1341 = vector.load %arg1[%get3A_1337, %get3A_1338, %get3A_1339, %get3A_1340] : memref<10x8x64x64xf32, #tpu.memory_space<vmem>>, vector<1x1x64x64xf32>
    %get3A_1342 = vector.shape_cast %get3A_1341 : vector<1x1x64x64xf32> to vector<64x64xf32>
    %get3A_1343 = arith.constant 4 : index
    %get3A_1344 = arith.constant 7 : index
    %get3A_1345 = arith.constant 0 : index
    %get3A_1346 = arith.constant 0 : index
    %get3A_1347 = vector.load %arg1[%get3A_1343, %get3A_1344, %get3A_1345, %get3A_1346] : memref<10x8x64x64xf32, #tpu.memory_space<vmem>>, vector<1x1x64x64xf32>
    %get3A_1348 = vector.shape_cast %get3A_1347 : vector<1x1x64x64xf32> to vector<64x64xf32>
    %max3A_1349 = arith.maximumf %get3A_1324, %get3A_1330 : vector<64x64xf32>
    %max3A_1350 = arith.maximumf %max3A_1349, %get3A_1336 : vector<64x64xf32>
    %max3A_1351 = arith.maximumf %max3A_1350, %get3A_1342 : vector<64x64xf32>
    %max3A_1352 = arith.maximumf %max3A_1351, %get3A_1348 : vector<64x64xf32>
    %sub3A_1353 = arith.subf %get3A_1324, %max3A_1352 : vector<64x64xf32>
    %exp3A_1354 = math.exp %sub3A_1353 : vector<64x64xf32>
    %sub3A_1355 = arith.subf %get3A_1330, %max3A_1352 : vector<64x64xf32>
    %exp3A_1356 = math.exp %sub3A_1355 : vector<64x64xf32>
    %add3A_1357 = arith.addf %exp3A_1354, %exp3A_1356 : vector<64x64xf32>
    %sub3A_1358 = arith.subf %get3A_1336, %max3A_1352 : vector<64x64xf32>
    %exp3A_1359 = math.exp %sub3A_1358 : vector<64x64xf32>
    %add3A_1360 = arith.addf %add3A_1357, %exp3A_1359 : vector<64x64xf32>
    %sub3A_1361 = arith.subf %get3A_1342, %max3A_1352 : vector<64x64xf32>
    %exp3A_1362 = math.exp %sub3A_1361 : vector<64x64xf32>
    %add3A_1363 = arith.addf %add3A_1360, %exp3A_1362 : vector<64x64xf32>
    %sub3A_1364 = arith.subf %get3A_1348, %max3A_1352 : vector<64x64xf32>
    %exp3A_1365 = math.exp %sub3A_1364 : vector<64x64xf32>
    %add3A_1366 = arith.addf %add3A_1363, %exp3A_1365 : vector<64x64xf32>
    %log3A_1367 = math.log %add3A_1366 : vector<64x64xf32>
    %add3A_1368 = arith.addf %max3A_1352, %log3A_1367 : vector<64x64xf32>
    %eq3A_1369 = arith.constant 0 : i32
    %eq3A_1370 = vector.broadcast %eq3A_1369 : i32 to vector<64x64xi32>
    %eq3A_1371 = arith.cmpi eq, %get3A_1309, %eq3A_1370 : vector<64x64xi32>
    %sub3A_1372 = arith.subf %add3A_1368, %get3A_1324 : vector<64x64xf32>
    %jit3A_1373 = arith.constant 0.000000e+00 : f32
    %broadcast_in_dim3A_1374 = vector.broadcast %jit3A_1373 : f32 to vector<64x64xf32>
    %select_n3A_1375 = arith.select %eq3A_1371, %sub3A_1372, %broadcast_in_dim3A_1374 : vector<64x64xi1>, vector<64x64xf32>
    %reshape3A_1376 = vector.shape_cast %select_n3A_1375 : vector<64x64xf32> to vector<8x8x64xf32>
    %reduce_sum3A_1377 = arith.constant dense<0.000000e+00> : vector<8x64xf32>
    %reduce_sum3A_1378 = vector.multi_reduction <add>, %reshape3A_1376, %reduce_sum3A_1377 [0] : vector<8x8x64xf32> to vector<8x64xf32>
    %add3A_1379 = arith.addf %add3A_1193, %reduce_sum3A_1378 : vector<8x64xf32>
    %eq3A_1380 = arith.constant 1 : i32
    %eq3A_1381 = vector.broadcast %eq3A_1380 : i32 to vector<64x64xi32>
    %eq3A_1382 = arith.cmpi eq, %get3A_1309, %eq3A_1381 : vector<64x64xi32>
    %sub3A_1383 = arith.subf %add3A_1368, %get3A_1330 : vector<64x64xf32>
    %jit3A_1384 = arith.constant 0.000000e+00 : f32
    %broadcast_in_dim3A_1385 = vector.broadcast %jit3A_1384 : f32 to vector<64x64xf32>
    %select_n3A_1386 = arith.select %eq3A_1382, %sub3A_1383, %broadcast_in_dim3A_1385 : vector<64x64xi1>, vector<64x64xf32>
    %reshape3A_1387 = vector.shape_cast %select_n3A_1386 : vector<64x64xf32> to vector<8x8x64xf32>
    %reduce_sum3A_1388 = arith.constant dense<0.000000e+00> : vector<8x64xf32>
    %reduce_sum3A_1389 = vector.multi_reduction <add>, %reshape3A_1387, %reduce_sum3A_1388 [0] : vector<8x8x64xf32> to vector<8x64xf32>
    %add3A_1390 = arith.addf %add3A_1204, %reduce_sum3A_1389 : vector<8x64xf32>
    %eq3A_1391 = arith.constant 2 : i32
    %eq3A_1392 = vector.broadcast %eq3A_1391 : i32 to vector<64x64xi32>
    %eq3A_1393 = arith.cmpi eq, %get3A_1309, %eq3A_1392 : vector<64x64xi32>
    %sub3A_1394 = arith.subf %add3A_1368, %get3A_1336 : vector<64x64xf32>
    %jit3A_1395 = arith.constant 0.000000e+00 : f32
    %broadcast_in_dim3A_1396 = vector.broadcast %jit3A_1395 : f32 to vector<64x64xf32>
    %select_n3A_1397 = arith.select %eq3A_1393, %sub3A_1394, %broadcast_in_dim3A_1396 : vector<64x64xi1>, vector<64x64xf32>
    %reshape3A_1398 = vector.shape_cast %select_n3A_1397 : vector<64x64xf32> to vector<8x8x64xf32>
    %reduce_sum3A_1399 = arith.constant dense<0.000000e+00> : vector<8x64xf32>
    %reduce_sum3A_1400 = vector.multi_reduction <add>, %reshape3A_1398, %reduce_sum3A_1399 [0] : vector<8x8x64xf32> to vector<8x64xf32>
    %add3A_1401 = arith.addf %add3A_1215, %reduce_sum3A_1400 : vector<8x64xf32>
    %eq3A_1402 = arith.constant 3 : i32
    %eq3A_1403 = vector.broadcast %eq3A_1402 : i32 to vector<64x64xi32>
    %eq3A_1404 = arith.cmpi eq, %get3A_1309, %eq3A_1403 : vector<64x64xi32>
    %sub3A_1405 = arith.subf %add3A_1368, %get3A_1342 : vector<64x64xf32>
    %jit3A_1406 = arith.constant 0.000000e+00 : f32
    %broadcast_in_dim3A_1407 = vector.broadcast %jit3A_1406 : f32 to vector<64x64xf32>
    %select_n3A_1408 = arith.select %eq3A_1404, %sub3A_1405, %broadcast_in_dim3A_1407 : vector<64x64xi1>, vector<64x64xf32>
    %reshape3A_1409 = vector.shape_cast %select_n3A_1408 : vector<64x64xf32> to vector<8x8x64xf32>
    %reduce_sum3A_1410 = arith.constant dense<0.000000e+00> : vector<8x64xf32>
    %reduce_sum3A_1411 = vector.multi_reduction <add>, %reshape3A_1409, %reduce_sum3A_1410 [0] : vector<8x8x64xf32> to vector<8x64xf32>
    %add3A_1412 = arith.addf %add3A_1226, %reduce_sum3A_1411 : vector<8x64xf32>
    %eq3A_1413 = arith.constant 4 : i32
    %eq3A_1414 = vector.broadcast %eq3A_1413 : i32 to vector<64x64xi32>
    %eq3A_1415 = arith.cmpi eq, %get3A_1309, %eq3A_1414 : vector<64x64xi32>
    %sub3A_1416 = arith.subf %add3A_1368, %get3A_1348 : vector<64x64xf32>
    %jit3A_1417 = arith.constant 0.000000e+00 : f32
    %broadcast_in_dim3A_1418 = vector.broadcast %jit3A_1417 : f32 to vector<64x64xf32>
    %select_n3A_1419 = arith.select %eq3A_1415, %sub3A_1416, %broadcast_in_dim3A_1418 : vector<64x64xi1>, vector<64x64xf32>
    %reshape3A_1420 = vector.shape_cast %select_n3A_1419 : vector<64x64xf32> to vector<8x8x64xf32>
    %reduce_sum3A_1421 = arith.constant dense<0.000000e+00> : vector<8x64xf32>
    %reduce_sum3A_1422 = vector.multi_reduction <add>, %reshape3A_1420, %reduce_sum3A_1421 [0] : vector<8x8x64xf32> to vector<8x64xf32>
    %add3A_1423 = arith.addf %add3A_1237, %reduce_sum3A_1422 : vector<8x64xf32>
    %get3A_1424 = arith.constant 0 : index
    %get3A_1425 = arith.constant 7 : index
    %get3A_1426 = arith.constant 0 : index
    %get3A_1427 = arith.constant 0 : index
    %get3A_1428 = vector.load %arg2[%get3A_1424, %get3A_1425, %get3A_1426, %get3A_1427] : memref<6x8x64x64xf32, #tpu.memory_space<vmem>>, vector<1x1x64x64xf32>
    %get3A_1429 = vector.shape_cast %get3A_1428 : vector<1x1x64x64xf32> to vector<64x64xf32>
    %get3A_1430 = arith.constant 1 : index
    %get3A_1431 = arith.constant 7 : index
    %get3A_1432 = arith.constant 0 : index
    %get3A_1433 = arith.constant 0 : index
    %get3A_1434 = vector.load %arg2[%get3A_1430, %get3A_1431, %get3A_1432, %get3A_1433] : memref<6x8x64x64xf32, #tpu.memory_space<vmem>>, vector<1x1x64x64xf32>
    %get3A_1435 = vector.shape_cast %get3A_1434 : vector<1x1x64x64xf32> to vector<64x64xf32>
    %get3A_1436 = arith.constant 2 : index
    %get3A_1437 = arith.constant 7 : index
    %get3A_1438 = arith.constant 0 : index
    %get3A_1439 = arith.constant 0 : index
    %get3A_1440 = vector.load %arg2[%get3A_1436, %get3A_1437, %get3A_1438, %get3A_1439] : memref<6x8x64x64xf32, #tpu.memory_space<vmem>>, vector<1x1x64x64xf32>
    %get3A_1441 = vector.shape_cast %get3A_1440 : vector<1x1x64x64xf32> to vector<64x64xf32>
    %max3A_1442 = arith.maximumf %get3A_1429, %get3A_1435 : vector<64x64xf32>
    %max3A_1443 = arith.maximumf %max3A_1442, %get3A_1441 : vector<64x64xf32>
    %sub3A_1444 = arith.subf %get3A_1429, %max3A_1443 : vector<64x64xf32>
    %exp3A_1445 = math.exp %sub3A_1444 : vector<64x64xf32>
    %sub3A_1446 = arith.subf %get3A_1435, %max3A_1443 : vector<64x64xf32>
    %exp3A_1447 = math.exp %sub3A_1446 : vector<64x64xf32>
    %add3A_1448 = arith.addf %exp3A_1445, %exp3A_1447 : vector<64x64xf32>
    %sub3A_1449 = arith.subf %get3A_1441, %max3A_1443 : vector<64x64xf32>
    %exp3A_1450 = math.exp %sub3A_1449 : vector<64x64xf32>
    %add3A_1451 = arith.addf %add3A_1448, %exp3A_1450 : vector<64x64xf32>
    %log3A_1452 = math.log %add3A_1451 : vector<64x64xf32>
    %add3A_1453 = arith.addf %max3A_1443, %log3A_1452 : vector<64x64xf32>
    %eq3A_1454 = arith.constant 0 : i32
    %eq3A_1455 = vector.broadcast %eq3A_1454 : i32 to vector<64x64xi32>
    %eq3A_1456 = arith.cmpi eq, %get3A_1315, %eq3A_1455 : vector<64x64xi32>
    %and3A_1457 = arith.andi %eq3A_1456, %gt3A_1318 : vector<64x64xi1>
    %sub3A_1458 = arith.subf %add3A_1453, %get3A_1429 : vector<64x64xf32>
    %jit3A_1459 = arith.constant 0.000000e+00 : f32
    %broadcast_in_dim3A_1460 = vector.broadcast %jit3A_1459 : f32 to vector<64x64xf32>
    %select_n3A_1461 = arith.select %and3A_1457, %sub3A_1458, %broadcast_in_dim3A_1460 : vector<64x64xi1>, vector<64x64xf32>
    %reshape3A_1462 = vector.shape_cast %select_n3A_1461 : vector<64x64xf32> to vector<8x8x64xf32>
    %reduce_sum3A_1463 = arith.constant dense<0.000000e+00> : vector<8x64xf32>
    %reduce_sum3A_1464 = vector.multi_reduction <add>, %reshape3A_1462, %reduce_sum3A_1463 [0] : vector<8x8x64xf32> to vector<8x64xf32>
    %add3A_1465 = arith.addf %add3A_1279, %reduce_sum3A_1464 : vector<8x64xf32>
    %eq3A_1466 = arith.constant 1 : i32
    %eq3A_1467 = vector.broadcast %eq3A_1466 : i32 to vector<64x64xi32>
    %eq3A_1468 = arith.cmpi eq, %get3A_1315, %eq3A_1467 : vector<64x64xi32>
    %and3A_1469 = arith.andi %eq3A_1468, %gt3A_1318 : vector<64x64xi1>
    %sub3A_1470 = arith.subf %add3A_1453, %get3A_1435 : vector<64x64xf32>
    %jit3A_1471 = arith.constant 0.000000e+00 : f32
    %broadcast_in_dim3A_1472 = vector.broadcast %jit3A_1471 : f32 to vector<64x64xf32>
    %select_n3A_1473 = arith.select %and3A_1469, %sub3A_1470, %broadcast_in_dim3A_1472 : vector<64x64xi1>, vector<64x64xf32>
    %reshape3A_1474 = vector.shape_cast %select_n3A_1473 : vector<64x64xf32> to vector<8x8x64xf32>
    %reduce_sum3A_1475 = arith.constant dense<0.000000e+00> : vector<8x64xf32>
    %reduce_sum3A_1476 = vector.multi_reduction <add>, %reshape3A_1474, %reduce_sum3A_1475 [0] : vector<8x8x64xf32> to vector<8x64xf32>
    %add3A_1477 = arith.addf %add3A_1291, %reduce_sum3A_1476 : vector<8x64xf32>
    %eq3A_1478 = arith.constant 2 : i32
    %eq3A_1479 = vector.broadcast %eq3A_1478 : i32 to vector<64x64xi32>
    %eq3A_1480 = arith.cmpi eq, %get3A_1315, %eq3A_1479 : vector<64x64xi32>
    %and3A_1481 = arith.andi %eq3A_1480, %gt3A_1318 : vector<64x64xi1>
    %sub3A_1482 = arith.subf %add3A_1453, %get3A_1441 : vector<64x64xf32>
    %jit3A_1483 = arith.constant 0.000000e+00 : f32
    %broadcast_in_dim3A_1484 = vector.broadcast %jit3A_1483 : f32 to vector<64x64xf32>
    %select_n3A_1485 = arith.select %and3A_1481, %sub3A_1482, %broadcast_in_dim3A_1484 : vector<64x64xi1>, vector<64x64xf32>
    %reshape3A_1486 = vector.shape_cast %select_n3A_1485 : vector<64x64xf32> to vector<8x8x64xf32>
    %reduce_sum3A_1487 = arith.constant dense<0.000000e+00> : vector<8x64xf32>
    %reduce_sum3A_1488 = vector.multi_reduction <add>, %reshape3A_1486, %reduce_sum3A_1487 [0] : vector<8x8x64xf32> to vector<8x64xf32>
    %add3A_1489 = arith.addf %add3A_1303, %reduce_sum3A_1488 : vector<8x64xf32>
    %get3A_1490 = arith.constant 1 : index
    %get3A_1491 = arith.constant 0 : index
    %get3A_1492 = arith.constant 0 : index
    %get3A_1493 = arith.constant 0 : index
    %get3A_1494 = vector.load %arg3[%get3A_1490, %get3A_1491, %get3A_1492, %get3A_1493] : memref<2x8x64x64xi32, #tpu.memory_space<vmem>>, vector<1x1x64x64xi32>
    %get3A_1495 = vector.shape_cast %get3A_1494 : vector<1x1x64x64xi32> to vector<64x64xi32>
    %get3A_1496 = arith.constant 1 : index
    %get3A_1497 = arith.constant 0 : index
    %get3A_1498 = arith.constant 0 : index
    %get3A_1499 = arith.constant 0 : index
    %get3A_1500 = vector.load %arg4[%get3A_1496, %get3A_1497, %get3A_1498, %get3A_1499] : memref<2x8x64x64xi32, #tpu.memory_space<vmem>>, vector<1x1x64x64xi32>
    %get3A_1501 = vector.shape_cast %get3A_1500 : vector<1x1x64x64xi32> to vector<64x64xi32>
    %gt3A_1502 = arith.constant 0 : i32
    %gt3A_1503 = vector.broadcast %gt3A_1502 : i32 to vector<64x64xi32>
    %gt3A_1504 = arith.cmpi sgt, %get3A_1495, %gt3A_1503 : vector<64x64xi32>
    %get3A_1505 = arith.constant 5 : index
    %get3A_1506 = arith.constant 0 : index
    %get3A_1507 = arith.constant 0 : index
    %get3A_1508 = arith.constant 0 : index
    %get3A_1509 = vector.load %arg1[%get3A_1505, %get3A_1506, %get3A_1507, %get3A_1508] : memref<10x8x64x64xf32, #tpu.memory_space<vmem>>, vector<1x1x64x64xf32>
    %get3A_1510 = vector.shape_cast %get3A_1509 : vector<1x1x64x64xf32> to vector<64x64xf32>
    %get3A_1511 = arith.constant 6 : index
    %get3A_1512 = arith.constant 0 : index
    %get3A_1513 = arith.constant 0 : index
    %get3A_1514 = arith.constant 0 : index
    %get3A_1515 = vector.load %arg1[%get3A_1511, %get3A_1512, %get3A_1513, %get3A_1514] : memref<10x8x64x64xf32, #tpu.memory_space<vmem>>, vector<1x1x64x64xf32>
    %get3A_1516 = vector.shape_cast %get3A_1515 : vector<1x1x64x64xf32> to vector<64x64xf32>
    %get3A_1517 = arith.constant 7 : index
    %get3A_1518 = arith.constant 0 : index
    %get3A_1519 = arith.constant 0 : index
    %get3A_1520 = arith.constant 0 : index
    %get3A_1521 = vector.load %arg1[%get3A_1517, %get3A_1518, %get3A_1519, %get3A_1520] : memref<10x8x64x64xf32, #tpu.memory_space<vmem>>, vector<1x1x64x64xf32>
    %get3A_1522 = vector.shape_cast %get3A_1521 : vector<1x1x64x64xf32> to vector<64x64xf32>
    %get3A_1523 = arith.constant 8 : index
    %get3A_1524 = arith.constant 0 : index
    %get3A_1525 = arith.constant 0 : index
    %get3A_1526 = arith.constant 0 : index
    %get3A_1527 = vector.load %arg1[%get3A_1523, %get3A_1524, %get3A_1525, %get3A_1526] : memref<10x8x64x64xf32, #tpu.memory_space<vmem>>, vector<1x1x64x64xf32>
    %get3A_1528 = vector.shape_cast %get3A_1527 : vector<1x1x64x64xf32> to vector<64x64xf32>
    %get3A_1529 = arith.constant 9 : index
    %get3A_1530 = arith.constant 0 : index
    %get3A_1531 = arith.constant 0 : index
    %get3A_1532 = arith.constant 0 : index
    %get3A_1533 = vector.load %arg1[%get3A_1529, %get3A_1530, %get3A_1531, %get3A_1532] : memref<10x8x64x64xf32, #tpu.memory_space<vmem>>, vector<1x1x64x64xf32>
    %get3A_1534 = vector.shape_cast %get3A_1533 : vector<1x1x64x64xf32> to vector<64x64xf32>
    %max3A_1535 = arith.maximumf %get3A_1510, %get3A_1516 : vector<64x64xf32>
    %max3A_1536 = arith.maximumf %max3A_1535, %get3A_1522 : vector<64x64xf32>
    %max3A_1537 = arith.maximumf %max3A_1536, %get3A_1528 : vector<64x64xf32>
    %max3A_1538 = arith.maximumf %max3A_1537, %get3A_1534 : vector<64x64xf32>
    %sub3A_1539 = arith.subf %get3A_1510, %max3A_1538 : vector<64x64xf32>
    %exp3A_1540 = math.exp %sub3A_1539 : vector<64x64xf32>
    %sub3A_1541 = arith.subf %get3A_1516, %max3A_1538 : vector<64x64xf32>
    %exp3A_1542 = math.exp %sub3A_1541 : vector<64x64xf32>
    %add3A_1543 = arith.addf %exp3A_1540, %exp3A_1542 : vector<64x64xf32>
    %sub3A_1544 = arith.subf %get3A_1522, %max3A_1538 : vector<64x64xf32>
    %exp3A_1545 = math.exp %sub3A_1544 : vector<64x64xf32>
    %add3A_1546 = arith.addf %add3A_1543, %exp3A_1545 : vector<64x64xf32>
    %sub3A_1547 = arith.subf %get3A_1528, %max3A_1538 : vector<64x64xf32>
    %exp3A_1548 = math.exp %sub3A_1547 : vector<64x64xf32>
    %add3A_1549 = arith.addf %add3A_1546, %exp3A_1548 : vector<64x64xf32>
    %sub3A_1550 = arith.subf %get3A_1534, %max3A_1538 : vector<64x64xf32>
    %exp3A_1551 = math.exp %sub3A_1550 : vector<64x64xf32>
    %add3A_1552 = arith.addf %add3A_1549, %exp3A_1551 : vector<64x64xf32>
    %log3A_1553 = math.log %add3A_1552 : vector<64x64xf32>
    %add3A_1554 = arith.addf %max3A_1538, %log3A_1553 : vector<64x64xf32>
    %eq3A_1555 = arith.constant 0 : i32
    %eq3A_1556 = vector.broadcast %eq3A_1555 : i32 to vector<64x64xi32>
    %eq3A_1557 = arith.cmpi eq, %get3A_1495, %eq3A_1556 : vector<64x64xi32>
    %sub3A_1558 = arith.subf %add3A_1554, %get3A_1510 : vector<64x64xf32>
    %jit3A_1559 = arith.constant 0.000000e+00 : f32
    %broadcast_in_dim3A_1560 = vector.broadcast %jit3A_1559 : f32 to vector<64x64xf32>
    %select_n3A_1561 = arith.select %eq3A_1557, %sub3A_1558, %broadcast_in_dim3A_1560 : vector<64x64xi1>, vector<64x64xf32>
    %reshape3A_1562 = vector.shape_cast %select_n3A_1561 : vector<64x64xf32> to vector<8x8x64xf32>
    %reduce_sum3A_1563 = arith.constant dense<0.000000e+00> : vector<8x64xf32>
    %reduce_sum3A_1564 = vector.multi_reduction <add>, %reshape3A_1562, %reduce_sum3A_1563 [0] : vector<8x8x64xf32> to vector<8x64xf32>
    %add3A_1565 = arith.addf %add3A_1379, %reduce_sum3A_1564 : vector<8x64xf32>
    %eq3A_1566 = arith.constant 1 : i32
    %eq3A_1567 = vector.broadcast %eq3A_1566 : i32 to vector<64x64xi32>
    %eq3A_1568 = arith.cmpi eq, %get3A_1495, %eq3A_1567 : vector<64x64xi32>
    %sub3A_1569 = arith.subf %add3A_1554, %get3A_1516 : vector<64x64xf32>
    %jit3A_1570 = arith.constant 0.000000e+00 : f32
    %broadcast_in_dim3A_1571 = vector.broadcast %jit3A_1570 : f32 to vector<64x64xf32>
    %select_n3A_1572 = arith.select %eq3A_1568, %sub3A_1569, %broadcast_in_dim3A_1571 : vector<64x64xi1>, vector<64x64xf32>
    %reshape3A_1573 = vector.shape_cast %select_n3A_1572 : vector<64x64xf32> to vector<8x8x64xf32>
    %reduce_sum3A_1574 = arith.constant dense<0.000000e+00> : vector<8x64xf32>
    %reduce_sum3A_1575 = vector.multi_reduction <add>, %reshape3A_1573, %reduce_sum3A_1574 [0] : vector<8x8x64xf32> to vector<8x64xf32>
    %add3A_1576 = arith.addf %add3A_1390, %reduce_sum3A_1575 : vector<8x64xf32>
    %eq3A_1577 = arith.constant 2 : i32
    %eq3A_1578 = vector.broadcast %eq3A_1577 : i32 to vector<64x64xi32>
    %eq3A_1579 = arith.cmpi eq, %get3A_1495, %eq3A_1578 : vector<64x64xi32>
    %sub3A_1580 = arith.subf %add3A_1554, %get3A_1522 : vector<64x64xf32>
    %jit3A_1581 = arith.constant 0.000000e+00 : f32
    %broadcast_in_dim3A_1582 = vector.broadcast %jit3A_1581 : f32 to vector<64x64xf32>
    %select_n3A_1583 = arith.select %eq3A_1579, %sub3A_1580, %broadcast_in_dim3A_1582 : vector<64x64xi1>, vector<64x64xf32>
    %reshape3A_1584 = vector.shape_cast %select_n3A_1583 : vector<64x64xf32> to vector<8x8x64xf32>
    %reduce_sum3A_1585 = arith.constant dense<0.000000e+00> : vector<8x64xf32>
    %reduce_sum3A_1586 = vector.multi_reduction <add>, %reshape3A_1584, %reduce_sum3A_1585 [0] : vector<8x8x64xf32> to vector<8x64xf32>
    %add3A_1587 = arith.addf %add3A_1401, %reduce_sum3A_1586 : vector<8x64xf32>
    %eq3A_1588 = arith.constant 3 : i32
    %eq3A_1589 = vector.broadcast %eq3A_1588 : i32 to vector<64x64xi32>
    %eq3A_1590 = arith.cmpi eq, %get3A_1495, %eq3A_1589 : vector<64x64xi32>
    %sub3A_1591 = arith.subf %add3A_1554, %get3A_1528 : vector<64x64xf32>
    %jit3A_1592 = arith.constant 0.000000e+00 : f32
    %broadcast_in_dim3A_1593 = vector.broadcast %jit3A_1592 : f32 to vector<64x64xf32>
    %select_n3A_1594 = arith.select %eq3A_1590, %sub3A_1591, %broadcast_in_dim3A_1593 : vector<64x64xi1>, vector<64x64xf32>
    %reshape3A_1595 = vector.shape_cast %select_n3A_1594 : vector<64x64xf32> to vector<8x8x64xf32>
    %reduce_sum3A_1596 = arith.constant dense<0.000000e+00> : vector<8x64xf32>
    %reduce_sum3A_1597 = vector.multi_reduction <add>, %reshape3A_1595, %reduce_sum3A_1596 [0] : vector<8x8x64xf32> to vector<8x64xf32>
    %add3A_1598 = arith.addf %add3A_1412, %reduce_sum3A_1597 : vector<8x64xf32>
    %eq3A_1599 = arith.constant 4 : i32
    %eq3A_1600 = vector.broadcast %eq3A_1599 : i32 to vector<64x64xi32>
    %eq3A_1601 = arith.cmpi eq, %get3A_1495, %eq3A_1600 : vector<64x64xi32>
    %sub3A_1602 = arith.subf %add3A_1554, %get3A_1534 : vector<64x64xf32>
    %jit3A_1603 = arith.constant 0.000000e+00 : f32
    %broadcast_in_dim3A_1604 = vector.broadcast %jit3A_1603 : f32 to vector<64x64xf32>
    %select_n3A_1605 = arith.select %eq3A_1601, %sub3A_1602, %broadcast_in_dim3A_1604 : vector<64x64xi1>, vector<64x64xf32>
    %reshape3A_1606 = vector.shape_cast %select_n3A_1605 : vector<64x64xf32> to vector<8x8x64xf32>
    %reduce_sum3A_1607 = arith.constant dense<0.000000e+00> : vector<8x64xf32>
    %reduce_sum3A_1608 = vector.multi_reduction <add>, %reshape3A_1606, %reduce_sum3A_1607 [0] : vector<8x8x64xf32> to vector<8x64xf32>
    %add3A_1609 = arith.addf %add3A_1423, %reduce_sum3A_1608 : vector<8x64xf32>
    %get3A_1610 = arith.constant 3 : index
    %get3A_1611 = arith.constant 0 : index
    %get3A_1612 = arith.constant 0 : index
    %get3A_1613 = arith.constant 0 : index
    %get3A_1614 = vector.load %arg2[%get3A_1610, %get3A_1611, %get3A_1612, %get3A_1613] : memref<6x8x64x64xf32, #tpu.memory_space<vmem>>, vector<1x1x64x64xf32>
    %get3A_1615 = vector.shape_cast %get3A_1614 : vector<1x1x64x64xf32> to vector<64x64xf32>
    %get3A_1616 = arith.constant 4 : index
    %get3A_1617 = arith.constant 0 : index
    %get3A_1618 = arith.constant 0 : index
    %get3A_1619 = arith.constant 0 : index
    %get3A_1620 = vector.load %arg2[%get3A_1616, %get3A_1617, %get3A_1618, %get3A_1619] : memref<6x8x64x64xf32, #tpu.memory_space<vmem>>, vector<1x1x64x64xf32>
    %get3A_1621 = vector.shape_cast %get3A_1620 : vector<1x1x64x64xf32> to vector<64x64xf32>
    %get3A_1622 = arith.constant 5 : index
    %get3A_1623 = arith.constant 0 : index
    %get3A_1624 = arith.constant 0 : index
    %get3A_1625 = arith.constant 0 : index
    %get3A_1626 = vector.load %arg2[%get3A_1622, %get3A_1623, %get3A_1624, %get3A_1625] : memref<6x8x64x64xf32, #tpu.memory_space<vmem>>, vector<1x1x64x64xf32>
    %get3A_1627 = vector.shape_cast %get3A_1626 : vector<1x1x64x64xf32> to vector<64x64xf32>
    %max3A_1628 = arith.maximumf %get3A_1615, %get3A_1621 : vector<64x64xf32>
    %max3A_1629 = arith.maximumf %max3A_1628, %get3A_1627 : vector<64x64xf32>
    %sub3A_1630 = arith.subf %get3A_1615, %max3A_1629 : vector<64x64xf32>
    %exp3A_1631 = math.exp %sub3A_1630 : vector<64x64xf32>
    %sub3A_1632 = arith.subf %get3A_1621, %max3A_1629 : vector<64x64xf32>
    %exp3A_1633 = math.exp %sub3A_1632 : vector<64x64xf32>
    %add3A_1634 = arith.addf %exp3A_1631, %exp3A_1633 : vector<64x64xf32>
    %sub3A_1635 = arith.subf %get3A_1627, %max3A_1629 : vector<64x64xf32>
    %exp3A_1636 = math.exp %sub3A_1635 : vector<64x64xf32>
    %add3A_1637 = arith.addf %add3A_1634, %exp3A_1636 : vector<64x64xf32>
    %log3A_1638 = math.log %add3A_1637 : vector<64x64xf32>
    %add3A_1639 = arith.addf %max3A_1629, %log3A_1638 : vector<64x64xf32>
    %eq3A_1640 = arith.constant 0 : i32
    %eq3A_1641 = vector.broadcast %eq3A_1640 : i32 to vector<64x64xi32>
    %eq3A_1642 = arith.cmpi eq, %get3A_1501, %eq3A_1641 : vector<64x64xi32>
    %and3A_1643 = arith.andi %eq3A_1642, %gt3A_1504 : vector<64x64xi1>
    %sub3A_1644 = arith.subf %add3A_1639, %get3A_1615 : vector<64x64xf32>
    %jit3A_1645 = arith.constant 0.000000e+00 : f32
    %broadcast_in_dim3A_1646 = vector.broadcast %jit3A_1645 : f32 to vector<64x64xf32>
    %select_n3A_1647 = arith.select %and3A_1643, %sub3A_1644, %broadcast_in_dim3A_1646 : vector<64x64xi1>, vector<64x64xf32>
    %reshape3A_1648 = vector.shape_cast %select_n3A_1647 : vector<64x64xf32> to vector<8x8x64xf32>
    %reduce_sum3A_1649 = arith.constant dense<0.000000e+00> : vector<8x64xf32>
    %reduce_sum3A_1650 = vector.multi_reduction <add>, %reshape3A_1648, %reduce_sum3A_1649 [0] : vector<8x8x64xf32> to vector<8x64xf32>
    %add3A_1651 = arith.addf %add3A_1465, %reduce_sum3A_1650 : vector<8x64xf32>
    %eq3A_1652 = arith.constant 1 : i32
    %eq3A_1653 = vector.broadcast %eq3A_1652 : i32 to vector<64x64xi32>
    %eq3A_1654 = arith.cmpi eq, %get3A_1501, %eq3A_1653 : vector<64x64xi32>
    %and3A_1655 = arith.andi %eq3A_1654, %gt3A_1504 : vector<64x64xi1>
    %sub3A_1656 = arith.subf %add3A_1639, %get3A_1621 : vector<64x64xf32>
    %jit3A_1657 = arith.constant 0.000000e+00 : f32
    %broadcast_in_dim3A_1658 = vector.broadcast %jit3A_1657 : f32 to vector<64x64xf32>
    %select_n3A_1659 = arith.select %and3A_1655, %sub3A_1656, %broadcast_in_dim3A_1658 : vector<64x64xi1>, vector<64x64xf32>
    %reshape3A_1660 = vector.shape_cast %select_n3A_1659 : vector<64x64xf32> to vector<8x8x64xf32>
    %reduce_sum3A_1661 = arith.constant dense<0.000000e+00> : vector<8x64xf32>
    %reduce_sum3A_1662 = vector.multi_reduction <add>, %reshape3A_1660, %reduce_sum3A_1661 [0] : vector<8x8x64xf32> to vector<8x64xf32>
    %add3A_1663 = arith.addf %add3A_1477, %reduce_sum3A_1662 : vector<8x64xf32>
    %eq3A_1664 = arith.constant 2 : i32
    %eq3A_1665 = vector.broadcast %eq3A_1664 : i32 to vector<64x64xi32>
    %eq3A_1666 = arith.cmpi eq, %get3A_1501, %eq3A_1665 : vector<64x64xi32>
    %and3A_1667 = arith.andi %eq3A_1666, %gt3A_1504 : vector<64x64xi1>
    %sub3A_1668 = arith.subf %add3A_1639, %get3A_1627 : vector<64x64xf32>
    %jit3A_1669 = arith.constant 0.000000e+00 : f32
    %broadcast_in_dim3A_1670 = vector.broadcast %jit3A_1669 : f32 to vector<64x64xf32>
    %select_n3A_1671 = arith.select %and3A_1667, %sub3A_1668, %broadcast_in_dim3A_1670 : vector<64x64xi1>, vector<64x64xf32>
    %reshape3A_1672 = vector.shape_cast %select_n3A_1671 : vector<64x64xf32> to vector<8x8x64xf32>
    %reduce_sum3A_1673 = arith.constant dense<0.000000e+00> : vector<8x64xf32>
    %reduce_sum3A_1674 = vector.multi_reduction <add>, %reshape3A_1672, %reduce_sum3A_1673 [0] : vector<8x8x64xf32> to vector<8x64xf32>
    %add3A_1675 = arith.addf %add3A_1489, %reduce_sum3A_1674 : vector<8x64xf32>
    %get3A_1676 = arith.constant 1 : index
    %get3A_1677 = arith.constant 1 : index
    %get3A_1678 = arith.constant 0 : index
    %get3A_1679 = arith.constant 0 : index
    %get3A_1680 = vector.load %arg3[%get3A_1676, %get3A_1677, %get3A_1678, %get3A_1679] : memref<2x8x64x64xi32, #tpu.memory_space<vmem>>, vector<1x1x64x64xi32>
    %get3A_1681 = vector.shape_cast %get3A_1680 : vector<1x1x64x64xi32> to vector<64x64xi32>
    %get3A_1682 = arith.constant 1 : index
    %get3A_1683 = arith.constant 1 : index
    %get3A_1684 = arith.constant 0 : index
    %get3A_1685 = arith.constant 0 : index
    %get3A_1686 = vector.load %arg4[%get3A_1682, %get3A_1683, %get3A_1684, %get3A_1685] : memref<2x8x64x64xi32, #tpu.memory_space<vmem>>, vector<1x1x64x64xi32>
    %get3A_1687 = vector.shape_cast %get3A_1686 : vector<1x1x64x64xi32> to vector<64x64xi32>
    %gt3A_1688 = arith.constant 0 : i32
    %gt3A_1689 = vector.broadcast %gt3A_1688 : i32 to vector<64x64xi32>
    %gt3A_1690 = arith.cmpi sgt, %get3A_1681, %gt3A_1689 : vector<64x64xi32>
    %get3A_1691 = arith.constant 5 : index
    %get3A_1692 = arith.constant 1 : index
    %get3A_1693 = arith.constant 0 : index
    %get3A_1694 = arith.constant 0 : index
    %get3A_1695 = vector.load %arg1[%get3A_1691, %get3A_1692, %get3A_1693, %get3A_1694] : memref<10x8x64x64xf32, #tpu.memory_space<vmem>>, vector<1x1x64x64xf32>
    %get3A_1696 = vector.shape_cast %get3A_1695 : vector<1x1x64x64xf32> to vector<64x64xf32>
    %get3A_1697 = arith.constant 6 : index
    %get3A_1698 = arith.constant 1 : index
    %get3A_1699 = arith.constant 0 : index
    %get3A_1700 = arith.constant 0 : index
    %get3A_1701 = vector.load %arg1[%get3A_1697, %get3A_1698, %get3A_1699, %get3A_1700] : memref<10x8x64x64xf32, #tpu.memory_space<vmem>>, vector<1x1x64x64xf32>
    %get3A_1702 = vector.shape_cast %get3A_1701 : vector<1x1x64x64xf32> to vector<64x64xf32>
    %get3A_1703 = arith.constant 7 : index
    %get3A_1704 = arith.constant 1 : index
    %get3A_1705 = arith.constant 0 : index
    %get3A_1706 = arith.constant 0 : index
    %get3A_1707 = vector.load %arg1[%get3A_1703, %get3A_1704, %get3A_1705, %get3A_1706] : memref<10x8x64x64xf32, #tpu.memory_space<vmem>>, vector<1x1x64x64xf32>
    %get3A_1708 = vector.shape_cast %get3A_1707 : vector<1x1x64x64xf32> to vector<64x64xf32>
    %get3A_1709 = arith.constant 8 : index
    %get3A_1710 = arith.constant 1 : index
    %get3A_1711 = arith.constant 0 : index
    %get3A_1712 = arith.constant 0 : index
    %get3A_1713 = vector.load %arg1[%get3A_1709, %get3A_1710, %get3A_1711, %get3A_1712] : memref<10x8x64x64xf32, #tpu.memory_space<vmem>>, vector<1x1x64x64xf32>
    %get3A_1714 = vector.shape_cast %get3A_1713 : vector<1x1x64x64xf32> to vector<64x64xf32>
    %get3A_1715 = arith.constant 9 : index
    %get3A_1716 = arith.constant 1 : index
    %get3A_1717 = arith.constant 0 : index
    %get3A_1718 = arith.constant 0 : index
    %get3A_1719 = vector.load %arg1[%get3A_1715, %get3A_1716, %get3A_1717, %get3A_1718] : memref<10x8x64x64xf32, #tpu.memory_space<vmem>>, vector<1x1x64x64xf32>
    %get3A_1720 = vector.shape_cast %get3A_1719 : vector<1x1x64x64xf32> to vector<64x64xf32>
    %max3A_1721 = arith.maximumf %get3A_1696, %get3A_1702 : vector<64x64xf32>
    %max3A_1722 = arith.maximumf %max3A_1721, %get3A_1708 : vector<64x64xf32>
    %max3A_1723 = arith.maximumf %max3A_1722, %get3A_1714 : vector<64x64xf32>
    %max3A_1724 = arith.maximumf %max3A_1723, %get3A_1720 : vector<64x64xf32>
    %sub3A_1725 = arith.subf %get3A_1696, %max3A_1724 : vector<64x64xf32>
    %exp3A_1726 = math.exp %sub3A_1725 : vector<64x64xf32>
    %sub3A_1727 = arith.subf %get3A_1702, %max3A_1724 : vector<64x64xf32>
    %exp3A_1728 = math.exp %sub3A_1727 : vector<64x64xf32>
    %add3A_1729 = arith.addf %exp3A_1726, %exp3A_1728 : vector<64x64xf32>
    %sub3A_1730 = arith.subf %get3A_1708, %max3A_1724 : vector<64x64xf32>
    %exp3A_1731 = math.exp %sub3A_1730 : vector<64x64xf32>
    %add3A_1732 = arith.addf %add3A_1729, %exp3A_1731 : vector<64x64xf32>
    %sub3A_1733 = arith.subf %get3A_1714, %max3A_1724 : vector<64x64xf32>
    %exp3A_1734 = math.exp %sub3A_1733 : vector<64x64xf32>
    %add3A_1735 = arith.addf %add3A_1732, %exp3A_1734 : vector<64x64xf32>
    %sub3A_1736 = arith.subf %get3A_1720, %max3A_1724 : vector<64x64xf32>
    %exp3A_1737 = math.exp %sub3A_1736 : vector<64x64xf32>
    %add3A_1738 = arith.addf %add3A_1735, %exp3A_1737 : vector<64x64xf32>
    %log3A_1739 = math.log %add3A_1738 : vector<64x64xf32>
    %add3A_1740 = arith.addf %max3A_1724, %log3A_1739 : vector<64x64xf32>
    %eq3A_1741 = arith.constant 0 : i32
    %eq3A_1742 = vector.broadcast %eq3A_1741 : i32 to vector<64x64xi32>
    %eq3A_1743 = arith.cmpi eq, %get3A_1681, %eq3A_1742 : vector<64x64xi32>
    %sub3A_1744 = arith.subf %add3A_1740, %get3A_1696 : vector<64x64xf32>
    %jit3A_1745 = arith.constant 0.000000e+00 : f32
    %broadcast_in_dim3A_1746 = vector.broadcast %jit3A_1745 : f32 to vector<64x64xf32>
    %select_n3A_1747 = arith.select %eq3A_1743, %sub3A_1744, %broadcast_in_dim3A_1746 : vector<64x64xi1>, vector<64x64xf32>
    %reshape3A_1748 = vector.shape_cast %select_n3A_1747 : vector<64x64xf32> to vector<8x8x64xf32>
    %reduce_sum3A_1749 = arith.constant dense<0.000000e+00> : vector<8x64xf32>
    %reduce_sum3A_1750 = vector.multi_reduction <add>, %reshape3A_1748, %reduce_sum3A_1749 [0] : vector<8x8x64xf32> to vector<8x64xf32>
    %add3A_1751 = arith.addf %add3A_1565, %reduce_sum3A_1750 : vector<8x64xf32>
    %eq3A_1752 = arith.constant 1 : i32
    %eq3A_1753 = vector.broadcast %eq3A_1752 : i32 to vector<64x64xi32>
    %eq3A_1754 = arith.cmpi eq, %get3A_1681, %eq3A_1753 : vector<64x64xi32>
    %sub3A_1755 = arith.subf %add3A_1740, %get3A_1702 : vector<64x64xf32>
    %jit3A_1756 = arith.constant 0.000000e+00 : f32
    %broadcast_in_dim3A_1757 = vector.broadcast %jit3A_1756 : f32 to vector<64x64xf32>
    %select_n3A_1758 = arith.select %eq3A_1754, %sub3A_1755, %broadcast_in_dim3A_1757 : vector<64x64xi1>, vector<64x64xf32>
    %reshape3A_1759 = vector.shape_cast %select_n3A_1758 : vector<64x64xf32> to vector<8x8x64xf32>
    %reduce_sum3A_1760 = arith.constant dense<0.000000e+00> : vector<8x64xf32>
    %reduce_sum3A_1761 = vector.multi_reduction <add>, %reshape3A_1759, %reduce_sum3A_1760 [0] : vector<8x8x64xf32> to vector<8x64xf32>
    %add3A_1762 = arith.addf %add3A_1576, %reduce_sum3A_1761 : vector<8x64xf32>
    %eq3A_1763 = arith.constant 2 : i32
    %eq3A_1764 = vector.broadcast %eq3A_1763 : i32 to vector<64x64xi32>
    %eq3A_1765 = arith.cmpi eq, %get3A_1681, %eq3A_1764 : vector<64x64xi32>
    %sub3A_1766 = arith.subf %add3A_1740, %get3A_1708 : vector<64x64xf32>
    %jit3A_1767 = arith.constant 0.000000e+00 : f32
    %broadcast_in_dim3A_1768 = vector.broadcast %jit3A_1767 : f32 to vector<64x64xf32>
    %select_n3A_1769 = arith.select %eq3A_1765, %sub3A_1766, %broadcast_in_dim3A_1768 : vector<64x64xi1>, vector<64x64xf32>
    %reshape3A_1770 = vector.shape_cast %select_n3A_1769 : vector<64x64xf32> to vector<8x8x64xf32>
    %reduce_sum3A_1771 = arith.constant dense<0.000000e+00> : vector<8x64xf32>
    %reduce_sum3A_1772 = vector.multi_reduction <add>, %reshape3A_1770, %reduce_sum3A_1771 [0] : vector<8x8x64xf32> to vector<8x64xf32>
    %add3A_1773 = arith.addf %add3A_1587, %reduce_sum3A_1772 : vector<8x64xf32>
    %eq3A_1774 = arith.constant 3 : i32
    %eq3A_1775 = vector.broadcast %eq3A_1774 : i32 to vector<64x64xi32>
    %eq3A_1776 = arith.cmpi eq, %get3A_1681, %eq3A_1775 : vector<64x64xi32>
    %sub3A_1777 = arith.subf %add3A_1740, %get3A_1714 : vector<64x64xf32>
    %jit3A_1778 = arith.constant 0.000000e+00 : f32
    %broadcast_in_dim3A_1779 = vector.broadcast %jit3A_1778 : f32 to vector<64x64xf32>
    %select_n3A_1780 = arith.select %eq3A_1776, %sub3A_1777, %broadcast_in_dim3A_1779 : vector<64x64xi1>, vector<64x64xf32>
    %reshape3A_1781 = vector.shape_cast %select_n3A_1780 : vector<64x64xf32> to vector<8x8x64xf32>
    %reduce_sum3A_1782 = arith.constant dense<0.000000e+00> : vector<8x64xf32>
    %reduce_sum3A_1783 = vector.multi_reduction <add>, %reshape3A_1781, %reduce_sum3A_1782 [0] : vector<8x8x64xf32> to vector<8x64xf32>
    %add3A_1784 = arith.addf %add3A_1598, %reduce_sum3A_1783 : vector<8x64xf32>
    %eq3A_1785 = arith.constant 4 : i32
    %eq3A_1786 = vector.broadcast %eq3A_1785 : i32 to vector<64x64xi32>
    %eq3A_1787 = arith.cmpi eq, %get3A_1681, %eq3A_1786 : vector<64x64xi32>
    %sub3A_1788 = arith.subf %add3A_1740, %get3A_1720 : vector<64x64xf32>
    %jit3A_1789 = arith.constant 0.000000e+00 : f32
    %broadcast_in_dim3A_1790 = vector.broadcast %jit3A_1789 : f32 to vector<64x64xf32>
    %select_n3A_1791 = arith.select %eq3A_1787, %sub3A_1788, %broadcast_in_dim3A_1790 : vector<64x64xi1>, vector<64x64xf32>
    %reshape3A_1792 = vector.shape_cast %select_n3A_1791 : vector<64x64xf32> to vector<8x8x64xf32>
    %reduce_sum3A_1793 = arith.constant dense<0.000000e+00> : vector<8x64xf32>
    %reduce_sum3A_1794 = vector.multi_reduction <add>, %reshape3A_1792, %reduce_sum3A_1793 [0] : vector<8x8x64xf32> to vector<8x64xf32>
    %add3A_1795 = arith.addf %add3A_1609, %reduce_sum3A_1794 : vector<8x64xf32>
    %get3A_1796 = arith.constant 3 : index
    %get3A_1797 = arith.constant 1 : index
    %get3A_1798 = arith.constant 0 : index
    %get3A_1799 = arith.constant 0 : index
    %get3A_1800 = vector.load %arg2[%get3A_1796, %get3A_1797, %get3A_1798, %get3A_1799] : memref<6x8x64x64xf32, #tpu.memory_space<vmem>>, vector<1x1x64x64xf32>
    %get3A_1801 = vector.shape_cast %get3A_1800 : vector<1x1x64x64xf32> to vector<64x64xf32>
    %get3A_1802 = arith.constant 4 : index
    %get3A_1803 = arith.constant 1 : index
    %get3A_1804 = arith.constant 0 : index
    %get3A_1805 = arith.constant 0 : index
    %get3A_1806 = vector.load %arg2[%get3A_1802, %get3A_1803, %get3A_1804, %get3A_1805] : memref<6x8x64x64xf32, #tpu.memory_space<vmem>>, vector<1x1x64x64xf32>
    %get3A_1807 = vector.shape_cast %get3A_1806 : vector<1x1x64x64xf32> to vector<64x64xf32>
    %get3A_1808 = arith.constant 5 : index
    %get3A_1809 = arith.constant 1 : index
    %get3A_1810 = arith.constant 0 : index
    %get3A_1811 = arith.constant 0 : index
    %get3A_1812 = vector.load %arg2[%get3A_1808, %get3A_1809, %get3A_1810, %get3A_1811] : memref<6x8x64x64xf32, #tpu.memory_space<vmem>>, vector<1x1x64x64xf32>
    %get3A_1813 = vector.shape_cast %get3A_1812 : vector<1x1x64x64xf32> to vector<64x64xf32>
    %max3A_1814 = arith.maximumf %get3A_1801, %get3A_1807 : vector<64x64xf32>
    %max3A_1815 = arith.maximumf %max3A_1814, %get3A_1813 : vector<64x64xf32>
    %sub3A_1816 = arith.subf %get3A_1801, %max3A_1815 : vector<64x64xf32>
    %exp3A_1817 = math.exp %sub3A_1816 : vector<64x64xf32>
    %sub3A_1818 = arith.subf %get3A_1807, %max3A_1815 : vector<64x64xf32>
    %exp3A_1819 = math.exp %sub3A_1818 : vector<64x64xf32>
    %add3A_1820 = arith.addf %exp3A_1817, %exp3A_1819 : vector<64x64xf32>
    %sub3A_1821 = arith.subf %get3A_1813, %max3A_1815 : vector<64x64xf32>
    %exp3A_1822 = math.exp %sub3A_1821 : vector<64x64xf32>
    %add3A_1823 = arith.addf %add3A_1820, %exp3A_1822 : vector<64x64xf32>
    %log3A_1824 = math.log %add3A_1823 : vector<64x64xf32>
    %add3A_1825 = arith.addf %max3A_1815, %log3A_1824 : vector<64x64xf32>
    %eq3A_1826 = arith.constant 0 : i32
    %eq3A_1827 = vector.broadcast %eq3A_1826 : i32 to vector<64x64xi32>
    %eq3A_1828 = arith.cmpi eq, %get3A_1687, %eq3A_1827 : vector<64x64xi32>
    %and3A_1829 = arith.andi %eq3A_1828, %gt3A_1690 : vector<64x64xi1>
    %sub3A_1830 = arith.subf %add3A_1825, %get3A_1801 : vector<64x64xf32>
    %jit3A_1831 = arith.constant 0.000000e+00 : f32
    %broadcast_in_dim3A_1832 = vector.broadcast %jit3A_1831 : f32 to vector<64x64xf32>
    %select_n3A_1833 = arith.select %and3A_1829, %sub3A_1830, %broadcast_in_dim3A_1832 : vector<64x64xi1>, vector<64x64xf32>
    %reshape3A_1834 = vector.shape_cast %select_n3A_1833 : vector<64x64xf32> to vector<8x8x64xf32>
    %reduce_sum3A_1835 = arith.constant dense<0.000000e+00> : vector<8x64xf32>
    %reduce_sum3A_1836 = vector.multi_reduction <add>, %reshape3A_1834, %reduce_sum3A_1835 [0] : vector<8x8x64xf32> to vector<8x64xf32>
    %add3A_1837 = arith.addf %add3A_1651, %reduce_sum3A_1836 : vector<8x64xf32>
    %eq3A_1838 = arith.constant 1 : i32
    %eq3A_1839 = vector.broadcast %eq3A_1838 : i32 to vector<64x64xi32>
    %eq3A_1840 = arith.cmpi eq, %get3A_1687, %eq3A_1839 : vector<64x64xi32>
    %and3A_1841 = arith.andi %eq3A_1840, %gt3A_1690 : vector<64x64xi1>
    %sub3A_1842 = arith.subf %add3A_1825, %get3A_1807 : vector<64x64xf32>
    %jit3A_1843 = arith.constant 0.000000e+00 : f32
    %broadcast_in_dim3A_1844 = vector.broadcast %jit3A_1843 : f32 to vector<64x64xf32>
    %select_n3A_1845 = arith.select %and3A_1841, %sub3A_1842, %broadcast_in_dim3A_1844 : vector<64x64xi1>, vector<64x64xf32>
    %reshape3A_1846 = vector.shape_cast %select_n3A_1845 : vector<64x64xf32> to vector<8x8x64xf32>
    %reduce_sum3A_1847 = arith.constant dense<0.000000e+00> : vector<8x64xf32>
    %reduce_sum3A_1848 = vector.multi_reduction <add>, %reshape3A_1846, %reduce_sum3A_1847 [0] : vector<8x8x64xf32> to vector<8x64xf32>
    %add3A_1849 = arith.addf %add3A_1663, %reduce_sum3A_1848 : vector<8x64xf32>
    %eq3A_1850 = arith.constant 2 : i32
    %eq3A_1851 = vector.broadcast %eq3A_1850 : i32 to vector<64x64xi32>
    %eq3A_1852 = arith.cmpi eq, %get3A_1687, %eq3A_1851 : vector<64x64xi32>
    %and3A_1853 = arith.andi %eq3A_1852, %gt3A_1690 : vector<64x64xi1>
    %sub3A_1854 = arith.subf %add3A_1825, %get3A_1813 : vector<64x64xf32>
    %jit3A_1855 = arith.constant 0.000000e+00 : f32
    %broadcast_in_dim3A_1856 = vector.broadcast %jit3A_1855 : f32 to vector<64x64xf32>
    %select_n3A_1857 = arith.select %and3A_1853, %sub3A_1854, %broadcast_in_dim3A_1856 : vector<64x64xi1>, vector<64x64xf32>
    %reshape3A_1858 = vector.shape_cast %select_n3A_1857 : vector<64x64xf32> to vector<8x8x64xf32>
    %reduce_sum3A_1859 = arith.constant dense<0.000000e+00> : vector<8x64xf32>
    %reduce_sum3A_1860 = vector.multi_reduction <add>, %reshape3A_1858, %reduce_sum3A_1859 [0] : vector<8x8x64xf32> to vector<8x64xf32>
    %add3A_1861 = arith.addf %add3A_1675, %reduce_sum3A_1860 : vector<8x64xf32>
    %get3A_1862 = arith.constant 1 : index
    %get3A_1863 = arith.constant 2 : index
    %get3A_1864 = arith.constant 0 : index
    %get3A_1865 = arith.constant 0 : index
    %get3A_1866 = vector.load %arg3[%get3A_1862, %get3A_1863, %get3A_1864, %get3A_1865] : memref<2x8x64x64xi32, #tpu.memory_space<vmem>>, vector<1x1x64x64xi32>
    %get3A_1867 = vector.shape_cast %get3A_1866 : vector<1x1x64x64xi32> to vector<64x64xi32>
    %get3A_1868 = arith.constant 1 : index
    %get3A_1869 = arith.constant 2 : index
    %get3A_1870 = arith.constant 0 : index
    %get3A_1871 = arith.constant 0 : index
    %get3A_1872 = vector.load %arg4[%get3A_1868, %get3A_1869, %get3A_1870, %get3A_1871] : memref<2x8x64x64xi32, #tpu.memory_space<vmem>>, vector<1x1x64x64xi32>
    %get3A_1873 = vector.shape_cast %get3A_1872 : vector<1x1x64x64xi32> to vector<64x64xi32>
    %gt3A_1874 = arith.constant 0 : i32
    %gt3A_1875 = vector.broadcast %gt3A_1874 : i32 to vector<64x64xi32>
    %gt3A_1876 = arith.cmpi sgt, %get3A_1867, %gt3A_1875 : vector<64x64xi32>
    %get3A_1877 = arith.constant 5 : index
    %get3A_1878 = arith.constant 2 : index
    %get3A_1879 = arith.constant 0 : index
    %get3A_1880 = arith.constant 0 : index
    %get3A_1881 = vector.load %arg1[%get3A_1877, %get3A_1878, %get3A_1879, %get3A_1880] : memref<10x8x64x64xf32, #tpu.memory_space<vmem>>, vector<1x1x64x64xf32>
    %get3A_1882 = vector.shape_cast %get3A_1881 : vector<1x1x64x64xf32> to vector<64x64xf32>
    %get3A_1883 = arith.constant 6 : index
    %get3A_1884 = arith.constant 2 : index
    %get3A_1885 = arith.constant 0 : index
    %get3A_1886 = arith.constant 0 : index
    %get3A_1887 = vector.load %arg1[%get3A_1883, %get3A_1884, %get3A_1885, %get3A_1886] : memref<10x8x64x64xf32, #tpu.memory_space<vmem>>, vector<1x1x64x64xf32>
    %get3A_1888 = vector.shape_cast %get3A_1887 : vector<1x1x64x64xf32> to vector<64x64xf32>
    %get3A_1889 = arith.constant 7 : index
    %get3A_1890 = arith.constant 2 : index
    %get3A_1891 = arith.constant 0 : index
    %get3A_1892 = arith.constant 0 : index
    %get3A_1893 = vector.load %arg1[%get3A_1889, %get3A_1890, %get3A_1891, %get3A_1892] : memref<10x8x64x64xf32, #tpu.memory_space<vmem>>, vector<1x1x64x64xf32>
    %get3A_1894 = vector.shape_cast %get3A_1893 : vector<1x1x64x64xf32> to vector<64x64xf32>
    %get3A_1895 = arith.constant 8 : index
    %get3A_1896 = arith.constant 2 : index
    %get3A_1897 = arith.constant 0 : index
    %get3A_1898 = arith.constant 0 : index
    %get3A_1899 = vector.load %arg1[%get3A_1895, %get3A_1896, %get3A_1897, %get3A_1898] : memref<10x8x64x64xf32, #tpu.memory_space<vmem>>, vector<1x1x64x64xf32>
    %get3A_1900 = vector.shape_cast %get3A_1899 : vector<1x1x64x64xf32> to vector<64x64xf32>
    %get3A_1901 = arith.constant 9 : index
    %get3A_1902 = arith.constant 2 : index
    %get3A_1903 = arith.constant 0 : index
    %get3A_1904 = arith.constant 0 : index
    %get3A_1905 = vector.load %arg1[%get3A_1901, %get3A_1902, %get3A_1903, %get3A_1904] : memref<10x8x64x64xf32, #tpu.memory_space<vmem>>, vector<1x1x64x64xf32>
    %get3A_1906 = vector.shape_cast %get3A_1905 : vector<1x1x64x64xf32> to vector<64x64xf32>
    %max3A_1907 = arith.maximumf %get3A_1882, %get3A_1888 : vector<64x64xf32>
    %max3A_1908 = arith.maximumf %max3A_1907, %get3A_1894 : vector<64x64xf32>
    %max3A_1909 = arith.maximumf %max3A_1908, %get3A_1900 : vector<64x64xf32>
    %max3A_1910 = arith.maximumf %max3A_1909, %get3A_1906 : vector<64x64xf32>
    %sub3A_1911 = arith.subf %get3A_1882, %max3A_1910 : vector<64x64xf32>
    %exp3A_1912 = math.exp %sub3A_1911 : vector<64x64xf32>
    %sub3A_1913 = arith.subf %get3A_1888, %max3A_1910 : vector<64x64xf32>
    %exp3A_1914 = math.exp %sub3A_1913 : vector<64x64xf32>
    %add3A_1915 = arith.addf %exp3A_1912, %exp3A_1914 : vector<64x64xf32>
    %sub3A_1916 = arith.subf %get3A_1894, %max3A_1910 : vector<64x64xf32>
    %exp3A_1917 = math.exp %sub3A_1916 : vector<64x64xf32>
    %add3A_1918 = arith.addf %add3A_1915, %exp3A_1917 : vector<64x64xf32>
    %sub3A_1919 = arith.subf %get3A_1900, %max3A_1910 : vector<64x64xf32>
    %exp3A_1920 = math.exp %sub3A_1919 : vector<64x64xf32>
    %add3A_1921 = arith.addf %add3A_1918, %exp3A_1920 : vector<64x64xf32>
    %sub3A_1922 = arith.subf %get3A_1906, %max3A_1910 : vector<64x64xf32>
    %exp3A_1923 = math.exp %sub3A_1922 : vector<64x64xf32>
    %add3A_1924 = arith.addf %add3A_1921, %exp3A_1923 : vector<64x64xf32>
    %log3A_1925 = math.log %add3A_1924 : vector<64x64xf32>
    %add3A_1926 = arith.addf %max3A_1910, %log3A_1925 : vector<64x64xf32>
    %eq3A_1927 = arith.constant 0 : i32
    %eq3A_1928 = vector.broadcast %eq3A_1927 : i32 to vector<64x64xi32>
    %eq3A_1929 = arith.cmpi eq, %get3A_1867, %eq3A_1928 : vector<64x64xi32>
    %sub3A_1930 = arith.subf %add3A_1926, %get3A_1882 : vector<64x64xf32>
    %jit3A_1931 = arith.constant 0.000000e+00 : f32
    %broadcast_in_dim3A_1932 = vector.broadcast %jit3A_1931 : f32 to vector<64x64xf32>
    %select_n3A_1933 = arith.select %eq3A_1929, %sub3A_1930, %broadcast_in_dim3A_1932 : vector<64x64xi1>, vector<64x64xf32>
    %reshape3A_1934 = vector.shape_cast %select_n3A_1933 : vector<64x64xf32> to vector<8x8x64xf32>
    %reduce_sum3A_1935 = arith.constant dense<0.000000e+00> : vector<8x64xf32>
    %reduce_sum3A_1936 = vector.multi_reduction <add>, %reshape3A_1934, %reduce_sum3A_1935 [0] : vector<8x8x64xf32> to vector<8x64xf32>
    %add3A_1937 = arith.addf %add3A_1751, %reduce_sum3A_1936 : vector<8x64xf32>
    %eq3A_1938 = arith.constant 1 : i32
    %eq3A_1939 = vector.broadcast %eq3A_1938 : i32 to vector<64x64xi32>
    %eq3A_1940 = arith.cmpi eq, %get3A_1867, %eq3A_1939 : vector<64x64xi32>
    %sub3A_1941 = arith.subf %add3A_1926, %get3A_1888 : vector<64x64xf32>
    %jit3A_1942 = arith.constant 0.000000e+00 : f32
    %broadcast_in_dim3A_1943 = vector.broadcast %jit3A_1942 : f32 to vector<64x64xf32>
    %select_n3A_1944 = arith.select %eq3A_1940, %sub3A_1941, %broadcast_in_dim3A_1943 : vector<64x64xi1>, vector<64x64xf32>
    %reshape3A_1945 = vector.shape_cast %select_n3A_1944 : vector<64x64xf32> to vector<8x8x64xf32>
    %reduce_sum3A_1946 = arith.constant dense<0.000000e+00> : vector<8x64xf32>
    %reduce_sum3A_1947 = vector.multi_reduction <add>, %reshape3A_1945, %reduce_sum3A_1946 [0] : vector<8x8x64xf32> to vector<8x64xf32>
    %add3A_1948 = arith.addf %add3A_1762, %reduce_sum3A_1947 : vector<8x64xf32>
    %eq3A_1949 = arith.constant 2 : i32
    %eq3A_1950 = vector.broadcast %eq3A_1949 : i32 to vector<64x64xi32>
    %eq3A_1951 = arith.cmpi eq, %get3A_1867, %eq3A_1950 : vector<64x64xi32>
    %sub3A_1952 = arith.subf %add3A_1926, %get3A_1894 : vector<64x64xf32>
    %jit3A_1953 = arith.constant 0.000000e+00 : f32
    %broadcast_in_dim3A_1954 = vector.broadcast %jit3A_1953 : f32 to vector<64x64xf32>
    %select_n3A_1955 = arith.select %eq3A_1951, %sub3A_1952, %broadcast_in_dim3A_1954 : vector<64x64xi1>, vector<64x64xf32>
    %reshape3A_1956 = vector.shape_cast %select_n3A_1955 : vector<64x64xf32> to vector<8x8x64xf32>
    %reduce_sum3A_1957 = arith.constant dense<0.000000e+00> : vector<8x64xf32>
    %reduce_sum3A_1958 = vector.multi_reduction <add>, %reshape3A_1956, %reduce_sum3A_1957 [0] : vector<8x8x64xf32> to vector<8x64xf32>
    %add3A_1959 = arith.addf %add3A_1773, %reduce_sum3A_1958 : vector<8x64xf32>
    %eq3A_1960 = arith.constant 3 : i32
    %eq3A_1961 = vector.broadcast %eq3A_1960 : i32 to vector<64x64xi32>
    %eq3A_1962 = arith.cmpi eq, %get3A_1867, %eq3A_1961 : vector<64x64xi32>
    %sub3A_1963 = arith.subf %add3A_1926, %get3A_1900 : vector<64x64xf32>
    %jit3A_1964 = arith.constant 0.000000e+00 : f32
    %broadcast_in_dim3A_1965 = vector.broadcast %jit3A_1964 : f32 to vector<64x64xf32>
    %select_n3A_1966 = arith.select %eq3A_1962, %sub3A_1963, %broadcast_in_dim3A_1965 : vector<64x64xi1>, vector<64x64xf32>
    %reshape3A_1967 = vector.shape_cast %select_n3A_1966 : vector<64x64xf32> to vector<8x8x64xf32>
    %reduce_sum3A_1968 = arith.constant dense<0.000000e+00> : vector<8x64xf32>
    %reduce_sum3A_1969 = vector.multi_reduction <add>, %reshape3A_1967, %reduce_sum3A_1968 [0] : vector<8x8x64xf32> to vector<8x64xf32>
    %add3A_1970 = arith.addf %add3A_1784, %reduce_sum3A_1969 : vector<8x64xf32>
    %eq3A_1971 = arith.constant 4 : i32
    %eq3A_1972 = vector.broadcast %eq3A_1971 : i32 to vector<64x64xi32>
    %eq3A_1973 = arith.cmpi eq, %get3A_1867, %eq3A_1972 : vector<64x64xi32>
    %sub3A_1974 = arith.subf %add3A_1926, %get3A_1906 : vector<64x64xf32>
    %jit3A_1975 = arith.constant 0.000000e+00 : f32
    %broadcast_in_dim3A_1976 = vector.broadcast %jit3A_1975 : f32 to vector<64x64xf32>
    %select_n3A_1977 = arith.select %eq3A_1973, %sub3A_1974, %broadcast_in_dim3A_1976 : vector<64x64xi1>, vector<64x64xf32>
    %reshape3A_1978 = vector.shape_cast %select_n3A_1977 : vector<64x64xf32> to vector<8x8x64xf32>
    %reduce_sum3A_1979 = arith.constant dense<0.000000e+00> : vector<8x64xf32>
    %reduce_sum3A_1980 = vector.multi_reduction <add>, %reshape3A_1978, %reduce_sum3A_1979 [0] : vector<8x8x64xf32> to vector<8x64xf32>
    %add3A_1981 = arith.addf %add3A_1795, %reduce_sum3A_1980 : vector<8x64xf32>
    %get3A_1982 = arith.constant 3 : index
    %get3A_1983 = arith.constant 2 : index
    %get3A_1984 = arith.constant 0 : index
    %get3A_1985 = arith.constant 0 : index
    %get3A_1986 = vector.load %arg2[%get3A_1982, %get3A_1983, %get3A_1984, %get3A_1985] : memref<6x8x64x64xf32, #tpu.memory_space<vmem>>, vector<1x1x64x64xf32>
    %get3A_1987 = vector.shape_cast %get3A_1986 : vector<1x1x64x64xf32> to vector<64x64xf32>
    %get3A_1988 = arith.constant 4 : index
    %get3A_1989 = arith.constant 2 : index
    %get3A_1990 = arith.constant 0 : index
    %get3A_1991 = arith.constant 0 : index
    %get3A_1992 = vector.load %arg2[%get3A_1988, %get3A_1989, %get3A_1990, %get3A_1991] : memref<6x8x64x64xf32, #tpu.memory_space<vmem>>, vector<1x1x64x64xf32>
    %get3A_1993 = vector.shape_cast %get3A_1992 : vector<1x1x64x64xf32> to vector<64x64xf32>
    %get3A_1994 = arith.constant 5 : index
    %get3A_1995 = arith.constant 2 : index
    %get3A_1996 = arith.constant 0 : index
    %get3A_1997 = arith.constant 0 : index
    %get3A_1998 = vector.load %arg2[%get3A_1994, %get3A_1995, %get3A_1996, %get3A_1997] : memref<6x8x64x64xf32, #tpu.memory_space<vmem>>, vector<1x1x64x64xf32>
    %get3A_1999 = vector.shape_cast %get3A_1998 : vector<1x1x64x64xf32> to vector<64x64xf32>
    %max3A_2000 = arith.maximumf %get3A_1987, %get3A_1993 : vector<64x64xf32>
    %max3A_2001 = arith.maximumf %max3A_2000, %get3A_1999 : vector<64x64xf32>
    %sub3A_2002 = arith.subf %get3A_1987, %max3A_2001 : vector<64x64xf32>
    %exp3A_2003 = math.exp %sub3A_2002 : vector<64x64xf32>
    %sub3A_2004 = arith.subf %get3A_1993, %max3A_2001 : vector<64x64xf32>
    %exp3A_2005 = math.exp %sub3A_2004 : vector<64x64xf32>
    %add3A_2006 = arith.addf %exp3A_2003, %exp3A_2005 : vector<64x64xf32>
    %sub3A_2007 = arith.subf %get3A_1999, %max3A_2001 : vector<64x64xf32>
    %exp3A_2008 = math.exp %sub3A_2007 : vector<64x64xf32>
    %add3A_2009 = arith.addf %add3A_2006, %exp3A_2008 : vector<64x64xf32>
    %log3A_2010 = math.log %add3A_2009 : vector<64x64xf32>
    %add3A_2011 = arith.addf %max3A_2001, %log3A_2010 : vector<64x64xf32>
    %eq3A_2012 = arith.constant 0 : i32
    %eq3A_2013 = vector.broadcast %eq3A_2012 : i32 to vector<64x64xi32>
    %eq3A_2014 = arith.cmpi eq, %get3A_1873, %eq3A_2013 : vector<64x64xi32>
    %and3A_2015 = arith.andi %eq3A_2014, %gt3A_1876 : vector<64x64xi1>
    %sub3A_2016 = arith.subf %add3A_2011, %get3A_1987 : vector<64x64xf32>
    %jit3A_2017 = arith.constant 0.000000e+00 : f32
    %broadcast_in_dim3A_2018 = vector.broadcast %jit3A_2017 : f32 to vector<64x64xf32>
    %select_n3A_2019 = arith.select %and3A_2015, %sub3A_2016, %broadcast_in_dim3A_2018 : vector<64x64xi1>, vector<64x64xf32>
    %reshape3A_2020 = vector.shape_cast %select_n3A_2019 : vector<64x64xf32> to vector<8x8x64xf32>
    %reduce_sum3A_2021 = arith.constant dense<0.000000e+00> : vector<8x64xf32>
    %reduce_sum3A_2022 = vector.multi_reduction <add>, %reshape3A_2020, %reduce_sum3A_2021 [0] : vector<8x8x64xf32> to vector<8x64xf32>
    %add3A_2023 = arith.addf %add3A_1837, %reduce_sum3A_2022 : vector<8x64xf32>
    %eq3A_2024 = arith.constant 1 : i32
    %eq3A_2025 = vector.broadcast %eq3A_2024 : i32 to vector<64x64xi32>
    %eq3A_2026 = arith.cmpi eq, %get3A_1873, %eq3A_2025 : vector<64x64xi32>
    %and3A_2027 = arith.andi %eq3A_2026, %gt3A_1876 : vector<64x64xi1>
    %sub3A_2028 = arith.subf %add3A_2011, %get3A_1993 : vector<64x64xf32>
    %jit3A_2029 = arith.constant 0.000000e+00 : f32
    %broadcast_in_dim3A_2030 = vector.broadcast %jit3A_2029 : f32 to vector<64x64xf32>
    %select_n3A_2031 = arith.select %and3A_2027, %sub3A_2028, %broadcast_in_dim3A_2030 : vector<64x64xi1>, vector<64x64xf32>
    %reshape3A_2032 = vector.shape_cast %select_n3A_2031 : vector<64x64xf32> to vector<8x8x64xf32>
    %reduce_sum3A_2033 = arith.constant dense<0.000000e+00> : vector<8x64xf32>
    %reduce_sum3A_2034 = vector.multi_reduction <add>, %reshape3A_2032, %reduce_sum3A_2033 [0] : vector<8x8x64xf32> to vector<8x64xf32>
    %add3A_2035 = arith.addf %add3A_1849, %reduce_sum3A_2034 : vector<8x64xf32>
    %eq3A_2036 = arith.constant 2 : i32
    %eq3A_2037 = vector.broadcast %eq3A_2036 : i32 to vector<64x64xi32>
    %eq3A_2038 = arith.cmpi eq, %get3A_1873, %eq3A_2037 : vector<64x64xi32>
    %and3A_2039 = arith.andi %eq3A_2038, %gt3A_1876 : vector<64x64xi1>
    %sub3A_2040 = arith.subf %add3A_2011, %get3A_1999 : vector<64x64xf32>
    %jit3A_2041 = arith.constant 0.000000e+00 : f32
    %broadcast_in_dim3A_2042 = vector.broadcast %jit3A_2041 : f32 to vector<64x64xf32>
    %select_n3A_2043 = arith.select %and3A_2039, %sub3A_2040, %broadcast_in_dim3A_2042 : vector<64x64xi1>, vector<64x64xf32>
    %reshape3A_2044 = vector.shape_cast %select_n3A_2043 : vector<64x64xf32> to vector<8x8x64xf32>
    %reduce_sum3A_2045 = arith.constant dense<0.000000e+00> : vector<8x64xf32>
    %reduce_sum3A_2046 = vector.multi_reduction <add>, %reshape3A_2044, %reduce_sum3A_2045 [0] : vector<8x8x64xf32> to vector<8x64xf32>
    %add3A_2047 = arith.addf %add3A_1861, %reduce_sum3A_2046 : vector<8x64xf32>
    %get3A_2048 = arith.constant 1 : index
    %get3A_2049 = arith.constant 3 : index
    %get3A_2050 = arith.constant 0 : index
    %get3A_2051 = arith.constant 0 : index
    %get3A_2052 = vector.load %arg3[%get3A_2048, %get3A_2049, %get3A_2050, %get3A_2051] : memref<2x8x64x64xi32, #tpu.memory_space<vmem>>, vector<1x1x64x64xi32>
    %get3A_2053 = vector.shape_cast %get3A_2052 : vector<1x1x64x64xi32> to vector<64x64xi32>
    %get3A_2054 = arith.constant 1 : index
    %get3A_2055 = arith.constant 3 : index
    %get3A_2056 = arith.constant 0 : index
    %get3A_2057 = arith.constant 0 : index
    %get3A_2058 = vector.load %arg4[%get3A_2054, %get3A_2055, %get3A_2056, %get3A_2057] : memref<2x8x64x64xi32, #tpu.memory_space<vmem>>, vector<1x1x64x64xi32>
    %get3A_2059 = vector.shape_cast %get3A_2058 : vector<1x1x64x64xi32> to vector<64x64xi32>
    %gt3A_2060 = arith.constant 0 : i32
    %gt3A_2061 = vector.broadcast %gt3A_2060 : i32 to vector<64x64xi32>
    %gt3A_2062 = arith.cmpi sgt, %get3A_2053, %gt3A_2061 : vector<64x64xi32>
    %get3A_2063 = arith.constant 5 : index
    %get3A_2064 = arith.constant 3 : index
    %get3A_2065 = arith.constant 0 : index
    %get3A_2066 = arith.constant 0 : index
    %get3A_2067 = vector.load %arg1[%get3A_2063, %get3A_2064, %get3A_2065, %get3A_2066] : memref<10x8x64x64xf32, #tpu.memory_space<vmem>>, vector<1x1x64x64xf32>
    %get3A_2068 = vector.shape_cast %get3A_2067 : vector<1x1x64x64xf32> to vector<64x64xf32>
    %get3A_2069 = arith.constant 6 : index
    %get3A_2070 = arith.constant 3 : index
    %get3A_2071 = arith.constant 0 : index
    %get3A_2072 = arith.constant 0 : index
    %get3A_2073 = vector.load %arg1[%get3A_2069, %get3A_2070, %get3A_2071, %get3A_2072] : memref<10x8x64x64xf32, #tpu.memory_space<vmem>>, vector<1x1x64x64xf32>
    %get3A_2074 = vector.shape_cast %get3A_2073 : vector<1x1x64x64xf32> to vector<64x64xf32>
    %get3A_2075 = arith.constant 7 : index
    %get3A_2076 = arith.constant 3 : index
    %get3A_2077 = arith.constant 0 : index
    %get3A_2078 = arith.constant 0 : index
    %get3A_2079 = vector.load %arg1[%get3A_2075, %get3A_2076, %get3A_2077, %get3A_2078] : memref<10x8x64x64xf32, #tpu.memory_space<vmem>>, vector<1x1x64x64xf32>
    %get3A_2080 = vector.shape_cast %get3A_2079 : vector<1x1x64x64xf32> to vector<64x64xf32>
    %get3A_2081 = arith.constant 8 : index
    %get3A_2082 = arith.constant 3 : index
    %get3A_2083 = arith.constant 0 : index
    %get3A_2084 = arith.constant 0 : index
    %get3A_2085 = vector.load %arg1[%get3A_2081, %get3A_2082, %get3A_2083, %get3A_2084] : memref<10x8x64x64xf32, #tpu.memory_space<vmem>>, vector<1x1x64x64xf32>
    %get3A_2086 = vector.shape_cast %get3A_2085 : vector<1x1x64x64xf32> to vector<64x64xf32>
    %get3A_2087 = arith.constant 9 : index
    %get3A_2088 = arith.constant 3 : index
    %get3A_2089 = arith.constant 0 : index
    %get3A_2090 = arith.constant 0 : index
    %get3A_2091 = vector.load %arg1[%get3A_2087, %get3A_2088, %get3A_2089, %get3A_2090] : memref<10x8x64x64xf32, #tpu.memory_space<vmem>>, vector<1x1x64x64xf32>
    %get3A_2092 = vector.shape_cast %get3A_2091 : vector<1x1x64x64xf32> to vector<64x64xf32>
    %max3A_2093 = arith.maximumf %get3A_2068, %get3A_2074 : vector<64x64xf32>
    %max3A_2094 = arith.maximumf %max3A_2093, %get3A_2080 : vector<64x64xf32>
    %max3A_2095 = arith.maximumf %max3A_2094, %get3A_2086 : vector<64x64xf32>
    %max3A_2096 = arith.maximumf %max3A_2095, %get3A_2092 : vector<64x64xf32>
    %sub3A_2097 = arith.subf %get3A_2068, %max3A_2096 : vector<64x64xf32>
    %exp3A_2098 = math.exp %sub3A_2097 : vector<64x64xf32>
    %sub3A_2099 = arith.subf %get3A_2074, %max3A_2096 : vector<64x64xf32>
    %exp3A_2100 = math.exp %sub3A_2099 : vector<64x64xf32>
    %add3A_2101 = arith.addf %exp3A_2098, %exp3A_2100 : vector<64x64xf32>
    %sub3A_2102 = arith.subf %get3A_2080, %max3A_2096 : vector<64x64xf32>
    %exp3A_2103 = math.exp %sub3A_2102 : vector<64x64xf32>
    %add3A_2104 = arith.addf %add3A_2101, %exp3A_2103 : vector<64x64xf32>
    %sub3A_2105 = arith.subf %get3A_2086, %max3A_2096 : vector<64x64xf32>
    %exp3A_2106 = math.exp %sub3A_2105 : vector<64x64xf32>
    %add3A_2107 = arith.addf %add3A_2104, %exp3A_2106 : vector<64x64xf32>
    %sub3A_2108 = arith.subf %get3A_2092, %max3A_2096 : vector<64x64xf32>
    %exp3A_2109 = math.exp %sub3A_2108 : vector<64x64xf32>
    %add3A_2110 = arith.addf %add3A_2107, %exp3A_2109 : vector<64x64xf32>
    %log3A_2111 = math.log %add3A_2110 : vector<64x64xf32>
    %add3A_2112 = arith.addf %max3A_2096, %log3A_2111 : vector<64x64xf32>
    %eq3A_2113 = arith.constant 0 : i32
    %eq3A_2114 = vector.broadcast %eq3A_2113 : i32 to vector<64x64xi32>
    %eq3A_2115 = arith.cmpi eq, %get3A_2053, %eq3A_2114 : vector<64x64xi32>
    %sub3A_2116 = arith.subf %add3A_2112, %get3A_2068 : vector<64x64xf32>
    %jit3A_2117 = arith.constant 0.000000e+00 : f32
    %broadcast_in_dim3A_2118 = vector.broadcast %jit3A_2117 : f32 to vector<64x64xf32>
    %select_n3A_2119 = arith.select %eq3A_2115, %sub3A_2116, %broadcast_in_dim3A_2118 : vector<64x64xi1>, vector<64x64xf32>
    %reshape3A_2120 = vector.shape_cast %select_n3A_2119 : vector<64x64xf32> to vector<8x8x64xf32>
    %reduce_sum3A_2121 = arith.constant dense<0.000000e+00> : vector<8x64xf32>
    %reduce_sum3A_2122 = vector.multi_reduction <add>, %reshape3A_2120, %reduce_sum3A_2121 [0] : vector<8x8x64xf32> to vector<8x64xf32>
    %add3A_2123 = arith.addf %add3A_1937, %reduce_sum3A_2122 : vector<8x64xf32>
    %eq3A_2124 = arith.constant 1 : i32
    %eq3A_2125 = vector.broadcast %eq3A_2124 : i32 to vector<64x64xi32>
    %eq3A_2126 = arith.cmpi eq, %get3A_2053, %eq3A_2125 : vector<64x64xi32>
    %sub3A_2127 = arith.subf %add3A_2112, %get3A_2074 : vector<64x64xf32>
    %jit3A_2128 = arith.constant 0.000000e+00 : f32
    %broadcast_in_dim3A_2129 = vector.broadcast %jit3A_2128 : f32 to vector<64x64xf32>
    %select_n3A_2130 = arith.select %eq3A_2126, %sub3A_2127, %broadcast_in_dim3A_2129 : vector<64x64xi1>, vector<64x64xf32>
    %reshape3A_2131 = vector.shape_cast %select_n3A_2130 : vector<64x64xf32> to vector<8x8x64xf32>
    %reduce_sum3A_2132 = arith.constant dense<0.000000e+00> : vector<8x64xf32>
    %reduce_sum3A_2133 = vector.multi_reduction <add>, %reshape3A_2131, %reduce_sum3A_2132 [0] : vector<8x8x64xf32> to vector<8x64xf32>
    %add3A_2134 = arith.addf %add3A_1948, %reduce_sum3A_2133 : vector<8x64xf32>
    %eq3A_2135 = arith.constant 2 : i32
    %eq3A_2136 = vector.broadcast %eq3A_2135 : i32 to vector<64x64xi32>
    %eq3A_2137 = arith.cmpi eq, %get3A_2053, %eq3A_2136 : vector<64x64xi32>
    %sub3A_2138 = arith.subf %add3A_2112, %get3A_2080 : vector<64x64xf32>
    %jit3A_2139 = arith.constant 0.000000e+00 : f32
    %broadcast_in_dim3A_2140 = vector.broadcast %jit3A_2139 : f32 to vector<64x64xf32>
    %select_n3A_2141 = arith.select %eq3A_2137, %sub3A_2138, %broadcast_in_dim3A_2140 : vector<64x64xi1>, vector<64x64xf32>
    %reshape3A_2142 = vector.shape_cast %select_n3A_2141 : vector<64x64xf32> to vector<8x8x64xf32>
    %reduce_sum3A_2143 = arith.constant dense<0.000000e+00> : vector<8x64xf32>
    %reduce_sum3A_2144 = vector.multi_reduction <add>, %reshape3A_2142, %reduce_sum3A_2143 [0] : vector<8x8x64xf32> to vector<8x64xf32>
    %add3A_2145 = arith.addf %add3A_1959, %reduce_sum3A_2144 : vector<8x64xf32>
    %eq3A_2146 = arith.constant 3 : i32
    %eq3A_2147 = vector.broadcast %eq3A_2146 : i32 to vector<64x64xi32>
    %eq3A_2148 = arith.cmpi eq, %get3A_2053, %eq3A_2147 : vector<64x64xi32>
    %sub3A_2149 = arith.subf %add3A_2112, %get3A_2086 : vector<64x64xf32>
    %jit3A_2150 = arith.constant 0.000000e+00 : f32
    %broadcast_in_dim3A_2151 = vector.broadcast %jit3A_2150 : f32 to vector<64x64xf32>
    %select_n3A_2152 = arith.select %eq3A_2148, %sub3A_2149, %broadcast_in_dim3A_2151 : vector<64x64xi1>, vector<64x64xf32>
    %reshape3A_2153 = vector.shape_cast %select_n3A_2152 : vector<64x64xf32> to vector<8x8x64xf32>
    %reduce_sum3A_2154 = arith.constant dense<0.000000e+00> : vector<8x64xf32>
    %reduce_sum3A_2155 = vector.multi_reduction <add>, %reshape3A_2153, %reduce_sum3A_2154 [0] : vector<8x8x64xf32> to vector<8x64xf32>
    %add3A_2156 = arith.addf %add3A_1970, %reduce_sum3A_2155 : vector<8x64xf32>
    %eq3A_2157 = arith.constant 4 : i32
    %eq3A_2158 = vector.broadcast %eq3A_2157 : i32 to vector<64x64xi32>
    %eq3A_2159 = arith.cmpi eq, %get3A_2053, %eq3A_2158 : vector<64x64xi32>
    %sub3A_2160 = arith.subf %add3A_2112, %get3A_2092 : vector<64x64xf32>
    %jit3A_2161 = arith.constant 0.000000e+00 : f32
    %broadcast_in_dim3A_2162 = vector.broadcast %jit3A_2161 : f32 to vector<64x64xf32>
    %select_n3A_2163 = arith.select %eq3A_2159, %sub3A_2160, %broadcast_in_dim3A_2162 : vector<64x64xi1>, vector<64x64xf32>
    %reshape3A_2164 = vector.shape_cast %select_n3A_2163 : vector<64x64xf32> to vector<8x8x64xf32>
    %reduce_sum3A_2165 = arith.constant dense<0.000000e+00> : vector<8x64xf32>
    %reduce_sum3A_2166 = vector.multi_reduction <add>, %reshape3A_2164, %reduce_sum3A_2165 [0] : vector<8x8x64xf32> to vector<8x64xf32>
    %add3A_2167 = arith.addf %add3A_1981, %reduce_sum3A_2166 : vector<8x64xf32>
    %get3A_2168 = arith.constant 3 : index
    %get3A_2169 = arith.constant 3 : index
    %get3A_2170 = arith.constant 0 : index
    %get3A_2171 = arith.constant 0 : index
    %get3A_2172 = vector.load %arg2[%get3A_2168, %get3A_2169, %get3A_2170, %get3A_2171] : memref<6x8x64x64xf32, #tpu.memory_space<vmem>>, vector<1x1x64x64xf32>
    %get3A_2173 = vector.shape_cast %get3A_2172 : vector<1x1x64x64xf32> to vector<64x64xf32>
    %get3A_2174 = arith.constant 4 : index
    %get3A_2175 = arith.constant 3 : index
    %get3A_2176 = arith.constant 0 : index
    %get3A_2177 = arith.constant 0 : index
    %get3A_2178 = vector.load %arg2[%get3A_2174, %get3A_2175, %get3A_2176, %get3A_2177] : memref<6x8x64x64xf32, #tpu.memory_space<vmem>>, vector<1x1x64x64xf32>
    %get3A_2179 = vector.shape_cast %get3A_2178 : vector<1x1x64x64xf32> to vector<64x64xf32>
    %get3A_2180 = arith.constant 5 : index
    %get3A_2181 = arith.constant 3 : index
    %get3A_2182 = arith.constant 0 : index
    %get3A_2183 = arith.constant 0 : index
    %get3A_2184 = vector.load %arg2[%get3A_2180, %get3A_2181, %get3A_2182, %get3A_2183] : memref<6x8x64x64xf32, #tpu.memory_space<vmem>>, vector<1x1x64x64xf32>
    %get3A_2185 = vector.shape_cast %get3A_2184 : vector<1x1x64x64xf32> to vector<64x64xf32>
    %max3A_2186 = arith.maximumf %get3A_2173, %get3A_2179 : vector<64x64xf32>
    %max3A_2187 = arith.maximumf %max3A_2186, %get3A_2185 : vector<64x64xf32>
    %sub3A_2188 = arith.subf %get3A_2173, %max3A_2187 : vector<64x64xf32>
    %exp3A_2189 = math.exp %sub3A_2188 : vector<64x64xf32>
    %sub3A_2190 = arith.subf %get3A_2179, %max3A_2187 : vector<64x64xf32>
    %exp3A_2191 = math.exp %sub3A_2190 : vector<64x64xf32>
    %add3A_2192 = arith.addf %exp3A_2189, %exp3A_2191 : vector<64x64xf32>
    %sub3A_2193 = arith.subf %get3A_2185, %max3A_2187 : vector<64x64xf32>
    %exp3A_2194 = math.exp %sub3A_2193 : vector<64x64xf32>
    %add3A_2195 = arith.addf %add3A_2192, %exp3A_2194 : vector<64x64xf32>
    %log3A_2196 = math.log %add3A_2195 : vector<64x64xf32>
    %add3A_2197 = arith.addf %max3A_2187, %log3A_2196 : vector<64x64xf32>
    %eq3A_2198 = arith.constant 0 : i32
    %eq3A_2199 = vector.broadcast %eq3A_2198 : i32 to vector<64x64xi32>
    %eq3A_2200 = arith.cmpi eq, %get3A_2059, %eq3A_2199 : vector<64x64xi32>
    %and3A_2201 = arith.andi %eq3A_2200, %gt3A_2062 : vector<64x64xi1>
    %sub3A_2202 = arith.subf %add3A_2197, %get3A_2173 : vector<64x64xf32>
    %jit3A_2203 = arith.constant 0.000000e+00 : f32
    %broadcast_in_dim3A_2204 = vector.broadcast %jit3A_2203 : f32 to vector<64x64xf32>
    %select_n3A_2205 = arith.select %and3A_2201, %sub3A_2202, %broadcast_in_dim3A_2204 : vector<64x64xi1>, vector<64x64xf32>
    %reshape3A_2206 = vector.shape_cast %select_n3A_2205 : vector<64x64xf32> to vector<8x8x64xf32>
    %reduce_sum3A_2207 = arith.constant dense<0.000000e+00> : vector<8x64xf32>
    %reduce_sum3A_2208 = vector.multi_reduction <add>, %reshape3A_2206, %reduce_sum3A_2207 [0] : vector<8x8x64xf32> to vector<8x64xf32>
    %add3A_2209 = arith.addf %add3A_2023, %reduce_sum3A_2208 : vector<8x64xf32>
    %eq3A_2210 = arith.constant 1 : i32
    %eq3A_2211 = vector.broadcast %eq3A_2210 : i32 to vector<64x64xi32>
    %eq3A_2212 = arith.cmpi eq, %get3A_2059, %eq3A_2211 : vector<64x64xi32>
    %and3A_2213 = arith.andi %eq3A_2212, %gt3A_2062 : vector<64x64xi1>
    %sub3A_2214 = arith.subf %add3A_2197, %get3A_2179 : vector<64x64xf32>
    %jit3A_2215 = arith.constant 0.000000e+00 : f32
    %broadcast_in_dim3A_2216 = vector.broadcast %jit3A_2215 : f32 to vector<64x64xf32>
    %select_n3A_2217 = arith.select %and3A_2213, %sub3A_2214, %broadcast_in_dim3A_2216 : vector<64x64xi1>, vector<64x64xf32>
    %reshape3A_2218 = vector.shape_cast %select_n3A_2217 : vector<64x64xf32> to vector<8x8x64xf32>
    %reduce_sum3A_2219 = arith.constant dense<0.000000e+00> : vector<8x64xf32>
    %reduce_sum3A_2220 = vector.multi_reduction <add>, %reshape3A_2218, %reduce_sum3A_2219 [0] : vector<8x8x64xf32> to vector<8x64xf32>
    %add3A_2221 = arith.addf %add3A_2035, %reduce_sum3A_2220 : vector<8x64xf32>
    %eq3A_2222 = arith.constant 2 : i32
    %eq3A_2223 = vector.broadcast %eq3A_2222 : i32 to vector<64x64xi32>
    %eq3A_2224 = arith.cmpi eq, %get3A_2059, %eq3A_2223 : vector<64x64xi32>
    %and3A_2225 = arith.andi %eq3A_2224, %gt3A_2062 : vector<64x64xi1>
    %sub3A_2226 = arith.subf %add3A_2197, %get3A_2185 : vector<64x64xf32>
    %jit3A_2227 = arith.constant 0.000000e+00 : f32
    %broadcast_in_dim3A_2228 = vector.broadcast %jit3A_2227 : f32 to vector<64x64xf32>
    %select_n3A_2229 = arith.select %and3A_2225, %sub3A_2226, %broadcast_in_dim3A_2228 : vector<64x64xi1>, vector<64x64xf32>
    %reshape3A_2230 = vector.shape_cast %select_n3A_2229 : vector<64x64xf32> to vector<8x8x64xf32>
    %reduce_sum3A_2231 = arith.constant dense<0.000000e+00> : vector<8x64xf32>
    %reduce_sum3A_2232 = vector.multi_reduction <add>, %reshape3A_2230, %reduce_sum3A_2231 [0] : vector<8x8x64xf32> to vector<8x64xf32>
    %add3A_2233 = arith.addf %add3A_2047, %reduce_sum3A_2232 : vector<8x64xf32>
    %get3A_2234 = arith.constant 1 : index
    %get3A_2235 = arith.constant 4 : index
    %get3A_2236 = arith.constant 0 : index
    %get3A_2237 = arith.constant 0 : index
    %get3A_2238 = vector.load %arg3[%get3A_2234, %get3A_2235, %get3A_2236, %get3A_2237] : memref<2x8x64x64xi32, #tpu.memory_space<vmem>>, vector<1x1x64x64xi32>
    %get3A_2239 = vector.shape_cast %get3A_2238 : vector<1x1x64x64xi32> to vector<64x64xi32>
    %get3A_2240 = arith.constant 1 : index
    %get3A_2241 = arith.constant 4 : index
    %get3A_2242 = arith.constant 0 : index
    %get3A_2243 = arith.constant 0 : index
    %get3A_2244 = vector.load %arg4[%get3A_2240, %get3A_2241, %get3A_2242, %get3A_2243] : memref<2x8x64x64xi32, #tpu.memory_space<vmem>>, vector<1x1x64x64xi32>
    %get3A_2245 = vector.shape_cast %get3A_2244 : vector<1x1x64x64xi32> to vector<64x64xi32>
    %gt3A_2246 = arith.constant 0 : i32
    %gt3A_2247 = vector.broadcast %gt3A_2246 : i32 to vector<64x64xi32>
    %gt3A_2248 = arith.cmpi sgt, %get3A_2239, %gt3A_2247 : vector<64x64xi32>
    %get3A_2249 = arith.constant 5 : index
    %get3A_2250 = arith.constant 4 : index
    %get3A_2251 = arith.constant 0 : index
    %get3A_2252 = arith.constant 0 : index
    %get3A_2253 = vector.load %arg1[%get3A_2249, %get3A_2250, %get3A_2251, %get3A_2252] : memref<10x8x64x64xf32, #tpu.memory_space<vmem>>, vector<1x1x64x64xf32>
    %get3A_2254 = vector.shape_cast %get3A_2253 : vector<1x1x64x64xf32> to vector<64x64xf32>
    %get3A_2255 = arith.constant 6 : index
    %get3A_2256 = arith.constant 4 : index
    %get3A_2257 = arith.constant 0 : index
    %get3A_2258 = arith.constant 0 : index
    %get3A_2259 = vector.load %arg1[%get3A_2255, %get3A_2256, %get3A_2257, %get3A_2258] : memref<10x8x64x64xf32, #tpu.memory_space<vmem>>, vector<1x1x64x64xf32>
    %get3A_2260 = vector.shape_cast %get3A_2259 : vector<1x1x64x64xf32> to vector<64x64xf32>
    %get3A_2261 = arith.constant 7 : index
    %get3A_2262 = arith.constant 4 : index
    %get3A_2263 = arith.constant 0 : index
    %get3A_2264 = arith.constant 0 : index
    %get3A_2265 = vector.load %arg1[%get3A_2261, %get3A_2262, %get3A_2263, %get3A_2264] : memref<10x8x64x64xf32, #tpu.memory_space<vmem>>, vector<1x1x64x64xf32>
    %get3A_2266 = vector.shape_cast %get3A_2265 : vector<1x1x64x64xf32> to vector<64x64xf32>
    %get3A_2267 = arith.constant 8 : index
    %get3A_2268 = arith.constant 4 : index
    %get3A_2269 = arith.constant 0 : index
    %get3A_2270 = arith.constant 0 : index
    %get3A_2271 = vector.load %arg1[%get3A_2267, %get3A_2268, %get3A_2269, %get3A_2270] : memref<10x8x64x64xf32, #tpu.memory_space<vmem>>, vector<1x1x64x64xf32>
    %get3A_2272 = vector.shape_cast %get3A_2271 : vector<1x1x64x64xf32> to vector<64x64xf32>
    %get3A_2273 = arith.constant 9 : index
    %get3A_2274 = arith.constant 4 : index
    %get3A_2275 = arith.constant 0 : index
    %get3A_2276 = arith.constant 0 : index
    %get3A_2277 = vector.load %arg1[%get3A_2273, %get3A_2274, %get3A_2275, %get3A_2276] : memref<10x8x64x64xf32, #tpu.memory_space<vmem>>, vector<1x1x64x64xf32>
    %get3A_2278 = vector.shape_cast %get3A_2277 : vector<1x1x64x64xf32> to vector<64x64xf32>
    %max3A_2279 = arith.maximumf %get3A_2254, %get3A_2260 : vector<64x64xf32>
    %max3A_2280 = arith.maximumf %max3A_2279, %get3A_2266 : vector<64x64xf32>
    %max3A_2281 = arith.maximumf %max3A_2280, %get3A_2272 : vector<64x64xf32>
    %max3A_2282 = arith.maximumf %max3A_2281, %get3A_2278 : vector<64x64xf32>
    %sub3A_2283 = arith.subf %get3A_2254, %max3A_2282 : vector<64x64xf32>
    %exp3A_2284 = math.exp %sub3A_2283 : vector<64x64xf32>
    %sub3A_2285 = arith.subf %get3A_2260, %max3A_2282 : vector<64x64xf32>
    %exp3A_2286 = math.exp %sub3A_2285 : vector<64x64xf32>
    %add3A_2287 = arith.addf %exp3A_2284, %exp3A_2286 : vector<64x64xf32>
    %sub3A_2288 = arith.subf %get3A_2266, %max3A_2282 : vector<64x64xf32>
    %exp3A_2289 = math.exp %sub3A_2288 : vector<64x64xf32>
    %add3A_2290 = arith.addf %add3A_2287, %exp3A_2289 : vector<64x64xf32>
    %sub3A_2291 = arith.subf %get3A_2272, %max3A_2282 : vector<64x64xf32>
    %exp3A_2292 = math.exp %sub3A_2291 : vector<64x64xf32>
    %add3A_2293 = arith.addf %add3A_2290, %exp3A_2292 : vector<64x64xf32>
    %sub3A_2294 = arith.subf %get3A_2278, %max3A_2282 : vector<64x64xf32>
    %exp3A_2295 = math.exp %sub3A_2294 : vector<64x64xf32>
    %add3A_2296 = arith.addf %add3A_2293, %exp3A_2295 : vector<64x64xf32>
    %log3A_2297 = math.log %add3A_2296 : vector<64x64xf32>
    %add3A_2298 = arith.addf %max3A_2282, %log3A_2297 : vector<64x64xf32>
    %eq3A_2299 = arith.constant 0 : i32
    %eq3A_2300 = vector.broadcast %eq3A_2299 : i32 to vector<64x64xi32>
    %eq3A_2301 = arith.cmpi eq, %get3A_2239, %eq3A_2300 : vector<64x64xi32>
    %sub3A_2302 = arith.subf %add3A_2298, %get3A_2254 : vector<64x64xf32>
    %jit3A_2303 = arith.constant 0.000000e+00 : f32
    %broadcast_in_dim3A_2304 = vector.broadcast %jit3A_2303 : f32 to vector<64x64xf32>
    %select_n3A_2305 = arith.select %eq3A_2301, %sub3A_2302, %broadcast_in_dim3A_2304 : vector<64x64xi1>, vector<64x64xf32>
    %reshape3A_2306 = vector.shape_cast %select_n3A_2305 : vector<64x64xf32> to vector<8x8x64xf32>
    %reduce_sum3A_2307 = arith.constant dense<0.000000e+00> : vector<8x64xf32>
    %reduce_sum3A_2308 = vector.multi_reduction <add>, %reshape3A_2306, %reduce_sum3A_2307 [0] : vector<8x8x64xf32> to vector<8x64xf32>
    %add3A_2309 = arith.addf %add3A_2123, %reduce_sum3A_2308 : vector<8x64xf32>
    %eq3A_2310 = arith.constant 1 : i32
    %eq3A_2311 = vector.broadcast %eq3A_2310 : i32 to vector<64x64xi32>
    %eq3A_2312 = arith.cmpi eq, %get3A_2239, %eq3A_2311 : vector<64x64xi32>
    %sub3A_2313 = arith.subf %add3A_2298, %get3A_2260 : vector<64x64xf32>
    %jit3A_2314 = arith.constant 0.000000e+00 : f32
    %broadcast_in_dim3A_2315 = vector.broadcast %jit3A_2314 : f32 to vector<64x64xf32>
    %select_n3A_2316 = arith.select %eq3A_2312, %sub3A_2313, %broadcast_in_dim3A_2315 : vector<64x64xi1>, vector<64x64xf32>
    %reshape3A_2317 = vector.shape_cast %select_n3A_2316 : vector<64x64xf32> to vector<8x8x64xf32>
    %reduce_sum3A_2318 = arith.constant dense<0.000000e+00> : vector<8x64xf32>
    %reduce_sum3A_2319 = vector.multi_reduction <add>, %reshape3A_2317, %reduce_sum3A_2318 [0] : vector<8x8x64xf32> to vector<8x64xf32>
    %add3A_2320 = arith.addf %add3A_2134, %reduce_sum3A_2319 : vector<8x64xf32>
    %eq3A_2321 = arith.constant 2 : i32
    %eq3A_2322 = vector.broadcast %eq3A_2321 : i32 to vector<64x64xi32>
    %eq3A_2323 = arith.cmpi eq, %get3A_2239, %eq3A_2322 : vector<64x64xi32>
    %sub3A_2324 = arith.subf %add3A_2298, %get3A_2266 : vector<64x64xf32>
    %jit3A_2325 = arith.constant 0.000000e+00 : f32
    %broadcast_in_dim3A_2326 = vector.broadcast %jit3A_2325 : f32 to vector<64x64xf32>
    %select_n3A_2327 = arith.select %eq3A_2323, %sub3A_2324, %broadcast_in_dim3A_2326 : vector<64x64xi1>, vector<64x64xf32>
    %reshape3A_2328 = vector.shape_cast %select_n3A_2327 : vector<64x64xf32> to vector<8x8x64xf32>
    %reduce_sum3A_2329 = arith.constant dense<0.000000e+00> : vector<8x64xf32>
    %reduce_sum3A_2330 = vector.multi_reduction <add>, %reshape3A_2328, %reduce_sum3A_2329 [0] : vector<8x8x64xf32> to vector<8x64xf32>
    %add3A_2331 = arith.addf %add3A_2145, %reduce_sum3A_2330 : vector<8x64xf32>
    %eq3A_2332 = arith.constant 3 : i32
    %eq3A_2333 = vector.broadcast %eq3A_2332 : i32 to vector<64x64xi32>
    %eq3A_2334 = arith.cmpi eq, %get3A_2239, %eq3A_2333 : vector<64x64xi32>
    %sub3A_2335 = arith.subf %add3A_2298, %get3A_2272 : vector<64x64xf32>
    %jit3A_2336 = arith.constant 0.000000e+00 : f32
    %broadcast_in_dim3A_2337 = vector.broadcast %jit3A_2336 : f32 to vector<64x64xf32>
    %select_n3A_2338 = arith.select %eq3A_2334, %sub3A_2335, %broadcast_in_dim3A_2337 : vector<64x64xi1>, vector<64x64xf32>
    %reshape3A_2339 = vector.shape_cast %select_n3A_2338 : vector<64x64xf32> to vector<8x8x64xf32>
    %reduce_sum3A_2340 = arith.constant dense<0.000000e+00> : vector<8x64xf32>
    %reduce_sum3A_2341 = vector.multi_reduction <add>, %reshape3A_2339, %reduce_sum3A_2340 [0] : vector<8x8x64xf32> to vector<8x64xf32>
    %add3A_2342 = arith.addf %add3A_2156, %reduce_sum3A_2341 : vector<8x64xf32>
    %eq3A_2343 = arith.constant 4 : i32
    %eq3A_2344 = vector.broadcast %eq3A_2343 : i32 to vector<64x64xi32>
    %eq3A_2345 = arith.cmpi eq, %get3A_2239, %eq3A_2344 : vector<64x64xi32>
    %sub3A_2346 = arith.subf %add3A_2298, %get3A_2278 : vector<64x64xf32>
    %jit3A_2347 = arith.constant 0.000000e+00 : f32
    %broadcast_in_dim3A_2348 = vector.broadcast %jit3A_2347 : f32 to vector<64x64xf32>
    %select_n3A_2349 = arith.select %eq3A_2345, %sub3A_2346, %broadcast_in_dim3A_2348 : vector<64x64xi1>, vector<64x64xf32>
    %reshape3A_2350 = vector.shape_cast %select_n3A_2349 : vector<64x64xf32> to vector<8x8x64xf32>
    %reduce_sum3A_2351 = arith.constant dense<0.000000e+00> : vector<8x64xf32>
    %reduce_sum3A_2352 = vector.multi_reduction <add>, %reshape3A_2350, %reduce_sum3A_2351 [0] : vector<8x8x64xf32> to vector<8x64xf32>
    %add3A_2353 = arith.addf %add3A_2167, %reduce_sum3A_2352 : vector<8x64xf32>
    %get3A_2354 = arith.constant 3 : index
    %get3A_2355 = arith.constant 4 : index
    %get3A_2356 = arith.constant 0 : index
    %get3A_2357 = arith.constant 0 : index
    %get3A_2358 = vector.load %arg2[%get3A_2354, %get3A_2355, %get3A_2356, %get3A_2357] : memref<6x8x64x64xf32, #tpu.memory_space<vmem>>, vector<1x1x64x64xf32>
    %get3A_2359 = vector.shape_cast %get3A_2358 : vector<1x1x64x64xf32> to vector<64x64xf32>
    %get3A_2360 = arith.constant 4 : index
    %get3A_2361 = arith.constant 4 : index
    %get3A_2362 = arith.constant 0 : index
    %get3A_2363 = arith.constant 0 : index
    %get3A_2364 = vector.load %arg2[%get3A_2360, %get3A_2361, %get3A_2362, %get3A_2363] : memref<6x8x64x64xf32, #tpu.memory_space<vmem>>, vector<1x1x64x64xf32>
    %get3A_2365 = vector.shape_cast %get3A_2364 : vector<1x1x64x64xf32> to vector<64x64xf32>
    %get3A_2366 = arith.constant 5 : index
    %get3A_2367 = arith.constant 4 : index
    %get3A_2368 = arith.constant 0 : index
    %get3A_2369 = arith.constant 0 : index
    %get3A_2370 = vector.load %arg2[%get3A_2366, %get3A_2367, %get3A_2368, %get3A_2369] : memref<6x8x64x64xf32, #tpu.memory_space<vmem>>, vector<1x1x64x64xf32>
    %get3A_2371 = vector.shape_cast %get3A_2370 : vector<1x1x64x64xf32> to vector<64x64xf32>
    %max3A_2372 = arith.maximumf %get3A_2359, %get3A_2365 : vector<64x64xf32>
    %max3A_2373 = arith.maximumf %max3A_2372, %get3A_2371 : vector<64x64xf32>
    %sub3A_2374 = arith.subf %get3A_2359, %max3A_2373 : vector<64x64xf32>
    %exp3A_2375 = math.exp %sub3A_2374 : vector<64x64xf32>
    %sub3A_2376 = arith.subf %get3A_2365, %max3A_2373 : vector<64x64xf32>
    %exp3A_2377 = math.exp %sub3A_2376 : vector<64x64xf32>
    %add3A_2378 = arith.addf %exp3A_2375, %exp3A_2377 : vector<64x64xf32>
    %sub3A_2379 = arith.subf %get3A_2371, %max3A_2373 : vector<64x64xf32>
    %exp3A_2380 = math.exp %sub3A_2379 : vector<64x64xf32>
    %add3A_2381 = arith.addf %add3A_2378, %exp3A_2380 : vector<64x64xf32>
    %log3A_2382 = math.log %add3A_2381 : vector<64x64xf32>
    %add3A_2383 = arith.addf %max3A_2373, %log3A_2382 : vector<64x64xf32>
    %eq3A_2384 = arith.constant 0 : i32
    %eq3A_2385 = vector.broadcast %eq3A_2384 : i32 to vector<64x64xi32>
    %eq3A_2386 = arith.cmpi eq, %get3A_2245, %eq3A_2385 : vector<64x64xi32>
    %and3A_2387 = arith.andi %eq3A_2386, %gt3A_2248 : vector<64x64xi1>
    %sub3A_2388 = arith.subf %add3A_2383, %get3A_2359 : vector<64x64xf32>
    %jit3A_2389 = arith.constant 0.000000e+00 : f32
    %broadcast_in_dim3A_2390 = vector.broadcast %jit3A_2389 : f32 to vector<64x64xf32>
    %select_n3A_2391 = arith.select %and3A_2387, %sub3A_2388, %broadcast_in_dim3A_2390 : vector<64x64xi1>, vector<64x64xf32>
    %reshape3A_2392 = vector.shape_cast %select_n3A_2391 : vector<64x64xf32> to vector<8x8x64xf32>
    %reduce_sum3A_2393 = arith.constant dense<0.000000e+00> : vector<8x64xf32>
    %reduce_sum3A_2394 = vector.multi_reduction <add>, %reshape3A_2392, %reduce_sum3A_2393 [0] : vector<8x8x64xf32> to vector<8x64xf32>
    %add3A_2395 = arith.addf %add3A_2209, %reduce_sum3A_2394 : vector<8x64xf32>
    %eq3A_2396 = arith.constant 1 : i32
    %eq3A_2397 = vector.broadcast %eq3A_2396 : i32 to vector<64x64xi32>
    %eq3A_2398 = arith.cmpi eq, %get3A_2245, %eq3A_2397 : vector<64x64xi32>
    %and3A_2399 = arith.andi %eq3A_2398, %gt3A_2248 : vector<64x64xi1>
    %sub3A_2400 = arith.subf %add3A_2383, %get3A_2365 : vector<64x64xf32>
    %jit3A_2401 = arith.constant 0.000000e+00 : f32
    %broadcast_in_dim3A_2402 = vector.broadcast %jit3A_2401 : f32 to vector<64x64xf32>
    %select_n3A_2403 = arith.select %and3A_2399, %sub3A_2400, %broadcast_in_dim3A_2402 : vector<64x64xi1>, vector<64x64xf32>
    %reshape3A_2404 = vector.shape_cast %select_n3A_2403 : vector<64x64xf32> to vector<8x8x64xf32>
    %reduce_sum3A_2405 = arith.constant dense<0.000000e+00> : vector<8x64xf32>
    %reduce_sum3A_2406 = vector.multi_reduction <add>, %reshape3A_2404, %reduce_sum3A_2405 [0] : vector<8x8x64xf32> to vector<8x64xf32>
    %add3A_2407 = arith.addf %add3A_2221, %reduce_sum3A_2406 : vector<8x64xf32>
    %eq3A_2408 = arith.constant 2 : i32
    %eq3A_2409 = vector.broadcast %eq3A_2408 : i32 to vector<64x64xi32>
    %eq3A_2410 = arith.cmpi eq, %get3A_2245, %eq3A_2409 : vector<64x64xi32>
    %and3A_2411 = arith.andi %eq3A_2410, %gt3A_2248 : vector<64x64xi1>
    %sub3A_2412 = arith.subf %add3A_2383, %get3A_2371 : vector<64x64xf32>
    %jit3A_2413 = arith.constant 0.000000e+00 : f32
    %broadcast_in_dim3A_2414 = vector.broadcast %jit3A_2413 : f32 to vector<64x64xf32>
    %select_n3A_2415 = arith.select %and3A_2411, %sub3A_2412, %broadcast_in_dim3A_2414 : vector<64x64xi1>, vector<64x64xf32>
    %reshape3A_2416 = vector.shape_cast %select_n3A_2415 : vector<64x64xf32> to vector<8x8x64xf32>
    %reduce_sum3A_2417 = arith.constant dense<0.000000e+00> : vector<8x64xf32>
    %reduce_sum3A_2418 = vector.multi_reduction <add>, %reshape3A_2416, %reduce_sum3A_2417 [0] : vector<8x8x64xf32> to vector<8x64xf32>
    %add3A_2419 = arith.addf %add3A_2233, %reduce_sum3A_2418 : vector<8x64xf32>
    %get3A_2420 = arith.constant 1 : index
    %get3A_2421 = arith.constant 5 : index
    %get3A_2422 = arith.constant 0 : index
    %get3A_2423 = arith.constant 0 : index
    %get3A_2424 = vector.load %arg3[%get3A_2420, %get3A_2421, %get3A_2422, %get3A_2423] : memref<2x8x64x64xi32, #tpu.memory_space<vmem>>, vector<1x1x64x64xi32>
    %get3A_2425 = vector.shape_cast %get3A_2424 : vector<1x1x64x64xi32> to vector<64x64xi32>
    %get3A_2426 = arith.constant 1 : index
    %get3A_2427 = arith.constant 5 : index
    %get3A_2428 = arith.constant 0 : index
    %get3A_2429 = arith.constant 0 : index
    %get3A_2430 = vector.load %arg4[%get3A_2426, %get3A_2427, %get3A_2428, %get3A_2429] : memref<2x8x64x64xi32, #tpu.memory_space<vmem>>, vector<1x1x64x64xi32>
    %get3A_2431 = vector.shape_cast %get3A_2430 : vector<1x1x64x64xi32> to vector<64x64xi32>
    %gt3A_2432 = arith.constant 0 : i32
    %gt3A_2433 = vector.broadcast %gt3A_2432 : i32 to vector<64x64xi32>
    %gt3A_2434 = arith.cmpi sgt, %get3A_2425, %gt3A_2433 : vector<64x64xi32>
    %get3A_2435 = arith.constant 5 : index
    %get3A_2436 = arith.constant 5 : index
    %get3A_2437 = arith.constant 0 : index
    %get3A_2438 = arith.constant 0 : index
    %get3A_2439 = vector.load %arg1[%get3A_2435, %get3A_2436, %get3A_2437, %get3A_2438] : memref<10x8x64x64xf32, #tpu.memory_space<vmem>>, vector<1x1x64x64xf32>
    %get3A_2440 = vector.shape_cast %get3A_2439 : vector<1x1x64x64xf32> to vector<64x64xf32>
    %get3A_2441 = arith.constant 6 : index
    %get3A_2442 = arith.constant 5 : index
    %get3A_2443 = arith.constant 0 : index
    %get3A_2444 = arith.constant 0 : index
    %get3A_2445 = vector.load %arg1[%get3A_2441, %get3A_2442, %get3A_2443, %get3A_2444] : memref<10x8x64x64xf32, #tpu.memory_space<vmem>>, vector<1x1x64x64xf32>
    %get3A_2446 = vector.shape_cast %get3A_2445 : vector<1x1x64x64xf32> to vector<64x64xf32>
    %get3A_2447 = arith.constant 7 : index
    %get3A_2448 = arith.constant 5 : index
    %get3A_2449 = arith.constant 0 : index
    %get3A_2450 = arith.constant 0 : index
    %get3A_2451 = vector.load %arg1[%get3A_2447, %get3A_2448, %get3A_2449, %get3A_2450] : memref<10x8x64x64xf32, #tpu.memory_space<vmem>>, vector<1x1x64x64xf32>
    %get3A_2452 = vector.shape_cast %get3A_2451 : vector<1x1x64x64xf32> to vector<64x64xf32>
    %get3A_2453 = arith.constant 8 : index
    %get3A_2454 = arith.constant 5 : index
    %get3A_2455 = arith.constant 0 : index
    %get3A_2456 = arith.constant 0 : index
    %get3A_2457 = vector.load %arg1[%get3A_2453, %get3A_2454, %get3A_2455, %get3A_2456] : memref<10x8x64x64xf32, #tpu.memory_space<vmem>>, vector<1x1x64x64xf32>
    %get3A_2458 = vector.shape_cast %get3A_2457 : vector<1x1x64x64xf32> to vector<64x64xf32>
    %get3A_2459 = arith.constant 9 : index
    %get3A_2460 = arith.constant 5 : index
    %get3A_2461 = arith.constant 0 : index
    %get3A_2462 = arith.constant 0 : index
    %get3A_2463 = vector.load %arg1[%get3A_2459, %get3A_2460, %get3A_2461, %get3A_2462] : memref<10x8x64x64xf32, #tpu.memory_space<vmem>>, vector<1x1x64x64xf32>
    %get3A_2464 = vector.shape_cast %get3A_2463 : vector<1x1x64x64xf32> to vector<64x64xf32>
    %max3A_2465 = arith.maximumf %get3A_2440, %get3A_2446 : vector<64x64xf32>
    %max3A_2466 = arith.maximumf %max3A_2465, %get3A_2452 : vector<64x64xf32>
    %max3A_2467 = arith.maximumf %max3A_2466, %get3A_2458 : vector<64x64xf32>
    %max3A_2468 = arith.maximumf %max3A_2467, %get3A_2464 : vector<64x64xf32>
    %sub3A_2469 = arith.subf %get3A_2440, %max3A_2468 : vector<64x64xf32>
    %exp3A_2470 = math.exp %sub3A_2469 : vector<64x64xf32>
    %sub3A_2471 = arith.subf %get3A_2446, %max3A_2468 : vector<64x64xf32>
    %exp3A_2472 = math.exp %sub3A_2471 : vector<64x64xf32>
    %add3A_2473 = arith.addf %exp3A_2470, %exp3A_2472 : vector<64x64xf32>
    %sub3A_2474 = arith.subf %get3A_2452, %max3A_2468 : vector<64x64xf32>
    %exp3A_2475 = math.exp %sub3A_2474 : vector<64x64xf32>
    %add3A_2476 = arith.addf %add3A_2473, %exp3A_2475 : vector<64x64xf32>
    %sub3A_2477 = arith.subf %get3A_2458, %max3A_2468 : vector<64x64xf32>
    %exp3A_2478 = math.exp %sub3A_2477 : vector<64x64xf32>
    %add3A_2479 = arith.addf %add3A_2476, %exp3A_2478 : vector<64x64xf32>
    %sub3A_2480 = arith.subf %get3A_2464, %max3A_2468 : vector<64x64xf32>
    %exp3A_2481 = math.exp %sub3A_2480 : vector<64x64xf32>
    %add3A_2482 = arith.addf %add3A_2479, %exp3A_2481 : vector<64x64xf32>
    %log3A_2483 = math.log %add3A_2482 : vector<64x64xf32>
    %add3A_2484 = arith.addf %max3A_2468, %log3A_2483 : vector<64x64xf32>
    %eq3A_2485 = arith.constant 0 : i32
    %eq3A_2486 = vector.broadcast %eq3A_2485 : i32 to vector<64x64xi32>
    %eq3A_2487 = arith.cmpi eq, %get3A_2425, %eq3A_2486 : vector<64x64xi32>
    %sub3A_2488 = arith.subf %add3A_2484, %get3A_2440 : vector<64x64xf32>
    %jit3A_2489 = arith.constant 0.000000e+00 : f32
    %broadcast_in_dim3A_2490 = vector.broadcast %jit3A_2489 : f32 to vector<64x64xf32>
    %select_n3A_2491 = arith.select %eq3A_2487, %sub3A_2488, %broadcast_in_dim3A_2490 : vector<64x64xi1>, vector<64x64xf32>
    %reshape3A_2492 = vector.shape_cast %select_n3A_2491 : vector<64x64xf32> to vector<8x8x64xf32>
    %reduce_sum3A_2493 = arith.constant dense<0.000000e+00> : vector<8x64xf32>
    %reduce_sum3A_2494 = vector.multi_reduction <add>, %reshape3A_2492, %reduce_sum3A_2493 [0] : vector<8x8x64xf32> to vector<8x64xf32>
    %add3A_2495 = arith.addf %add3A_2309, %reduce_sum3A_2494 : vector<8x64xf32>
    %eq3A_2496 = arith.constant 1 : i32
    %eq3A_2497 = vector.broadcast %eq3A_2496 : i32 to vector<64x64xi32>
    %eq3A_2498 = arith.cmpi eq, %get3A_2425, %eq3A_2497 : vector<64x64xi32>
    %sub3A_2499 = arith.subf %add3A_2484, %get3A_2446 : vector<64x64xf32>
    %jit3A_2500 = arith.constant 0.000000e+00 : f32
    %broadcast_in_dim3A_2501 = vector.broadcast %jit3A_2500 : f32 to vector<64x64xf32>
    %select_n3A_2502 = arith.select %eq3A_2498, %sub3A_2499, %broadcast_in_dim3A_2501 : vector<64x64xi1>, vector<64x64xf32>
    %reshape3A_2503 = vector.shape_cast %select_n3A_2502 : vector<64x64xf32> to vector<8x8x64xf32>
    %reduce_sum3A_2504 = arith.constant dense<0.000000e+00> : vector<8x64xf32>
    %reduce_sum3A_2505 = vector.multi_reduction <add>, %reshape3A_2503, %reduce_sum3A_2504 [0] : vector<8x8x64xf32> to vector<8x64xf32>
    %add3A_2506 = arith.addf %add3A_2320, %reduce_sum3A_2505 : vector<8x64xf32>
    %eq3A_2507 = arith.constant 2 : i32
    %eq3A_2508 = vector.broadcast %eq3A_2507 : i32 to vector<64x64xi32>
    %eq3A_2509 = arith.cmpi eq, %get3A_2425, %eq3A_2508 : vector<64x64xi32>
    %sub3A_2510 = arith.subf %add3A_2484, %get3A_2452 : vector<64x64xf32>
    %jit3A_2511 = arith.constant 0.000000e+00 : f32
    %broadcast_in_dim3A_2512 = vector.broadcast %jit3A_2511 : f32 to vector<64x64xf32>
    %select_n3A_2513 = arith.select %eq3A_2509, %sub3A_2510, %broadcast_in_dim3A_2512 : vector<64x64xi1>, vector<64x64xf32>
    %reshape3A_2514 = vector.shape_cast %select_n3A_2513 : vector<64x64xf32> to vector<8x8x64xf32>
    %reduce_sum3A_2515 = arith.constant dense<0.000000e+00> : vector<8x64xf32>
    %reduce_sum3A_2516 = vector.multi_reduction <add>, %reshape3A_2514, %reduce_sum3A_2515 [0] : vector<8x8x64xf32> to vector<8x64xf32>
    %add3A_2517 = arith.addf %add3A_2331, %reduce_sum3A_2516 : vector<8x64xf32>
    %eq3A_2518 = arith.constant 3 : i32
    %eq3A_2519 = vector.broadcast %eq3A_2518 : i32 to vector<64x64xi32>
    %eq3A_2520 = arith.cmpi eq, %get3A_2425, %eq3A_2519 : vector<64x64xi32>
    %sub3A_2521 = arith.subf %add3A_2484, %get3A_2458 : vector<64x64xf32>
    %jit3A_2522 = arith.constant 0.000000e+00 : f32
    %broadcast_in_dim3A_2523 = vector.broadcast %jit3A_2522 : f32 to vector<64x64xf32>
    %select_n3A_2524 = arith.select %eq3A_2520, %sub3A_2521, %broadcast_in_dim3A_2523 : vector<64x64xi1>, vector<64x64xf32>
    %reshape3A_2525 = vector.shape_cast %select_n3A_2524 : vector<64x64xf32> to vector<8x8x64xf32>
    %reduce_sum3A_2526 = arith.constant dense<0.000000e+00> : vector<8x64xf32>
    %reduce_sum3A_2527 = vector.multi_reduction <add>, %reshape3A_2525, %reduce_sum3A_2526 [0] : vector<8x8x64xf32> to vector<8x64xf32>
    %add3A_2528 = arith.addf %add3A_2342, %reduce_sum3A_2527 : vector<8x64xf32>
    %eq3A_2529 = arith.constant 4 : i32
    %eq3A_2530 = vector.broadcast %eq3A_2529 : i32 to vector<64x64xi32>
    %eq3A_2531 = arith.cmpi eq, %get3A_2425, %eq3A_2530 : vector<64x64xi32>
    %sub3A_2532 = arith.subf %add3A_2484, %get3A_2464 : vector<64x64xf32>
    %jit3A_2533 = arith.constant 0.000000e+00 : f32
    %broadcast_in_dim3A_2534 = vector.broadcast %jit3A_2533 : f32 to vector<64x64xf32>
    %select_n3A_2535 = arith.select %eq3A_2531, %sub3A_2532, %broadcast_in_dim3A_2534 : vector<64x64xi1>, vector<64x64xf32>
    %reshape3A_2536 = vector.shape_cast %select_n3A_2535 : vector<64x64xf32> to vector<8x8x64xf32>
    %reduce_sum3A_2537 = arith.constant dense<0.000000e+00> : vector<8x64xf32>
    %reduce_sum3A_2538 = vector.multi_reduction <add>, %reshape3A_2536, %reduce_sum3A_2537 [0] : vector<8x8x64xf32> to vector<8x64xf32>
    %add3A_2539 = arith.addf %add3A_2353, %reduce_sum3A_2538 : vector<8x64xf32>
    %get3A_2540 = arith.constant 3 : index
    %get3A_2541 = arith.constant 5 : index
    %get3A_2542 = arith.constant 0 : index
    %get3A_2543 = arith.constant 0 : index
    %get3A_2544 = vector.load %arg2[%get3A_2540, %get3A_2541, %get3A_2542, %get3A_2543] : memref<6x8x64x64xf32, #tpu.memory_space<vmem>>, vector<1x1x64x64xf32>
    %get3A_2545 = vector.shape_cast %get3A_2544 : vector<1x1x64x64xf32> to vector<64x64xf32>
    %get3A_2546 = arith.constant 4 : index
    %get3A_2547 = arith.constant 5 : index
    %get3A_2548 = arith.constant 0 : index
    %get3A_2549 = arith.constant 0 : index
    %get3A_2550 = vector.load %arg2[%get3A_2546, %get3A_2547, %get3A_2548, %get3A_2549] : memref<6x8x64x64xf32, #tpu.memory_space<vmem>>, vector<1x1x64x64xf32>
    %get3A_2551 = vector.shape_cast %get3A_2550 : vector<1x1x64x64xf32> to vector<64x64xf32>
    %get3A_2552 = arith.constant 5 : index
    %get3A_2553 = arith.constant 5 : index
    %get3A_2554 = arith.constant 0 : index
    %get3A_2555 = arith.constant 0 : index
    %get3A_2556 = vector.load %arg2[%get3A_2552, %get3A_2553, %get3A_2554, %get3A_2555] : memref<6x8x64x64xf32, #tpu.memory_space<vmem>>, vector<1x1x64x64xf32>
    %get3A_2557 = vector.shape_cast %get3A_2556 : vector<1x1x64x64xf32> to vector<64x64xf32>
    %max3A_2558 = arith.maximumf %get3A_2545, %get3A_2551 : vector<64x64xf32>
    %max3A_2559 = arith.maximumf %max3A_2558, %get3A_2557 : vector<64x64xf32>
    %sub3A_2560 = arith.subf %get3A_2545, %max3A_2559 : vector<64x64xf32>
    %exp3A_2561 = math.exp %sub3A_2560 : vector<64x64xf32>
    %sub3A_2562 = arith.subf %get3A_2551, %max3A_2559 : vector<64x64xf32>
    %exp3A_2563 = math.exp %sub3A_2562 : vector<64x64xf32>
    %add3A_2564 = arith.addf %exp3A_2561, %exp3A_2563 : vector<64x64xf32>
    %sub3A_2565 = arith.subf %get3A_2557, %max3A_2559 : vector<64x64xf32>
    %exp3A_2566 = math.exp %sub3A_2565 : vector<64x64xf32>
    %add3A_2567 = arith.addf %add3A_2564, %exp3A_2566 : vector<64x64xf32>
    %log3A_2568 = math.log %add3A_2567 : vector<64x64xf32>
    %add3A_2569 = arith.addf %max3A_2559, %log3A_2568 : vector<64x64xf32>
    %eq3A_2570 = arith.constant 0 : i32
    %eq3A_2571 = vector.broadcast %eq3A_2570 : i32 to vector<64x64xi32>
    %eq3A_2572 = arith.cmpi eq, %get3A_2431, %eq3A_2571 : vector<64x64xi32>
    %and3A_2573 = arith.andi %eq3A_2572, %gt3A_2434 : vector<64x64xi1>
    %sub3A_2574 = arith.subf %add3A_2569, %get3A_2545 : vector<64x64xf32>
    %jit3A_2575 = arith.constant 0.000000e+00 : f32
    %broadcast_in_dim3A_2576 = vector.broadcast %jit3A_2575 : f32 to vector<64x64xf32>
    %select_n3A_2577 = arith.select %and3A_2573, %sub3A_2574, %broadcast_in_dim3A_2576 : vector<64x64xi1>, vector<64x64xf32>
    %reshape3A_2578 = vector.shape_cast %select_n3A_2577 : vector<64x64xf32> to vector<8x8x64xf32>
    %reduce_sum3A_2579 = arith.constant dense<0.000000e+00> : vector<8x64xf32>
    %reduce_sum3A_2580 = vector.multi_reduction <add>, %reshape3A_2578, %reduce_sum3A_2579 [0] : vector<8x8x64xf32> to vector<8x64xf32>
    %add3A_2581 = arith.addf %add3A_2395, %reduce_sum3A_2580 : vector<8x64xf32>
    %eq3A_2582 = arith.constant 1 : i32
    %eq3A_2583 = vector.broadcast %eq3A_2582 : i32 to vector<64x64xi32>
    %eq3A_2584 = arith.cmpi eq, %get3A_2431, %eq3A_2583 : vector<64x64xi32>
    %and3A_2585 = arith.andi %eq3A_2584, %gt3A_2434 : vector<64x64xi1>
    %sub3A_2586 = arith.subf %add3A_2569, %get3A_2551 : vector<64x64xf32>
    %jit3A_2587 = arith.constant 0.000000e+00 : f32
    %broadcast_in_dim3A_2588 = vector.broadcast %jit3A_2587 : f32 to vector<64x64xf32>
    %select_n3A_2589 = arith.select %and3A_2585, %sub3A_2586, %broadcast_in_dim3A_2588 : vector<64x64xi1>, vector<64x64xf32>
    %reshape3A_2590 = vector.shape_cast %select_n3A_2589 : vector<64x64xf32> to vector<8x8x64xf32>
    %reduce_sum3A_2591 = arith.constant dense<0.000000e+00> : vector<8x64xf32>
    %reduce_sum3A_2592 = vector.multi_reduction <add>, %reshape3A_2590, %reduce_sum3A_2591 [0] : vector<8x8x64xf32> to vector<8x64xf32>
    %add3A_2593 = arith.addf %add3A_2407, %reduce_sum3A_2592 : vector<8x64xf32>
    %eq3A_2594 = arith.constant 2 : i32
    %eq3A_2595 = vector.broadcast %eq3A_2594 : i32 to vector<64x64xi32>
    %eq3A_2596 = arith.cmpi eq, %get3A_2431, %eq3A_2595 : vector<64x64xi32>
    %and3A_2597 = arith.andi %eq3A_2596, %gt3A_2434 : vector<64x64xi1>
    %sub3A_2598 = arith.subf %add3A_2569, %get3A_2557 : vector<64x64xf32>
    %jit3A_2599 = arith.constant 0.000000e+00 : f32
    %broadcast_in_dim3A_2600 = vector.broadcast %jit3A_2599 : f32 to vector<64x64xf32>
    %select_n3A_2601 = arith.select %and3A_2597, %sub3A_2598, %broadcast_in_dim3A_2600 : vector<64x64xi1>, vector<64x64xf32>
    %reshape3A_2602 = vector.shape_cast %select_n3A_2601 : vector<64x64xf32> to vector<8x8x64xf32>
    %reduce_sum3A_2603 = arith.constant dense<0.000000e+00> : vector<8x64xf32>
    %reduce_sum3A_2604 = vector.multi_reduction <add>, %reshape3A_2602, %reduce_sum3A_2603 [0] : vector<8x8x64xf32> to vector<8x64xf32>
    %add3A_2605 = arith.addf %add3A_2419, %reduce_sum3A_2604 : vector<8x64xf32>
    %get3A_2606 = arith.constant 1 : index
    %get3A_2607 = arith.constant 6 : index
    %get3A_2608 = arith.constant 0 : index
    %get3A_2609 = arith.constant 0 : index
    %get3A_2610 = vector.load %arg3[%get3A_2606, %get3A_2607, %get3A_2608, %get3A_2609] : memref<2x8x64x64xi32, #tpu.memory_space<vmem>>, vector<1x1x64x64xi32>
    %get3A_2611 = vector.shape_cast %get3A_2610 : vector<1x1x64x64xi32> to vector<64x64xi32>
    %get3A_2612 = arith.constant 1 : index
    %get3A_2613 = arith.constant 6 : index
    %get3A_2614 = arith.constant 0 : index
    %get3A_2615 = arith.constant 0 : index
    %get3A_2616 = vector.load %arg4[%get3A_2612, %get3A_2613, %get3A_2614, %get3A_2615] : memref<2x8x64x64xi32, #tpu.memory_space<vmem>>, vector<1x1x64x64xi32>
    %get3A_2617 = vector.shape_cast %get3A_2616 : vector<1x1x64x64xi32> to vector<64x64xi32>
    %gt3A_2618 = arith.constant 0 : i32
    %gt3A_2619 = vector.broadcast %gt3A_2618 : i32 to vector<64x64xi32>
    %gt3A_2620 = arith.cmpi sgt, %get3A_2611, %gt3A_2619 : vector<64x64xi32>
    %get3A_2621 = arith.constant 5 : index
    %get3A_2622 = arith.constant 6 : index
    %get3A_2623 = arith.constant 0 : index
    %get3A_2624 = arith.constant 0 : index
    %get3A_2625 = vector.load %arg1[%get3A_2621, %get3A_2622, %get3A_2623, %get3A_2624] : memref<10x8x64x64xf32, #tpu.memory_space<vmem>>, vector<1x1x64x64xf32>
    %get3A_2626 = vector.shape_cast %get3A_2625 : vector<1x1x64x64xf32> to vector<64x64xf32>
    %get3A_2627 = arith.constant 6 : index
    %get3A_2628 = arith.constant 6 : index
    %get3A_2629 = arith.constant 0 : index
    %get3A_2630 = arith.constant 0 : index
    %get3A_2631 = vector.load %arg1[%get3A_2627, %get3A_2628, %get3A_2629, %get3A_2630] : memref<10x8x64x64xf32, #tpu.memory_space<vmem>>, vector<1x1x64x64xf32>
    %get3A_2632 = vector.shape_cast %get3A_2631 : vector<1x1x64x64xf32> to vector<64x64xf32>
    %get3A_2633 = arith.constant 7 : index
    %get3A_2634 = arith.constant 6 : index
    %get3A_2635 = arith.constant 0 : index
    %get3A_2636 = arith.constant 0 : index
    %get3A_2637 = vector.load %arg1[%get3A_2633, %get3A_2634, %get3A_2635, %get3A_2636] : memref<10x8x64x64xf32, #tpu.memory_space<vmem>>, vector<1x1x64x64xf32>
    %get3A_2638 = vector.shape_cast %get3A_2637 : vector<1x1x64x64xf32> to vector<64x64xf32>
    %get3A_2639 = arith.constant 8 : index
    %get3A_2640 = arith.constant 6 : index
    %get3A_2641 = arith.constant 0 : index
    %get3A_2642 = arith.constant 0 : index
    %get3A_2643 = vector.load %arg1[%get3A_2639, %get3A_2640, %get3A_2641, %get3A_2642] : memref<10x8x64x64xf32, #tpu.memory_space<vmem>>, vector<1x1x64x64xf32>
    %get3A_2644 = vector.shape_cast %get3A_2643 : vector<1x1x64x64xf32> to vector<64x64xf32>
    %get3A_2645 = arith.constant 9 : index
    %get3A_2646 = arith.constant 6 : index
    %get3A_2647 = arith.constant 0 : index
    %get3A_2648 = arith.constant 0 : index
    %get3A_2649 = vector.load %arg1[%get3A_2645, %get3A_2646, %get3A_2647, %get3A_2648] : memref<10x8x64x64xf32, #tpu.memory_space<vmem>>, vector<1x1x64x64xf32>
    %get3A_2650 = vector.shape_cast %get3A_2649 : vector<1x1x64x64xf32> to vector<64x64xf32>
    %max3A_2651 = arith.maximumf %get3A_2626, %get3A_2632 : vector<64x64xf32>
    %max3A_2652 = arith.maximumf %max3A_2651, %get3A_2638 : vector<64x64xf32>
    %max3A_2653 = arith.maximumf %max3A_2652, %get3A_2644 : vector<64x64xf32>
    %max3A_2654 = arith.maximumf %max3A_2653, %get3A_2650 : vector<64x64xf32>
    %sub3A_2655 = arith.subf %get3A_2626, %max3A_2654 : vector<64x64xf32>
    %exp3A_2656 = math.exp %sub3A_2655 : vector<64x64xf32>
    %sub3A_2657 = arith.subf %get3A_2632, %max3A_2654 : vector<64x64xf32>
    %exp3A_2658 = math.exp %sub3A_2657 : vector<64x64xf32>
    %add3A_2659 = arith.addf %exp3A_2656, %exp3A_2658 : vector<64x64xf32>
    %sub3A_2660 = arith.subf %get3A_2638, %max3A_2654 : vector<64x64xf32>
    %exp3A_2661 = math.exp %sub3A_2660 : vector<64x64xf32>
    %add3A_2662 = arith.addf %add3A_2659, %exp3A_2661 : vector<64x64xf32>
    %sub3A_2663 = arith.subf %get3A_2644, %max3A_2654 : vector<64x64xf32>
    %exp3A_2664 = math.exp %sub3A_2663 : vector<64x64xf32>
    %add3A_2665 = arith.addf %add3A_2662, %exp3A_2664 : vector<64x64xf32>
    %sub3A_2666 = arith.subf %get3A_2650, %max3A_2654 : vector<64x64xf32>
    %exp3A_2667 = math.exp %sub3A_2666 : vector<64x64xf32>
    %add3A_2668 = arith.addf %add3A_2665, %exp3A_2667 : vector<64x64xf32>
    %log3A_2669 = math.log %add3A_2668 : vector<64x64xf32>
    %add3A_2670 = arith.addf %max3A_2654, %log3A_2669 : vector<64x64xf32>
    %eq3A_2671 = arith.constant 0 : i32
    %eq3A_2672 = vector.broadcast %eq3A_2671 : i32 to vector<64x64xi32>
    %eq3A_2673 = arith.cmpi eq, %get3A_2611, %eq3A_2672 : vector<64x64xi32>
    %sub3A_2674 = arith.subf %add3A_2670, %get3A_2626 : vector<64x64xf32>
    %jit3A_2675 = arith.constant 0.000000e+00 : f32
    %broadcast_in_dim3A_2676 = vector.broadcast %jit3A_2675 : f32 to vector<64x64xf32>
    %select_n3A_2677 = arith.select %eq3A_2673, %sub3A_2674, %broadcast_in_dim3A_2676 : vector<64x64xi1>, vector<64x64xf32>
    %reshape3A_2678 = vector.shape_cast %select_n3A_2677 : vector<64x64xf32> to vector<8x8x64xf32>
    %reduce_sum3A_2679 = arith.constant dense<0.000000e+00> : vector<8x64xf32>
    %reduce_sum3A_2680 = vector.multi_reduction <add>, %reshape3A_2678, %reduce_sum3A_2679 [0] : vector<8x8x64xf32> to vector<8x64xf32>
    %add3A_2681 = arith.addf %add3A_2495, %reduce_sum3A_2680 : vector<8x64xf32>
    %eq3A_2682 = arith.constant 1 : i32
    %eq3A_2683 = vector.broadcast %eq3A_2682 : i32 to vector<64x64xi32>
    %eq3A_2684 = arith.cmpi eq, %get3A_2611, %eq3A_2683 : vector<64x64xi32>
    %sub3A_2685 = arith.subf %add3A_2670, %get3A_2632 : vector<64x64xf32>
    %jit3A_2686 = arith.constant 0.000000e+00 : f32
    %broadcast_in_dim3A_2687 = vector.broadcast %jit3A_2686 : f32 to vector<64x64xf32>
    %select_n3A_2688 = arith.select %eq3A_2684, %sub3A_2685, %broadcast_in_dim3A_2687 : vector<64x64xi1>, vector<64x64xf32>
    %reshape3A_2689 = vector.shape_cast %select_n3A_2688 : vector<64x64xf32> to vector<8x8x64xf32>
    %reduce_sum3A_2690 = arith.constant dense<0.000000e+00> : vector<8x64xf32>
    %reduce_sum3A_2691 = vector.multi_reduction <add>, %reshape3A_2689, %reduce_sum3A_2690 [0] : vector<8x8x64xf32> to vector<8x64xf32>
    %add3A_2692 = arith.addf %add3A_2506, %reduce_sum3A_2691 : vector<8x64xf32>
    %eq3A_2693 = arith.constant 2 : i32
    %eq3A_2694 = vector.broadcast %eq3A_2693 : i32 to vector<64x64xi32>
    %eq3A_2695 = arith.cmpi eq, %get3A_2611, %eq3A_2694 : vector<64x64xi32>
    %sub3A_2696 = arith.subf %add3A_2670, %get3A_2638 : vector<64x64xf32>
    %jit3A_2697 = arith.constant 0.000000e+00 : f32
    %broadcast_in_dim3A_2698 = vector.broadcast %jit3A_2697 : f32 to vector<64x64xf32>
    %select_n3A_2699 = arith.select %eq3A_2695, %sub3A_2696, %broadcast_in_dim3A_2698 : vector<64x64xi1>, vector<64x64xf32>
    %reshape3A_2700 = vector.shape_cast %select_n3A_2699 : vector<64x64xf32> to vector<8x8x64xf32>
    %reduce_sum3A_2701 = arith.constant dense<0.000000e+00> : vector<8x64xf32>
    %reduce_sum3A_2702 = vector.multi_reduction <add>, %reshape3A_2700, %reduce_sum3A_2701 [0] : vector<8x8x64xf32> to vector<8x64xf32>
    %add3A_2703 = arith.addf %add3A_2517, %reduce_sum3A_2702 : vector<8x64xf32>
    %eq3A_2704 = arith.constant 3 : i32
    %eq3A_2705 = vector.broadcast %eq3A_2704 : i32 to vector<64x64xi32>
    %eq3A_2706 = arith.cmpi eq, %get3A_2611, %eq3A_2705 : vector<64x64xi32>
    %sub3A_2707 = arith.subf %add3A_2670, %get3A_2644 : vector<64x64xf32>
    %jit3A_2708 = arith.constant 0.000000e+00 : f32
    %broadcast_in_dim3A_2709 = vector.broadcast %jit3A_2708 : f32 to vector<64x64xf32>
    %select_n3A_2710 = arith.select %eq3A_2706, %sub3A_2707, %broadcast_in_dim3A_2709 : vector<64x64xi1>, vector<64x64xf32>
    %reshape3A_2711 = vector.shape_cast %select_n3A_2710 : vector<64x64xf32> to vector<8x8x64xf32>
    %reduce_sum3A_2712 = arith.constant dense<0.000000e+00> : vector<8x64xf32>
    %reduce_sum3A_2713 = vector.multi_reduction <add>, %reshape3A_2711, %reduce_sum3A_2712 [0] : vector<8x8x64xf32> to vector<8x64xf32>
    %add3A_2714 = arith.addf %add3A_2528, %reduce_sum3A_2713 : vector<8x64xf32>
    %eq3A_2715 = arith.constant 4 : i32
    %eq3A_2716 = vector.broadcast %eq3A_2715 : i32 to vector<64x64xi32>
    %eq3A_2717 = arith.cmpi eq, %get3A_2611, %eq3A_2716 : vector<64x64xi32>
    %sub3A_2718 = arith.subf %add3A_2670, %get3A_2650 : vector<64x64xf32>
    %jit3A_2719 = arith.constant 0.000000e+00 : f32
    %broadcast_in_dim3A_2720 = vector.broadcast %jit3A_2719 : f32 to vector<64x64xf32>
    %select_n3A_2721 = arith.select %eq3A_2717, %sub3A_2718, %broadcast_in_dim3A_2720 : vector<64x64xi1>, vector<64x64xf32>
    %reshape3A_2722 = vector.shape_cast %select_n3A_2721 : vector<64x64xf32> to vector<8x8x64xf32>
    %reduce_sum3A_2723 = arith.constant dense<0.000000e+00> : vector<8x64xf32>
    %reduce_sum3A_2724 = vector.multi_reduction <add>, %reshape3A_2722, %reduce_sum3A_2723 [0] : vector<8x8x64xf32> to vector<8x64xf32>
    %add3A_2725 = arith.addf %add3A_2539, %reduce_sum3A_2724 : vector<8x64xf32>
    %get3A_2726 = arith.constant 3 : index
    %get3A_2727 = arith.constant 6 : index
    %get3A_2728 = arith.constant 0 : index
    %get3A_2729 = arith.constant 0 : index
    %get3A_2730 = vector.load %arg2[%get3A_2726, %get3A_2727, %get3A_2728, %get3A_2729] : memref<6x8x64x64xf32, #tpu.memory_space<vmem>>, vector<1x1x64x64xf32>
    %get3A_2731 = vector.shape_cast %get3A_2730 : vector<1x1x64x64xf32> to vector<64x64xf32>
    %get3A_2732 = arith.constant 4 : index
    %get3A_2733 = arith.constant 6 : index
    %get3A_2734 = arith.constant 0 : index
    %get3A_2735 = arith.constant 0 : index
    %get3A_2736 = vector.load %arg2[%get3A_2732, %get3A_2733, %get3A_2734, %get3A_2735] : memref<6x8x64x64xf32, #tpu.memory_space<vmem>>, vector<1x1x64x64xf32>
    %get3A_2737 = vector.shape_cast %get3A_2736 : vector<1x1x64x64xf32> to vector<64x64xf32>
    %get3A_2738 = arith.constant 5 : index
    %get3A_2739 = arith.constant 6 : index
    %get3A_2740 = arith.constant 0 : index
    %get3A_2741 = arith.constant 0 : index
    %get3A_2742 = vector.load %arg2[%get3A_2738, %get3A_2739, %get3A_2740, %get3A_2741] : memref<6x8x64x64xf32, #tpu.memory_space<vmem>>, vector<1x1x64x64xf32>
    %get3A_2743 = vector.shape_cast %get3A_2742 : vector<1x1x64x64xf32> to vector<64x64xf32>
    %max3A_2744 = arith.maximumf %get3A_2731, %get3A_2737 : vector<64x64xf32>
    %max3A_2745 = arith.maximumf %max3A_2744, %get3A_2743 : vector<64x64xf32>
    %sub3A_2746 = arith.subf %get3A_2731, %max3A_2745 : vector<64x64xf32>
    %exp3A_2747 = math.exp %sub3A_2746 : vector<64x64xf32>
    %sub3A_2748 = arith.subf %get3A_2737, %max3A_2745 : vector<64x64xf32>
    %exp3A_2749 = math.exp %sub3A_2748 : vector<64x64xf32>
    %add3A_2750 = arith.addf %exp3A_2747, %exp3A_2749 : vector<64x64xf32>
    %sub3A_2751 = arith.subf %get3A_2743, %max3A_2745 : vector<64x64xf32>
    %exp3A_2752 = math.exp %sub3A_2751 : vector<64x64xf32>
    %add3A_2753 = arith.addf %add3A_2750, %exp3A_2752 : vector<64x64xf32>
    %log3A_2754 = math.log %add3A_2753 : vector<64x64xf32>
    %add3A_2755 = arith.addf %max3A_2745, %log3A_2754 : vector<64x64xf32>
    %eq3A_2756 = arith.constant 0 : i32
    %eq3A_2757 = vector.broadcast %eq3A_2756 : i32 to vector<64x64xi32>
    %eq3A_2758 = arith.cmpi eq, %get3A_2617, %eq3A_2757 : vector<64x64xi32>
    %and3A_2759 = arith.andi %eq3A_2758, %gt3A_2620 : vector<64x64xi1>
    %sub3A_2760 = arith.subf %add3A_2755, %get3A_2731 : vector<64x64xf32>
    %jit3A_2761 = arith.constant 0.000000e+00 : f32
    %broadcast_in_dim3A_2762 = vector.broadcast %jit3A_2761 : f32 to vector<64x64xf32>
    %select_n3A_2763 = arith.select %and3A_2759, %sub3A_2760, %broadcast_in_dim3A_2762 : vector<64x64xi1>, vector<64x64xf32>
    %reshape3A_2764 = vector.shape_cast %select_n3A_2763 : vector<64x64xf32> to vector<8x8x64xf32>
    %reduce_sum3A_2765 = arith.constant dense<0.000000e+00> : vector<8x64xf32>
    %reduce_sum3A_2766 = vector.multi_reduction <add>, %reshape3A_2764, %reduce_sum3A_2765 [0] : vector<8x8x64xf32> to vector<8x64xf32>
    %add3A_2767 = arith.addf %add3A_2581, %reduce_sum3A_2766 : vector<8x64xf32>
    %eq3A_2768 = arith.constant 1 : i32
    %eq3A_2769 = vector.broadcast %eq3A_2768 : i32 to vector<64x64xi32>
    %eq3A_2770 = arith.cmpi eq, %get3A_2617, %eq3A_2769 : vector<64x64xi32>
    %and3A_2771 = arith.andi %eq3A_2770, %gt3A_2620 : vector<64x64xi1>
    %sub3A_2772 = arith.subf %add3A_2755, %get3A_2737 : vector<64x64xf32>
    %jit3A_2773 = arith.constant 0.000000e+00 : f32
    %broadcast_in_dim3A_2774 = vector.broadcast %jit3A_2773 : f32 to vector<64x64xf32>
    %select_n3A_2775 = arith.select %and3A_2771, %sub3A_2772, %broadcast_in_dim3A_2774 : vector<64x64xi1>, vector<64x64xf32>
    %reshape3A_2776 = vector.shape_cast %select_n3A_2775 : vector<64x64xf32> to vector<8x8x64xf32>
    %reduce_sum3A_2777 = arith.constant dense<0.000000e+00> : vector<8x64xf32>
    %reduce_sum3A_2778 = vector.multi_reduction <add>, %reshape3A_2776, %reduce_sum3A_2777 [0] : vector<8x8x64xf32> to vector<8x64xf32>
    %add3A_2779 = arith.addf %add3A_2593, %reduce_sum3A_2778 : vector<8x64xf32>
    %eq3A_2780 = arith.constant 2 : i32
    %eq3A_2781 = vector.broadcast %eq3A_2780 : i32 to vector<64x64xi32>
    %eq3A_2782 = arith.cmpi eq, %get3A_2617, %eq3A_2781 : vector<64x64xi32>
    %and3A_2783 = arith.andi %eq3A_2782, %gt3A_2620 : vector<64x64xi1>
    %sub3A_2784 = arith.subf %add3A_2755, %get3A_2743 : vector<64x64xf32>
    %jit3A_2785 = arith.constant 0.000000e+00 : f32
    %broadcast_in_dim3A_2786 = vector.broadcast %jit3A_2785 : f32 to vector<64x64xf32>
    %select_n3A_2787 = arith.select %and3A_2783, %sub3A_2784, %broadcast_in_dim3A_2786 : vector<64x64xi1>, vector<64x64xf32>
    %reshape3A_2788 = vector.shape_cast %select_n3A_2787 : vector<64x64xf32> to vector<8x8x64xf32>
    %reduce_sum3A_2789 = arith.constant dense<0.000000e+00> : vector<8x64xf32>
    %reduce_sum3A_2790 = vector.multi_reduction <add>, %reshape3A_2788, %reduce_sum3A_2789 [0] : vector<8x8x64xf32> to vector<8x64xf32>
    %add3A_2791 = arith.addf %add3A_2605, %reduce_sum3A_2790 : vector<8x64xf32>
    %get3A_2792 = arith.constant 1 : index
    %get3A_2793 = arith.constant 7 : index
    %get3A_2794 = arith.constant 0 : index
    %get3A_2795 = arith.constant 0 : index
    %get3A_2796 = vector.load %arg3[%get3A_2792, %get3A_2793, %get3A_2794, %get3A_2795] : memref<2x8x64x64xi32, #tpu.memory_space<vmem>>, vector<1x1x64x64xi32>
    %get3A_2797 = vector.shape_cast %get3A_2796 : vector<1x1x64x64xi32> to vector<64x64xi32>
    %get3A_2798 = arith.constant 1 : index
    %get3A_2799 = arith.constant 7 : index
    %get3A_2800 = arith.constant 0 : index
    %get3A_2801 = arith.constant 0 : index
    %get3A_2802 = vector.load %arg4[%get3A_2798, %get3A_2799, %get3A_2800, %get3A_2801] : memref<2x8x64x64xi32, #tpu.memory_space<vmem>>, vector<1x1x64x64xi32>
    %get3A_2803 = vector.shape_cast %get3A_2802 : vector<1x1x64x64xi32> to vector<64x64xi32>
    %gt3A_2804 = arith.constant 0 : i32
    %gt3A_2805 = vector.broadcast %gt3A_2804 : i32 to vector<64x64xi32>
    %gt3A_2806 = arith.cmpi sgt, %get3A_2797, %gt3A_2805 : vector<64x64xi32>
    %get3A_2807 = arith.constant 5 : index
    %get3A_2808 = arith.constant 7 : index
    %get3A_2809 = arith.constant 0 : index
    %get3A_2810 = arith.constant 0 : index
    %get3A_2811 = vector.load %arg1[%get3A_2807, %get3A_2808, %get3A_2809, %get3A_2810] : memref<10x8x64x64xf32, #tpu.memory_space<vmem>>, vector<1x1x64x64xf32>
    %get3A_2812 = vector.shape_cast %get3A_2811 : vector<1x1x64x64xf32> to vector<64x64xf32>
    %get3A_2813 = arith.constant 6 : index
    %get3A_2814 = arith.constant 7 : index
    %get3A_2815 = arith.constant 0 : index
    %get3A_2816 = arith.constant 0 : index
    %get3A_2817 = vector.load %arg1[%get3A_2813, %get3A_2814, %get3A_2815, %get3A_2816] : memref<10x8x64x64xf32, #tpu.memory_space<vmem>>, vector<1x1x64x64xf32>
    %get3A_2818 = vector.shape_cast %get3A_2817 : vector<1x1x64x64xf32> to vector<64x64xf32>
    %get3A_2819 = arith.constant 7 : index
    %get3A_2820 = arith.constant 7 : index
    %get3A_2821 = arith.constant 0 : index
    %get3A_2822 = arith.constant 0 : index
    %get3A_2823 = vector.load %arg1[%get3A_2819, %get3A_2820, %get3A_2821, %get3A_2822] : memref<10x8x64x64xf32, #tpu.memory_space<vmem>>, vector<1x1x64x64xf32>
    %get3A_2824 = vector.shape_cast %get3A_2823 : vector<1x1x64x64xf32> to vector<64x64xf32>
    %get3A_2825 = arith.constant 8 : index
    %get3A_2826 = arith.constant 7 : index
    %get3A_2827 = arith.constant 0 : index
    %get3A_2828 = arith.constant 0 : index
    %get3A_2829 = vector.load %arg1[%get3A_2825, %get3A_2826, %get3A_2827, %get3A_2828] : memref<10x8x64x64xf32, #tpu.memory_space<vmem>>, vector<1x1x64x64xf32>
    %get3A_2830 = vector.shape_cast %get3A_2829 : vector<1x1x64x64xf32> to vector<64x64xf32>
    %get3A_2831 = arith.constant 9 : index
    %get3A_2832 = arith.constant 7 : index
    %get3A_2833 = arith.constant 0 : index
    %get3A_2834 = arith.constant 0 : index
    %get3A_2835 = vector.load %arg1[%get3A_2831, %get3A_2832, %get3A_2833, %get3A_2834] : memref<10x8x64x64xf32, #tpu.memory_space<vmem>>, vector<1x1x64x64xf32>
    %get3A_2836 = vector.shape_cast %get3A_2835 : vector<1x1x64x64xf32> to vector<64x64xf32>
    %max3A_2837 = arith.maximumf %get3A_2812, %get3A_2818 : vector<64x64xf32>
    %max3A_2838 = arith.maximumf %max3A_2837, %get3A_2824 : vector<64x64xf32>
    %max3A_2839 = arith.maximumf %max3A_2838, %get3A_2830 : vector<64x64xf32>
    %max3A_2840 = arith.maximumf %max3A_2839, %get3A_2836 : vector<64x64xf32>
    %sub3A_2841 = arith.subf %get3A_2812, %max3A_2840 : vector<64x64xf32>
    %exp3A_2842 = math.exp %sub3A_2841 : vector<64x64xf32>
    %sub3A_2843 = arith.subf %get3A_2818, %max3A_2840 : vector<64x64xf32>
    %exp3A_2844 = math.exp %sub3A_2843 : vector<64x64xf32>
    %add3A_2845 = arith.addf %exp3A_2842, %exp3A_2844 : vector<64x64xf32>
    %sub3A_2846 = arith.subf %get3A_2824, %max3A_2840 : vector<64x64xf32>
    %exp3A_2847 = math.exp %sub3A_2846 : vector<64x64xf32>
    %add3A_2848 = arith.addf %add3A_2845, %exp3A_2847 : vector<64x64xf32>
    %sub3A_2849 = arith.subf %get3A_2830, %max3A_2840 : vector<64x64xf32>
    %exp3A_2850 = math.exp %sub3A_2849 : vector<64x64xf32>
    %add3A_2851 = arith.addf %add3A_2848, %exp3A_2850 : vector<64x64xf32>
    %sub3A_2852 = arith.subf %get3A_2836, %max3A_2840 : vector<64x64xf32>
    %exp3A_2853 = math.exp %sub3A_2852 : vector<64x64xf32>
    %add3A_2854 = arith.addf %add3A_2851, %exp3A_2853 : vector<64x64xf32>
    %log3A_2855 = math.log %add3A_2854 : vector<64x64xf32>
    %add3A_2856 = arith.addf %max3A_2840, %log3A_2855 : vector<64x64xf32>
    %eq3A_2857 = arith.constant 0 : i32
    %eq3A_2858 = vector.broadcast %eq3A_2857 : i32 to vector<64x64xi32>
    %eq3A_2859 = arith.cmpi eq, %get3A_2797, %eq3A_2858 : vector<64x64xi32>
    %sub3A_2860 = arith.subf %add3A_2856, %get3A_2812 : vector<64x64xf32>
    %jit3A_2861 = arith.constant 0.000000e+00 : f32
    %broadcast_in_dim3A_2862 = vector.broadcast %jit3A_2861 : f32 to vector<64x64xf32>
    %select_n3A_2863 = arith.select %eq3A_2859, %sub3A_2860, %broadcast_in_dim3A_2862 : vector<64x64xi1>, vector<64x64xf32>
    %reshape3A_2864 = vector.shape_cast %select_n3A_2863 : vector<64x64xf32> to vector<8x8x64xf32>
    %reduce_sum3A_2865 = arith.constant dense<0.000000e+00> : vector<8x64xf32>
    %reduce_sum3A_2866 = vector.multi_reduction <add>, %reshape3A_2864, %reduce_sum3A_2865 [0] : vector<8x8x64xf32> to vector<8x64xf32>
    %add3A_2867 = arith.addf %add3A_2681, %reduce_sum3A_2866 : vector<8x64xf32>
    %eq3A_2868 = arith.constant 1 : i32
    %eq3A_2869 = vector.broadcast %eq3A_2868 : i32 to vector<64x64xi32>
    %eq3A_2870 = arith.cmpi eq, %get3A_2797, %eq3A_2869 : vector<64x64xi32>
    %sub3A_2871 = arith.subf %add3A_2856, %get3A_2818 : vector<64x64xf32>
    %jit3A_2872 = arith.constant 0.000000e+00 : f32
    %broadcast_in_dim3A_2873 = vector.broadcast %jit3A_2872 : f32 to vector<64x64xf32>
    %select_n3A_2874 = arith.select %eq3A_2870, %sub3A_2871, %broadcast_in_dim3A_2873 : vector<64x64xi1>, vector<64x64xf32>
    %reshape3A_2875 = vector.shape_cast %select_n3A_2874 : vector<64x64xf32> to vector<8x8x64xf32>
    %reduce_sum3A_2876 = arith.constant dense<0.000000e+00> : vector<8x64xf32>
    %reduce_sum3A_2877 = vector.multi_reduction <add>, %reshape3A_2875, %reduce_sum3A_2876 [0] : vector<8x8x64xf32> to vector<8x64xf32>
    %add3A_2878 = arith.addf %add3A_2692, %reduce_sum3A_2877 : vector<8x64xf32>
    %eq3A_2879 = arith.constant 2 : i32
    %eq3A_2880 = vector.broadcast %eq3A_2879 : i32 to vector<64x64xi32>
    %eq3A_2881 = arith.cmpi eq, %get3A_2797, %eq3A_2880 : vector<64x64xi32>
    %sub3A_2882 = arith.subf %add3A_2856, %get3A_2824 : vector<64x64xf32>
    %jit3A_2883 = arith.constant 0.000000e+00 : f32
    %broadcast_in_dim3A_2884 = vector.broadcast %jit3A_2883 : f32 to vector<64x64xf32>
    %select_n3A_2885 = arith.select %eq3A_2881, %sub3A_2882, %broadcast_in_dim3A_2884 : vector<64x64xi1>, vector<64x64xf32>
    %reshape3A_2886 = vector.shape_cast %select_n3A_2885 : vector<64x64xf32> to vector<8x8x64xf32>
    %reduce_sum3A_2887 = arith.constant dense<0.000000e+00> : vector<8x64xf32>
    %reduce_sum3A_2888 = vector.multi_reduction <add>, %reshape3A_2886, %reduce_sum3A_2887 [0] : vector<8x8x64xf32> to vector<8x64xf32>
    %add3A_2889 = arith.addf %add3A_2703, %reduce_sum3A_2888 : vector<8x64xf32>
    %eq3A_2890 = arith.constant 3 : i32
    %eq3A_2891 = vector.broadcast %eq3A_2890 : i32 to vector<64x64xi32>
    %eq3A_2892 = arith.cmpi eq, %get3A_2797, %eq3A_2891 : vector<64x64xi32>
    %sub3A_2893 = arith.subf %add3A_2856, %get3A_2830 : vector<64x64xf32>
    %jit3A_2894 = arith.constant 0.000000e+00 : f32
    %broadcast_in_dim3A_2895 = vector.broadcast %jit3A_2894 : f32 to vector<64x64xf32>
    %select_n3A_2896 = arith.select %eq3A_2892, %sub3A_2893, %broadcast_in_dim3A_2895 : vector<64x64xi1>, vector<64x64xf32>
    %reshape3A_2897 = vector.shape_cast %select_n3A_2896 : vector<64x64xf32> to vector<8x8x64xf32>
    %reduce_sum3A_2898 = arith.constant dense<0.000000e+00> : vector<8x64xf32>
    %reduce_sum3A_2899 = vector.multi_reduction <add>, %reshape3A_2897, %reduce_sum3A_2898 [0] : vector<8x8x64xf32> to vector<8x64xf32>
    %add3A_2900 = arith.addf %add3A_2714, %reduce_sum3A_2899 : vector<8x64xf32>
    %eq3A_2901 = arith.constant 4 : i32
    %eq3A_2902 = vector.broadcast %eq3A_2901 : i32 to vector<64x64xi32>
    %eq3A_2903 = arith.cmpi eq, %get3A_2797, %eq3A_2902 : vector<64x64xi32>
    %sub3A_2904 = arith.subf %add3A_2856, %get3A_2836 : vector<64x64xf32>
    %jit3A_2905 = arith.constant 0.000000e+00 : f32
    %broadcast_in_dim3A_2906 = vector.broadcast %jit3A_2905 : f32 to vector<64x64xf32>
    %select_n3A_2907 = arith.select %eq3A_2903, %sub3A_2904, %broadcast_in_dim3A_2906 : vector<64x64xi1>, vector<64x64xf32>
    %reshape3A_2908 = vector.shape_cast %select_n3A_2907 : vector<64x64xf32> to vector<8x8x64xf32>
    %reduce_sum3A_2909 = arith.constant dense<0.000000e+00> : vector<8x64xf32>
    %reduce_sum3A_2910 = vector.multi_reduction <add>, %reshape3A_2908, %reduce_sum3A_2909 [0] : vector<8x8x64xf32> to vector<8x64xf32>
    %add3A_2911 = arith.addf %add3A_2725, %reduce_sum3A_2910 : vector<8x64xf32>
    %get3A_2912 = arith.constant 3 : index
    %get3A_2913 = arith.constant 7 : index
    %get3A_2914 = arith.constant 0 : index
    %get3A_2915 = arith.constant 0 : index
    %get3A_2916 = vector.load %arg2[%get3A_2912, %get3A_2913, %get3A_2914, %get3A_2915] : memref<6x8x64x64xf32, #tpu.memory_space<vmem>>, vector<1x1x64x64xf32>
    %get3A_2917 = vector.shape_cast %get3A_2916 : vector<1x1x64x64xf32> to vector<64x64xf32>
    %get3A_2918 = arith.constant 4 : index
    %get3A_2919 = arith.constant 7 : index
    %get3A_2920 = arith.constant 0 : index
    %get3A_2921 = arith.constant 0 : index
    %get3A_2922 = vector.load %arg2[%get3A_2918, %get3A_2919, %get3A_2920, %get3A_2921] : memref<6x8x64x64xf32, #tpu.memory_space<vmem>>, vector<1x1x64x64xf32>
    %get3A_2923 = vector.shape_cast %get3A_2922 : vector<1x1x64x64xf32> to vector<64x64xf32>
    %get3A_2924 = arith.constant 5 : index
    %get3A_2925 = arith.constant 7 : index
    %get3A_2926 = arith.constant 0 : index
    %get3A_2927 = arith.constant 0 : index
    %get3A_2928 = vector.load %arg2[%get3A_2924, %get3A_2925, %get3A_2926, %get3A_2927] : memref<6x8x64x64xf32, #tpu.memory_space<vmem>>, vector<1x1x64x64xf32>
    %get3A_2929 = vector.shape_cast %get3A_2928 : vector<1x1x64x64xf32> to vector<64x64xf32>
    %max3A_2930 = arith.maximumf %get3A_2917, %get3A_2923 : vector<64x64xf32>
    %max3A_2931 = arith.maximumf %max3A_2930, %get3A_2929 : vector<64x64xf32>
    %sub3A_2932 = arith.subf %get3A_2917, %max3A_2931 : vector<64x64xf32>
    %exp3A_2933 = math.exp %sub3A_2932 : vector<64x64xf32>
    %sub3A_2934 = arith.subf %get3A_2923, %max3A_2931 : vector<64x64xf32>
    %exp3A_2935 = math.exp %sub3A_2934 : vector<64x64xf32>
    %add3A_2936 = arith.addf %exp3A_2933, %exp3A_2935 : vector<64x64xf32>
    %sub3A_2937 = arith.subf %get3A_2929, %max3A_2931 : vector<64x64xf32>
    %exp3A_2938 = math.exp %sub3A_2937 : vector<64x64xf32>
    %add3A_2939 = arith.addf %add3A_2936, %exp3A_2938 : vector<64x64xf32>
    %log3A_2940 = math.log %add3A_2939 : vector<64x64xf32>
    %add3A_2941 = arith.addf %max3A_2931, %log3A_2940 : vector<64x64xf32>
    %eq3A_2942 = arith.constant 0 : i32
    %eq3A_2943 = vector.broadcast %eq3A_2942 : i32 to vector<64x64xi32>
    %eq3A_2944 = arith.cmpi eq, %get3A_2803, %eq3A_2943 : vector<64x64xi32>
    %and3A_2945 = arith.andi %eq3A_2944, %gt3A_2806 : vector<64x64xi1>
    %sub3A_2946 = arith.subf %add3A_2941, %get3A_2917 : vector<64x64xf32>
    %jit3A_2947 = arith.constant 0.000000e+00 : f32
    %broadcast_in_dim3A_2948 = vector.broadcast %jit3A_2947 : f32 to vector<64x64xf32>
    %select_n3A_2949 = arith.select %and3A_2945, %sub3A_2946, %broadcast_in_dim3A_2948 : vector<64x64xi1>, vector<64x64xf32>
    %reshape3A_2950 = vector.shape_cast %select_n3A_2949 : vector<64x64xf32> to vector<8x8x64xf32>
    %reduce_sum3A_2951 = arith.constant dense<0.000000e+00> : vector<8x64xf32>
    %reduce_sum3A_2952 = vector.multi_reduction <add>, %reshape3A_2950, %reduce_sum3A_2951 [0] : vector<8x8x64xf32> to vector<8x64xf32>
    %add3A_2953 = arith.addf %add3A_2767, %reduce_sum3A_2952 : vector<8x64xf32>
    %eq3A_2954 = arith.constant 1 : i32
    %eq3A_2955 = vector.broadcast %eq3A_2954 : i32 to vector<64x64xi32>
    %eq3A_2956 = arith.cmpi eq, %get3A_2803, %eq3A_2955 : vector<64x64xi32>
    %and3A_2957 = arith.andi %eq3A_2956, %gt3A_2806 : vector<64x64xi1>
    %sub3A_2958 = arith.subf %add3A_2941, %get3A_2923 : vector<64x64xf32>
    %jit3A_2959 = arith.constant 0.000000e+00 : f32
    %broadcast_in_dim3A_2960 = vector.broadcast %jit3A_2959 : f32 to vector<64x64xf32>
    %select_n3A_2961 = arith.select %and3A_2957, %sub3A_2958, %broadcast_in_dim3A_2960 : vector<64x64xi1>, vector<64x64xf32>
    %reshape3A_2962 = vector.shape_cast %select_n3A_2961 : vector<64x64xf32> to vector<8x8x64xf32>
    %reduce_sum3A_2963 = arith.constant dense<0.000000e+00> : vector<8x64xf32>
    %reduce_sum3A_2964 = vector.multi_reduction <add>, %reshape3A_2962, %reduce_sum3A_2963 [0] : vector<8x8x64xf32> to vector<8x64xf32>
    %add3A_2965 = arith.addf %add3A_2779, %reduce_sum3A_2964 : vector<8x64xf32>
    %eq3A_2966 = arith.constant 2 : i32
    %eq3A_2967 = vector.broadcast %eq3A_2966 : i32 to vector<64x64xi32>
    %eq3A_2968 = arith.cmpi eq, %get3A_2803, %eq3A_2967 : vector<64x64xi32>
    %and3A_2969 = arith.andi %eq3A_2968, %gt3A_2806 : vector<64x64xi1>
    %sub3A_2970 = arith.subf %add3A_2941, %get3A_2929 : vector<64x64xf32>
    %jit3A_2971 = arith.constant 0.000000e+00 : f32
    %broadcast_in_dim3A_2972 = vector.broadcast %jit3A_2971 : f32 to vector<64x64xf32>
    %select_n3A_2973 = arith.select %and3A_2969, %sub3A_2970, %broadcast_in_dim3A_2972 : vector<64x64xi1>, vector<64x64xf32>
    %reshape3A_2974 = vector.shape_cast %select_n3A_2973 : vector<64x64xf32> to vector<8x8x64xf32>
    %reduce_sum3A_2975 = arith.constant dense<0.000000e+00> : vector<8x64xf32>
    %reduce_sum3A_2976 = vector.multi_reduction <add>, %reshape3A_2974, %reduce_sum3A_2975 [0] : vector<8x8x64xf32> to vector<8x64xf32>
    %add3A_2977 = arith.addf %add3A_2791, %reduce_sum3A_2976 : vector<8x64xf32>
    %eq3A_2978 = arith.constant 0 : i32
    %eq3A_2979 = arith.cmpi eq, %arg0, %eq3A_2978 : i32
    %convert_element_type3A = arith.extui %eq3A_2979 : i1 to i32
    %cond3A = arith.constant 0 : i32
    %cond3A_2980 = arith.cmpi ne, %convert_element_type3A, %cond3A : i32
    scf.if %cond3A_2980 {
      %swap3A = arith.constant 0 : index
      %swap3A_2985 = arith.constant 0 : index
      %swap3A_2986 = arith.constant 0 : index
      %swap3A_2987 = vector.load %arg5[%swap3A, %swap3A_2985, %swap3A_2986] : memref<8x8x64xf32, #tpu.memory_space<vmem>>, vector<1x8x64xf32>
      %swap3A_2988 = vector.shape_cast %swap3A_2987 : vector<1x8x64xf32> to vector<8x64xf32>
      %swap3A_2989 = vector.shape_cast %add3A_2867 : vector<8x64xf32> to vector<1x8x64xf32>
      tpu.vector_store %arg5[%swap3A, %swap3A_2985, %swap3A_2986], %swap3A_2989 {strides = array<i32>} : memref<8x8x64xf32, #tpu.memory_space<vmem>>, vector<1x8x64xf32>,
      %swap3A_2990 = arith.constant 1 : index
      %swap3A_2991 = arith.constant 0 : index
      %swap3A_2992 = arith.constant 0 : index
      %swap3A_2993 = vector.load %arg5[%swap3A_2990, %swap3A_2991, %swap3A_2992] : memref<8x8x64xf32, #tpu.memory_space<vmem>>, vector<1x8x64xf32>
      %swap3A_2994 = vector.shape_cast %swap3A_2993 : vector<1x8x64xf32> to vector<8x64xf32>
      %swap3A_2995 = vector.shape_cast %add3A_2878 : vector<8x64xf32> to vector<1x8x64xf32>
      tpu.vector_store %arg5[%swap3A_2990, %swap3A_2991, %swap3A_2992], %swap3A_2995 {strides = array<i32>} : memref<8x8x64xf32, #tpu.memory_space<vmem>>, vector<1x8x64xf32>,
      %swap3A_2996 = arith.constant 2 : index
      %swap3A_2997 = arith.constant 0 : index
      %swap3A_2998 = arith.constant 0 : index
      %swap3A_2999 = vector.load %arg5[%swap3A_2996, %swap3A_2997, %swap3A_2998] : memref<8x8x64xf32, #tpu.memory_space<vmem>>, vector<1x8x64xf32>
      %swap3A_3000 = vector.shape_cast %swap3A_2999 : vector<1x8x64xf32> to vector<8x64xf32>
      %swap3A_3001 = vector.shape_cast %add3A_2889 : vector<8x64xf32> to vector<1x8x64xf32>
      tpu.vector_store %arg5[%swap3A_2996, %swap3A_2997, %swap3A_2998], %swap3A_3001 {strides = array<i32>} : memref<8x8x64xf32, #tpu.memory_space<vmem>>, vector<1x8x64xf32>,
      %swap3A_3002 = arith.constant 3 : index
      %swap3A_3003 = arith.constant 0 : index
      %swap3A_3004 = arith.constant 0 : index
      %swap3A_3005 = vector.load %arg5[%swap3A_3002, %swap3A_3003, %swap3A_3004] : memref<8x8x64xf32, #tpu.memory_space<vmem>>, vector<1x8x64xf32>
      %swap3A_3006 = vector.shape_cast %swap3A_3005 : vector<1x8x64xf32> to vector<8x64xf32>
      %swap3A_3007 = vector.shape_cast %add3A_2900 : vector<8x64xf32> to vector<1x8x64xf32>
      tpu.vector_store %arg5[%swap3A_3002, %swap3A_3003, %swap3A_3004], %swap3A_3007 {strides = array<i32>} : memref<8x8x64xf32, #tpu.memory_space<vmem>>, vector<1x8x64xf32>,
      %swap3A_3008 = arith.constant 4 : index
      %swap3A_3009 = arith.constant 0 : index
      %swap3A_3010 = arith.constant 0 : index
      %swap3A_3011 = vector.load %arg5[%swap3A_3008, %swap3A_3009, %swap3A_3010] : memref<8x8x64xf32, #tpu.memory_space<vmem>>, vector<1x8x64xf32>
      %swap3A_3012 = vector.shape_cast %swap3A_3011 : vector<1x8x64xf32> to vector<8x64xf32>
      %swap3A_3013 = vector.shape_cast %add3A_2911 : vector<8x64xf32> to vector<1x8x64xf32>
      tpu.vector_store %arg5[%swap3A_3008, %swap3A_3009, %swap3A_3010], %swap3A_3013 {strides = array<i32>} : memref<8x8x64xf32, #tpu.memory_space<vmem>>, vector<1x8x64xf32>,
      %swap3A_3014 = arith.constant 5 : index
      %swap3A_3015 = arith.constant 0 : index
      %swap3A_3016 = arith.constant 0 : index
      %swap3A_3017 = vector.load %arg5[%swap3A_3014, %swap3A_3015, %swap3A_3016] : memref<8x8x64xf32, #tpu.memory_space<vmem>>, vector<1x8x64xf32>
      %swap3A_3018 = vector.shape_cast %swap3A_3017 : vector<1x8x64xf32> to vector<8x64xf32>
      %swap3A_3019 = vector.shape_cast %add3A_2953 : vector<8x64xf32> to vector<1x8x64xf32>
      tpu.vector_store %arg5[%swap3A_3014, %swap3A_3015, %swap3A_3016], %swap3A_3019 {strides = array<i32>} : memref<8x8x64xf32, #tpu.memory_space<vmem>>, vector<1x8x64xf32>,
      %swap3A_3020 = arith.constant 6 : index
      %swap3A_3021 = arith.constant 0 : index
      %swap3A_3022 = arith.constant 0 : index
      %swap3A_3023 = vector.load %arg5[%swap3A_3020, %swap3A_3021, %swap3A_3022] : memref<8x8x64xf32, #tpu.memory_space<vmem>>, vector<1x8x64xf32>
      %swap3A_3024 = vector.shape_cast %swap3A_3023 : vector<1x8x64xf32> to vector<8x64xf32>
      %swap3A_3025 = vector.shape_cast %add3A_2965 : vector<8x64xf32> to vector<1x8x64xf32>
      tpu.vector_store %arg5[%swap3A_3020, %swap3A_3021, %swap3A_3022], %swap3A_3025 {strides = array<i32>} : memref<8x8x64xf32, #tpu.memory_space<vmem>>, vector<1x8x64xf32>,
      %swap3A_3026 = arith.constant 7 : index
      %swap3A_3027 = arith.constant 0 : index
      %swap3A_3028 = arith.constant 0 : index
      %swap3A_3029 = vector.load %arg5[%swap3A_3026, %swap3A_3027, %swap3A_3028] : memref<8x8x64xf32, #tpu.memory_space<vmem>>, vector<1x8x64xf32>
      %swap3A_3030 = vector.shape_cast %swap3A_3029 : vector<1x8x64xf32> to vector<8x64xf32>
      %swap3A_3031 = vector.shape_cast %add3A_2977 : vector<8x64xf32> to vector<1x8x64xf32>
      tpu.vector_store %arg5[%swap3A_3026, %swap3A_3027, %swap3A_3028], %swap3A_3031 {strides = array<i32>} : memref<8x8x64xf32, #tpu.memory_space<vmem>>, vector<1x8x64xf32>,
    } else {
    }
    %ne3A = arith.constant 0 : i32
    %ne3A_2981 = arith.cmpi ne, %arg0, %ne3A : i32
    %convert_element_type3A_2982 = arith.extui %ne3A_2981 : i1 to i32
    %cond3A_2983 = arith.constant 0 : i32
    %cond3A_2984 = arith.cmpi ne, %convert_element_type3A_2982, %cond3A_2983 : i32
    scf.if %cond3A_2984 {
      %get3A_2985 = arith.constant 0 : index
      %get3A_2986 = arith.constant 0 : index
      %get3A_2987 = arith.constant 0 : index
      %get3A_2988 = vector.load %arg5[%get3A_2985, %get3A_2986, %get3A_2987] : memref<8x8x64xf32, #tpu.memory_space<vmem>>, vector<1x8x64xf32>
      %get3A_2989 = vector.shape_cast %get3A_2988 : vector<1x8x64xf32> to vector<8x64xf32>
      %add3A_2990 = arith.addf %get3A_2989, %add3A_2867 : vector<8x64xf32>
      %swap3A = arith.constant 0 : index
      %swap3A_2991 = arith.constant 0 : index
      %swap3A_2992 = arith.constant 0 : index
      %swap3A_2993 = vector.load %arg5[%swap3A, %swap3A_2991, %swap3A_2992] : memref<8x8x64xf32, #tpu.memory_space<vmem>>, vector<1x8x64xf32>
      %swap3A_2994 = vector.shape_cast %swap3A_2993 : vector<1x8x64xf32> to vector<8x64xf32>
      %swap3A_2995 = vector.shape_cast %add3A_2990 : vector<8x64xf32> to vector<1x8x64xf32>
      tpu.vector_store %arg5[%swap3A, %swap3A_2991, %swap3A_2992], %swap3A_2995 {strides = array<i32>} : memref<8x8x64xf32, #tpu.memory_space<vmem>>, vector<1x8x64xf32>,
      %get3A_2996 = arith.constant 1 : index
      %get3A_2997 = arith.constant 0 : index
      %get3A_2998 = arith.constant 0 : index
      %get3A_2999 = vector.load %arg5[%get3A_2996, %get3A_2997, %get3A_2998] : memref<8x8x64xf32, #tpu.memory_space<vmem>>, vector<1x8x64xf32>
      %get3A_3000 = vector.shape_cast %get3A_2999 : vector<1x8x64xf32> to vector<8x64xf32>
      %add3A_3001 = arith.addf %get3A_3000, %add3A_2878 : vector<8x64xf32>
      %swap3A_3002 = arith.constant 1 : index
      %swap3A_3003 = arith.constant 0 : index
      %swap3A_3004 = arith.constant 0 : index
      %swap3A_3005 = vector.load %arg5[%swap3A_3002, %swap3A_3003, %swap3A_3004] : memref<8x8x64xf32, #tpu.memory_space<vmem>>, vector<1x8x64xf32>
      %swap3A_3006 = vector.shape_cast %swap3A_3005 : vector<1x8x64xf32> to vector<8x64xf32>
      %swap3A_3007 = vector.shape_cast %add3A_3001 : vector<8x64xf32> to vector<1x8x64xf32>
      tpu.vector_store %arg5[%swap3A_3002, %swap3A_3003, %swap3A_3004], %swap3A_3007 {strides = array<i32>} : memref<8x8x64xf32, #tpu.memory_space<vmem>>, vector<1x8x64xf32>,
      %get3A_3008 = arith.constant 2 : index
      %get3A_3009 = arith.constant 0 : index
      %get3A_3010 = arith.constant 0 : index
      %get3A_3011 = vector.load %arg5[%get3A_3008, %get3A_3009, %get3A_3010] : memref<8x8x64xf32, #tpu.memory_space<vmem>>, vector<1x8x64xf32>
      %get3A_3012 = vector.shape_cast %get3A_3011 : vector<1x8x64xf32> to vector<8x64xf32>
      %add3A_3013 = arith.addf %get3A_3012, %add3A_2889 : vector<8x64xf32>
      %swap3A_3014 = arith.constant 2 : index
      %swap3A_3015 = arith.constant 0 : index
      %swap3A_3016 = arith.constant 0 : index
      %swap3A_3017 = vector.load %arg5[%swap3A_3014, %swap3A_3015, %swap3A_3016] : memref<8x8x64xf32, #tpu.memory_space<vmem>>, vector<1x8x64xf32>
      %swap3A_3018 = vector.shape_cast %swap3A_3017 : vector<1x8x64xf32> to vector<8x64xf32>
      %swap3A_3019 = vector.shape_cast %add3A_3013 : vector<8x64xf32> to vector<1x8x64xf32>
      tpu.vector_store %arg5[%swap3A_3014, %swap3A_3015, %swap3A_3016], %swap3A_3019 {strides = array<i32>} : memref<8x8x64xf32, #tpu.memory_space<vmem>>, vector<1x8x64xf32>,
      %get3A_3020 = arith.constant 3 : index
      %get3A_3021 = arith.constant 0 : index
      %get3A_3022 = arith.constant 0 : index
      %get3A_3023 = vector.load %arg5[%get3A_3020, %get3A_3021, %get3A_3022] : memref<8x8x64xf32, #tpu.memory_space<vmem>>, vector<1x8x64xf32>
      %get3A_3024 = vector.shape_cast %get3A_3023 : vector<1x8x64xf32> to vector<8x64xf32>
      %add3A_3025 = arith.addf %get3A_3024, %add3A_2900 : vector<8x64xf32>
      %swap3A_3026 = arith.constant 3 : index
      %swap3A_3027 = arith.constant 0 : index
      %swap3A_3028 = arith.constant 0 : index
      %swap3A_3029 = vector.load %arg5[%swap3A_3026, %swap3A_3027, %swap3A_3028] : memref<8x8x64xf32, #tpu.memory_space<vmem>>, vector<1x8x64xf32>
      %swap3A_3030 = vector.shape_cast %swap3A_3029 : vector<1x8x64xf32> to vector<8x64xf32>
      %swap3A_3031 = vector.shape_cast %add3A_3025 : vector<8x64xf32> to vector<1x8x64xf32>
      tpu.vector_store %arg5[%swap3A_3026, %swap3A_3027, %swap3A_3028], %swap3A_3031 {strides = array<i32>} : memref<8x8x64xf32, #tpu.memory_space<vmem>>, vector<1x8x64xf32>,
      %get3A_3032 = arith.constant 4 : index
      %get3A_3033 = arith.constant 0 : index
      %get3A_3034 = arith.constant 0 : index
      %get3A_3035 = vector.load %arg5[%get3A_3032, %get3A_3033, %get3A_3034] : memref<8x8x64xf32, #tpu.memory_space<vmem>>, vector<1x8x64xf32>
      %get3A_3036 = vector.shape_cast %get3A_3035 : vector<1x8x64xf32> to vector<8x64xf32>
      %add3A_3037 = arith.addf %get3A_3036, %add3A_2911 : vector<8x64xf32>
      %swap3A_3038 = arith.constant 4 : index
      %swap3A_3039 = arith.constant 0 : index
      %swap3A_3040 = arith.constant 0 : index
      %swap3A_3041 = vector.load %arg5[%swap3A_3038, %swap3A_3039, %swap3A_3040] : memref<8x8x64xf32, #tpu.memory_space<vmem>>, vector<1x8x64xf32>
      %swap3A_3042 = vector.shape_cast %swap3A_3041 : vector<1x8x64xf32> to vector<8x64xf32>
      %swap3A_3043 = vector.shape_cast %add3A_3037 : vector<8x64xf32> to vector<1x8x64xf32>
      tpu.vector_store %arg5[%swap3A_3038, %swap3A_3039, %swap3A_3040], %swap3A_3043 {strides = array<i32>} : memref<8x8x64xf32, #tpu.memory_space<vmem>>, vector<1x8x64xf32>,
      %get3A_3044 = arith.constant 5 : index
      %get3A_3045 = arith.constant 0 : index
      %get3A_3046 = arith.constant 0 : index
      %get3A_3047 = vector.load %arg5[%get3A_3044, %get3A_3045, %get3A_3046] : memref<8x8x64xf32, #tpu.memory_space<vmem>>, vector<1x8x64xf32>
      %get3A_3048 = vector.shape_cast %get3A_3047 : vector<1x8x64xf32> to vector<8x64xf32>
      %add3A_3049 = arith.addf %get3A_3048, %add3A_2953 : vector<8x64xf32>
      %swap3A_3050 = arith.constant 5 : index
      %swap3A_3051 = arith.constant 0 : index
      %swap3A_3052 = arith.constant 0 : index
      %swap3A_3053 = vector.load %arg5[%swap3A_3050, %swap3A_3051, %swap3A_3052] : memref<8x8x64xf32, #tpu.memory_space<vmem>>, vector<1x8x64xf32>
      %swap3A_3054 = vector.shape_cast %swap3A_3053 : vector<1x8x64xf32> to vector<8x64xf32>
      %swap3A_3055 = vector.shape_cast %add3A_3049 : vector<8x64xf32> to vector<1x8x64xf32>
      tpu.vector_store %arg5[%swap3A_3050, %swap3A_3051, %swap3A_3052], %swap3A_3055 {strides = array<i32>} : memref<8x8x64xf32, #tpu.memory_space<vmem>>, vector<1x8x64xf32>,
      %get3A_3056 = arith.constant 6 : index
      %get3A_3057 = arith.constant 0 : index
      %get3A_3058 = arith.constant 0 : index
      %get3A_3059 = vector.load %arg5[%get3A_3056, %get3A_3057, %get3A_3058] : memref<8x8x64xf32, #tpu.memory_space<vmem>>, vector<1x8x64xf32>
      %get3A_3060 = vector.shape_cast %get3A_3059 : vector<1x8x64xf32> to vector<8x64xf32>
      %add3A_3061 = arith.addf %get3A_3060, %add3A_2965 : vector<8x64xf32>
      %swap3A_3062 = arith.constant 6 : index
      %swap3A_3063 = arith.constant 0 : index
      %swap3A_3064 = arith.constant 0 : index
      %swap3A_3065 = vector.load %arg5[%swap3A_3062, %swap3A_3063, %swap3A_3064] : memref<8x8x64xf32, #tpu.memory_space<vmem>>, vector<1x8x64xf32>
      %swap3A_3066 = vector.shape_cast %swap3A_3065 : vector<1x8x64xf32> to vector<8x64xf32>
      %swap3A_3067 = vector.shape_cast %add3A_3061 : vector<8x64xf32> to vector<1x8x64xf32>
      tpu.vector_store %arg5[%swap3A_3062, %swap3A_3063, %swap3A_3064], %swap3A_3067 {strides = array<i32>} : memref<8x8x64xf32, #tpu.memory_space<vmem>>, vector<1x8x64xf32>,
      %get3A_3068 = arith.constant 7 : index
      %get3A_3069 = arith.constant 0 : index
      %get3A_3070 = arith.constant 0 : index
      %get3A_3071 = vector.load %arg5[%get3A_3068, %get3A_3069, %get3A_3070] : memref<8x8x64xf32, #tpu.memory_space<vmem>>, vector<1x8x64xf32>
      %get3A_3072 = vector.shape_cast %get3A_3071 : vector<1x8x64xf32> to vector<8x64xf32>
      %add3A_3073 = arith.addf %get3A_3072, %add3A_2977 : vector<8x64xf32>
      %swap3A_3074 = arith.constant 7 : index
      %swap3A_3075 = arith.constant 0 : index
      %swap3A_3076 = arith.constant 0 : index
      %swap3A_3077 = vector.load %arg5[%swap3A_3074, %swap3A_3075, %swap3A_3076] : memref<8x8x64xf32, #tpu.memory_space<vmem>>, vector<1x8x64xf32>
      %swap3A_3078 = vector.shape_cast %swap3A_3077 : vector<1x8x64xf32> to vector<8x64xf32>
      %swap3A_3079 = vector.shape_cast %add3A_3073 : vector<8x64xf32> to vector<1x8x64xf32>
      tpu.vector_store %arg5[%swap3A_3074, %swap3A_3075, %swap3A_3076], %swap3A_3079 {strides = array<i32>} : memref<8x8x64xf32, #tpu.memory_space<vmem>>, vector<1x8x64xf32>,
    } else {
    }
    return
  }
  func.func @transform_0(%arg0: i32) -> (i32, i32, i32, i32) {
    %c0_i32 = arith.constant 0 : i32
    %c0_i32_0 = arith.constant 0 : i32
    %c0_i32_1 = arith.constant 0 : i32
    %c0_i32_2 = arith.constant 0 : i32
    return %c0_i32, %arg0, %c0_i32_0, %c0_i32_1 : i32, i32, i32, i32
  }
  func.func @transform_1(%arg0: i32) -> (i32, i32, i32, i32) {
    %c0_i32 = arith.constant 0 : i32
    %c0_i32_0 = arith.constant 0 : i32
    %c0_i32_1 = arith.constant 0 : i32
    %c0_i32_2 = arith.constant 0 : i32
    return %c0_i32, %arg0, %c0_i32_0, %c0_i32_1 : i32, i32, i32, i32
  }
  func.func @transform_2(%arg0: i32) -> (i32, i32, i32, i32) {
    %c0_i32 = arith.constant 0 : i32
    %c0_i32_0 = arith.constant 0 : i32
    %c0_i32_1 = arith.constant 0 : i32
    %c0_i32_2 = arith.constant 0 : i32
    return %c0_i32, %arg0, %c0_i32_0, %c0_i32_1 : i32, i32, i32, i32
  }
  func.func @transform_3(%arg0: i32) -> (i32, i32, i32, i32) {
    %c0_i32 = arith.constant 0 : i32
    %c0_i32_0 = arith.constant 0 : i32
    %c0_i32_1 = arith.constant 0 : i32
    %c0_i32_2 = arith.constant 0 : i32
    return %c0_i32, %arg0, %c0_i32_0, %c0_i32_1 : i32, i32, i32, i32
  }
  func.func @transform_4(%arg0: i32) -> (i32, i32, i32) {
    %c0_i32 = arith.constant 0 : i32
    %c0_i32_0 = arith.constant 0 : i32
    %c0_i32_1 = arith.constant 0 : i32
    %c0_i32_2 = arith.constant 0 : i32
    return %c0_i32, %c0_i32_0, %c0_i32_1 : i32, i32, i32
  }
}

</mosaic_0001>

<sc_bundles>
// kernel: kernel.5.cloned.1.call-start
scs
__scs_entry_jumppad:
0x0: {  	(pc) =	sbr.rel $0x88, $3  }
0x1: {  	(tag) =	ssettag $0x0;
	lr =	simm.s32 $0x1  }
0x2: {  	[smem:$0x3F9D] =	sst lr;
	_ =	strace $0xD0000000  }
0x3: {  	_ = 	snop  }
0x4: {  	_ = 	snop  }
0x5: {  	_ = 	snop  }
0x6: {  	_ = 	snop  }
0x7: {  	_ = 	snop  }
__scs_overlays_trampoline_lowered:
0x8: {  	[smem:$0x3FAC] =	sst s0  }
0x9: {  	[smem:$0x3FAD] =	sst s1  }
0xa: {  	[smem:$0x3FAE] =	sst s2  }
0xb: {  	[smem:$0x3FAF] =	sst s3  }
0xc: {  	[smem:$0x3FB0] =	sst s4  }
0xd: {  	[smem:$0x3FB1] =	sst s5  }
0xe: {  	[smem:$0x3FB2] =	sst s6  }
0xf: {  	[smem:$0x3FB3] =	sst s7  }
0x10: {  	[smem:$0x3FB4] =	sst s8  }
0x11: {  	[smem:$0x3FB5] =	sst s9;
	s0 =	simm.s32 @!p0 $0x0  }
0x12: {  	s1 =	sld [smem:$0x3F9B];
	s0 =	simm.s32 @p0 $0x1  }
0x13: {  	[smem:$0x3FB6] =	sst s0;
	s0 =	simm.s32 @!p1 $0x0  }
0x14: {  	s2 =	sld [smem:$0x3F9A];
	s0 =	simm.s32 @p1 $0x1  }
0x15: {  	[smem:$0x3FB7] =	sst s0;
	s0 =	simm.s32 @!p2 $0x0  }
0x16: {  	s3 =	sld [smem:$0x3FDB];
	s0 =	simm.s32 @p2 $0x1  }
0x17: {  	s4 =	simm.s32 $0x1BF5;
	[smem:$0x3FB9] =	sst s0  }
0x18: {  	s0 =	sld [smem:$0x3F9C];
	_ =	swait.ge [sflag:s4], $0x0  }
0x19: {  	s7 =	sld [smem:$0x3F9D]  }
0x1a: {  	s8 =	sadd.s32 $0xFFFFE003, lr  }
0x1b: {  	s9 =	sadd.s32 $0xFFFFFEF7, lr;
	s5 =	simm.s32 $0xFFFFFFFF;
	p2 =	slt.u32 s8, $0xFFFFF086  }
0x1c: {  	p1 =	slt.u32 s9, $0xF7A;
	s5 =	simm.s32 @!p2 $0x0  }
0x1d: {  	s5 =	simm.s32 @p1 $0x1;
	p0 =	seq.s32 s7, s2  }
0x1e: {  	s7 =	smul.u32 @!p0 $0xF7A, s2;
	p2 =	seq.s32 @!p0 s5, $0x0  }
0x1f: {  	s9 =	smul.u32 $0xF7A, s1;
	s8 =	simm.s32 @!p0 $0x1BF5;
	p2 =	por !p2, p0  }
0x20: {  	[sflag:s8] =	ssyncset.s32 @!p0 $0xFFFFF086;
	s6 =	sadd.s32 @!p0 s3, s7;
	s7 =	simm.s32 @!p0 $0x108  }
0x21: {  	s3 =	sadd.s32 s3, s9;
	s6 =	sadd.s32 @!p0 $0x88, s6;
	s7 =	simm.s32 @p2 $0x1082  }
0x22: {  	[simem:s7], [sflag:s8] =	dma.local @!p0 [hbm:s6], $0xF7A  }
0x23: {  	s9 =	sor.u32 $0xD0000000, s2;
	s6 =	simm.s32 $0x108;
	_ =	swait.ge @!p0 [sflag:s8], $0x0  }
0x24: {  	s3 =	sadd.s32 $0x88, s3;
	s6 =	simm.s32 @!p1 $0x1082;
	[sflag:s4] =	ssyncset.s32 $0xFFFFF086  }
0x25: {  	[simem:s6], [sflag:s4] =	dma.local [hbm:s3], $0xF7A  }
0x26: {  	[smem:$0x3F9D] =	sst s1;
	(tag) =	ssettag s2;
	_ =	strace s9  }
0x27: {  	s1 =	sld [smem:$0x3FAD]  }
0x28: {  	s2 =	sld [smem:$0x3FAE]  }
0x29: {  	s4 =	sld [smem:$0x3FB0]  }
0x2a: {  	p0 =	seq.s32 s5, $0x0;
	s5 =	sld [smem:$0x3FB1]  }
0x2b: {  	s6 =	sld [smem:$0x3FB2]  }
0x2c: {  	s7 =	sld [smem:$0x3FB3]  }
0x2d: {  	s3 =	simm.s32 $0x108;
	s8 =	sld [smem:$0x3FB4]  }
0x2e: {  	s3 =	simm.s32 @!p0 $0x1082;
	s9 =	sld [smem:$0x3FB5]  }
0x2f: {  	lr =	sadd.s32 s0, s3;
	s0 =	sld [smem:$0x3FAC]  }
0x30: {  	s3 =	sld [smem:$0x3FAF]  }
0x31: {  	[smem:$0x3FB8] =	sst s10  }
0x32: {  	s10 =	sld [smem:$0x3FB6];
	_ =	sdelay $0x3  }
0x33: {  	p0 =	seq.s32 s10, $0x1;
	s10 =	sld [smem:$0x3FB8];
	_ =	sdelay $0x3  }
0x34: {  	[smem:$0x3FB8] =	sst s10  }
0x35: {  	s10 =	sld [smem:$0x3FB7];
	_ =	sdelay $0x3  }
0x36: {  	p1 =	seq.s32 s10, $0x1;
	s10 =	sld [smem:$0x3FB8];
	_ =	sdelay $0x3  }
0x37: {  	[smem:$0x3FB8] =	sst s10  }
0x38: {  	s10 =	sld [smem:$0x3FB9]  }
0x39: {  	_ = 	snop;
	(pc) =	sbr.ind lr, $3  }
0x3a: {  	_ = 	snop  }
0x3b: {  	_ = 	snop  }
0x3c: {  	p2 =	seq.s32 s10, $0x1;
	s10 =	sld [smem:$0x3FB8]  }
0x3d: {  	_ =	shalt  }
0x3e: {  	_ =	shalt  }
0x3f: {  	_ =	shalt  }
0x40: {  	_ =	shalt  }
0x41: {  	_ =	shalt  }
0x42: {  	_ =	shalt  }
0x43: {  	_ =	shalt  }
0x44: {  	_ =	shalt  }
0x45: {  	_ =	shalt  }
0x46: {  	_ =	shalt  }
0x47: {  	_ =	shalt  }
0x48: {  	_ =	shalt  }
0x49: {  	_ =	shalt  }
0x4a: {  	_ =	shalt  }
0x4b: {  	_ =	shalt  }
0x4c: {  	_ =	shalt  }
0x4d: {  	_ =	shalt  }
0x4e: {  	_ =	shalt  }
0x4f: {  	_ =	shalt  }
0x50: {  	_ =	shalt  }
0x51: {  	_ =	shalt  }
0x52: {  	_ =	shalt  }
0x53: {  	_ =	shalt  }
0x54: {  	_ =	shalt  }
0x55: {  	_ =	shalt  }
0x56: {  	_ =	shalt  }
0x57: {  	_ =	shalt  }
0x58: {  	_ =	shalt  }
0x59: {  	_ =	shalt  }
0x5a: {  	_ =	shalt  }
0x5b: {  	_ =	shalt  }
0x5c: {  	_ =	shalt  }
0x5d: {  	_ =	shalt  }
0x5e: {  	_ =	shalt  }
0x5f: {  	_ =	shalt  }
0x60: {  	_ =	shalt  }
0x61: {  	_ =	shalt  }
0x62: {  	_ =	shalt  }
0x63: {  	_ =	shalt  }
0x64: {  	_ =	shalt  }
0x65: {  	_ =	shalt  }
0x66: {  	_ =	shalt  }
0x67: {  	_ =	shalt  }
0x68: {  	_ =	shalt  }
0x69: {  	_ =	shalt  }
0x6a: {  	_ =	shalt  }
0x6b: {  	_ =	shalt  }
0x6c: {  	_ =	shalt  }
0x6d: {  	_ =	shalt  }
0x6e: {  	_ =	shalt  }
0x6f: {  	_ =	shalt  }
0x70: {  	_ =	shalt  }
0x71: {  	_ =	shalt  }
0x72: {  	_ =	shalt  }
0x73: {  	_ =	shalt  }
0x74: {  	_ =	shalt  }
0x75: {  	_ =	shalt  }
0x76: {  	_ =	shalt  }
0x77: {  	_ =	shalt  }
0x78: {  	_ =	shalt  }
0x79: {  	_ =	shalt  }
0x7a: {  	_ =	shalt  }
0x7b: {  	_ =	shalt  }
0x7c: {  	_ =	shalt  }
0x7d: {  	_ =	shalt  }
0x7e: {  	_ =	shalt  }
0x7f: {  	_ =	shalt  }
0x80: {  	_ =	shalt  }
0x81: {  	_ =	shalt  }
0x82: {  	_ =	shalt  }
0x83: {  	_ =	shalt  }
0x84: {  	_ =	shalt  }
0x85: {  	_ =	shalt  }
0x86: {  	_ =	shalt  }
0x87: {  	_ =	shalt  }
.Lfunc_end0:
.L_simem_size_0:
called_computation_lowered:
.L_overlay_start_0:
0x88: {  	s2 =	sld [smem:$0x3FD9]  }
0x89: {  	s3 =	sld [smem:$0x3FFE];
	_ =	sdelay $0x1  }
0x8a: {  	s1 =	srdreg.scid  }
0x8b: {  	s0 =	sand.u32 $0x1, s1  }
0x8c: {  	s17 =	sshll.u32 s0, $0xA;
	s2 =	sadd.s32 s3, s2  }
0x8d: {  	s2 =	sadd.s32 s2, s17  }
0x8e: {  	[smem:$0x3FC4] =	sst s2  }
0x8f: {  	_ = 	snop  }
0x90: {  	s2 =	sld [smem:$0x3FC7]  }
0x91: {  	s18 =	sld [smem:$0x3FC6];
	(tm) =	ssettm $0x1  }
0x92: {  	s4 =	sld [smem:$0x3FFB];
	_ =	sdelay $0x3  }
0x93: {  	_ =	strace s4  }
0x94: {  	s4 =	sld [smem:$0x3FFC];
	_ =	sdelay $0x3  }
0x95: {  	_ =	strace s4  }
0x96: {  	s4 =	sld [smem:$0x3FFD];
	_ =	sdelay $0x3  }
0x97: {  	_ =	strace s4  }
0x98: {  	_ =	strace $0x8FFFFFFF  }
0x99: {  	s19 =	sld [smem:$0x3FDB];
	_ =	sdelay $0x1  }
0x9a: {  	s5 =	simm.s32 $_scs_section_size  }
0x9b: {  	s6 =	simm.s32 $_size__tile_overlayer_lowered;
	s7 =	simm.s32 $_tile_overlayer_lowered  }
0x9c: {  	s22 =	simm.s32 $0x1BFF;
	s21 =	sshll.u32 s7, $0x1;
	s4 =	sadd.s32 s5, s19  }
0x9d: {  	s8 =	simm.s32 $0x0;
	s20 =	sshll.u32 s6, $0x1;
	s6 =	sadd.s32 s21, s4  }
0x9e: {  	[timem:s8], [sflag:s22] =	dma.local [hbm:s6], s20  }
0x9f: {  	_ =	swait.ge [sflag:s22], s20  }
0xa0: {  	s5 =	ssub.s32 $0x0, s20;
	[sflag:s22] =	ssyncset.done $0x0  }
0xa1: {  	[sflag:s22] =	ssyncadd.s32 s5;
	_ =	sdelay $0x1  }
0xa2: {  	s23 =	simm.s32 $0x1B8B  }
0xa3: {  	_ =	swait.ge [sflag:s23], $0x1  }
0xa4: {  	[sflag:s23] =	ssyncset.done $0x0  }
0xa5: {  	s25 =	simm.s32 $0x1B8E;
	s24 =	sld [smem:$0x3FFE];
	[sflag:s23] =	ssyncadd.s32 $0xFFFFFFFF  }
0xa6: {  	s26 =	simm.s32 $execute0_lowered;
	[smem:$0x3FD2] =	sst s25  }
0xa7: {  	s6 =	sshll.u32 s26, $0x1;
	_ =	strace $0x80000046;
	[dreg:$0x1] =	wrdreg $0xFFFFFFFF  }
0xa8: {  	s28 =	simm.s32 $_size_execute0_lowered;
	s4 =	sadd.s32 s4, s6;
	[dreg:$0x0] =	wrdreg $0x0  }
0xa9: {  	s6 =	sshll.u32 s28, $0x1;
	[dreg:$0x2] =	wrdreg s4  }
0xaa: {  	[dreg:$0x3] =	wrdreg s6  }
0xab: {  	[dreg:$0x4] =	wrdreg $0xC0  }
0xac: {  	_ =	task [dreg:s8], $0x5FFFF  }
0xad: {  	[dreg:$0x1] =	wrdreg $0xFFFFFFFF  }
0xae: {  	[dreg:$0x0] =	wrdreg $0x60  }
0xaf: {  	[dreg:$0x2] =	wrdreg s2  }
0xb0: {  	[dreg:$0x3] =	wrdreg s18  }
0xb1: {  	[dreg:$0x4] =	wrdreg s24  }
0xb2: {  	[dreg:$0x5] =	wrdreg $0x9  }
0xb3: {  	_ =	task.clear_ibuf [dreg:s8], $0x6FFFF;
	_ =	strace $0x90000046  }
0xb4: {  	s29 =	simm.s32 $0x9;
	_ =	strace $0x80000048  }
0xb5: {  	_ =	swait.ge [sflag:s29], $0x1  }
0xb6: {  	[sflag:s29] =	ssyncadd.s32 $0xFFFFFFFF  }
0xb7: {  	_ =	strace $0x90000048  }
0xb8: {  	_ =	sfence  }
0xb9: {  	s30 =	sld [smem:$0x0];
	_ =	sdelay $0x2  }
0xba: {  	s31 =	sshll.u32 s1, $0xD;
	s1 =	sshrl.u32 s1, $0x2  }
0xbb: {  	s3 =	sand.u32 $0x4000, s31;
	s1 =	sadd.s32 s1, s30  }
0xbc: {  	s0 =	sor.u32 s3, s0;
	s1 =	sshll.u32 s1, $0x11  }
0xbd: {  	s0 =	sor.u32 s1, s0  }
0xbe: {  	s0 =	sadd.s32 $0x8F2B, s0  }
0xbf: {  	[sflag:s0] =	ssyncadd.remote.s32 $0x1  }
0xc0: {  	_ =	sfence.sel $0xFFFF  }
0xc1: {  	[dreg:$0x0] =	wrdreg $0xFFFFFFFF;
	(pc) =	sbr.abs _section_cstart, $3  }
0xc2: {  	[dreg:$0x1] =	wrdreg $0xFFFFFFFF  }
0xc3: {  	_ =	task.clear_ibuf [dreg:s8], $0x2FFFF;
	_ =	strace $0x9FFFFFFF  }
0xc4: {  	(tm) =	ssettm $0x7FFFFFFF  }
0xc5: {  	_ =	shalt  }
tec
execute0_lowered:
.L_overlay_start_1:
0x0: {  	(tag) =	ssettag $0x1  }
0x1: {  	s3 =	rddreg [dreg:$0x0]  }
0x2: {  	s4 =	rddreg [dreg:$0x1]  }
0x3: {  	s5 =	rddreg [dreg:$0x2]  }
0x4: {  	s0 =	rddreg [dreg:$0x3]  }
0x5: {  	s2 =	simm.s32 $0x0;
	s6 =	srdreg.scid;
	s1 =	stileid.u32  }
0x6: {  	s10 =	simm.s32 $0x4080;
	s11 =	simm.s32 $0x4100;
	s12 =	simm.s32 $0x4180  }
0x7: {  	s13 =	simm.s32 $0x4200;
	s14 =	simm.s32 $0x4280;
	s15 =	simm.s32 $0x0  }
0x8: {  	[smem:$0x7FF] =	sst s2;
	s6 =	sand.u32 $0x1, s6;
	s7 =	sshll.u32 s1, $0x1  }
0x9: {  	_ =	strace $0x80000047;
	s7 =	sor.u32 s6, s7;
	s6 =	ssub.s32 $0x2, s6  }
0xa: {  	s8 =	sshll.u32 s7, $0x7;
	s9 =	sshrl.u32 s6, $0x1;
	s7 =	sshll.u32 s7, $0xA  }
0xb: {  	s5 =	sadd.s32 s8, s5;
	s6 =	ssub.s32 s6, s9;
	s3 =	sadd.s32 s3, s7  }
0xc: {  	s4 =	sadd.s32 s4, s7;
	s7 =	simm.s32 $0x2000;
	s8 =	simm.s32 $0x1  }
0xd: {  	v0 =	vimm.s32 $0x0;
	s9 =	simm.s32 $0x4000;
	s5 =	sadd.s32 $0xC00, s5;
	s6 =	smax.u32 s6, $0x1  }
.LBB2_1:
0xe: {  	[tilespmem:$0x4000] =	vst v0  }
0xf: {  	[tilespmem:$0x4080] =	vst v0  }
0x10: {  	[tilespmem:$0x4100] =	vst v0  }
0x11: {  	[tilespmem:$0x4180] =	vst v0  }
0x12: {  	[tilespmem:$0x4200] =	vst v0  }
0x13: {  	[tilespmem:$0x4280] =	vst v0  }
0x14: {  	[tilespmem:s2], [sflag:$0x1] =	stream.linear.gather [hbm4b:s3+s2], $0x2000, $0x38;
	[tilespmem:$0x4400] =	vst v63  }
0x15: {  	_ = 	snop  }
0x16: {  	[tilespmem:s7], [sflag:$0x1] =	stream.linear.gather [hbm4b:s4+s2], $0x2000, $0x38;
	[tilespmem:$0x4400] =	vst v63  }
0x17: {  	_ =	swait.ge [sflag:s8], $0x2000  }
0x18: {  	[sflag:s8] =	ssyncset.done $0x0  }
0x19: {  	[sflag:s8] =	ssyncadd.s32 $0xFFFFE000  }
0x1a: {  	_ =	swait.ge [sflag:s8], $0x2000  }
0x1b: {  	[sflag:s8] =	ssyncset.done $0x0  }
0x1c: {  	s16 =	simm.s32 $0x0;
	[sflag:s8] =	ssyncadd.s32 $0xFFFFE000  }
.LBB2_2:
0x1d: {  	s17 =	sshra.s32 s16, $0x2  }
0x1e: {  	v1 =	vld [tilespmem:s17+$0x0]  }
0x1f: {  	v2 =	vld [tilespmem:s17+$0x2000]  }
0x20: {  	v3 =	vld [tilespmem:s17+$0x10];
	_ =	sdelay $0x1  }
0x21: {  	v60 =	vld [tilespmem:s17+$0x20]  }
0x22: {  	vm0 =	veq.s32 v1, $0x0;
	vm1 =	veq.s32 v1, $0x1  }
0x23: {  	vm6 =	veq.s32 v1, $0x2;
	vm7 =	vgt.s32 v1, $0x0;
	vm8 =	veq.s32 v2, $0x0  }
0x24: {  	vm2 =	veq.s32 v1, $0x3;
	vm3 =	veq.s32 v2, $0x1;
	vm9 =	veq.s32 v3, $0x0  }
0x25: {  	vm10 =	veq.s32 v3, $0x1;
	vm11 =	veq.s32 v3, $0x2;
	vm12 =	vgt.s32 v3, $0x0  }
0x26: {  	v61 =	vld [tilespmem:s17+$0x2020];
	vm14 =	veq.s32 v3, $0x3;
	vm5 =	veq.s32 v60, $0x0;
	v4 =	vsel vm0, $0x1, v0  }
0x27: {  	v29 =	vld [tilespmem:s17+$0x90];
	v5 =	vsel vm1, $0x1, v0;
	v6 =	vsel vm6, $0x1, v0;
	vm1 =	vmand vm7, vm8  }
0x28: {  	v13 =	vld [tilespmem:s17+$0x30];
	v2 =	vsel vm2, $0x1, v0;
	vm0 =	vmand vm7, vm3;
	v9 =	vsel vm9, $0x1, v0  }
0x29: {  	v16 =	vld [tilespmem:s17+$0x2030];
	v10 =	vsel vm10, $0x1, v0;
	v59 =	vsel vm11, $0x1, v0;
	vm6 =	veq.s32 v60, $0x1  }
0x2a: {  	v21 =	vld [tilespmem:s17+$0x80];
	v62 =	vsel vm5, $0x1, v0;
	vm7 =	veq.s32 v60, $0x2;
	vm8 =	vgt.s32 v60, $0x0  }
0x2b: {  	v53 =	vld [tilespmem:s17+$0x100];
	vm9 =	veq.s32 v61, $0x0;
	vm10 =	veq.s32 v60, $0x3;
	vm11 =	veq.s32 v61, $0x1  }
0x2c: {  	vm5 =	veq.s32 v29, $0x0;
	v7 =	vsel vm1, $0x1, v0;
	v8 =	vsel vm0, $0x1, v0  }
0x2d: {  	v37 =	vld [tilespmem:s17+$0xA0];
	v4 =	vadd.s32 v4, v9;
	v5 =	vadd.s32 v5, v10;
	v6 =	vadd.s32 v6, v59  }
0x2e: {  	v45 =	vld [tilespmem:s17+$0xB0];
	v63 =	vsel vm6, $0x1, v0;
	v12 =	vsel vm7, $0x1, v0;
	v14 =	vsel vm10, $0x1, v0  }
0x2f: {  	v1 =	vld [tilespmem:s17+$0x2010];
	vm6 =	veq.s32 v16, $0x0;
	vm7 =	veq.s32 v13, $0x3;
	vm10 =	veq.s32 v21, $0x1  }
0x30: {  	v34 =	vsel vm5, $0x1, v0;
	vm5 =	veq.s32 v53, $0x0;
	v4 =	vadd.s32 v62, v4  }
0x31: {  	v5 =	vadd.s32 v63, v5;
	v6 =	vadd.s32 v12, v6;
	v22 =	vsel vm7, $0x1, v0  }
0x32: {  	v27 =	vsel vm10, $0x1, v0;
	vm7 =	veq.s32 v29, $0x2;
	vm10 =	veq.s32 v29, $0x3  }
0x33: {  	v58 =	vsel vm5, $0x1, v0;
	v36 =	vsel vm7, $0x1, v0;
	v38 =	vsel vm10, $0x1, v0  }
0x34: {  	vm7 =	veq.s32 v37, $0x3;
	vm10 =	veq.s32 v45, $0x1;
	vm13 =	veq.s32 v1, $0x0  }
0x35: {  	v61 =	vld [tilespmem:s17+$0x110];
	vm15 =	veq.s32 v1, $0x1;
	v1 =	vsel vm14, $0x1, v0;
	vm14 =	veq.s32 v13, $0x2  }
0x36: {  	v46 =	vsel vm7, $0x1, v0;
	v51 =	vsel vm10, $0x1, v0;
	vm7 =	veq.s32 v53, $0x2  }
0x37: {  	vm10 =	veq.s32 v53, $0x3;
	vm1 =	vmand vm12, vm13;
	vm0 =	vmand vm12, vm15  }
0x38: {  	v24 =	vld [tilespmem:s17+$0x2080];
	v1 =	vadd.s32 v2, v1;
	vm12 =	veq.s32 v13, $0x0;
	vm13 =	veq.s32 v13, $0x1  }
0x39: {  	v20 =	vsel vm14, $0x1, v0;
	vm15 =	vgt.s32 v13, $0x0;
	vm14 =	veq.s32 v21, $0x3  }
0x3a: {  	v60 =	vsel vm7, $0x1, v0;
	v62 =	vsel vm10, $0x1, v0;
	vm7 =	veq.s32 v61, $0x3  }
0x3b: {  	v3 =	vsel vm1, $0x1, v0;
	vm1 =	vmand vm8, vm9;
	v1 =	vadd.s32 v14, v1  }
0x3c: {  	v18 =	vsel vm12, $0x1, v0;
	v19 =	vsel vm13, $0x1, v0;
	v6 =	vadd.s32 v20, v6  }
0x3d: {  	v32 =	vld [tilespmem:s17+$0x2090];
	vm9 =	veq.s32 v21, $0x0;
	vm12 =	vgt.s32 v21, $0x0;
	vm13 =	veq.s32 v24, $0x0  }
0x3e: {  	v30 =	vsel vm14, $0x1, v0;
	vm14 =	veq.s32 v37, $0x2;
	v2 =	vadd.s32 v7, v3  }
0x3f: {  	v3 =	vsel vm0, $0x1, v0;
	v15 =	vsel vm1, $0x1, v0;
	vm0 =	vmand vm8, vm11  }
0x40: {  	v4 =	vadd.s32 v18, v4;
	v5 =	vadd.s32 v19, v5;
	vm1 =	vmand vm15, vm6  }
0x41: {  	vm8 =	veq.s32 v16, $0x1;
	v1 =	vadd.s32 v22, v1;
	v26 =	vsel vm9, $0x1, v0  }
0x42: {  	vm11 =	veq.s32 v21, $0x2;
	vm6 =	veq.s32 v29, $0x1;
	vm9 =	veq.s32 v32, $0x0  }
0x43: {  	v44 =	vsel vm14, $0x1, v0;
	vm14 =	veq.s32 v45, $0x3;
	v18 =	vsel vm7, $0x1, v0  }
0x44: {  	v40 =	vld [tilespmem:s17+$0x20A0];
	v3 =	vadd.s32 v8, v3;
	v2 =	vadd.s32 v15, v2;
	v17 =	vsel vm0, $0x1, v0  }
0x45: {  	v23 =	vsel vm1, $0x1, v0;
	vm0 =	vmand vm15, vm8;
	v4 =	vadd.s32 v26, v4  }
0x46: {  	v5 =	vadd.s32 v27, v5;
	v28 =	vsel vm11, $0x1, v0;
	vm1 =	vmand vm12, vm13  }
0x47: {  	vm15 =	veq.s32 v24, $0x1;
	v1 =	vadd.s32 v30, v1;
	v35 =	vsel vm6, $0x1, v0  }
0x48: {  	vm8 =	vgt.s32 v29, $0x0;
	vm11 =	veq.s32 v32, $0x1;
	vm13 =	veq.s32 v37, $0x1  }
0x49: {  	v48 =	vld [tilespmem:s17+$0x20B0];
	vm6 =	veq.s32 v40, $0x0;
	v54 =	vsel vm14, $0x1, v0;
	vm14 =	veq.s32 v61, $0x2  }
0x4a: {  	v3 =	vadd.s32 v17, v3;
	v2 =	vadd.s32 v23, v2;
	v25 =	vsel vm0, $0x1, v0  }
0x4b: {  	v6 =	vadd.s32 v28, v6;
	v31 =	vsel vm1, $0x1, v0;
	vm0 =	vmand vm12, vm15  }
0x4c: {  	v4 =	vadd.s32 v34, v4;
	v5 =	vadd.s32 v35, v5;
	vm1 =	vmand vm8, vm9  }
0x4d: {  	v1 =	vadd.s32 v38, v1;
	vm12 =	veq.s32 v37, $0x0;
	v43 =	vsel vm13, $0x1, v0  }
0x4e: {  	vm15 =	vgt.s32 v37, $0x0;
	vm9 =	veq.s32 v45, $0x0;
	vm13 =	veq.s32 v48, $0x0  }
0x4f: {  	v56 =	vld [tilespmem:s17+$0x2100];
	v16 =	vsel vm14, $0x1, v0;
	v3 =	vadd.s32 v25, v3;
	v2 =	vadd.s32 v31, v2  }
0x50: {  	v33 =	vsel vm0, $0x1, v0;
	v6 =	vadd.s32 v36, v6;
	v39 =	vsel vm1, $0x1, v0  }
0x51: {  	vm0 =	vmand vm8, vm11;
	v42 =	vsel vm12, $0x1, v0;
	v5 =	vadd.s32 v43, v5  }
0x52: {  	vm1 =	vmand vm15, vm6;
	vm8 =	veq.s32 v40, $0x1;
	v1 =	vadd.s32 v46, v1  }
0x53: {  	v50 =	vsel vm9, $0x1, v0;
	vm11 =	veq.s32 v45, $0x2;
	vm12 =	vgt.s32 v45, $0x0  }
0x54: {  	vm6 =	veq.s32 v53, $0x1;
	vm9 =	veq.s32 v56, $0x0;
	v3 =	vadd.s32 v33, v3  }
0x55: {  	v12 =	vld [tilespmem:s17+$0x2110];
	v2 =	vadd.s32 v39, v2;
	v41 =	vsel vm0, $0x1, v0;
	v4 =	vadd.s32 v42, v4  }
0x56: {  	v6 =	vadd.s32 v44, v6;
	v47 =	vsel vm1, $0x1, v0;
	vm0 =	vmand vm15, vm8  }
0x57: {  	v5 =	vadd.s32 v51, v5;
	v52 =	vsel vm11, $0x1, v0;
	vm1 =	vmand vm12, vm13  }
0x58: {  	vm15 =	veq.s32 v48, $0x1;
	v1 =	vadd.s32 v54, v1;
	v59 =	vsel vm6, $0x1, v0  }
0x59: {  	v20 =	vld [tilespmem:s17+$0x2120];
	vm8 =	vgt.s32 v53, $0x0;
	vm11 =	veq.s32 v56, $0x1;
	vm13 =	veq.s32 v61, $0x1  }
0x5a: {  	vm6 =	veq.s32 v12, $0x0;
	v3 =	vadd.s32 v41, v3;
	v2 =	vadd.s32 v47, v2  }
0x5b: {  	v49 =	vsel vm0, $0x1, v0;
	v4 =	vadd.s32 v50, v4;
	v6 =	vadd.s32 v52, v6  }
0x5c: {  	v55 =	vsel vm1, $0x1, v0;
	vm0 =	vmand vm12, vm15;
	v5 =	vadd.s32 v59, v5  }
0x5d: {  	vm1 =	vmand vm8, vm9;
	v1 =	vadd.s32 v62, v1;
	vm12 =	veq.s32 v61, $0x0  }
0x5e: {  	v15 =	vsel vm13, $0x1, v0;
	vm15 =	vgt.s32 v61, $0x0;
	vm13 =	veq.s32 v20, $0x0  }
0x5f: {  	v3 =	vadd.s32 v49, v3;
	v2 =	vadd.s32 v55, v2;
	v57 =	vsel vm0, $0x1, v0  }
0x60: {  	v17 =	vld [tilespmem:s17+$0x120];
	v4 =	vadd.s32 v58, v4;
	v6 =	vadd.s32 v60, v6;
	v63 =	vsel vm1, $0x1, v0  }
0x61: {  	vm0 =	vmand vm8, vm11;
	v14 =	vsel vm12, $0x1, v0;
	v5 =	vadd.s32 v15, v5  }
0x62: {  	vm1 =	vmand vm15, vm6;
	vm8 =	veq.s32 v12, $0x1;
	v1 =	vadd.s32 v18, v1  }
0x63: {  	v3 =	vadd.s32 v57, v3;
	v2 =	vadd.s32 v63, v2;
	v13 =	vsel vm0, $0x1, v0  }
0x64: {  	v4 =	vadd.s32 v14, v4;
	v6 =	vadd.s32 v16, v6;
	v19 =	vsel vm1, $0x1, v0  }
0x65: {  	v25 =	vld [tilespmem:s17+$0x130];
	vm0 =	vmand vm15, vm8;
	vm9 =	veq.s32 v17, $0x0;
	vm10 =	veq.s32 v17, $0x1  }
0x66: {  	v28 =	vld [tilespmem:s17+$0x2130];
	vm11 =	veq.s32 v17, $0x2;
	vm12 =	vgt.s32 v17, $0x0;
	vm14 =	veq.s32 v17, $0x3  }
0x67: {  	vm15 =	veq.s32 v20, $0x1;
	v3 =	vadd.s32 v13, v3;
	v2 =	vadd.s32 v19, v2  }
0x68: {  	v21 =	vsel vm0, $0x1, v0;
	v22 =	vsel vm9, $0x1, v0;
	v23 =	vsel vm10, $0x1, v0  }
0x69: {  	v24 =	vsel vm11, $0x1, v0;
	vm1 =	vmand vm12, vm13;
	v26 =	vsel vm14, $0x1, v0  }
0x6a: {  	vm0 =	vmand vm12, vm15;
	vm5 =	veq.s32 v25, $0x0;
	vm6 =	veq.s32 v25, $0x1  }
0x6b: {  	vm7 =	veq.s32 v25, $0x2;
	vm8 =	vgt.s32 v25, $0x0;
	vm9 =	veq.s32 v28, $0x0  }
0x6c: {  	v33 =	vld [tilespmem:s17+$0x180];
	vm10 =	veq.s32 v25, $0x3;
	vm11 =	veq.s32 v28, $0x1;
	v3 =	vadd.s32 v21, v3  }
0x6d: {  	v36 =	vld [tilespmem:s17+$0x2180];
	v4 =	vadd.s32 v22, v4;
	v5 =	vadd.s32 v23, v5;
	v6 =	vadd.s32 v24, v6  }
0x6e: {  	v27 =	vsel vm1, $0x1, v0;
	v1 =	vadd.s32 v26, v1;
	v29 =	vsel vm0, $0x1, v0  }
0x6f: {  	v30 =	vsel vm5, $0x1, v0;
	v31 =	vsel vm6, $0x1, v0;
	v32 =	vsel vm7, $0x1, v0  }
0x70: {  	vm1 =	vmand vm8, vm9;
	v34 =	vsel vm10, $0x1, v0;
	vm0 =	vmand vm8, vm11  }
0x71: {  	vm12 =	veq.s32 v33, $0x0;
	vm13 =	veq.s32 v33, $0x1;
	vm14 =	veq.s32 v33, $0x2  }
0x72: {  	vm15 =	vgt.s32 v33, $0x0;
	vm6 =	veq.s32 v36, $0x0;
	vm7 =	veq.s32 v33, $0x3  }
0x73: {  	v41 =	vld [tilespmem:s17+$0x190];
	vm8 =	veq.s32 v36, $0x1;
	v2 =	vadd.s32 v27, v2;
	v3 =	vadd.s32 v29, v3  }
0x74: {  	v44 =	vld [tilespmem:s17+$0x2190];
	v4 =	vadd.s32 v30, v4;
	v5 =	vadd.s32 v31, v5;
	v6 =	vadd.s32 v32, v6  }
0x75: {  	v35 =	vsel vm1, $0x1, v0;
	v1 =	vadd.s32 v34, v1;
	v37 =	vsel vm0, $0x1, v0  }
0x76: {  	v38 =	vsel vm12, $0x1, v0;
	v39 =	vsel vm13, $0x1, v0;
	v40 =	vsel vm14, $0x1, v0  }
0x77: {  	vm1 =	vmand vm15, vm6;
	v42 =	vsel vm7, $0x1, v0;
	vm0 =	vmand vm15, vm8  }
0x78: {  	vm9 =	veq.s32 v41, $0x0;
	vm10 =	veq.s32 v41, $0x1;
	vm11 =	veq.s32 v41, $0x2  }
0x79: {  	vm12 =	vgt.s32 v41, $0x0;
	vm13 =	veq.s32 v44, $0x0;
	vm14 =	veq.s32 v41, $0x3  }
0x7a: {  	v49 =	vld [tilespmem:s17+$0x1A0];
	vm15 =	veq.s32 v44, $0x1;
	v2 =	vadd.s32 v35, v2;
	v3 =	vadd.s32 v37, v3  }
0x7b: {  	v52 =	vld [tilespmem:s17+$0x21A0];
	v4 =	vadd.s32 v38, v4;
	v5 =	vadd.s32 v39, v5;
	v6 =	vadd.s32 v40, v6  }
0x7c: {  	v43 =	vsel vm1, $0x1, v0;
	v1 =	vadd.s32 v42, v1;
	v45 =	vsel vm0, $0x1, v0  }
0x7d: {  	v46 =	vsel vm9, $0x1, v0;
	v47 =	vsel vm10, $0x1, v0;
	v48 =	vsel vm11, $0x1, v0  }
0x7e: {  	vm1 =	vmand vm12, vm13;
	v50 =	vsel vm14, $0x1, v0;
	vm0 =	vmand vm12, vm15  }
0x7f: {  	vm5 =	veq.s32 v49, $0x0;
	vm6 =	veq.s32 v49, $0x1;
	vm7 =	veq.s32 v49, $0x2  }
0x80: {  	vm8 =	vgt.s32 v49, $0x0;
	vm9 =	veq.s32 v52, $0x0;
	vm10 =	veq.s32 v49, $0x3  }
0x81: {  	v57 =	vld [tilespmem:s17+$0x1B0];
	vm11 =	veq.s32 v52, $0x1;
	v2 =	vadd.s32 v43, v2;
	v3 =	vadd.s32 v45, v3  }
0x82: {  	v60 =	vld [tilespmem:s17+$0x21B0];
	v4 =	vadd.s32 v46, v4;
	v5 =	vadd.s32 v47, v5;
	v6 =	vadd.s32 v48, v6  }
0x83: {  	v51 =	vsel vm1, $0x1, v0;
	v1 =	vadd.s32 v50, v1;
	v53 =	vsel vm0, $0x1, v0  }
0x84: {  	v54 =	vsel vm5, $0x1, v0;
	v55 =	vsel vm6, $0x1, v0;
	v56 =	vsel vm7, $0x1, v0  }
0x85: {  	vm1 =	vmand vm8, vm9;
	v58 =	vsel vm10, $0x1, v0;
	vm0 =	vmand vm8, vm11  }
0x86: {  	vm12 =	veq.s32 v57, $0x0;
	vm13 =	veq.s32 v57, $0x1;
	vm14 =	veq.s32 v57, $0x2  }
0x87: {  	vm15 =	vgt.s32 v57, $0x0;
	vm6 =	veq.s32 v60, $0x0;
	vm7 =	veq.s32 v57, $0x3  }
0x88: {  	v13 =	vld [tilespmem:s17+$0x200];
	vm8 =	veq.s32 v60, $0x1;
	v2 =	vadd.s32 v51, v2;
	v3 =	vadd.s32 v53, v3  }
0x89: {  	v16 =	vld [tilespmem:s17+$0x2200];
	v4 =	vadd.s32 v54, v4;
	v5 =	vadd.s32 v55, v5;
	v6 =	vadd.s32 v56, v6  }
0x8a: {  	v59 =	vsel vm1, $0x1, v0;
	v1 =	vadd.s32 v58, v1;
	v61 =	vsel vm0, $0x1, v0  }
0x8b: {  	v62 =	vsel vm12, $0x1, v0;
	v63 =	vsel vm13, $0x1, v0;
	v12 =	vsel vm14, $0x1, v0  }
0x8c: {  	vm1 =	vmand vm15, vm6;
	v14 =	vsel vm7, $0x1, v0;
	vm0 =	vmand vm15, vm8  }
0x8d: {  	vm9 =	veq.s32 v13, $0x0;
	vm10 =	veq.s32 v13, $0x1;
	vm11 =	veq.s32 v13, $0x2  }
0x8e: {  	vm12 =	vgt.s32 v13, $0x0;
	vm13 =	veq.s32 v16, $0x0;
	vm14 =	veq.s32 v13, $0x3  }
0x8f: {  	v21 =	vld [tilespmem:s17+$0x210];
	vm15 =	veq.s32 v16, $0x1;
	v2 =	vadd.s32 v59, v2;
	v3 =	vadd.s32 v61, v3  }
0x90: {  	v24 =	vld [tilespmem:s17+$0x2210];
	v4 =	vadd.s32 v62, v4;
	v5 =	vadd.s32 v63, v5;
	v6 =	vadd.s32 v12, v6  }
0x91: {  	v15 =	vsel vm1, $0x1, v0;
	v1 =	vadd.s32 v14, v1;
	v17 =	vsel vm0, $0x1, v0  }
0x92: {  	v18 =	vsel vm9, $0x1, v0;
	v19 =	vsel vm10, $0x1, v0;
	v20 =	vsel vm11, $0x1, v0  }
0x93: {  	vm1 =	vmand vm12, vm13;
	v22 =	vsel vm14, $0x1, v0;
	vm0 =	vmand vm12, vm15  }
0x94: {  	vm5 =	veq.s32 v21, $0x0;
	vm6 =	veq.s32 v21, $0x1;
	vm7 =	veq.s32 v21, $0x2  }
0x95: {  	vm8 =	vgt.s32 v21, $0x0;
	vm9 =	veq.s32 v24, $0x0;
	vm10 =	veq.s32 v21, $0x3  }
0x96: {  	v29 =	vld [tilespmem:s17+$0x220];
	vm11 =	veq.s32 v24, $0x1;
	v2 =	vadd.s32 v15, v2;
	v3 =	vadd.s32 v17, v3  }
0x97: {  	v32 =	vld [tilespmem:s17+$0x2220];
	v4 =	vadd.s32 v18, v4;
	v5 =	vadd.s32 v19, v5;
	v6 =	vadd.s32 v20, v6  }
0x98: {  	v23 =	vsel vm1, $0x1, v0;
	v1 =	vadd.s32 v22, v1;
	v25 =	vsel vm0, $0x1, v0  }
0x99: {  	v26 =	vsel vm5, $0x1, v0;
	v27 =	vsel vm6, $0x1, v0;
	v28 =	vsel vm7, $0x1, v0  }
0x9a: {  	vm1 =	vmand vm8, vm9;
	v30 =	vsel vm10, $0x1, v0;
	vm0 =	vmand vm8, vm11  }
0x9b: {  	vm12 =	veq.s32 v29, $0x0;
	vm13 =	veq.s32 v29, $0x1;
	vm14 =	veq.s32 v29, $0x2  }
0x9c: {  	vm15 =	vgt.s32 v29, $0x0;
	vm6 =	veq.s32 v32, $0x0;
	vm7 =	veq.s32 v29, $0x3  }
0x9d: {  	v37 =	vld [tilespmem:s17+$0x230];
	vm8 =	veq.s32 v32, $0x1;
	v2 =	vadd.s32 v23, v2;
	v3 =	vadd.s32 v25, v3  }
0x9e: {  	v40 =	vld [tilespmem:s17+$0x2230];
	v4 =	vadd.s32 v26, v4;
	v5 =	vadd.s32 v27, v5;
	v6 =	vadd.s32 v28, v6  }
0x9f: {  	v31 =	vsel vm1, $0x1, v0;
	v1 =	vadd.s32 v30, v1;
	v33 =	vsel vm0, $0x1, v0  }
0xa0: {  	v34 =	vsel vm12, $0x1, v0;
	v35 =	vsel vm13, $0x1, v0;
	v36 =	vsel vm14, $0x1, v0  }
0xa1: {  	vm1 =	vmand vm15, vm6;
	v38 =	vsel vm7, $0x1, v0;
	vm0 =	vmand vm15, vm8  }
0xa2: {  	vm9 =	veq.s32 v37, $0x0;
	vm10 =	veq.s32 v37, $0x1;
	vm11 =	veq.s32 v37, $0x2  }
0xa3: {  	vm12 =	vgt.s32 v37, $0x0;
	vm13 =	veq.s32 v40, $0x0;
	vm14 =	veq.s32 v37, $0x3  }
0xa4: {  	vm15 =	veq.s32 v40, $0x1;
	v2 =	vadd.s32 v31, v2;
	v3 =	vadd.s32 v33, v3  }
0xa5: {  	v41 =	vld [tilespmem:s17+$0x2280];
	v4 =	vadd.s32 v34, v4;
	v5 =	vadd.s32 v35, v5;
	v6 =	vadd.s32 v36, v6  }
0xa6: {  	v16 =	vld [tilespmem:s17+$0x290];
	v39 =	vsel vm1, $0x1, v0;
	v7 =	vadd.s32 v38, v1;
	v1 =	vsel vm0, $0x1, v0  }
0xa7: {  	vm1 =	vmand vm12, vm13;
	v42 =	vsel vm14, $0x1, v0;
	vm0 =	vmand vm12, vm15  }
0xa8: {  	v12 =	vld [tilespmem:s17+$0x280];
	v9 =	vadd.s32 v39, v2;
	v11 =	vadd.s32 v1, v3;
	v1 =	vsel vm9, $0x1, v0  }
0xa9: {  	v2 =	vsel vm10, $0x1, v0;
	v3 =	vsel vm11, $0x1, v0;
	v43 =	vsel vm1, $0x1, v0  }
0xaa: {  	v44 =	vsel vm0, $0x1, v0;
	vm9 =	veq.s32 v41, $0x0;
	vm11 =	veq.s32 v41, $0x1  }
0xab: {  	vm12 =	veq.s32 v16, $0x0;
	vm13 =	veq.s32 v16, $0x1;
	vm14 =	veq.s32 v16, $0x2  }
0xac: {  	vm15 =	vgt.s32 v16, $0x0;
	v1 =	vadd.s32 v1, v4;
	v3 =	vadd.s32 v3, v6  }
0xad: {  	v4 =	vadd.s32 v42, v7;
	v6 =	vadd.s32 v44, v11;
	vm5 =	veq.s32 v12, $0x0  }
0xae: {  	v17 =	vld [tilespmem:s17+$0x2290];
	vm6 =	veq.s32 v12, $0x1;
	vm7 =	veq.s32 v12, $0x2;
	vm8 =	vgt.s32 v12, $0x0  }
0xaf: {  	v22 =	vld [tilespmem:s17+$0x2A0];
	vm10 =	veq.s32 v12, $0x3;
	v13 =	vsel vm12, $0x1, v0;
	v14 =	vsel vm13, $0x1, v0  }
0xb0: {  	v15 =	vsel vm14, $0x1, v0;
	[tilespmem:$0x1FFE0] =	vst v1;
	v1 =	vadd.s32 v2, v5;
	v5 =	vadd.s32 v43, v9  }
0xb1: {  	v7 =	vsel vm5, $0x1, v0;
	v8 =	vsel vm6, $0x1, v0;
	v9 =	vsel vm7, $0x1, v0  }
0xb2: {  	vm1 =	vmand vm8, vm9;
	v10 =	vsel vm10, $0x1, v0;
	vm0 =	vmand vm8, vm11  }
0xb3: {  	v23 =	vld [tilespmem:s17+$0x22A0];
	vm6 =	veq.s32 v17, $0x0;
	vm7 =	veq.s32 v16, $0x3;
	vm8 =	veq.s32 v17, $0x1  }
0xb4: {  	v28 =	vld [tilespmem:s17+$0x2B0];
	vm9 =	veq.s32 v22, $0x0;
	vm10 =	veq.s32 v22, $0x1;
	vm11 =	veq.s32 v22, $0x2  }
0xb5: {  	v29 =	vld [tilespmem:s17+$0x22B0];
	vm12 =	vgt.s32 v22, $0x0;
	vm14 =	veq.s32 v22, $0x3;
	v11 =	vsel vm1, $0x1, v0  }
0xb6: {  	v30 =	vld [tilespmem:s17+$0x300];
	v12 =	vsel vm0, $0x1, v0;
	vm1 =	vmand vm15, vm6;
	v16 =	vsel vm7, $0x1, v0  }
0xb7: {  	vm0 =	vmand vm15, vm8;
	v19 =	vsel vm9, $0x1, v0;
	v20 =	vsel vm10, $0x1, v0  }
0xb8: {  	v21 =	vsel vm11, $0x1, v0;
	vm13 =	veq.s32 v23, $0x0;
	vm15 =	veq.s32 v23, $0x1  }
0xb9: {  	v22 =	vsel vm14, $0x1, v0;
	vm5 =	veq.s32 v28, $0x0;
	vm6 =	veq.s32 v28, $0x1  }
0xba: {  	vm7 =	veq.s32 v28, $0x2;
	vm8 =	vgt.s32 v28, $0x0;
	vm9 =	veq.s32 v29, $0x0  }
0xbb: {  	v31 =	vld [tilespmem:s17+$0x2300];
	vm10 =	veq.s32 v28, $0x3;
	vm11 =	veq.s32 v29, $0x1;
	vm14 =	veq.s32 v30, $0x2  }
0xbc: {  	v33 =	vld [tilespmem:s17+$0x310];
	v3 =	vadd.s32 v9, v3;
	v4 =	vadd.s32 v10, v4;
	v17 =	vsel vm1, $0x1, v0  }
0xbd: {  	v18 =	vsel vm0, $0x1, v0;
	vm1 =	vmand vm12, vm13;
	vm0 =	vmand vm12, vm15  }
0xbe: {  	v25 =	vsel vm5, $0x1, v0;
	v26 =	vsel vm6, $0x1, v0;
	v27 =	vsel vm7, $0x1, v0  }
0xbf: {  	v28 =	vsel vm10, $0x1, v0;
	vm12 =	veq.s32 v30, $0x0;
	vm13 =	veq.s32 v30, $0x1  }
0xc0: {  	v36 =	vsel vm14, $0x1, v0;
	vm15 =	vgt.s32 v30, $0x0;
	vm6 =	veq.s32 v31, $0x0  }
0xc1: {  	vm7 =	veq.s32 v30, $0x3;
	vm10 =	veq.s32 v33, $0x1;
	vm14 =	veq.s32 v33, $0x3  }
0xc2: {  	v37 =	vld [tilespmem:s17+$0x2310];
	v5 =	vadd.s32 v11, v5;
	v6 =	vadd.s32 v12, v6;
	v3 =	vadd.s32 v15, v3  }
0xc3: {  	v39 =	vld [tilespmem:s17+$0x320];
	v4 =	vadd.s32 v16, v4;
	v23 =	vsel vm1, $0x1, v0;
	v24 =	vsel vm0, $0x1, v0  }
0xc4: {  	v45 =	vld [tilespmem:s17+$0x330];
	vm1 =	vmand vm8, vm9;
	vm0 =	vmand vm8, vm11;
	v34 =	vsel vm12, $0x1, v0  }
0xc5: {  	v35 =	vsel vm13, $0x1, v0;
	vm8 =	veq.s32 v31, $0x1;
	v30 =	vsel vm7, $0x1, v0  }
0xc6: {  	vm9 =	veq.s32 v33, $0x0;
	v41 =	vsel vm10, $0x1, v0;
	vm11 =	veq.s32 v33, $0x2  }
0xc7: {  	vm12 =	vgt.s32 v33, $0x0;
	vm13 =	veq.s32 v37, $0x0;
	v33 =	vsel vm14, $0x1, v0  }
0xc8: {  	vm5 =	veq.s32 v39, $0x0;
	vm7 =	veq.s32 v39, $0x2;
	vm10 =	veq.s32 v39, $0x3  }
0xc9: {  	vm14 =	veq.s32 v45, $0x2;
	v5 =	vadd.s32 v17, v5;
	v6 =	vadd.s32 v18, v6  }
0xca: {  	v51 =	vld [tilespmem:s17+$0x380];
	v3 =	vadd.s32 v21, v3;
	v4 =	vadd.s32 v22, v4;
	v29 =	vsel vm1, $0x1, v0  }
0xcb: {  	v32 =	vsel vm0, $0x1, v0;
	vm1 =	vmand vm15, vm6;
	vm0 =	vmand vm15, vm8  }
0xcc: {  	v40 =	vsel vm9, $0x1, v0;
	v42 =	vsel vm11, $0x1, v0;
	vm15 =	veq.s32 v37, $0x1  }
0xcd: {  	vm6 =	veq.s32 v39, $0x1;
	v46 =	vsel vm5, $0x1, v0;
	v48 =	vsel vm7, $0x1, v0  }
0xce: {  	v43 =	vld [tilespmem:s17+$0x2320];
	vm8 =	vgt.s32 v39, $0x0;
	v39 =	vsel vm10, $0x1, v0;
	v54 =	vsel vm14, $0x1, v0  }
0xcf: {  	v49 =	vld [tilespmem:s17+$0x2330];
	vm7 =	veq.s32 v45, $0x3;
	vm10 =	veq.s32 v51, $0x1;
	vm14 =	veq.s32 v51, $0x3  }
0xd0: {  	v57 =	vld [tilespmem:s17+$0x390];
	v5 =	vadd.s32 v23, v5;
	v6 =	vadd.s32 v24, v6;
	v3 =	vadd.s32 v27, v3  }
0xd1: {  	v4 =	vadd.s32 v28, v4;
	v31 =	vsel vm1, $0x1, v0;
	v38 =	vsel vm0, $0x1, v0  }
0xd2: {  	vm1 =	vmand vm12, vm13;
	vm0 =	vmand vm12, vm15;
	v47 =	vsel vm6, $0x1, v0  }
0xd3: {  	vm9 =	veq.s32 v43, $0x0;
	vm11 =	veq.s32 v43, $0x1;
	vm12 =	veq.s32 v45, $0x0  }
0xd4: {  	vm13 =	veq.s32 v45, $0x1;
	vm15 =	vgt.s32 v45, $0x0;
	vm6 =	veq.s32 v49, $0x0  }
0xd5: {  	v55 =	vld [tilespmem:s17+$0x2380];
	v45 =	vsel vm7, $0x1, v0;
	v59 =	vsel vm10, $0x1, v0;
	vm7 =	veq.s32 v57, $0x1  }
0xd6: {  	v2 =	vld [tilespmem:$0x1FFE0];
	vm10 =	vgt.s32 v57, $0x0;
	v5 =	vadd.s32 v29, v5;
	v6 =	vadd.s32 v32, v6  }
0xd7: {  	v3 =	vadd.s32 v36, v3;
	v4 =	vadd.s32 v30, v4;
	v37 =	vsel vm1, $0x1, v0  }
0xd8: {  	v44 =	vsel vm0, $0x1, v0;
	vm1 =	vmand vm8, vm9;
	vm0 =	vmand vm8, vm11  }
0xd9: {  	v52 =	vsel vm12, $0x1, v0;
	v53 =	vsel vm13, $0x1, v0;
	vm8 =	veq.s32 v49, $0x1  }
0xda: {  	vm9 =	veq.s32 v51, $0x0;
	vm11 =	veq.s32 v51, $0x2;
	vm12 =	vgt.s32 v51, $0x0  }
0xdb: {  	[tilespmem:$0x1FFF0] =	vst v1;
	vm13 =	veq.s32 v55, $0x0;
	v1 =	vsel vm7, $0x1, v0;
	v7 =	vadd.s32 v7, v2  }
0xdc: {  	v5 =	vadd.s32 v31, v5;
	v6 =	vadd.s32 v38, v6;
	v3 =	vadd.s32 v42, v3  }
0xdd: {  	v4 =	vadd.s32 v33, v4;
	v43 =	vsel vm1, $0x1, v0;
	v50 =	vsel vm0, $0x1, v0  }
0xde: {  	vm1 =	vmand vm15, vm6;
	vm0 =	vmand vm15, vm8;
	v58 =	vsel vm9, $0x1, v0  }
0xdf: {  	v60 =	vsel vm11, $0x1, v0;
	vm15 =	veq.s32 v55, $0x1;
	v55 =	vsel vm14, $0x1, v0  }
0xe0: {  	vm6 =	veq.s32 v57, $0x0;
	vm8 =	veq.s32 v57, $0x2;
	vm9 =	veq.s32 v57, $0x3  }
0xe1: {  	v7 =	vadd.s32 v13, v7;
	v5 =	vadd.s32 v37, v5;
	v6 =	vadd.s32 v44, v6  }
0xe2: {  	v3 =	vadd.s32 v48, v3;
	v4 =	vadd.s32 v39, v4;
	v49 =	vsel vm1, $0x1, v0  }
0xe3: {  	v56 =	vsel vm0, $0x1, v0;
	vm1 =	vmand vm12, vm13;
	vm0 =	vmand vm12, vm15  }
0xe4: {  	v51 =	vld [tilespmem:s17+$0x2390];
	v63 =	vsel vm6, $0x1, v0;
	v57 =	vsel vm8, $0x1, v0;
	v7 =	vadd.s32 v19, v7  }
0xe5: {  	v2 =	vld [tilespmem:$0x1FFF0];
	v5 =	vadd.s32 v43, v5;
	v6 =	vadd.s32 v50, v6;
	v3 =	vadd.s32 v54, v3  }
0xe6: {  	v4 =	vadd.s32 v45, v4;
	v61 =	vsel vm1, $0x1, v0;
	v62 =	vsel vm0, $0x1, v0  }
0xe7: {  	v7 =	vadd.s32 v25, v7;
	v5 =	vadd.s32 v49, v5;
	v6 =	vadd.s32 v56, v6  }
0xe8: {  	v45 =	vld [tilespmem:s17+$0x3A0];
	v3 =	vadd.s32 v60, v3;
	v4 =	vadd.s32 v55, v4;
	v7 =	vadd.s32 v34, v7  }
0xe9: {  	v5 =	vadd.s32 v61, v5;
	v6 =	vadd.s32 v62, v6;
	vm11 =	veq.s32 v51, $0x0  }
0xea: {  	v50 =	vld [tilespmem:s17+$0x3B0];
	vm12 =	veq.s32 v51, $0x1;
	v51 =	vsel vm9, $0x1, v0;
	v2 =	vadd.s32 v8, v2  }
0xeb: {  	v7 =	vadd.s32 v40, v7;
	vm0 =	vmand vm10, vm11;
	v2 =	vadd.s32 v14, v2  }
0xec: {  	vm13 =	vmand vm10, vm12;
	v7 =	vadd.s32 v46, v7;
	v2 =	vadd.s32 v20, v2  }
0xed: {  	v7 =	vadd.s32 v52, v7;
	v48 =	vsel vm13, $0x1, v0;
	vm14 =	veq.s32 v45, $0x0  }
0xee: {  	vm15 =	veq.s32 v45, $0x1;
	vm4 =	veq.s32 v45, $0x2;
	vm5 =	veq.s32 v45, $0x3  }
0xef: {  	vm6 =	vgt.s32 v45, $0x0;
	vm9 =	veq.s32 v50, $0x0;
	vm10 =	veq.s32 v50, $0x1  }
0xf0: {  	vm11 =	veq.s32 v50, $0x2;
	vm12 =	veq.s32 v50, $0x3;
	vm13 =	vgt.s32 v50, $0x0  }
0xf1: {  	v46 =	vld [tilespmem:s17+$0x23A0];
	v2 =	vadd.s32 v26, v2;
	v7 =	vadd.s32 v58, v7;
	v49 =	vsel vm14, $0x1, v0  }
0xf2: {  	v52 =	vsel vm4, $0x1, v0;
	v54 =	vadd.s32 v48, v6;
	v2 =	vadd.s32 v35, v2  }
0xf3: {  	v60 =	vsel vm10, $0x1, v0;
	v61 =	vsel vm11, $0x1, v0;
	v2 =	vadd.s32 v41, v2  }
0xf4: {  	v62 =	vsel vm12, $0x1, v0;
	v7 =	vadd.s32 v63, v7;
	v2 =	vadd.s32 v47, v2  }
0xf5: {  	v55 =	vadd.s32 v49, v7;
	v47 =	vsel vm0, $0x1, v0;
	v2 =	vadd.s32 v53, v2  }
0xf6: {  	vm7 =	veq.s32 v46, $0x0;
	vm8 =	veq.s32 v46, $0x1;
	v2 =	vadd.s32 v59, v2  }
0xf7: {  	vm0 =	vmand vm6, vm7;
	v1 =	vadd.s32 v1, v2;
	v2 =	vadd.s32 v57, v3;
	v57 =	vld [tilespmem:s17+$0x23B0]  }
0xf8: {  	v53 =	vsel vm5, $0x1, v0;
	v56 =	vsel vm0, $0x1, v0;
	vm0 =	vmand vm6, vm8  }
0xf9: {  	v59 =	vsel vm9, $0x1, v0;
	v3 =	vadd.s32 v51, v4;
	v51 =	vsel vm15, $0x1, v0  }
0xfa: {  	v4 =	vadd.s32 v47, v5;
	v58 =	vsel vm0, $0x1, v0;
	v6 =	vadd.s32 v59, v55  }
0xfb: {  	v1 =	vadd.s32 v51, v1;
	v2 =	vadd.s32 v52, v2;
	v3 =	vadd.s32 v53, v3  }
0xfc: {  	p0 =	sne.s32 s16, $0x7000;
	[tilespmem:s9+$0x0] =	vst.add.s32.msk $0xffff, v6;
	v4 =	vadd.s32 v56, v4;
	v1 =	vadd.s32 v60, v1;
	vm14 =	veq.s32 v57, $0x0  }
.Ltmp0:
0xfd: {  	v2 =	vadd.s32 v61, v2;
	[tilespmem:s10+$0x0] =	vst.add.s32.msk $0xffff, v1;
	vm15 =	veq.s32 v57, $0x1;
	vm0 =	vmand vm13, vm14;
	(pc) =	sbr.rel @p0 .LBB2_2-.Ltmp0, $4  }
0xfe: {  	v3 =	vadd.s32 v62, v3;
	[tilespmem:s11+$0x0] =	vst.add.s32.msk $0xffff, v2;
	v1 =	vsel vm0, $0x1, v0;
	vm0 =	vmand vm13, vm15  }
0xff: {  	v2 =	vadd.s32 v58, v54;
	[tilespmem:s12+$0x0] =	vst.add.s32.msk $0xffff, v3;
	v1 =	vadd.s32 v1, v4;
	v63 =	vsel vm0, $0x1, v0  }
0x100: {  	v2 =	vadd.s32 v63, v2;
	[tilespmem:s13+$0x0] =	vst.add.s32.msk $0xffff, v1  }
0x101: {  	s16 =	sadd.s32 $0x1000, s16;
	[tilespmem:s14+$0x0] =	vst.add.s32.msk $0xffff, v2  }
0x102: {  	s15 =	sadd.s32 $0x1, s15  }
0x103: {  	p0 =	sne.s32 s15, s6  }
.Ltmp1:
0x104: {  	_ = 	snop;
	(pc) =	sbr.rel @p0 .LBB2_1-.Ltmp1, $4  }
0x105: {  	[hbm4b:s5+s2] =	stream.linear.scatter [tilespmem:s9], [sflag:$0x1], $0x300, $0x38;
	[tilespmem:$0x4400] =	vst v63  }
0x106: {  	_ =	swait.ge [sflag:s8], $0x300  }
0x107: {  	[sflag:s8] =	ssyncset.done $0x0  }
0x108: {  	[sflag:s8] =	ssyncadd.s32 $0xFFFFFD00  }
0x109: {  	_ =	sfence.sel $0x180000  }
0x10a: {  	[bflag:$0x0] =	sbarrier.arrive $0xFFFF  }
0x10b: {  	p0 =	sne.s32 s1, $0x0;
	_ =	strace $0x90000047  }
0x10c: {  	s0 =	sadd.s32 @!p0 $0x100000, s0;
	[bflag:$0x2] =	sbarrier.arrive $0xFFFF  }
0x10d: {  	[sflag:s0] =	ssyncadd.tile.s32 @!p0 $0x1;
	_ =	shalt  }
.Lfunc_end2:
_tile_overlayer_lowered:
.L_overlay_start_2:
0x10e: {  	(tag) =	ssettag $0x2  }
0x10f: {  	s0 =	rddreg [dreg:$0x0];
	s2 =	stileid.u32  }
0x110: {  	s1 =	rddreg [dreg:$0x1];
	p0 =	sne.s32 s2, $0x0  }
0x111: {  	s3 =	rddreg [dreg:$0x2];
	[bflag:$0x3] =	sbarrier.arrive $0xFFFF;
	s2 =	simm.s32 @!p0 $0x1C02  }
0x112: {  	[timem:s3], [sflag:s2] =	dma.local @!p0 [hbm:s0], s1  }
0x113: {  	s0 =	simm.s32 @!p0 $0x2  }
0x114: {  	_ =	swait.ge @!p0 [sflag:s0], s1  }
0x115: {  	s1 =	ssub.s32 @!p0 $0x0, s1;
	[sflag:s0] =	ssyncset.done @!p0 $0x0  }
0x116: {  	[sflag:s0] =	ssyncadd.s32 @!p0 s1  }
0x117: {  	[bflag:$0x3] =	sbarrier.arrive $0xFFFF  }
0x118: {  	_ =	shalt  }

</sc_bundles>
